<compile_context>
chip_gen: v7x
topology: tpu7x:2x2x1
jax: 0.10.2.dev20260603
libtpu: 0.0.44.dev20260713+nightly
codegen_flags: <defaults>
</compile_context>

<pallas_src>
import functools
import math

import jax
import jax.numpy as jnp
from jax import lax
from jax.experimental import pallas as pl
from jax.experimental.pallas import tpu as pltpu
from jax.experimental.pallas import tpu_sc as plsc

NC = 2
NS = 16
NW = NC * NS

CH = 128
NBUF = 12


def _sc_gather_scale_seq(table, tok, scale):
    B, S = tok.shape
    V, D = table.shape
    nsq = B // NW
    nouter = -(-nsq // NBUF)
    nprime = min(NBUF - 1, nsq)
    mesh = plsc.VectorSubcoreMesh(core_axis_name="c", subcore_axis_name="s")

    @functools.partial(
        pl.kernel,
        out_type=jax.ShapeDtypeStruct((B, S, D), jnp.float32),
        mesh=mesh,
        scratch_types=[
            pltpu.VMEM((nsq, S), jnp.int32),
            pltpu.VMEM((NBUF, S, D), jnp.float32),
            pltpu.SemaphoreType.DMA((NBUF,)),
            pltpu.SemaphoreType.DMA((NBUF,)),
        ],
    )
    def run(table_hbm, tok_hbm, out_hbm, idx_v, rows_v, gsems, wsems):
        wid = lax.axis_index("s") * NC + lax.axis_index("c")
        sbase = wid * nsq
        pltpu.sync_copy(tok_hbm.at[pl.ds(sbase, nsq)], idx_v)
        for b in range(nprime):
            pltpu.async_copy(
                table_hbm.at[idx_v.at[b]], rows_v.at[b], gsems.at[b]
            )

        def outer(g, carry):
            for b in range(NBUF):
                q = g * NBUF + b

                @pl.when(q < nsq)
                def _():
                    pltpu.make_async_copy(
                        table_hbm.at[idx_v.at[0]], rows_v.at[b], gsems.at[b]
                    ).wait()

                    def mrow(r, c_):
                        for c in range(D // 16):
                            rows_v[b, r, pl.ds(c * 16, 16)] = (
                                rows_v[b, r, pl.ds(c * 16, 16)] * scale
                            )
                        return c_

                    lax.fori_loop(0, S, mrow, 0)

                    pltpu.async_copy(
                        rows_v.at[b], out_hbm.at[sbase + q], wsems.at[b]
                    )

                    qn = q + NBUF - 1
                    bp = (b + NBUF - 1) % NBUF

                    @pl.when(qn < nsq)
                    def _():
                        @pl.when(q >= 1)
                        def _():
                            pltpu.make_async_copy(
                                rows_v.at[bp], out_hbm.at[sbase], wsems.at[bp]
                            ).wait()

                        pltpu.async_copy(
                            table_hbm.at[idx_v.at[qn]], rows_v.at[bp],
                            gsems.at[bp],
                        )
            return carry

        lax.fori_loop(0, nouter, outer, 0)

        for b in range(min(NBUF, nsq)):
            pltpu.make_async_copy(
                rows_v.at[b], out_hbm.at[sbase], wsems.at[b]
            ).wait()

    return run(table, tok)


def _sc_gather_scale_flat(table, idx, scale):
    NP, = idx.shape
    V, D = table.shape
    npw = NP // NW
    nchunk = npw // CH
    nouter = -(-nchunk // NBUF)
    nbuf = min(NBUF, 7)
    nprime = min(nbuf - 1, nchunk)
    mesh = plsc.VectorSubcoreMesh(core_axis_name="c", subcore_axis_name="s")

    @functools.partial(
        pl.kernel,
        out_type=jax.ShapeDtypeStruct((NP, D), jnp.float32),
        mesh=mesh,
        scratch_types=[
            pltpu.VMEM((npw,), jnp.int32),
            pltpu.VMEM((nbuf, CH, D), jnp.float32),
            pltpu.SemaphoreType.DMA((nbuf,)),
            pltpu.SemaphoreType.DMA((nbuf,)),
        ],
    )
    def run(table_hbm, idx_hbm, out_hbm, idx_v, rows_v, gsems, wsems):
        wid = lax.axis_index("s") * NC + lax.axis_index("c")
        rbase = wid * npw
        pltpu.sync_copy(idx_hbm.at[pl.ds(rbase, npw)], idx_v)
        for b in range(nprime):
            pltpu.async_copy(
                table_hbm.at[idx_v.at[pl.ds(b * CH, CH)]], rows_v.at[b], gsems.at[b]
            )

        def outer(g, carry):
            for b in range(nbuf):
                j = g * nbuf + b

                @pl.when(j < nchunk)
                def _():
                    pltpu.make_async_copy(
                        table_hbm.at[idx_v.at[pl.ds(0, CH)]], rows_v.at[b], gsems.at[b]
                    ).wait()

                    def mrow(r, c_):
                        for c in range(D // 16):
                            rows_v[b, r, pl.ds(c * 16, 16)] = (
                                rows_v[b, r, pl.ds(c * 16, 16)] * scale
                            )
                        return c_

                    lax.fori_loop(0, CH, mrow, 0)

                    pltpu.async_copy(
                        rows_v.at[b], out_hbm.at[pl.ds(rbase + j * CH, CH)],
                        wsems.at[b],
                    )
                    jn = j + nbuf - 1
                    bp = (b + nbuf - 1) % nbuf

                    @pl.when(jn < nchunk)
                    def _():
                        @pl.when(j >= 1)
                        def _():
                            pltpu.make_async_copy(
                                rows_v.at[bp], out_hbm.at[pl.ds(rbase, CH)],
                                wsems.at[bp],
                            ).wait()

                        pltpu.async_copy(
                            table_hbm.at[idx_v.at[pl.ds(jn * CH, CH)]],
                            rows_v.at[bp], gsems.at[bp],
                        )
            return carry

        lax.fori_loop(0, nouter, outer, 0)

        for b in range(min(nbuf, nchunk)):
            pltpu.make_async_copy(
                rows_v.at[b], out_hbm.at[pl.ds(rbase, CH)], wsems.at[b]
            ).wait()

    return run(table, idx)


def kernel(tokens, embedding):
    B, S = tokens.shape
    V, D = embedding.shape
    N = B * S
    scale = math.sqrt(D)
    if B % NW == 0 and S <= 128 and D % 16 == 0:
        return _sc_gather_scale_seq(embedding, tokens.astype(jnp.int32), scale)
    idx = tokens.reshape(N).astype(jnp.int32)
    span = NW * CH
    NP = -(-N // span) * span
    if NP != N:
        idx = jnp.concatenate([idx, jnp.zeros((NP - N,), jnp.int32)])
    out = _sc_gather_scale_flat(embedding, idx, scale)
    if NP != N:
        out = out[:N]
    return out.reshape(B, S, D)

# --- scband reference (transcript-rebuilt; emitter-appended) ---
"""Pipeline reference for scband-token-embedding-7791070675540 (READ-ONLY COPY).

The authoritative reference and input builder live on the scoring server;
editing this copy changes nothing except your own understanding.
"""

import jax, jax.numpy as jnp
import numpy as np
import math

VOCAB = 100000
EMB = 128

def setup_inputs(seed: int = 0) -> dict:
    key = jax.random.key(seed)
    k_tok, k_emb = jax.random.split(key)
    tokens = jax.random.randint(k_tok, (4096, 50), 0, VOCAB, dtype=jnp.int64 if jax.config.jax_enable_x64 else jnp.int32)
    embedding = jax.random.normal(k_emb, (VOCAB, EMB), dtype=jnp.float32)
    return {"tokens": tokens, "embedding": embedding}

def reference(tokens, embedding):
    # nn.Embedding lookup followed by sqrt(emb_size) scaling
    out = jnp.take(embedding, tokens, axis=0)
    return out * math.sqrt(EMB)

if __name__ == "__main__":
    import jax
    _d = setup_inputs()
    print(jax.jit(kernel)(*tuple(_d.values())))

</pallas_src>

<mosaic_0001>
#map = affine_map<(d0, d1) -> (0, 0)>
#map1 = affine_map<(d0, d1) -> (0, 0, 0)>
module attributes {stable_mosaic.version = 14 : i64} {
  func.func @run(%arg0: i32, %arg1: i32, %arg2: memref<100000x128xf32, #tpu.memory_space<hbm>>, %arg3: memref<4096x50xi32, #tpu.memory_space<hbm>>, %arg4: memref<4096x50x128xf32, #tpu.memory_space<hbm>>, %arg5: memref<128x50xi32, #tpu.memory_space<vmem>>, %arg6: memref<12x50x128xf32, #tpu.memory_space<vmem>>, %arg7: memref<12x!tpu.dma_semaphore, #tpu.memory_space<semaphore_mem>>, %arg8: memref<12x!tpu.dma_semaphore, #tpu.memory_space<semaphore_mem>>) attributes {dimension_semantics = [#tpu.dimension_semantics<core_parallel>, #tpu.dimension_semantics<subcore_parallel>], iteration_bounds = array<i64: 2, 16>, scalar_prefetch = 0 : i64, scratch_operands = 4 : i64, tpu.core_type = #tpu.core_type<sc_vector_subcore>, window_params = [{transform_indices = #map}, {transform_indices = #map}, {transform_indices = #map1}]} {
    %mul3A = arith.constant 2 : i32
    %mul3A_0 = arith.muli %arg1, %mul3A : i32
    %add3A = arith.addi %mul3A_0, %arg0 : i32
    %mul3A_1 = arith.constant 128 : i32
    %mul3A_2 = arith.muli %add3A, %mul3A_1 : i32
    "tpu.region"() ({
      %run_scoped3A = tpu.sem_alloc : memref<!tpu.dma_semaphore, #tpu.memory_space<semaphore_mem>>
      %dma_start3A_411 = arith.constant 0 : i32
      %dma_start3A_412 = tpu.memref_slice %arg3[%mul3A_2, %dma_start3A_411] : memref<4096x50xi32, #tpu.memory_space<hbm>> -> memref<128x50xi32, #tpu.memory_space<hbm>>
      %dma_start3A_413 = arith.constant 0 : i32
      %dma_start3A_414 = tpu.memref_slice %arg3[%mul3A_2, %dma_start3A_413] : memref<4096x50xi32, #tpu.memory_space<hbm>> -> memref<128x50xi32, #tpu.memory_space<hbm>>
      tpu.enqueue_dma source(%dma_start3A_414 : memref<128x50xi32, #tpu.memory_space<hbm>>) target(%arg5 : memref<128x50xi32, #tpu.memory_space<vmem>>) target_semaphore(%run_scoped3A : memref<!tpu.dma_semaphore, #tpu.memory_space<semaphore_mem>>)
      %dma_wait3A_415 = arith.constant 0 : i32
      %dma_wait3A_416 = tpu.memref_slice %arg3[%mul3A_2, %dma_wait3A_415] : memref<4096x50xi32, #tpu.memory_space<hbm>> -> memref<128x50xi32, #tpu.memory_space<hbm>>
      %dma_wait3A_417 = arith.constant 0 : i32
      %dma_wait3A_418 = tpu.memref_slice %arg3[%mul3A_2, %dma_wait3A_417] : memref<4096x50xi32, #tpu.memory_space<hbm>> -> memref<128x50xi32, #tpu.memory_space<hbm>>
      tpu.wait_dma2 semaphore(%run_scoped3A : memref<!tpu.dma_semaphore, #tpu.memory_space<semaphore_mem>>) src(%dma_wait3A_418 : memref<128x50xi32, #tpu.memory_space<hbm>>) dst(%arg5 : memref<128x50xi32, #tpu.memory_space<vmem>>)
      tpu.yield
    }) : () -> ()
    %dma_start3A = arith.constant 0 : i32
    %dma_start3A_3 = arith.constant 0 : i32
    %dma_start3A_4 = arith.constant 0 : i32
    %dma_start3A_5 = arith.constant 0 : i32
    %dma_start3A_6 = arith.constant 0 : i32
    %dma_start3A_7 = tpu.memref_slice %arg6[%dma_start3A_3, %dma_start3A_5, %dma_start3A_6] : memref<12x50x128xf32, #tpu.memory_space<vmem>> -> memref<1x50x128xf32, #tpu.memory_space<vmem>>
    %dma_start3A_8 = tpu.memref_squeeze %dma_start3A_7 : memref<1x50x128xf32, #tpu.memory_space<vmem>> -> memref<50x128xf32, #tpu.memory_space<vmem>>
    %dma_start3A_9 = arith.constant 0 : i32
    %dma_start3A_10 = tpu.memref_slice %arg5[%dma_start3A, %dma_start3A_9] : memref<128x50xi32, #tpu.memory_space<vmem>> -> memref<1x50xi32, #tpu.memory_space<vmem>>
    %dma_start3A_11 = tpu.memref_squeeze %dma_start3A_10 : memref<1x50xi32, #tpu.memory_space<vmem>> -> memref<50xi32, #tpu.memory_space<vmem>>
    %dma_start3A_12 = arith.constant 0 : i32
    %dma_start3A_13 = arith.constant 0 : i32
    %dma_start3A_14 = tpu.memref_slice %arg2[%dma_start3A_12, %dma_start3A_13] : memref<100000x128xf32, #tpu.memory_space<hbm>> -> memref<100000x128xf32, #tpu.memory_space<hbm>>
    %dma_start3A_15 = tpu.memref_slice %arg7[%dma_start3A_4] : memref<12x!tpu.dma_semaphore, #tpu.memory_space<semaphore_mem>> -> memref<1x!tpu.dma_semaphore, #tpu.memory_space<semaphore_mem>>
    %dma_start3A_16 = tpu.memref_squeeze %dma_start3A_15 : memref<1x!tpu.dma_semaphore, #tpu.memory_space<semaphore_mem>> -> memref<!tpu.dma_semaphore, #tpu.memory_space<semaphore_mem>>
    tpu.enqueue_indirect_dma source(%dma_start3A_14 : memref<100000x128xf32, #tpu.memory_space<hbm>>) target(%dma_start3A_8 : memref<50x128xf32, #tpu.memory_space<vmem>>) offsets(%dma_start3A_11 : memref<50xi32, #tpu.memory_space<vmem>>) semaphore(%dma_start3A_16 : memref<!tpu.dma_semaphore, #tpu.memory_space<semaphore_mem>>)
    %dma_start3A_17 = arith.constant 1 : i32
    %dma_start3A_18 = arith.constant 1 : i32
    %dma_start3A_19 = arith.constant 1 : i32
    %dma_start3A_20 = arith.constant 0 : i32
    %dma_start3A_21 = arith.constant 0 : i32
    %dma_start3A_22 = tpu.memref_slice %arg6[%dma_start3A_18, %dma_start3A_20, %dma_start3A_21] : memref<12x50x128xf32, #tpu.memory_space<vmem>> -> memref<1x50x128xf32, #tpu.memory_space<vmem>>
    %dma_start3A_23 = tpu.memref_squeeze %dma_start3A_22 : memref<1x50x128xf32, #tpu.memory_space<vmem>> -> memref<50x128xf32, #tpu.memory_space<vmem>>
    %dma_start3A_24 = arith.constant 0 : i32
    %dma_start3A_25 = tpu.memref_slice %arg5[%dma_start3A_17, %dma_start3A_24] : memref<128x50xi32, #tpu.memory_space<vmem>> -> memref<1x50xi32, #tpu.memory_space<vmem>>
    %dma_start3A_26 = tpu.memref_squeeze %dma_start3A_25 : memref<1x50xi32, #tpu.memory_space<vmem>> -> memref<50xi32, #tpu.memory_space<vmem>>
    %dma_start3A_27 = arith.constant 0 : i32
    %dma_start3A_28 = arith.constant 0 : i32
    %dma_start3A_29 = tpu.memref_slice %arg2[%dma_start3A_27, %dma_start3A_28] : memref<100000x128xf32, #tpu.memory_space<hbm>> -> memref<100000x128xf32, #tpu.memory_space<hbm>>
    %dma_start3A_30 = tpu.memref_slice %arg7[%dma_start3A_19] : memref<12x!tpu.dma_semaphore, #tpu.memory_space<semaphore_mem>> -> memref<1x!tpu.dma_semaphore, #tpu.memory_space<semaphore_mem>>
    %dma_start3A_31 = tpu.memref_squeeze %dma_start3A_30 : memref<1x!tpu.dma_semaphore, #tpu.memory_space<semaphore_mem>> -> memref<!tpu.dma_semaphore, #tpu.memory_space<semaphore_mem>>
    tpu.enqueue_indirect_dma source(%dma_start3A_29 : memref<100000x128xf32, #tpu.memory_space<hbm>>) target(%dma_start3A_23 : memref<50x128xf32, #tpu.memory_space<vmem>>) offsets(%dma_start3A_26 : memref<50xi32, #tpu.memory_space<vmem>>) semaphore(%dma_start3A_31 : memref<!tpu.dma_semaphore, #tpu.memory_space<semaphore_mem>>)
    %dma_start3A_32 = arith.constant 2 : i32
    %dma_start3A_33 = arith.constant 2 : i32
    %dma_start3A_34 = arith.constant 2 : i32
    %dma_start3A_35 = arith.constant 0 : i32
    %dma_start3A_36 = arith.constant 0 : i32
    %dma_start3A_37 = tpu.memref_slice %arg6[%dma_start3A_33, %dma_start3A_35, %dma_start3A_36] : memref<12x50x128xf32, #tpu.memory_space<vmem>> -> memref<1x50x128xf32, #tpu.memory_space<vmem>>
    %dma_start3A_38 = tpu.memref_squeeze %dma_start3A_37 : memref<1x50x128xf32, #tpu.memory_space<vmem>> -> memref<50x128xf32, #tpu.memory_space<vmem>>
    %dma_start3A_39 = arith.constant 0 : i32
    %dma_start3A_40 = tpu.memref_slice %arg5[%dma_start3A_32, %dma_start3A_39] : memref<128x50xi32, #tpu.memory_space<vmem>> -> memref<1x50xi32, #tpu.memory_space<vmem>>
    %dma_start3A_41 = tpu.memref_squeeze %dma_start3A_40 : memref<1x50xi32, #tpu.memory_space<vmem>> -> memref<50xi32, #tpu.memory_space<vmem>>
    %dma_start3A_42 = arith.constant 0 : i32
    %dma_start3A_43 = arith.constant 0 : i32
    %dma_start3A_44 = tpu.memref_slice %arg2[%dma_start3A_42, %dma_start3A_43] : memref<100000x128xf32, #tpu.memory_space<hbm>> -> memref<100000x128xf32, #tpu.memory_space<hbm>>
    %dma_start3A_45 = tpu.memref_slice %arg7[%dma_start3A_34] : memref<12x!tpu.dma_semaphore, #tpu.memory_space<semaphore_mem>> -> memref<1x!tpu.dma_semaphore, #tpu.memory_space<semaphore_mem>>
    %dma_start3A_46 = tpu.memref_squeeze %dma_start3A_45 : memref<1x!tpu.dma_semaphore, #tpu.memory_space<semaphore_mem>> -> memref<!tpu.dma_semaphore, #tpu.memory_space<semaphore_mem>>
    tpu.enqueue_indirect_dma source(%dma_start3A_44 : memref<100000x128xf32, #tpu.memory_space<hbm>>) target(%dma_start3A_38 : memref<50x128xf32, #tpu.memory_space<vmem>>) offsets(%dma_start3A_41 : memref<50xi32, #tpu.memory_space<vmem>>) semaphore(%dma_start3A_46 : memref<!tpu.dma_semaphore, #tpu.memory_space<semaphore_mem>>)
    %dma_start3A_47 = arith.constant 3 : i32
    %dma_start3A_48 = arith.constant 3 : i32
    %dma_start3A_49 = arith.constant 3 : i32
    %dma_start3A_50 = arith.constant 0 : i32
    %dma_start3A_51 = arith.constant 0 : i32
    %dma_start3A_52 = tpu.memref_slice %arg6[%dma_start3A_48, %dma_start3A_50, %dma_start3A_51] : memref<12x50x128xf32, #tpu.memory_space<vmem>> -> memref<1x50x128xf32, #tpu.memory_space<vmem>>
    %dma_start3A_53 = tpu.memref_squeeze %dma_start3A_52 : memref<1x50x128xf32, #tpu.memory_space<vmem>> -> memref<50x128xf32, #tpu.memory_space<vmem>>
    %dma_start3A_54 = arith.constant 0 : i32
    %dma_start3A_55 = tpu.memref_slice %arg5[%dma_start3A_47, %dma_start3A_54] : memref<128x50xi32, #tpu.memory_space<vmem>> -> memref<1x50xi32, #tpu.memory_space<vmem>>
    %dma_start3A_56 = tpu.memref_squeeze %dma_start3A_55 : memref<1x50xi32, #tpu.memory_space<vmem>> -> memref<50xi32, #tpu.memory_space<vmem>>
    %dma_start3A_57 = arith.constant 0 : i32
    %dma_start3A_58 = arith.constant 0 : i32
    %dma_start3A_59 = tpu.memref_slice %arg2[%dma_start3A_57, %dma_start3A_58] : memref<100000x128xf32, #tpu.memory_space<hbm>> -> memref<100000x128xf32, #tpu.memory_space<hbm>>
    %dma_start3A_60 = tpu.memref_slice %arg7[%dma_start3A_49] : memref<12x!tpu.dma_semaphore, #tpu.memory_space<semaphore_mem>> -> memref<1x!tpu.dma_semaphore, #tpu.memory_space<semaphore_mem>>
    %dma_start3A_61 = tpu.memref_squeeze %dma_start3A_60 : memref<1x!tpu.dma_semaphore, #tpu.memory_space<semaphore_mem>> -> memref<!tpu.dma_semaphore, #tpu.memory_space<semaphore_mem>>
    tpu.enqueue_indirect_dma source(%dma_start3A_59 : memref<100000x128xf32, #tpu.memory_space<hbm>>) target(%dma_start3A_53 : memref<50x128xf32, #tpu.memory_space<vmem>>) offsets(%dma_start3A_56 : memref<50xi32, #tpu.memory_space<vmem>>) semaphore(%dma_start3A_61 : memref<!tpu.dma_semaphore, #tpu.memory_space<semaphore_mem>>)
    %dma_start3A_62 = arith.constant 4 : i32
    %dma_start3A_63 = arith.constant 4 : i32
    %dma_start3A_64 = arith.constant 4 : i32
    %dma_start3A_65 = arith.constant 0 : i32
    %dma_start3A_66 = arith.constant 0 : i32
    %dma_start3A_67 = tpu.memref_slice %arg6[%dma_start3A_63, %dma_start3A_65, %dma_start3A_66] : memref<12x50x128xf32, #tpu.memory_space<vmem>> -> memref<1x50x128xf32, #tpu.memory_space<vmem>>
    %dma_start3A_68 = tpu.memref_squeeze %dma_start3A_67 : memref<1x50x128xf32, #tpu.memory_space<vmem>> -> memref<50x128xf32, #tpu.memory_space<vmem>>
    %dma_start3A_69 = arith.constant 0 : i32
    %dma_start3A_70 = tpu.memref_slice %arg5[%dma_start3A_62, %dma_start3A_69] : memref<128x50xi32, #tpu.memory_space<vmem>> -> memref<1x50xi32, #tpu.memory_space<vmem>>
    %dma_start3A_71 = tpu.memref_squeeze %dma_start3A_70 : memref<1x50xi32, #tpu.memory_space<vmem>> -> memref<50xi32, #tpu.memory_space<vmem>>
    %dma_start3A_72 = arith.constant 0 : i32
    %dma_start3A_73 = arith.constant 0 : i32
    %dma_start3A_74 = tpu.memref_slice %arg2[%dma_start3A_72, %dma_start3A_73] : memref<100000x128xf32, #tpu.memory_space<hbm>> -> memref<100000x128xf32, #tpu.memory_space<hbm>>
    %dma_start3A_75 = tpu.memref_slice %arg7[%dma_start3A_64] : memref<12x!tpu.dma_semaphore, #tpu.memory_space<semaphore_mem>> -> memref<1x!tpu.dma_semaphore, #tpu.memory_space<semaphore_mem>>
    %dma_start3A_76 = tpu.memref_squeeze %dma_start3A_75 : memref<1x!tpu.dma_semaphore, #tpu.memory_space<semaphore_mem>> -> memref<!tpu.dma_semaphore, #tpu.memory_space<semaphore_mem>>
    tpu.enqueue_indirect_dma source(%dma_start3A_74 : memref<100000x128xf32, #tpu.memory_space<hbm>>) target(%dma_start3A_68 : memref<50x128xf32, #tpu.memory_space<vmem>>) offsets(%dma_start3A_71 : memref<50xi32, #tpu.memory_space<vmem>>) semaphore(%dma_start3A_76 : memref<!tpu.dma_semaphore, #tpu.memory_space<semaphore_mem>>)
    %dma_start3A_77 = arith.constant 5 : i32
    %dma_start3A_78 = arith.constant 5 : i32
    %dma_start3A_79 = arith.constant 5 : i32
    %dma_start3A_80 = arith.constant 0 : i32
    %dma_start3A_81 = arith.constant 0 : i32
    %dma_start3A_82 = tpu.memref_slice %arg6[%dma_start3A_78, %dma_start3A_80, %dma_start3A_81] : memref<12x50x128xf32, #tpu.memory_space<vmem>> -> memref<1x50x128xf32, #tpu.memory_space<vmem>>
    %dma_start3A_83 = tpu.memref_squeeze %dma_start3A_82 : memref<1x50x128xf32, #tpu.memory_space<vmem>> -> memref<50x128xf32, #tpu.memory_space<vmem>>
    %dma_start3A_84 = arith.constant 0 : i32
    %dma_start3A_85 = tpu.memref_slice %arg5[%dma_start3A_77, %dma_start3A_84] : memref<128x50xi32, #tpu.memory_space<vmem>> -> memref<1x50xi32, #tpu.memory_space<vmem>>
    %dma_start3A_86 = tpu.memref_squeeze %dma_start3A_85 : memref<1x50xi32, #tpu.memory_space<vmem>> -> memref<50xi32, #tpu.memory_space<vmem>>
    %dma_start3A_87 = arith.constant 0 : i32
    %dma_start3A_88 = arith.constant 0 : i32
    %dma_start3A_89 = tpu.memref_slice %arg2[%dma_start3A_87, %dma_start3A_88] : memref<100000x128xf32, #tpu.memory_space<hbm>> -> memref<100000x128xf32, #tpu.memory_space<hbm>>
    %dma_start3A_90 = tpu.memref_slice %arg7[%dma_start3A_79] : memref<12x!tpu.dma_semaphore, #tpu.memory_space<semaphore_mem>> -> memref<1x!tpu.dma_semaphore, #tpu.memory_space<semaphore_mem>>
    %dma_start3A_91 = tpu.memref_squeeze %dma_start3A_90 : memref<1x!tpu.dma_semaphore, #tpu.memory_space<semaphore_mem>> -> memref<!tpu.dma_semaphore, #tpu.memory_space<semaphore_mem>>
    tpu.enqueue_indirect_dma source(%dma_start3A_89 : memref<100000x128xf32, #tpu.memory_space<hbm>>) target(%dma_start3A_83 : memref<50x128xf32, #tpu.memory_space<vmem>>) offsets(%dma_start3A_86 : memref<50xi32, #tpu.memory_space<vmem>>) semaphore(%dma_start3A_91 : memref<!tpu.dma_semaphore, #tpu.memory_space<semaphore_mem>>)
    %dma_start3A_92 = arith.constant 6 : i32
    %dma_start3A_93 = arith.constant 6 : i32
    %dma_start3A_94 = arith.constant 6 : i32
    %dma_start3A_95 = arith.constant 0 : i32
    %dma_start3A_96 = arith.constant 0 : i32
    %dma_start3A_97 = tpu.memref_slice %arg6[%dma_start3A_93, %dma_start3A_95, %dma_start3A_96] : memref<12x50x128xf32, #tpu.memory_space<vmem>> -> memref<1x50x128xf32, #tpu.memory_space<vmem>>
    %dma_start3A_98 = tpu.memref_squeeze %dma_start3A_97 : memref<1x50x128xf32, #tpu.memory_space<vmem>> -> memref<50x128xf32, #tpu.memory_space<vmem>>
    %dma_start3A_99 = arith.constant 0 : i32
    %dma_start3A_100 = tpu.memref_slice %arg5[%dma_start3A_92, %dma_start3A_99] : memref<128x50xi32, #tpu.memory_space<vmem>> -> memref<1x50xi32, #tpu.memory_space<vmem>>
    %dma_start3A_101 = tpu.memref_squeeze %dma_start3A_100 : memref<1x50xi32, #tpu.memory_space<vmem>> -> memref<50xi32, #tpu.memory_space<vmem>>
    %dma_start3A_102 = arith.constant 0 : i32
    %dma_start3A_103 = arith.constant 0 : i32
    %dma_start3A_104 = tpu.memref_slice %arg2[%dma_start3A_102, %dma_start3A_103] : memref<100000x128xf32, #tpu.memory_space<hbm>> -> memref<100000x128xf32, #tpu.memory_space<hbm>>
    %dma_start3A_105 = tpu.memref_slice %arg7[%dma_start3A_94] : memref<12x!tpu.dma_semaphore, #tpu.memory_space<semaphore_mem>> -> memref<1x!tpu.dma_semaphore, #tpu.memory_space<semaphore_mem>>
    %dma_start3A_106 = tpu.memref_squeeze %dma_start3A_105 : memref<1x!tpu.dma_semaphore, #tpu.memory_space<semaphore_mem>> -> memref<!tpu.dma_semaphore, #tpu.memory_space<semaphore_mem>>
    tpu.enqueue_indirect_dma source(%dma_start3A_104 : memref<100000x128xf32, #tpu.memory_space<hbm>>) target(%dma_start3A_98 : memref<50x128xf32, #tpu.memory_space<vmem>>) offsets(%dma_start3A_101 : memref<50xi32, #tpu.memory_space<vmem>>) semaphore(%dma_start3A_106 : memref<!tpu.dma_semaphore, #tpu.memory_space<semaphore_mem>>)
    %dma_start3A_107 = arith.constant 7 : i32
    %dma_start3A_108 = arith.constant 7 : i32
    %dma_start3A_109 = arith.constant 7 : i32
    %dma_start3A_110 = arith.constant 0 : i32
    %dma_start3A_111 = arith.constant 0 : i32
    %dma_start3A_112 = tpu.memref_slice %arg6[%dma_start3A_108, %dma_start3A_110, %dma_start3A_111] : memref<12x50x128xf32, #tpu.memory_space<vmem>> -> memref<1x50x128xf32, #tpu.memory_space<vmem>>
    %dma_start3A_113 = tpu.memref_squeeze %dma_start3A_112 : memref<1x50x128xf32, #tpu.memory_space<vmem>> -> memref<50x128xf32, #tpu.memory_space<vmem>>
    %dma_start3A_114 = arith.constant 0 : i32
    %dma_start3A_115 = tpu.memref_slice %arg5[%dma_start3A_107, %dma_start3A_114] : memref<128x50xi32, #tpu.memory_space<vmem>> -> memref<1x50xi32, #tpu.memory_space<vmem>>
    %dma_start3A_116 = tpu.memref_squeeze %dma_start3A_115 : memref<1x50xi32, #tpu.memory_space<vmem>> -> memref<50xi32, #tpu.memory_space<vmem>>
    %dma_start3A_117 = arith.constant 0 : i32
    %dma_start3A_118 = arith.constant 0 : i32
    %dma_start3A_119 = tpu.memref_slice %arg2[%dma_start3A_117, %dma_start3A_118] : memref<100000x128xf32, #tpu.memory_space<hbm>> -> memref<100000x128xf32, #tpu.memory_space<hbm>>
    %dma_start3A_120 = tpu.memref_slice %arg7[%dma_start3A_109] : memref<12x!tpu.dma_semaphore, #tpu.memory_space<semaphore_mem>> -> memref<1x!tpu.dma_semaphore, #tpu.memory_space<semaphore_mem>>
    %dma_start3A_121 = tpu.memref_squeeze %dma_start3A_120 : memref<1x!tpu.dma_semaphore, #tpu.memory_space<semaphore_mem>> -> memref<!tpu.dma_semaphore, #tpu.memory_space<semaphore_mem>>
    tpu.enqueue_indirect_dma source(%dma_start3A_119 : memref<100000x128xf32, #tpu.memory_space<hbm>>) target(%dma_start3A_113 : memref<50x128xf32, #tpu.memory_space<vmem>>) offsets(%dma_start3A_116 : memref<50xi32, #tpu.memory_space<vmem>>) semaphore(%dma_start3A_121 : memref<!tpu.dma_semaphore, #tpu.memory_space<semaphore_mem>>)
    %dma_start3A_122 = arith.constant 8 : i32
    %dma_start3A_123 = arith.constant 8 : i32
    %dma_start3A_124 = arith.constant 8 : i32
    %dma_start3A_125 = arith.constant 0 : i32
    %dma_start3A_126 = arith.constant 0 : i32
    %dma_start3A_127 = tpu.memref_slice %arg6[%dma_start3A_123, %dma_start3A_125, %dma_start3A_126] : memref<12x50x128xf32, #tpu.memory_space<vmem>> -> memref<1x50x128xf32, #tpu.memory_space<vmem>>
    %dma_start3A_128 = tpu.memref_squeeze %dma_start3A_127 : memref<1x50x128xf32, #tpu.memory_space<vmem>> -> memref<50x128xf32, #tpu.memory_space<vmem>>
    %dma_start3A_129 = arith.constant 0 : i32
    %dma_start3A_130 = tpu.memref_slice %arg5[%dma_start3A_122, %dma_start3A_129] : memref<128x50xi32, #tpu.memory_space<vmem>> -> memref<1x50xi32, #tpu.memory_space<vmem>>
    %dma_start3A_131 = tpu.memref_squeeze %dma_start3A_130 : memref<1x50xi32, #tpu.memory_space<vmem>> -> memref<50xi32, #tpu.memory_space<vmem>>
    %dma_start3A_132 = arith.constant 0 : i32
    %dma_start3A_133 = arith.constant 0 : i32
    %dma_start3A_134 = tpu.memref_slice %arg2[%dma_start3A_132, %dma_start3A_133] : memref<100000x128xf32, #tpu.memory_space<hbm>> -> memref<100000x128xf32, #tpu.memory_space<hbm>>
    %dma_start3A_135 = tpu.memref_slice %arg7[%dma_start3A_124] : memref<12x!tpu.dma_semaphore, #tpu.memory_space<semaphore_mem>> -> memref<1x!tpu.dma_semaphore, #tpu.memory_space<semaphore_mem>>
    %dma_start3A_136 = tpu.memref_squeeze %dma_start3A_135 : memref<1x!tpu.dma_semaphore, #tpu.memory_space<semaphore_mem>> -> memref<!tpu.dma_semaphore, #tpu.memory_space<semaphore_mem>>
    tpu.enqueue_indirect_dma source(%dma_start3A_134 : memref<100000x128xf32, #tpu.memory_space<hbm>>) target(%dma_start3A_128 : memref<50x128xf32, #tpu.memory_space<vmem>>) offsets(%dma_start3A_131 : memref<50xi32, #tpu.memory_space<vmem>>) semaphore(%dma_start3A_136 : memref<!tpu.dma_semaphore, #tpu.memory_space<semaphore_mem>>)
    %dma_start3A_137 = arith.constant 9 : i32
    %dma_start3A_138 = arith.constant 9 : i32
    %dma_start3A_139 = arith.constant 9 : i32
    %dma_start3A_140 = arith.constant 0 : i32
    %dma_start3A_141 = arith.constant 0 : i32
    %dma_start3A_142 = tpu.memref_slice %arg6[%dma_start3A_138, %dma_start3A_140, %dma_start3A_141] : memref<12x50x128xf32, #tpu.memory_space<vmem>> -> memref<1x50x128xf32, #tpu.memory_space<vmem>>
    %dma_start3A_143 = tpu.memref_squeeze %dma_start3A_142 : memref<1x50x128xf32, #tpu.memory_space<vmem>> -> memref<50x128xf32, #tpu.memory_space<vmem>>
    %dma_start3A_144 = arith.constant 0 : i32
    %dma_start3A_145 = tpu.memref_slice %arg5[%dma_start3A_137, %dma_start3A_144] : memref<128x50xi32, #tpu.memory_space<vmem>> -> memref<1x50xi32, #tpu.memory_space<vmem>>
    %dma_start3A_146 = tpu.memref_squeeze %dma_start3A_145 : memref<1x50xi32, #tpu.memory_space<vmem>> -> memref<50xi32, #tpu.memory_space<vmem>>
    %dma_start3A_147 = arith.constant 0 : i32
    %dma_start3A_148 = arith.constant 0 : i32
    %dma_start3A_149 = tpu.memref_slice %arg2[%dma_start3A_147, %dma_start3A_148] : memref<100000x128xf32, #tpu.memory_space<hbm>> -> memref<100000x128xf32, #tpu.memory_space<hbm>>
    %dma_start3A_150 = tpu.memref_slice %arg7[%dma_start3A_139] : memref<12x!tpu.dma_semaphore, #tpu.memory_space<semaphore_mem>> -> memref<1x!tpu.dma_semaphore, #tpu.memory_space<semaphore_mem>>
    %dma_start3A_151 = tpu.memref_squeeze %dma_start3A_150 : memref<1x!tpu.dma_semaphore, #tpu.memory_space<semaphore_mem>> -> memref<!tpu.dma_semaphore, #tpu.memory_space<semaphore_mem>>
    tpu.enqueue_indirect_dma source(%dma_start3A_149 : memref<100000x128xf32, #tpu.memory_space<hbm>>) target(%dma_start3A_143 : memref<50x128xf32, #tpu.memory_space<vmem>>) offsets(%dma_start3A_146 : memref<50xi32, #tpu.memory_space<vmem>>) semaphore(%dma_start3A_151 : memref<!tpu.dma_semaphore, #tpu.memory_space<semaphore_mem>>)
    %dma_start3A_152 = arith.constant 10 : i32
    %dma_start3A_153 = arith.constant 10 : i32
    %dma_start3A_154 = arith.constant 10 : i32
    %dma_start3A_155 = arith.constant 0 : i32
    %dma_start3A_156 = arith.constant 0 : i32
    %dma_start3A_157 = tpu.memref_slice %arg6[%dma_start3A_153, %dma_start3A_155, %dma_start3A_156] : memref<12x50x128xf32, #tpu.memory_space<vmem>> -> memref<1x50x128xf32, #tpu.memory_space<vmem>>
    %dma_start3A_158 = tpu.memref_squeeze %dma_start3A_157 : memref<1x50x128xf32, #tpu.memory_space<vmem>> -> memref<50x128xf32, #tpu.memory_space<vmem>>
    %dma_start3A_159 = arith.constant 0 : i32
    %dma_start3A_160 = tpu.memref_slice %arg5[%dma_start3A_152, %dma_start3A_159] : memref<128x50xi32, #tpu.memory_space<vmem>> -> memref<1x50xi32, #tpu.memory_space<vmem>>
    %dma_start3A_161 = tpu.memref_squeeze %dma_start3A_160 : memref<1x50xi32, #tpu.memory_space<vmem>> -> memref<50xi32, #tpu.memory_space<vmem>>
    %dma_start3A_162 = arith.constant 0 : i32
    %dma_start3A_163 = arith.constant 0 : i32
    %dma_start3A_164 = tpu.memref_slice %arg2[%dma_start3A_162, %dma_start3A_163] : memref<100000x128xf32, #tpu.memory_space<hbm>> -> memref<100000x128xf32, #tpu.memory_space<hbm>>
    %dma_start3A_165 = tpu.memref_slice %arg7[%dma_start3A_154] : memref<12x!tpu.dma_semaphore, #tpu.memory_space<semaphore_mem>> -> memref<1x!tpu.dma_semaphore, #tpu.memory_space<semaphore_mem>>
    %dma_start3A_166 = tpu.memref_squeeze %dma_start3A_165 : memref<1x!tpu.dma_semaphore, #tpu.memory_space<semaphore_mem>> -> memref<!tpu.dma_semaphore, #tpu.memory_space<semaphore_mem>>
    tpu.enqueue_indirect_dma source(%dma_start3A_164 : memref<100000x128xf32, #tpu.memory_space<hbm>>) target(%dma_start3A_158 : memref<50x128xf32, #tpu.memory_space<vmem>>) offsets(%dma_start3A_161 : memref<50xi32, #tpu.memory_space<vmem>>) semaphore(%dma_start3A_166 : memref<!tpu.dma_semaphore, #tpu.memory_space<semaphore_mem>>)
    %scan3A = arith.constant 0 : i32
    %scan3A_167 = arith.constant 0 : i32
    %scan3A_168 = arith.constant 11 : i32
    %scan3A_169 = arith.addi %scan3A_167, %scan3A_168 : i32
    %scan3A_170 = arith.constant 1 : i32
    scf.for %scan3A_411 = %scan3A_167 to %scan3A_169 step %scan3A_170  : i32 {
      %mul3A_412 = arith.constant 12 : i32
      %mul3A_413 = arith.muli %scan3A_411, %mul3A_412 : i32
      %add3A_414 = arith.constant 0 : i32
      %add3A_415 = arith.addi %mul3A_413, %add3A_414 : i32
      %lt3A = arith.constant 128 : i32
      %lt3A_416 = arith.cmpi slt, %add3A_415, %lt3A : i32
      %convert_element_type3A = arith.extui %lt3A_416 : i1 to i32
      %cond3A = arith.constant 0 : i32
      %cond3A_417 = arith.cmpi ne, %convert_element_type3A, %cond3A : i32
      scf.if %cond3A_417 {
        %dma_wait3A_517 = arith.constant 0 : i32
        %dma_wait3A_518 = arith.constant 0 : i32
        %dma_wait3A_519 = arith.constant 0 : i32
        %dma_wait3A_520 = arith.constant 0 : i32
        %dma_wait3A_521 = arith.constant 0 : i32
        %dma_wait3A_522 = tpu.memref_slice %arg6[%dma_wait3A_518, %dma_wait3A_520, %dma_wait3A_521] : memref<12x50x128xf32, #tpu.memory_space<vmem>> -> memref<1x50x128xf32, #tpu.memory_space<vmem>>
        %dma_wait3A_523 = tpu.memref_squeeze %dma_wait3A_522 : memref<1x50x128xf32, #tpu.memory_space<vmem>> -> memref<50x128xf32, #tpu.memory_space<vmem>>
        %dma_wait3A_524 = arith.constant 0 : i32
        %dma_wait3A_525 = tpu.memref_slice %arg5[%dma_wait3A_517, %dma_wait3A_524] : memref<128x50xi32, #tpu.memory_space<vmem>> -> memref<1x50xi32, #tpu.memory_space<vmem>>
        %dma_wait3A_526 = tpu.memref_squeeze %dma_wait3A_525 : memref<1x50xi32, #tpu.memory_space<vmem>> -> memref<50xi32, #tpu.memory_space<vmem>>
        %dma_wait3A_527 = arith.constant 0 : i32
        %dma_wait3A_528 = arith.constant 0 : i32
        %dma_wait3A_529 = tpu.memref_slice %arg2[%dma_wait3A_527, %dma_wait3A_528] : memref<100000x128xf32, #tpu.memory_space<hbm>> -> memref<100000x128xf32, #tpu.memory_space<hbm>>
        %dma_wait3A_530 = tpu.memref_slice %arg7[%dma_wait3A_519] : memref<12x!tpu.dma_semaphore, #tpu.memory_space<semaphore_mem>> -> memref<1x!tpu.dma_semaphore, #tpu.memory_space<semaphore_mem>>
        %dma_wait3A_531 = tpu.memref_squeeze %dma_wait3A_530 : memref<1x!tpu.dma_semaphore, #tpu.memory_space<semaphore_mem>> -> memref<!tpu.dma_semaphore, #tpu.memory_space<semaphore_mem>>
        tpu.wait_indirect_dma semaphore(%dma_wait3A_531 : memref<!tpu.dma_semaphore, #tpu.memory_space<semaphore_mem>>) src(%dma_wait3A_529 : memref<100000x128xf32, #tpu.memory_space<hbm>>) dst(%dma_wait3A_523 : memref<50x128xf32, #tpu.memory_space<vmem>>)
        %scan3A_532 = arith.constant 0 : i32
        %scan3A_533 = arith.constant 0 : i32
        %scan3A_534 = arith.constant 50 : i32
        %scan3A_535 = arith.addi %scan3A_533, %scan3A_534 : i32
        %scan3A_536 = arith.constant 1 : i32
        scf.for %scan3A_567 = %scan3A_533 to %scan3A_535 step %scan3A_536  : i32 {
          %get3A = arith.constant 0 : i32
          %get3A_568 = arith.index_cast %get3A : i32 to index
          %get3A_569 = arith.index_cast %scan3A_567 : i32 to index
          %get3A_570 = arith.constant 0 : index
          %get3A_571 = tpu.vector_load %arg6[%get3A_568, %get3A_569, %get3A_570] {strides = array<i32>} : memref<12x50x128xf32, #tpu.memory_space<vmem>>, vector<1x1x16xf32>,
          %get3A_572 = vector.shape_cast %get3A_571 : vector<1x1x16xf32> to vector<16xf32>
          %mul3A_573 = arith.constant 11.3137083 : f32
          %mul3A_574 = vector.broadcast %mul3A_573 : f32 to vector<16xf32>
          %mul3A_575 = arith.mulf %get3A_572, %mul3A_574 : vector<16xf32>
          %swap3A = arith.constant 0 : i32
          %swap3A_576 = arith.index_cast %swap3A : i32 to index
          %swap3A_577 = arith.index_cast %scan3A_567 : i32 to index
          %swap3A_578 = arith.constant 0 : index
          %swap3A_579 = tpu.vector_load %arg6[%swap3A_576, %swap3A_577, %swap3A_578] {strides = array<i32>} : memref<12x50x128xf32, #tpu.memory_space<vmem>>, vector<1x1x16xf32>,
          %swap3A_580 = vector.shape_cast %swap3A_579 : vector<1x1x16xf32> to vector<16xf32>
          %swap3A_581 = vector.shape_cast %mul3A_575 : vector<16xf32> to vector<1x1x16xf32>
          tpu.vector_store %arg6[%swap3A_576, %swap3A_577, %swap3A_578], %swap3A_581 {strides = array<i32>} : memref<12x50x128xf32, #tpu.memory_space<vmem>>, vector<1x1x16xf32>,
          %get3A_582 = arith.constant 0 : i32
          %get3A_583 = arith.index_cast %get3A_582 : i32 to index
          %get3A_584 = arith.index_cast %scan3A_567 : i32 to index
          %get3A_585 = arith.constant 16 : index
          %get3A_586 = tpu.vector_load %arg6[%get3A_583, %get3A_584, %get3A_585] {strides = array<i32>} : memref<12x50x128xf32, #tpu.memory_space<vmem>>, vector<1x1x16xf32>,
          %get3A_587 = vector.shape_cast %get3A_586 : vector<1x1x16xf32> to vector<16xf32>
          %mul3A_588 = arith.constant 11.3137083 : f32
          %mul3A_589 = vector.broadcast %mul3A_588 : f32 to vector<16xf32>
          %mul3A_590 = arith.mulf %get3A_587, %mul3A_589 : vector<16xf32>
          %swap3A_591 = arith.constant 0 : i32
          %swap3A_592 = arith.index_cast %swap3A_591 : i32 to index
          %swap3A_593 = arith.index_cast %scan3A_567 : i32 to index
          %swap3A_594 = arith.constant 16 : index
          %swap3A_595 = tpu.vector_load %arg6[%swap3A_592, %swap3A_593, %swap3A_594] {strides = array<i32>} : memref<12x50x128xf32, #tpu.memory_space<vmem>>, vector<1x1x16xf32>,
          %swap3A_596 = vector.shape_cast %swap3A_595 : vector<1x1x16xf32> to vector<16xf32>
          %swap3A_597 = vector.shape_cast %mul3A_590 : vector<16xf32> to vector<1x1x16xf32>
          tpu.vector_store %arg6[%swap3A_592, %swap3A_593, %swap3A_594], %swap3A_597 {strides = array<i32>} : memref<12x50x128xf32, #tpu.memory_space<vmem>>, vector<1x1x16xf32>,
          %get3A_598 = arith.constant 0 : i32
          %get3A_599 = arith.index_cast %get3A_598 : i32 to index
          %get3A_600 = arith.index_cast %scan3A_567 : i32 to index
          %get3A_601 = arith.constant 32 : index
          %get3A_602 = tpu.vector_load %arg6[%get3A_599, %get3A_600, %get3A_601] {strides = array<i32>} : memref<12x50x128xf32, #tpu.memory_space<vmem>>, vector<1x1x16xf32>,
          %get3A_603 = vector.shape_cast %get3A_602 : vector<1x1x16xf32> to vector<16xf32>
          %mul3A_604 = arith.constant 11.3137083 : f32
          %mul3A_605 = vector.broadcast %mul3A_604 : f32 to vector<16xf32>
          %mul3A_606 = arith.mulf %get3A_603, %mul3A_605 : vector<16xf32>
          %swap3A_607 = arith.constant 0 : i32
          %swap3A_608 = arith.index_cast %swap3A_607 : i32 to index
          %swap3A_609 = arith.index_cast %scan3A_567 : i32 to index
          %swap3A_610 = arith.constant 32 : index
          %swap3A_611 = tpu.vector_load %arg6[%swap3A_608, %swap3A_609, %swap3A_610] {strides = array<i32>} : memref<12x50x128xf32, #tpu.memory_space<vmem>>, vector<1x1x16xf32>,
          %swap3A_612 = vector.shape_cast %swap3A_611 : vector<1x1x16xf32> to vector<16xf32>
          %swap3A_613 = vector.shape_cast %mul3A_606 : vector<16xf32> to vector<1x1x16xf32>
          tpu.vector_store %arg6[%swap3A_608, %swap3A_609, %swap3A_610], %swap3A_613 {strides = array<i32>} : memref<12x50x128xf32, #tpu.memory_space<vmem>>, vector<1x1x16xf32>,
          %get3A_614 = arith.constant 0 : i32
          %get3A_615 = arith.index_cast %get3A_614 : i32 to index
          %get3A_616 = arith.index_cast %scan3A_567 : i32 to index
          %get3A_617 = arith.constant 48 : index
          %get3A_618 = tpu.vector_load %arg6[%get3A_615, %get3A_616, %get3A_617] {strides = array<i32>} : memref<12x50x128xf32, #tpu.memory_space<vmem>>, vector<1x1x16xf32>,
          %get3A_619 = vector.shape_cast %get3A_618 : vector<1x1x16xf32> to vector<16xf32>
          %mul3A_620 = arith.constant 11.3137083 : f32
          %mul3A_621 = vector.broadcast %mul3A_620 : f32 to vector<16xf32>
          %mul3A_622 = arith.mulf %get3A_619, %mul3A_621 : vector<16xf32>
          %swap3A_623 = arith.constant 0 : i32
          %swap3A_624 = arith.index_cast %swap3A_623 : i32 to index
          %swap3A_625 = arith.index_cast %scan3A_567 : i32 to index
          %swap3A_626 = arith.constant 48 : index
          %swap3A_627 = tpu.vector_load %arg6[%swap3A_624, %swap3A_625, %swap3A_626] {strides = array<i32>} : memref<12x50x128xf32, #tpu.memory_space<vmem>>, vector<1x1x16xf32>,
          %swap3A_628 = vector.shape_cast %swap3A_627 : vector<1x1x16xf32> to vector<16xf32>
          %swap3A_629 = vector.shape_cast %mul3A_622 : vector<16xf32> to vector<1x1x16xf32>
          tpu.vector_store %arg6[%swap3A_624, %swap3A_625, %swap3A_626], %swap3A_629 {strides = array<i32>} : memref<12x50x128xf32, #tpu.memory_space<vmem>>, vector<1x1x16xf32>,
          %get3A_630 = arith.constant 0 : i32
          %get3A_631 = arith.index_cast %get3A_630 : i32 to index
          %get3A_632 = arith.index_cast %scan3A_567 : i32 to index
          %get3A_633 = arith.constant 64 : index
          %get3A_634 = tpu.vector_load %arg6[%get3A_631, %get3A_632, %get3A_633] {strides = array<i32>} : memref<12x50x128xf32, #tpu.memory_space<vmem>>, vector<1x1x16xf32>,
          %get3A_635 = vector.shape_cast %get3A_634 : vector<1x1x16xf32> to vector<16xf32>
          %mul3A_636 = arith.constant 11.3137083 : f32
          %mul3A_637 = vector.broadcast %mul3A_636 : f32 to vector<16xf32>
          %mul3A_638 = arith.mulf %get3A_635, %mul3A_637 : vector<16xf32>
          %swap3A_639 = arith.constant 0 : i32
          %swap3A_640 = arith.index_cast %swap3A_639 : i32 to index
          %swap3A_641 = arith.index_cast %scan3A_567 : i32 to index
          %swap3A_642 = arith.constant 64 : index
          %swap3A_643 = tpu.vector_load %arg6[%swap3A_640, %swap3A_641, %swap3A_642] {strides = array<i32>} : memref<12x50x128xf32, #tpu.memory_space<vmem>>, vector<1x1x16xf32>,
          %swap3A_644 = vector.shape_cast %swap3A_643 : vector<1x1x16xf32> to vector<16xf32>
          %swap3A_645 = vector.shape_cast %mul3A_638 : vector<16xf32> to vector<1x1x16xf32>
          tpu.vector_store %arg6[%swap3A_640, %swap3A_641, %swap3A_642], %swap3A_645 {strides = array<i32>} : memref<12x50x128xf32, #tpu.memory_space<vmem>>, vector<1x1x16xf32>,
          %get3A_646 = arith.constant 0 : i32
          %get3A_647 = arith.index_cast %get3A_646 : i32 to index
          %get3A_648 = arith.index_cast %scan3A_567 : i32 to index
          %get3A_649 = arith.constant 80 : index
          %get3A_650 = tpu.vector_load %arg6[%get3A_647, %get3A_648, %get3A_649] {strides = array<i32>} : memref<12x50x128xf32, #tpu.memory_space<vmem>>, vector<1x1x16xf32>,
          %get3A_651 = vector.shape_cast %get3A_650 : vector<1x1x16xf32> to vector<16xf32>
          %mul3A_652 = arith.constant 11.3137083 : f32
          %mul3A_653 = vector.broadcast %mul3A_652 : f32 to vector<16xf32>
          %mul3A_654 = arith.mulf %get3A_651, %mul3A_653 : vector<16xf32>
          %swap3A_655 = arith.constant 0 : i32
          %swap3A_656 = arith.index_cast %swap3A_655 : i32 to index
          %swap3A_657 = arith.index_cast %scan3A_567 : i32 to index
          %swap3A_658 = arith.constant 80 : index
          %swap3A_659 = tpu.vector_load %arg6[%swap3A_656, %swap3A_657, %swap3A_658] {strides = array<i32>} : memref<12x50x128xf32, #tpu.memory_space<vmem>>, vector<1x1x16xf32>,
          %swap3A_660 = vector.shape_cast %swap3A_659 : vector<1x1x16xf32> to vector<16xf32>
          %swap3A_661 = vector.shape_cast %mul3A_654 : vector<16xf32> to vector<1x1x16xf32>
          tpu.vector_store %arg6[%swap3A_656, %swap3A_657, %swap3A_658], %swap3A_661 {strides = array<i32>} : memref<12x50x128xf32, #tpu.memory_space<vmem>>, vector<1x1x16xf32>,
          %get3A_662 = arith.constant 0 : i32
          %get3A_663 = arith.index_cast %get3A_662 : i32 to index
          %get3A_664 = arith.index_cast %scan3A_567 : i32 to index
          %get3A_665 = arith.constant 96 : index
          %get3A_666 = tpu.vector_load %arg6[%get3A_663, %get3A_664, %get3A_665] {strides = array<i32>} : memref<12x50x128xf32, #tpu.memory_space<vmem>>, vector<1x1x16xf32>,
          %get3A_667 = vector.shape_cast %get3A_666 : vector<1x1x16xf32> to vector<16xf32>
          %mul3A_668 = arith.constant 11.3137083 : f32
          %mul3A_669 = vector.broadcast %mul3A_668 : f32 to vector<16xf32>
          %mul3A_670 = arith.mulf %get3A_667, %mul3A_669 : vector<16xf32>
          %swap3A_671 = arith.constant 0 : i32
          %swap3A_672 = arith.index_cast %swap3A_671 : i32 to index
          %swap3A_673 = arith.index_cast %scan3A_567 : i32 to index
          %swap3A_674 = arith.constant 96 : index
          %swap3A_675 = tpu.vector_load %arg6[%swap3A_672, %swap3A_673, %swap3A_674] {strides = array<i32>} : memref<12x50x128xf32, #tpu.memory_space<vmem>>, vector<1x1x16xf32>,
          %swap3A_676 = vector.shape_cast %swap3A_675 : vector<1x1x16xf32> to vector<16xf32>
          %swap3A_677 = vector.shape_cast %mul3A_670 : vector<16xf32> to vector<1x1x16xf32>
          tpu.vector_store %arg6[%swap3A_672, %swap3A_673, %swap3A_674], %swap3A_677 {strides = array<i32>} : memref<12x50x128xf32, #tpu.memory_space<vmem>>, vector<1x1x16xf32>,
          %get3A_678 = arith.constant 0 : i32
          %get3A_679 = arith.index_cast %get3A_678 : i32 to index
          %get3A_680 = arith.index_cast %scan3A_567 : i32 to index
          %get3A_681 = arith.constant 112 : index
          %get3A_682 = tpu.vector_load %arg6[%get3A_679, %get3A_680, %get3A_681] {strides = array<i32>} : memref<12x50x128xf32, #tpu.memory_space<vmem>>, vector<1x1x16xf32>,
          %get3A_683 = vector.shape_cast %get3A_682 : vector<1x1x16xf32> to vector<16xf32>
          %mul3A_684 = arith.constant 11.3137083 : f32
          %mul3A_685 = vector.broadcast %mul3A_684 : f32 to vector<16xf32>
          %mul3A_686 = arith.mulf %get3A_683, %mul3A_685 : vector<16xf32>
          %swap3A_687 = arith.constant 0 : i32
          %swap3A_688 = arith.index_cast %swap3A_687 : i32 to index
          %swap3A_689 = arith.index_cast %scan3A_567 : i32 to index
          %swap3A_690 = arith.constant 112 : index
          %swap3A_691 = tpu.vector_load %arg6[%swap3A_688, %swap3A_689, %swap3A_690] {strides = array<i32>} : memref<12x50x128xf32, #tpu.memory_space<vmem>>, vector<1x1x16xf32>,
          %swap3A_692 = vector.shape_cast %swap3A_691 : vector<1x1x16xf32> to vector<16xf32>
          %swap3A_693 = vector.shape_cast %mul3A_686 : vector<16xf32> to vector<1x1x16xf32>
          tpu.vector_store %arg6[%swap3A_688, %swap3A_689, %swap3A_690], %swap3A_693 {strides = array<i32>} : memref<12x50x128xf32, #tpu.memory_space<vmem>>, vector<1x1x16xf32>,
        }
        %scan3A_537 = arith.constant 50 : i32
        %add3A_538 = arith.addi %mul3A_2, %add3A_415 : i32
        %dma_start3A_539 = arith.constant 0 : i32
        %dma_start3A_540 = arith.constant 0 : i32
        %dma_start3A_541 = arith.constant 0 : i32
        %dma_start3A_542 = arith.constant 0 : i32
        %dma_start3A_543 = tpu.memref_slice %arg6[%dma_start3A_539, %dma_start3A_541, %dma_start3A_542] : memref<12x50x128xf32, #tpu.memory_space<vmem>> -> memref<1x50x128xf32, #tpu.memory_space<vmem>>
        %dma_start3A_544 = tpu.memref_squeeze %dma_start3A_543 : memref<1x50x128xf32, #tpu.memory_space<vmem>> -> memref<50x128xf32, #tpu.memory_space<vmem>>
        %dma_start3A_545 = arith.constant 0 : i32
        %dma_start3A_546 = arith.constant 0 : i32
        %dma_start3A_547 = tpu.memref_slice %arg4[%add3A_538, %dma_start3A_545, %dma_start3A_546] : memref<4096x50x128xf32, #tpu.memory_space<hbm>> -> memref<1x50x128xf32, #tpu.memory_space<hbm>>
        %dma_start3A_548 = tpu.memref_squeeze %dma_start3A_547 : memref<1x50x128xf32, #tpu.memory_space<hbm>> -> memref<50x128xf32, #tpu.memory_space<hbm>>
        %dma_start3A_549 = tpu.memref_slice %arg8[%dma_start3A_540] : memref<12x!tpu.dma_semaphore, #tpu.memory_space<semaphore_mem>> -> memref<1x!tpu.dma_semaphore, #tpu.memory_space<semaphore_mem>>
        %dma_start3A_550 = tpu.memref_squeeze %dma_start3A_549 : memref<1x!tpu.dma_semaphore, #tpu.memory_space<semaphore_mem>> -> memref<!tpu.dma_semaphore, #tpu.memory_space<semaphore_mem>>
        %dma_start3A_551 = arith.constant 0 : i32
        %dma_start3A_552 = arith.constant 0 : i32
        %dma_start3A_553 = tpu.memref_slice %arg4[%add3A_538, %dma_start3A_551, %dma_start3A_552] : memref<4096x50x128xf32, #tpu.memory_space<hbm>> -> memref<1x50x128xf32, #tpu.memory_space<hbm>>
        %dma_start3A_554 = tpu.memref_squeeze %dma_start3A_553 : memref<1x50x128xf32, #tpu.memory_space<hbm>> -> memref<50x128xf32, #tpu.memory_space<hbm>>
        %dma_start3A_555 = arith.constant 0 : i32
        %dma_start3A_556 = arith.constant 0 : i32
        %dma_start3A_557 = tpu.memref_slice %arg6[%dma_start3A_539, %dma_start3A_555, %dma_start3A_556] : memref<12x50x128xf32, #tpu.memory_space<vmem>> -> memref<1x50x128xf32, #tpu.memory_space<vmem>>
        %dma_start3A_558 = tpu.memref_squeeze %dma_start3A_557 : memref<1x50x128xf32, #tpu.memory_space<vmem>> -> memref<50x128xf32, #tpu.memory_space<vmem>>
        tpu.enqueue_dma source(%dma_start3A_558 : memref<50x128xf32, #tpu.memory_space<vmem>>) target(%dma_start3A_554 : memref<50x128xf32, #tpu.memory_space<hbm>>) target_semaphore(%dma_start3A_550 : memref<!tpu.dma_semaphore, #tpu.memory_space<semaphore_mem>>)
        %add3A_559 = arith.constant 12 : i32
        %add3A_560 = arith.addi %add3A_415, %add3A_559 : i32
        %sub3A = arith.constant 1 : i32
        %sub3A_561 = arith.subi %add3A_560, %sub3A : i32
        %lt3A_562 = arith.constant 128 : i32
        %lt3A_563 = arith.cmpi slt, %sub3A_561, %lt3A_562 : i32
        %convert_element_type3A_564 = arith.extui %lt3A_563 : i1 to i32
        %cond3A_565 = arith.constant 0 : i32
        %cond3A_566 = arith.cmpi ne, %convert_element_type3A_564, %cond3A_565 : i32
        scf.if %cond3A_566 {
          %ge3A = arith.constant 1 : i32
          %ge3A_567 = arith.cmpi sge, %add3A_415, %ge3A : i32
          %convert_element_type3A_568 = arith.extui %ge3A_567 : i1 to i32
          %cond3A_569 = arith.constant 0 : i32
          %cond3A_570 = arith.cmpi ne, %convert_element_type3A_568, %cond3A_569 : i32
          scf.if %cond3A_570 {
            %dma_wait3A_585 = arith.constant 11 : i32
            %dma_wait3A_586 = arith.constant 11 : i32
            %dma_wait3A_587 = arith.constant 0 : i32
            %dma_wait3A_588 = arith.constant 0 : i32
            %dma_wait3A_589 = tpu.memref_slice %arg6[%dma_wait3A_585, %dma_wait3A_587, %dma_wait3A_588] : memref<12x50x128xf32, #tpu.memory_space<vmem>> -> memref<1x50x128xf32, #tpu.memory_space<vmem>>
            %dma_wait3A_590 = tpu.memref_squeeze %dma_wait3A_589 : memref<1x50x128xf32, #tpu.memory_space<vmem>> -> memref<50x128xf32, #tpu.memory_space<vmem>>
            %dma_wait3A_591 = arith.constant 0 : i32
            %dma_wait3A_592 = arith.constant 0 : i32
            %dma_wait3A_593 = tpu.memref_slice %arg4[%mul3A_2, %dma_wait3A_591, %dma_wait3A_592] : memref<4096x50x128xf32, #tpu.memory_space<hbm>> -> memref<1x50x128xf32, #tpu.memory_space<hbm>>
            %dma_wait3A_594 = tpu.memref_squeeze %dma_wait3A_593 : memref<1x50x128xf32, #tpu.memory_space<hbm>> -> memref<50x128xf32, #tpu.memory_space<hbm>>
            %dma_wait3A_595 = tpu.memref_slice %arg8[%dma_wait3A_586] : memref<12x!tpu.dma_semaphore, #tpu.memory_space<semaphore_mem>> -> memref<1x!tpu.dma_semaphore, #tpu.memory_space<semaphore_mem>>
            %dma_wait3A_596 = tpu.memref_squeeze %dma_wait3A_595 : memref<1x!tpu.dma_semaphore, #tpu.memory_space<semaphore_mem>> -> memref<!tpu.dma_semaphore, #tpu.memory_space<semaphore_mem>>
            %dma_wait3A_597 = arith.constant 0 : i32
            %dma_wait3A_598 = arith.constant 0 : i32
            %dma_wait3A_599 = tpu.memref_slice %arg4[%mul3A_2, %dma_wait3A_597, %dma_wait3A_598] : memref<4096x50x128xf32, #tpu.memory_space<hbm>> -> memref<1x50x128xf32, #tpu.memory_space<hbm>>
            %dma_wait3A_600 = tpu.memref_squeeze %dma_wait3A_599 : memref<1x50x128xf32, #tpu.memory_space<hbm>> -> memref<50x128xf32, #tpu.memory_space<hbm>>
            %dma_wait3A_601 = arith.constant 0 : i32
            %dma_wait3A_602 = arith.constant 0 : i32
            %dma_wait3A_603 = tpu.memref_slice %arg6[%dma_wait3A_585, %dma_wait3A_601, %dma_wait3A_602] : memref<12x50x128xf32, #tpu.memory_space<vmem>> -> memref<1x50x128xf32, #tpu.memory_space<vmem>>
            %dma_wait3A_604 = tpu.memref_squeeze %dma_wait3A_603 : memref<1x50x128xf32, #tpu.memory_space<vmem>> -> memref<50x128xf32, #tpu.memory_space<vmem>>
            tpu.wait_dma2 semaphore(%dma_wait3A_596 : memref<!tpu.dma_semaphore, #tpu.memory_space<semaphore_mem>>) src(%dma_wait3A_604 : memref<50x128xf32, #tpu.memory_space<vmem>>) dst(%dma_wait3A_600 : memref<50x128xf32, #tpu.memory_space<hbm>>)
          } else {
          }
          %dma_start3A_571 = arith.constant 11 : i32
          %dma_start3A_572 = arith.constant 11 : i32
          %dma_start3A_573 = arith.constant 0 : i32
          %dma_start3A_574 = arith.constant 0 : i32
          %dma_start3A_575 = tpu.memref_slice %arg6[%dma_start3A_571, %dma_start3A_573, %dma_start3A_574] : memref<12x50x128xf32, #tpu.memory_space<vmem>> -> memref<1x50x128xf32, #tpu.memory_space<vmem>>
          %dma_start3A_576 = tpu.memref_squeeze %dma_start3A_575 : memref<1x50x128xf32, #tpu.memory_space<vmem>> -> memref<50x128xf32, #tpu.memory_space<vmem>>
          %dma_start3A_577 = arith.constant 0 : i32
          %dma_start3A_578 = tpu.memref_slice %arg5[%sub3A_561, %dma_start3A_577] : memref<128x50xi32, #tpu.memory_space<vmem>> -> memref<1x50xi32, #tpu.memory_space<vmem>>
          %dma_start3A_579 = tpu.memref_squeeze %dma_start3A_578 : memref<1x50xi32, #tpu.memory_space<vmem>> -> memref<50xi32, #tpu.memory_space<vmem>>
          %dma_start3A_580 = arith.constant 0 : i32
          %dma_start3A_581 = arith.constant 0 : i32
          %dma_start3A_582 = tpu.memref_slice %arg2[%dma_start3A_580, %dma_start3A_581] : memref<100000x128xf32, #tpu.memory_space<hbm>> -> memref<100000x128xf32, #tpu.memory_space<hbm>>
          %dma_start3A_583 = tpu.memref_slice %arg7[%dma_start3A_572] : memref<12x!tpu.dma_semaphore, #tpu.memory_space<semaphore_mem>> -> memref<1x!tpu.dma_semaphore, #tpu.memory_space<semaphore_mem>>
          %dma_start3A_584 = tpu.memref_squeeze %dma_start3A_583 : memref<1x!tpu.dma_semaphore, #tpu.memory_space<semaphore_mem>> -> memref<!tpu.dma_semaphore, #tpu.memory_space<semaphore_mem>>
          tpu.enqueue_indirect_dma source(%dma_start3A_582 : memref<100000x128xf32, #tpu.memory_space<hbm>>) target(%dma_start3A_576 : memref<50x128xf32, #tpu.memory_space<vmem>>) offsets(%dma_start3A_579 : memref<50xi32, #tpu.memory_space<vmem>>) semaphore(%dma_start3A_584 : memref<!tpu.dma_semaphore, #tpu.memory_space<semaphore_mem>>)
        } else {
        }
      } else {
      }
      %mul3A_418 = arith.constant 12 : i32
      %mul3A_419 = arith.muli %scan3A_411, %mul3A_418 : i32
      %add3A_420 = arith.constant 1 : i32
      %add3A_421 = arith.addi %mul3A_419, %add3A_420 : i32
      %lt3A_422 = arith.constant 128 : i32
      %lt3A_423 = arith.cmpi slt, %add3A_421, %lt3A_422 : i32
      %convert_element_type3A_424 = arith.extui %lt3A_423 : i1 to i32
      %cond3A_425 = arith.constant 0 : i32
      %cond3A_426 = arith.cmpi ne, %convert_element_type3A_424, %cond3A_425 : i32
      scf.if %cond3A_426 {
        %dma_wait3A_517 = arith.constant 0 : i32
        %dma_wait3A_518 = arith.constant 1 : i32
        %dma_wait3A_519 = arith.constant 1 : i32
        %dma_wait3A_520 = arith.constant 0 : i32
        %dma_wait3A_521 = arith.constant 0 : i32
        %dma_wait3A_522 = tpu.memref_slice %arg6[%dma_wait3A_518, %dma_wait3A_520, %dma_wait3A_521] : memref<12x50x128xf32, #tpu.memory_space<vmem>> -> memref<1x50x128xf32, #tpu.memory_space<vmem>>
        %dma_wait3A_523 = tpu.memref_squeeze %dma_wait3A_522 : memref<1x50x128xf32, #tpu.memory_space<vmem>> -> memref<50x128xf32, #tpu.memory_space<vmem>>
        %dma_wait3A_524 = arith.constant 0 : i32
        %dma_wait3A_525 = tpu.memref_slice %arg5[%dma_wait3A_517, %dma_wait3A_524] : memref<128x50xi32, #tpu.memory_space<vmem>> -> memref<1x50xi32, #tpu.memory_space<vmem>>
        %dma_wait3A_526 = tpu.memref_squeeze %dma_wait3A_525 : memref<1x50xi32, #tpu.memory_space<vmem>> -> memref<50xi32, #tpu.memory_space<vmem>>
        %dma_wait3A_527 = arith.constant 0 : i32
        %dma_wait3A_528 = arith.constant 0 : i32
        %dma_wait3A_529 = tpu.memref_slice %arg2[%dma_wait3A_527, %dma_wait3A_528] : memref<100000x128xf32, #tpu.memory_space<hbm>> -> memref<100000x128xf32, #tpu.memory_space<hbm>>
        %dma_wait3A_530 = tpu.memref_slice %arg7[%dma_wait3A_519] : memref<12x!tpu.dma_semaphore, #tpu.memory_space<semaphore_mem>> -> memref<1x!tpu.dma_semaphore, #tpu.memory_space<semaphore_mem>>
        %dma_wait3A_531 = tpu.memref_squeeze %dma_wait3A_530 : memref<1x!tpu.dma_semaphore, #tpu.memory_space<semaphore_mem>> -> memref<!tpu.dma_semaphore, #tpu.memory_space<semaphore_mem>>
        tpu.wait_indirect_dma semaphore(%dma_wait3A_531 : memref<!tpu.dma_semaphore, #tpu.memory_space<semaphore_mem>>) src(%dma_wait3A_529 : memref<100000x128xf32, #tpu.memory_space<hbm>>) dst(%dma_wait3A_523 : memref<50x128xf32, #tpu.memory_space<vmem>>)
        %scan3A_532 = arith.constant 0 : i32
        %scan3A_533 = arith.constant 0 : i32
        %scan3A_534 = arith.constant 50 : i32
        %scan3A_535 = arith.addi %scan3A_533, %scan3A_534 : i32
        %scan3A_536 = arith.constant 1 : i32
        scf.for %scan3A_567 = %scan3A_533 to %scan3A_535 step %scan3A_536  : i32 {
          %get3A = arith.constant 1 : i32
          %get3A_568 = arith.index_cast %get3A : i32 to index
          %get3A_569 = arith.index_cast %scan3A_567 : i32 to index
          %get3A_570 = arith.constant 0 : index
          %get3A_571 = tpu.vector_load %arg6[%get3A_568, %get3A_569, %get3A_570] {strides = array<i32>} : memref<12x50x128xf32, #tpu.memory_space<vmem>>, vector<1x1x16xf32>,
          %get3A_572 = vector.shape_cast %get3A_571 : vector<1x1x16xf32> to vector<16xf32>
          %mul3A_573 = arith.constant 11.3137083 : f32
          %mul3A_574 = vector.broadcast %mul3A_573 : f32 to vector<16xf32>
          %mul3A_575 = arith.mulf %get3A_572, %mul3A_574 : vector<16xf32>
          %swap3A = arith.constant 1 : i32
          %swap3A_576 = arith.index_cast %swap3A : i32 to index
          %swap3A_577 = arith.index_cast %scan3A_567 : i32 to index
          %swap3A_578 = arith.constant 0 : index
          %swap3A_579 = tpu.vector_load %arg6[%swap3A_576, %swap3A_577, %swap3A_578] {strides = array<i32>} : memref<12x50x128xf32, #tpu.memory_space<vmem>>, vector<1x1x16xf32>,
          %swap3A_580 = vector.shape_cast %swap3A_579 : vector<1x1x16xf32> to vector<16xf32>
          %swap3A_581 = vector.shape_cast %mul3A_575 : vector<16xf32> to vector<1x1x16xf32>
          tpu.vector_store %arg6[%swap3A_576, %swap3A_577, %swap3A_578], %swap3A_581 {strides = array<i32>} : memref<12x50x128xf32, #tpu.memory_space<vmem>>, vector<1x1x16xf32>,
          %get3A_582 = arith.constant 1 : i32
          %get3A_583 = arith.index_cast %get3A_582 : i32 to index
          %get3A_584 = arith.index_cast %scan3A_567 : i32 to index
          %get3A_585 = arith.constant 16 : index
          %get3A_586 = tpu.vector_load %arg6[%get3A_583, %get3A_584, %get3A_585] {strides = array<i32>} : memref<12x50x128xf32, #tpu.memory_space<vmem>>, vector<1x1x16xf32>,
          %get3A_587 = vector.shape_cast %get3A_586 : vector<1x1x16xf32> to vector<16xf32>
          %mul3A_588 = arith.constant 11.3137083 : f32
          %mul3A_589 = vector.broadcast %mul3A_588 : f32 to vector<16xf32>
          %mul3A_590 = arith.mulf %get3A_587, %mul3A_589 : vector<16xf32>
          %swap3A_591 = arith.constant 1 : i32
          %swap3A_592 = arith.index_cast %swap3A_591 : i32 to index
          %swap3A_593 = arith.index_cast %scan3A_567 : i32 to index
          %swap3A_594 = arith.constant 16 : index
          %swap3A_595 = tpu.vector_load %arg6[%swap3A_592, %swap3A_593, %swap3A_594] {strides = array<i32>} : memref<12x50x128xf32, #tpu.memory_space<vmem>>, vector<1x1x16xf32>,
          %swap3A_596 = vector.shape_cast %swap3A_595 : vector<1x1x16xf32> to vector<16xf32>
          %swap3A_597 = vector.shape_cast %mul3A_590 : vector<16xf32> to vector<1x1x16xf32>
          tpu.vector_store %arg6[%swap3A_592, %swap3A_593, %swap3A_594], %swap3A_597 {strides = array<i32>} : memref<12x50x128xf32, #tpu.memory_space<vmem>>, vector<1x1x16xf32>,
          %get3A_598 = arith.constant 1 : i32
          %get3A_599 = arith.index_cast %get3A_598 : i32 to index
          %get3A_600 = arith.index_cast %scan3A_567 : i32 to index
          %get3A_601 = arith.constant 32 : index
          %get3A_602 = tpu.vector_load %arg6[%get3A_599, %get3A_600, %get3A_601] {strides = array<i32>} : memref<12x50x128xf32, #tpu.memory_space<vmem>>, vector<1x1x16xf32>,
          %get3A_603 = vector.shape_cast %get3A_602 : vector<1x1x16xf32> to vector<16xf32>
          %mul3A_604 = arith.constant 11.3137083 : f32
          %mul3A_605 = vector.broadcast %mul3A_604 : f32 to vector<16xf32>
          %mul3A_606 = arith.mulf %get3A_603, %mul3A_605 : vector<16xf32>
          %swap3A_607 = arith.constant 1 : i32
          %swap3A_608 = arith.index_cast %swap3A_607 : i32 to index
          %swap3A_609 = arith.index_cast %scan3A_567 : i32 to index
          %swap3A_610 = arith.constant 32 : index
          %swap3A_611 = tpu.vector_load %arg6[%swap3A_608, %swap3A_609, %swap3A_610] {strides = array<i32>} : memref<12x50x128xf32, #tpu.memory_space<vmem>>, vector<1x1x16xf32>,
          %swap3A_612 = vector.shape_cast %swap3A_611 : vector<1x1x16xf32> to vector<16xf32>
          %swap3A_613 = vector.shape_cast %mul3A_606 : vector<16xf32> to vector<1x1x16xf32>
          tpu.vector_store %arg6[%swap3A_608, %swap3A_609, %swap3A_610], %swap3A_613 {strides = array<i32>} : memref<12x50x128xf32, #tpu.memory_space<vmem>>, vector<1x1x16xf32>,
          %get3A_614 = arith.constant 1 : i32
          %get3A_615 = arith.index_cast %get3A_614 : i32 to index
          %get3A_616 = arith.index_cast %scan3A_567 : i32 to index
          %get3A_617 = arith.constant 48 : index
          %get3A_618 = tpu.vector_load %arg6[%get3A_615, %get3A_616, %get3A_617] {strides = array<i32>} : memref<12x50x128xf32, #tpu.memory_space<vmem>>, vector<1x1x16xf32>,
          %get3A_619 = vector.shape_cast %get3A_618 : vector<1x1x16xf32> to vector<16xf32>
          %mul3A_620 = arith.constant 11.3137083 : f32
          %mul3A_621 = vector.broadcast %mul3A_620 : f32 to vector<16xf32>
          %mul3A_622 = arith.mulf %get3A_619, %mul3A_621 : vector<16xf32>
          %swap3A_623 = arith.constant 1 : i32
          %swap3A_624 = arith.index_cast %swap3A_623 : i32 to index
          %swap3A_625 = arith.index_cast %scan3A_567 : i32 to index
          %swap3A_626 = arith.constant 48 : index
          %swap3A_627 = tpu.vector_load %arg6[%swap3A_624, %swap3A_625, %swap3A_626] {strides = array<i32>} : memref<12x50x128xf32, #tpu.memory_space<vmem>>, vector<1x1x16xf32>,
          %swap3A_628 = vector.shape_cast %swap3A_627 : vector<1x1x16xf32> to vector<16xf32>
          %swap3A_629 = vector.shape_cast %mul3A_622 : vector<16xf32> to vector<1x1x16xf32>
          tpu.vector_store %arg6[%swap3A_624, %swap3A_625, %swap3A_626], %swap3A_629 {strides = array<i32>} : memref<12x50x128xf32, #tpu.memory_space<vmem>>, vector<1x1x16xf32>,
          %get3A_630 = arith.constant 1 : i32
          %get3A_631 = arith.index_cast %get3A_630 : i32 to index
          %get3A_632 = arith.index_cast %scan3A_567 : i32 to index
          %get3A_633 = arith.constant 64 : index
          %get3A_634 = tpu.vector_load %arg6[%get3A_631, %get3A_632, %get3A_633] {strides = array<i32>} : memref<12x50x128xf32, #tpu.memory_space<vmem>>, vector<1x1x16xf32>,
          %get3A_635 = vector.shape_cast %get3A_634 : vector<1x1x16xf32> to vector<16xf32>
          %mul3A_636 = arith.constant 11.3137083 : f32
          %mul3A_637 = vector.broadcast %mul3A_636 : f32 to vector<16xf32>
          %mul3A_638 = arith.mulf %get3A_635, %mul3A_637 : vector<16xf32>
          %swap3A_639 = arith.constant 1 : i32
          %swap3A_640 = arith.index_cast %swap3A_639 : i32 to index
          %swap3A_641 = arith.index_cast %scan3A_567 : i32 to index
          %swap3A_642 = arith.constant 64 : index
          %swap3A_643 = tpu.vector_load %arg6[%swap3A_640, %swap3A_641, %swap3A_642] {strides = array<i32>} : memref<12x50x128xf32, #tpu.memory_space<vmem>>, vector<1x1x16xf32>,
          %swap3A_644 = vector.shape_cast %swap3A_643 : vector<1x1x16xf32> to vector<16xf32>
          %swap3A_645 = vector.shape_cast %mul3A_638 : vector<16xf32> to vector<1x1x16xf32>
          tpu.vector_store %arg6[%swap3A_640, %swap3A_641, %swap3A_642], %swap3A_645 {strides = array<i32>} : memref<12x50x128xf32, #tpu.memory_space<vmem>>, vector<1x1x16xf32>,
          %get3A_646 = arith.constant 1 : i32
          %get3A_647 = arith.index_cast %get3A_646 : i32 to index
          %get3A_648 = arith.index_cast %scan3A_567 : i32 to index
          %get3A_649 = arith.constant 80 : index
          %get3A_650 = tpu.vector_load %arg6[%get3A_647, %get3A_648, %get3A_649] {strides = array<i32>} : memref<12x50x128xf32, #tpu.memory_space<vmem>>, vector<1x1x16xf32>,
          %get3A_651 = vector.shape_cast %get3A_650 : vector<1x1x16xf32> to vector<16xf32>
          %mul3A_652 = arith.constant 11.3137083 : f32
          %mul3A_653 = vector.broadcast %mul3A_652 : f32 to vector<16xf32>
          %mul3A_654 = arith.mulf %get3A_651, %mul3A_653 : vector<16xf32>
          %swap3A_655 = arith.constant 1 : i32
          %swap3A_656 = arith.index_cast %swap3A_655 : i32 to index
          %swap3A_657 = arith.index_cast %scan3A_567 : i32 to index
          %swap3A_658 = arith.constant 80 : index
          %swap3A_659 = tpu.vector_load %arg6[%swap3A_656, %swap3A_657, %swap3A_658] {strides = array<i32>} : memref<12x50x128xf32, #tpu.memory_space<vmem>>, vector<1x1x16xf32>,
          %swap3A_660 = vector.shape_cast %swap3A_659 : vector<1x1x16xf32> to vector<16xf32>
          %swap3A_661 = vector.shape_cast %mul3A_654 : vector<16xf32> to vector<1x1x16xf32>
          tpu.vector_store %arg6[%swap3A_656, %swap3A_657, %swap3A_658], %swap3A_661 {strides = array<i32>} : memref<12x50x128xf32, #tpu.memory_space<vmem>>, vector<1x1x16xf32>,
          %get3A_662 = arith.constant 1 : i32
          %get3A_663 = arith.index_cast %get3A_662 : i32 to index
          %get3A_664 = arith.index_cast %scan3A_567 : i32 to index
          %get3A_665 = arith.constant 96 : index
          %get3A_666 = tpu.vector_load %arg6[%get3A_663, %get3A_664, %get3A_665] {strides = array<i32>} : memref<12x50x128xf32, #tpu.memory_space<vmem>>, vector<1x1x16xf32>,
          %get3A_667 = vector.shape_cast %get3A_666 : vector<1x1x16xf32> to vector<16xf32>
          %mul3A_668 = arith.constant 11.3137083 : f32
          %mul3A_669 = vector.broadcast %mul3A_668 : f32 to vector<16xf32>
          %mul3A_670 = arith.mulf %get3A_667, %mul3A_669 : vector<16xf32>
          %swap3A_671 = arith.constant 1 : i32
          %swap3A_672 = arith.index_cast %swap3A_671 : i32 to index
          %swap3A_673 = arith.index_cast %scan3A_567 : i32 to index
          %swap3A_674 = arith.constant 96 : index
          %swap3A_675 = tpu.vector_load %arg6[%swap3A_672, %swap3A_673, %swap3A_674] {strides = array<i32>} : memref<12x50x128xf32, #tpu.memory_space<vmem>>, vector<1x1x16xf32>,
          %swap3A_676 = vector.shape_cast %swap3A_675 : vector<1x1x16xf32> to vector<16xf32>
          %swap3A_677 = vector.shape_cast %mul3A_670 : vector<16xf32> to vector<1x1x16xf32>
          tpu.vector_store %arg6[%swap3A_672, %swap3A_673, %swap3A_674], %swap3A_677 {strides = array<i32>} : memref<12x50x128xf32, #tpu.memory_space<vmem>>, vector<1x1x16xf32>,
          %get3A_678 = arith.constant 1 : i32
          %get3A_679 = arith.index_cast %get3A_678 : i32 to index
          %get3A_680 = arith.index_cast %scan3A_567 : i32 to index
          %get3A_681 = arith.constant 112 : index
          %get3A_682 = tpu.vector_load %arg6[%get3A_679, %get3A_680, %get3A_681] {strides = array<i32>} : memref<12x50x128xf32, #tpu.memory_space<vmem>>, vector<1x1x16xf32>,
          %get3A_683 = vector.shape_cast %get3A_682 : vector<1x1x16xf32> to vector<16xf32>
          %mul3A_684 = arith.constant 11.3137083 : f32
          %mul3A_685 = vector.broadcast %mul3A_684 : f32 to vector<16xf32>
          %mul3A_686 = arith.mulf %get3A_683, %mul3A_685 : vector<16xf32>
          %swap3A_687 = arith.constant 1 : i32
          %swap3A_688 = arith.index_cast %swap3A_687 : i32 to index
          %swap3A_689 = arith.index_cast %scan3A_567 : i32 to index
          %swap3A_690 = arith.constant 112 : index
          %swap3A_691 = tpu.vector_load %arg6[%swap3A_688, %swap3A_689, %swap3A_690] {strides = array<i32>} : memref<12x50x128xf32, #tpu.memory_space<vmem>>, vector<1x1x16xf32>,
          %swap3A_692 = vector.shape_cast %swap3A_691 : vector<1x1x16xf32> to vector<16xf32>
          %swap3A_693 = vector.shape_cast %mul3A_686 : vector<16xf32> to vector<1x1x16xf32>
          tpu.vector_store %arg6[%swap3A_688, %swap3A_689, %swap3A_690], %swap3A_693 {strides = array<i32>} : memref<12x50x128xf32, #tpu.memory_space<vmem>>, vector<1x1x16xf32>,
        }
        %scan3A_537 = arith.constant 50 : i32
        %add3A_538 = arith.addi %mul3A_2, %add3A_421 : i32
        %dma_start3A_539 = arith.constant 1 : i32
        %dma_start3A_540 = arith.constant 1 : i32
        %dma_start3A_541 = arith.constant 0 : i32
        %dma_start3A_542 = arith.constant 0 : i32
        %dma_start3A_543 = tpu.memref_slice %arg6[%dma_start3A_539, %dma_start3A_541, %dma_start3A_542] : memref<12x50x128xf32, #tpu.memory_space<vmem>> -> memref<1x50x128xf32, #tpu.memory_space<vmem>>
        %dma_start3A_544 = tpu.memref_squeeze %dma_start3A_543 : memref<1x50x128xf32, #tpu.memory_space<vmem>> -> memref<50x128xf32, #tpu.memory_space<vmem>>
        %dma_start3A_545 = arith.constant 0 : i32
        %dma_start3A_546 = arith.constant 0 : i32
        %dma_start3A_547 = tpu.memref_slice %arg4[%add3A_538, %dma_start3A_545, %dma_start3A_546] : memref<4096x50x128xf32, #tpu.memory_space<hbm>> -> memref<1x50x128xf32, #tpu.memory_space<hbm>>
        %dma_start3A_548 = tpu.memref_squeeze %dma_start3A_547 : memref<1x50x128xf32, #tpu.memory_space<hbm>> -> memref<50x128xf32, #tpu.memory_space<hbm>>
        %dma_start3A_549 = tpu.memref_slice %arg8[%dma_start3A_540] : memref<12x!tpu.dma_semaphore, #tpu.memory_space<semaphore_mem>> -> memref<1x!tpu.dma_semaphore, #tpu.memory_space<semaphore_mem>>
        %dma_start3A_550 = tpu.memref_squeeze %dma_start3A_549 : memref<1x!tpu.dma_semaphore, #tpu.memory_space<semaphore_mem>> -> memref<!tpu.dma_semaphore, #tpu.memory_space<semaphore_mem>>
        %dma_start3A_551 = arith.constant 0 : i32
        %dma_start3A_552 = arith.constant 0 : i32
        %dma_start3A_553 = tpu.memref_slice %arg4[%add3A_538, %dma_start3A_551, %dma_start3A_552] : memref<4096x50x128xf32, #tpu.memory_space<hbm>> -> memref<1x50x128xf32, #tpu.memory_space<hbm>>
        %dma_start3A_554 = tpu.memref_squeeze %dma_start3A_553 : memref<1x50x128xf32, #tpu.memory_space<hbm>> -> memref<50x128xf32, #tpu.memory_space<hbm>>
        %dma_start3A_555 = arith.constant 0 : i32
        %dma_start3A_556 = arith.constant 0 : i32
        %dma_start3A_557 = tpu.memref_slice %arg6[%dma_start3A_539, %dma_start3A_555, %dma_start3A_556] : memref<12x50x128xf32, #tpu.memory_space<vmem>> -> memref<1x50x128xf32, #tpu.memory_space<vmem>>
        %dma_start3A_558 = tpu.memref_squeeze %dma_start3A_557 : memref<1x50x128xf32, #tpu.memory_space<vmem>> -> memref<50x128xf32, #tpu.memory_space<vmem>>
        tpu.enqueue_dma source(%dma_start3A_558 : memref<50x128xf32, #tpu.memory_space<vmem>>) target(%dma_start3A_554 : memref<50x128xf32, #tpu.memory_space<hbm>>) target_semaphore(%dma_start3A_550 : memref<!tpu.dma_semaphore, #tpu.memory_space<semaphore_mem>>)
        %add3A_559 = arith.constant 12 : i32
        %add3A_560 = arith.addi %add3A_421, %add3A_559 : i32
        %sub3A = arith.constant 1 : i32
        %sub3A_561 = arith.subi %add3A_560, %sub3A : i32
        %lt3A_562 = arith.constant 128 : i32
        %lt3A_563 = arith.cmpi slt, %sub3A_561, %lt3A_562 : i32
        %convert_element_type3A_564 = arith.extui %lt3A_563 : i1 to i32
        %cond3A_565 = arith.constant 0 : i32
        %cond3A_566 = arith.cmpi ne, %convert_element_type3A_564, %cond3A_565 : i32
        scf.if %cond3A_566 {
          %ge3A = arith.constant 1 : i32
          %ge3A_567 = arith.cmpi sge, %add3A_421, %ge3A : i32
          %convert_element_type3A_568 = arith.extui %ge3A_567 : i1 to i32
          %cond3A_569 = arith.constant 0 : i32
          %cond3A_570 = arith.cmpi ne, %convert_element_type3A_568, %cond3A_569 : i32
          scf.if %cond3A_570 {
            %dma_wait3A_585 = arith.constant 0 : i32
            %dma_wait3A_586 = arith.constant 0 : i32
            %dma_wait3A_587 = arith.constant 0 : i32
            %dma_wait3A_588 = arith.constant 0 : i32
            %dma_wait3A_589 = tpu.memref_slice %arg6[%dma_wait3A_585, %dma_wait3A_587, %dma_wait3A_588] : memref<12x50x128xf32, #tpu.memory_space<vmem>> -> memref<1x50x128xf32, #tpu.memory_space<vmem>>
            %dma_wait3A_590 = tpu.memref_squeeze %dma_wait3A_589 : memref<1x50x128xf32, #tpu.memory_space<vmem>> -> memref<50x128xf32, #tpu.memory_space<vmem>>
            %dma_wait3A_591 = arith.constant 0 : i32
            %dma_wait3A_592 = arith.constant 0 : i32
            %dma_wait3A_593 = tpu.memref_slice %arg4[%mul3A_2, %dma_wait3A_591, %dma_wait3A_592] : memref<4096x50x128xf32, #tpu.memory_space<hbm>> -> memref<1x50x128xf32, #tpu.memory_space<hbm>>
            %dma_wait3A_594 = tpu.memref_squeeze %dma_wait3A_593 : memref<1x50x128xf32, #tpu.memory_space<hbm>> -> memref<50x128xf32, #tpu.memory_space<hbm>>
            %dma_wait3A_595 = tpu.memref_slice %arg8[%dma_wait3A_586] : memref<12x!tpu.dma_semaphore, #tpu.memory_space<semaphore_mem>> -> memref<1x!tpu.dma_semaphore, #tpu.memory_space<semaphore_mem>>
            %dma_wait3A_596 = tpu.memref_squeeze %dma_wait3A_595 : memref<1x!tpu.dma_semaphore, #tpu.memory_space<semaphore_mem>> -> memref<!tpu.dma_semaphore, #tpu.memory_space<semaphore_mem>>
            %dma_wait3A_597 = arith.constant 0 : i32
            %dma_wait3A_598 = arith.constant 0 : i32
            %dma_wait3A_599 = tpu.memref_slice %arg4[%mul3A_2, %dma_wait3A_597, %dma_wait3A_598] : memref<4096x50x128xf32, #tpu.memory_space<hbm>> -> memref<1x50x128xf32, #tpu.memory_space<hbm>>
            %dma_wait3A_600 = tpu.memref_squeeze %dma_wait3A_599 : memref<1x50x128xf32, #tpu.memory_space<hbm>> -> memref<50x128xf32, #tpu.memory_space<hbm>>
            %dma_wait3A_601 = arith.constant 0 : i32
            %dma_wait3A_602 = arith.constant 0 : i32
            %dma_wait3A_603 = tpu.memref_slice %arg6[%dma_wait3A_585, %dma_wait3A_601, %dma_wait3A_602] : memref<12x50x128xf32, #tpu.memory_space<vmem>> -> memref<1x50x128xf32, #tpu.memory_space<vmem>>
            %dma_wait3A_604 = tpu.memref_squeeze %dma_wait3A_603 : memref<1x50x128xf32, #tpu.memory_space<vmem>> -> memref<50x128xf32, #tpu.memory_space<vmem>>
            tpu.wait_dma2 semaphore(%dma_wait3A_596 : memref<!tpu.dma_semaphore, #tpu.memory_space<semaphore_mem>>) src(%dma_wait3A_604 : memref<50x128xf32, #tpu.memory_space<vmem>>) dst(%dma_wait3A_600 : memref<50x128xf32, #tpu.memory_space<hbm>>)
          } else {
          }
          %dma_start3A_571 = arith.constant 0 : i32
          %dma_start3A_572 = arith.constant 0 : i32
          %dma_start3A_573 = arith.constant 0 : i32
          %dma_start3A_574 = arith.constant 0 : i32
          %dma_start3A_575 = tpu.memref_slice %arg6[%dma_start3A_571, %dma_start3A_573, %dma_start3A_574] : memref<12x50x128xf32, #tpu.memory_space<vmem>> -> memref<1x50x128xf32, #tpu.memory_space<vmem>>
          %dma_start3A_576 = tpu.memref_squeeze %dma_start3A_575 : memref<1x50x128xf32, #tpu.memory_space<vmem>> -> memref<50x128xf32, #tpu.memory_space<vmem>>
          %dma_start3A_577 = arith.constant 0 : i32
          %dma_start3A_578 = tpu.memref_slice %arg5[%sub3A_561, %dma_start3A_577] : memref<128x50xi32, #tpu.memory_space<vmem>> -> memref<1x50xi32, #tpu.memory_space<vmem>>
          %dma_start3A_579 = tpu.memref_squeeze %dma_start3A_578 : memref<1x50xi32, #tpu.memory_space<vmem>> -> memref<50xi32, #tpu.memory_space<vmem>>
          %dma_start3A_580 = arith.constant 0 : i32
          %dma_start3A_581 = arith.constant 0 : i32
          %dma_start3A_582 = tpu.memref_slice %arg2[%dma_start3A_580, %dma_start3A_581] : memref<100000x128xf32, #tpu.memory_space<hbm>> -> memref<100000x128xf32, #tpu.memory_space<hbm>>
          %dma_start3A_583 = tpu.memref_slice %arg7[%dma_start3A_572] : memref<12x!tpu.dma_semaphore, #tpu.memory_space<semaphore_mem>> -> memref<1x!tpu.dma_semaphore, #tpu.memory_space<semaphore_mem>>
          %dma_start3A_584 = tpu.memref_squeeze %dma_start3A_583 : memref<1x!tpu.dma_semaphore, #tpu.memory_space<semaphore_mem>> -> memref<!tpu.dma_semaphore, #tpu.memory_space<semaphore_mem>>
          tpu.enqueue_indirect_dma source(%dma_start3A_582 : memref<100000x128xf32, #tpu.memory_space<hbm>>) target(%dma_start3A_576 : memref<50x128xf32, #tpu.memory_space<vmem>>) offsets(%dma_start3A_579 : memref<50xi32, #tpu.memory_space<vmem>>) semaphore(%dma_start3A_584 : memref<!tpu.dma_semaphore, #tpu.memory_space<semaphore_mem>>)
        } else {
        }
      } else {
      }
      %mul3A_427 = arith.constant 12 : i32
      %mul3A_428 = arith.muli %scan3A_411, %mul3A_427 : i32
      %add3A_429 = arith.constant 2 : i32
      %add3A_430 = arith.addi %mul3A_428, %add3A_429 : i32
      %lt3A_431 = arith.constant 128 : i32
      %lt3A_432 = arith.cmpi slt, %add3A_430, %lt3A_431 : i32
      %convert_element_type3A_433 = arith.extui %lt3A_432 : i1 to i32
      %cond3A_434 = arith.constant 0 : i32
      %cond3A_435 = arith.cmpi ne, %convert_element_type3A_433, %cond3A_434 : i32
      scf.if %cond3A_435 {
        %dma_wait3A_517 = arith.constant 0 : i32
        %dma_wait3A_518 = arith.constant 2 : i32
        %dma_wait3A_519 = arith.constant 2 : i32
        %dma_wait3A_520 = arith.constant 0 : i32
        %dma_wait3A_521 = arith.constant 0 : i32
        %dma_wait3A_522 = tpu.memref_slice %arg6[%dma_wait3A_518, %dma_wait3A_520, %dma_wait3A_521] : memref<12x50x128xf32, #tpu.memory_space<vmem>> -> memref<1x50x128xf32, #tpu.memory_space<vmem>>
        %dma_wait3A_523 = tpu.memref_squeeze %dma_wait3A_522 : memref<1x50x128xf32, #tpu.memory_space<vmem>> -> memref<50x128xf32, #tpu.memory_space<vmem>>
        %dma_wait3A_524 = arith.constant 0 : i32
        %dma_wait3A_525 = tpu.memref_slice %arg5[%dma_wait3A_517, %dma_wait3A_524] : memref<128x50xi32, #tpu.memory_space<vmem>> -> memref<1x50xi32, #tpu.memory_space<vmem>>
        %dma_wait3A_526 = tpu.memref_squeeze %dma_wait3A_525 : memref<1x50xi32, #tpu.memory_space<vmem>> -> memref<50xi32, #tpu.memory_space<vmem>>
        %dma_wait3A_527 = arith.constant 0 : i32
        %dma_wait3A_528 = arith.constant 0 : i32
        %dma_wait3A_529 = tpu.memref_slice %arg2[%dma_wait3A_527, %dma_wait3A_528] : memref<100000x128xf32, #tpu.memory_space<hbm>> -> memref<100000x128xf32, #tpu.memory_space<hbm>>
        %dma_wait3A_530 = tpu.memref_slice %arg7[%dma_wait3A_519] : memref<12x!tpu.dma_semaphore, #tpu.memory_space<semaphore_mem>> -> memref<1x!tpu.dma_semaphore, #tpu.memory_space<semaphore_mem>>
        %dma_wait3A_531 = tpu.memref_squeeze %dma_wait3A_530 : memref<1x!tpu.dma_semaphore, #tpu.memory_space<semaphore_mem>> -> memref<!tpu.dma_semaphore, #tpu.memory_space<semaphore_mem>>
        tpu.wait_indirect_dma semaphore(%dma_wait3A_531 : memref<!tpu.dma_semaphore, #tpu.memory_space<semaphore_mem>>) src(%dma_wait3A_529 : memref<100000x128xf32, #tpu.memory_space<hbm>>) dst(%dma_wait3A_523 : memref<50x128xf32, #tpu.memory_space<vmem>>)
        %scan3A_532 = arith.constant 0 : i32
        %scan3A_533 = arith.constant 0 : i32
        %scan3A_534 = arith.constant 50 : i32
        %scan3A_535 = arith.addi %scan3A_533, %scan3A_534 : i32
        %scan3A_536 = arith.constant 1 : i32
        scf.for %scan3A_567 = %scan3A_533 to %scan3A_535 step %scan3A_536  : i32 {
          %get3A = arith.constant 2 : i32
          %get3A_568 = arith.index_cast %get3A : i32 to index
          %get3A_569 = arith.index_cast %scan3A_567 : i32 to index
          %get3A_570 = arith.constant 0 : index
          %get3A_571 = tpu.vector_load %arg6[%get3A_568, %get3A_569, %get3A_570] {strides = array<i32>} : memref<12x50x128xf32, #tpu.memory_space<vmem>>, vector<1x1x16xf32>,
          %get3A_572 = vector.shape_cast %get3A_571 : vector<1x1x16xf32> to vector<16xf32>
          %mul3A_573 = arith.constant 11.3137083 : f32
          %mul3A_574 = vector.broadcast %mul3A_573 : f32 to vector<16xf32>
          %mul3A_575 = arith.mulf %get3A_572, %mul3A_574 : vector<16xf32>
          %swap3A = arith.constant 2 : i32
          %swap3A_576 = arith.index_cast %swap3A : i32 to index
          %swap3A_577 = arith.index_cast %scan3A_567 : i32 to index
          %swap3A_578 = arith.constant 0 : index
          %swap3A_579 = tpu.vector_load %arg6[%swap3A_576, %swap3A_577, %swap3A_578] {strides = array<i32>} : memref<12x50x128xf32, #tpu.memory_space<vmem>>, vector<1x1x16xf32>,
          %swap3A_580 = vector.shape_cast %swap3A_579 : vector<1x1x16xf32> to vector<16xf32>
          %swap3A_581 = vector.shape_cast %mul3A_575 : vector<16xf32> to vector<1x1x16xf32>
          tpu.vector_store %arg6[%swap3A_576, %swap3A_577, %swap3A_578], %swap3A_581 {strides = array<i32>} : memref<12x50x128xf32, #tpu.memory_space<vmem>>, vector<1x1x16xf32>,
          %get3A_582 = arith.constant 2 : i32
          %get3A_583 = arith.index_cast %get3A_582 : i32 to index
          %get3A_584 = arith.index_cast %scan3A_567 : i32 to index
          %get3A_585 = arith.constant 16 : index
          %get3A_586 = tpu.vector_load %arg6[%get3A_583, %get3A_584, %get3A_585] {strides = array<i32>} : memref<12x50x128xf32, #tpu.memory_space<vmem>>, vector<1x1x16xf32>,
          %get3A_587 = vector.shape_cast %get3A_586 : vector<1x1x16xf32> to vector<16xf32>
          %mul3A_588 = arith.constant 11.3137083 : f32
          %mul3A_589 = vector.broadcast %mul3A_588 : f32 to vector<16xf32>
          %mul3A_590 = arith.mulf %get3A_587, %mul3A_589 : vector<16xf32>
          %swap3A_591 = arith.constant 2 : i32
          %swap3A_592 = arith.index_cast %swap3A_591 : i32 to index
          %swap3A_593 = arith.index_cast %scan3A_567 : i32 to index
          %swap3A_594 = arith.constant 16 : index
          %swap3A_595 = tpu.vector_load %arg6[%swap3A_592, %swap3A_593, %swap3A_594] {strides = array<i32>} : memref<12x50x128xf32, #tpu.memory_space<vmem>>, vector<1x1x16xf32>,
          %swap3A_596 = vector.shape_cast %swap3A_595 : vector<1x1x16xf32> to vector<16xf32>
          %swap3A_597 = vector.shape_cast %mul3A_590 : vector<16xf32> to vector<1x1x16xf32>
          tpu.vector_store %arg6[%swap3A_592, %swap3A_593, %swap3A_594], %swap3A_597 {strides = array<i32>} : memref<12x50x128xf32, #tpu.memory_space<vmem>>, vector<1x1x16xf32>,
          %get3A_598 = arith.constant 2 : i32
          %get3A_599 = arith.index_cast %get3A_598 : i32 to index
          %get3A_600 = arith.index_cast %scan3A_567 : i32 to index
          %get3A_601 = arith.constant 32 : index
          %get3A_602 = tpu.vector_load %arg6[%get3A_599, %get3A_600, %get3A_601] {strides = array<i32>} : memref<12x50x128xf32, #tpu.memory_space<vmem>>, vector<1x1x16xf32>,
          %get3A_603 = vector.shape_cast %get3A_602 : vector<1x1x16xf32> to vector<16xf32>
          %mul3A_604 = arith.constant 11.3137083 : f32
          %mul3A_605 = vector.broadcast %mul3A_604 : f32 to vector<16xf32>
          %mul3A_606 = arith.mulf %get3A_603, %mul3A_605 : vector<16xf32>
          %swap3A_607 = arith.constant 2 : i32
          %swap3A_608 = arith.index_cast %swap3A_607 : i32 to index
          %swap3A_609 = arith.index_cast %scan3A_567 : i32 to index
          %swap3A_610 = arith.constant 32 : index
          %swap3A_611 = tpu.vector_load %arg6[%swap3A_608, %swap3A_609, %swap3A_610] {strides = array<i32>} : memref<12x50x128xf32, #tpu.memory_space<vmem>>, vector<1x1x16xf32>,
          %swap3A_612 = vector.shape_cast %swap3A_611 : vector<1x1x16xf32> to vector<16xf32>
          %swap3A_613 = vector.shape_cast %mul3A_606 : vector<16xf32> to vector<1x1x16xf32>
          tpu.vector_store %arg6[%swap3A_608, %swap3A_609, %swap3A_610], %swap3A_613 {strides = array<i32>} : memref<12x50x128xf32, #tpu.memory_space<vmem>>, vector<1x1x16xf32>,
          %get3A_614 = arith.constant 2 : i32
          %get3A_615 = arith.index_cast %get3A_614 : i32 to index
          %get3A_616 = arith.index_cast %scan3A_567 : i32 to index
          %get3A_617 = arith.constant 48 : index
          %get3A_618 = tpu.vector_load %arg6[%get3A_615, %get3A_616, %get3A_617] {strides = array<i32>} : memref<12x50x128xf32, #tpu.memory_space<vmem>>, vector<1x1x16xf32>,
          %get3A_619 = vector.shape_cast %get3A_618 : vector<1x1x16xf32> to vector<16xf32>
          %mul3A_620 = arith.constant 11.3137083 : f32
          %mul3A_621 = vector.broadcast %mul3A_620 : f32 to vector<16xf32>
          %mul3A_622 = arith.mulf %get3A_619, %mul3A_621 : vector<16xf32>
          %swap3A_623 = arith.constant 2 : i32
          %swap3A_624 = arith.index_cast %swap3A_623 : i32 to index
          %swap3A_625 = arith.index_cast %scan3A_567 : i32 to index
          %swap3A_626 = arith.constant 48 : index
          %swap3A_627 = tpu.vector_load %arg6[%swap3A_624, %swap3A_625, %swap3A_626] {strides = array<i32>} : memref<12x50x128xf32, #tpu.memory_space<vmem>>, vector<1x1x16xf32>,
          %swap3A_628 = vector.shape_cast %swap3A_627 : vector<1x1x16xf32> to vector<16xf32>
          %swap3A_629 = vector.shape_cast %mul3A_622 : vector<16xf32> to vector<1x1x16xf32>
          tpu.vector_store %arg6[%swap3A_624, %swap3A_625, %swap3A_626], %swap3A_629 {strides = array<i32>} : memref<12x50x128xf32, #tpu.memory_space<vmem>>, vector<1x1x16xf32>,
          %get3A_630 = arith.constant 2 : i32
          %get3A_631 = arith.index_cast %get3A_630 : i32 to index
          %get3A_632 = arith.index_cast %scan3A_567 : i32 to index
          %get3A_633 = arith.constant 64 : index
          %get3A_634 = tpu.vector_load %arg6[%get3A_631, %get3A_632, %get3A_633] {strides = array<i32>} : memref<12x50x128xf32, #tpu.memory_space<vmem>>, vector<1x1x16xf32>,
          %get3A_635 = vector.shape_cast %get3A_634 : vector<1x1x16xf32> to vector<16xf32>
          %mul3A_636 = arith.constant 11.3137083 : f32
          %mul3A_637 = vector.broadcast %mul3A_636 : f32 to vector<16xf32>
          %mul3A_638 = arith.mulf %get3A_635, %mul3A_637 : vector<16xf32>
          %swap3A_639 = arith.constant 2 : i32
          %swap3A_640 = arith.index_cast %swap3A_639 : i32 to index
          %swap3A_641 = arith.index_cast %scan3A_567 : i32 to index
          %swap3A_642 = arith.constant 64 : index
          %swap3A_643 = tpu.vector_load %arg6[%swap3A_640, %swap3A_641, %swap3A_642] {strides = array<i32>} : memref<12x50x128xf32, #tpu.memory_space<vmem>>, vector<1x1x16xf32>,
          %swap3A_644 = vector.shape_cast %swap3A_643 : vector<1x1x16xf32> to vector<16xf32>
          %swap3A_645 = vector.shape_cast %mul3A_638 : vector<16xf32> to vector<1x1x16xf32>
          tpu.vector_store %arg6[%swap3A_640, %swap3A_641, %swap3A_642], %swap3A_645 {strides = array<i32>} : memref<12x50x128xf32, #tpu.memory_space<vmem>>, vector<1x1x16xf32>,
          %get3A_646 = arith.constant 2 : i32
          %get3A_647 = arith.index_cast %get3A_646 : i32 to index
          %get3A_648 = arith.index_cast %scan3A_567 : i32 to index
          %get3A_649 = arith.constant 80 : index
          %get3A_650 = tpu.vector_load %arg6[%get3A_647, %get3A_648, %get3A_649] {strides = array<i32>} : memref<12x50x128xf32, #tpu.memory_space<vmem>>, vector<1x1x16xf32>,
          %get3A_651 = vector.shape_cast %get3A_650 : vector<1x1x16xf32> to vector<16xf32>
          %mul3A_652 = arith.constant 11.3137083 : f32
          %mul3A_653 = vector.broadcast %mul3A_652 : f32 to vector<16xf32>
          %mul3A_654 = arith.mulf %get3A_651, %mul3A_653 : vector<16xf32>
          %swap3A_655 = arith.constant 2 : i32
          %swap3A_656 = arith.index_cast %swap3A_655 : i32 to index
          %swap3A_657 = arith.index_cast %scan3A_567 : i32 to index
          %swap3A_658 = arith.constant 80 : index
          %swap3A_659 = tpu.vector_load %arg6[%swap3A_656, %swap3A_657, %swap3A_658] {strides = array<i32>} : memref<12x50x128xf32, #tpu.memory_space<vmem>>, vector<1x1x16xf32>,
          %swap3A_660 = vector.shape_cast %swap3A_659 : vector<1x1x16xf32> to vector<16xf32>
          %swap3A_661 = vector.shape_cast %mul3A_654 : vector<16xf32> to vector<1x1x16xf32>
          tpu.vector_store %arg6[%swap3A_656, %swap3A_657, %swap3A_658], %swap3A_661 {strides = array<i32>} : memref<12x50x128xf32, #tpu.memory_space<vmem>>, vector<1x1x16xf32>,
          %get3A_662 = arith.constant 2 : i32
          %get3A_663 = arith.index_cast %get3A_662 : i32 to index
          %get3A_664 = arith.index_cast %scan3A_567 : i32 to index
          %get3A_665 = arith.constant 96 : index
          %get3A_666 = tpu.vector_load %arg6[%get3A_663, %get3A_664, %get3A_665] {strides = array<i32>} : memref<12x50x128xf32, #tpu.memory_space<vmem>>, vector<1x1x16xf32>,
          %get3A_667 = vector.shape_cast %get3A_666 : vector<1x1x16xf32> to vector<16xf32>
          %mul3A_668 = arith.constant 11.3137083 : f32
          %mul3A_669 = vector.broadcast %mul3A_668 : f32 to vector<16xf32>
          %mul3A_670 = arith.mulf %get3A_667, %mul3A_669 : vector<16xf32>
          %swap3A_671 = arith.constant 2 : i32
          %swap3A_672 = arith.index_cast %swap3A_671 : i32 to index
          %swap3A_673 = arith.index_cast %scan3A_567 : i32 to index
          %swap3A_674 = arith.constant 96 : index
          %swap3A_675 = tpu.vector_load %arg6[%swap3A_672, %swap3A_673, %swap3A_674] {strides = array<i32>} : memref<12x50x128xf32, #tpu.memory_space<vmem>>, vector<1x1x16xf32>,
          %swap3A_676 = vector.shape_cast %swap3A_675 : vector<1x1x16xf32> to vector<16xf32>
          %swap3A_677 = vector.shape_cast %mul3A_670 : vector<16xf32> to vector<1x1x16xf32>
          tpu.vector_store %arg6[%swap3A_672, %swap3A_673, %swap3A_674], %swap3A_677 {strides = array<i32>} : memref<12x50x128xf32, #tpu.memory_space<vmem>>, vector<1x1x16xf32>,
          %get3A_678 = arith.constant 2 : i32
          %get3A_679 = arith.index_cast %get3A_678 : i32 to index
          %get3A_680 = arith.index_cast %scan3A_567 : i32 to index
          %get3A_681 = arith.constant 112 : index
          %get3A_682 = tpu.vector_load %arg6[%get3A_679, %get3A_680, %get3A_681] {strides = array<i32>} : memref<12x50x128xf32, #tpu.memory_space<vmem>>, vector<1x1x16xf32>,
          %get3A_683 = vector.shape_cast %get3A_682 : vector<1x1x16xf32> to vector<16xf32>
          %mul3A_684 = arith.constant 11.3137083 : f32
          %mul3A_685 = vector.broadcast %mul3A_684 : f32 to vector<16xf32>
          %mul3A_686 = arith.mulf %get3A_683, %mul3A_685 : vector<16xf32>
          %swap3A_687 = arith.constant 2 : i32
          %swap3A_688 = arith.index_cast %swap3A_687 : i32 to index
          %swap3A_689 = arith.index_cast %scan3A_567 : i32 to index
          %swap3A_690 = arith.constant 112 : index
          %swap3A_691 = tpu.vector_load %arg6[%swap3A_688, %swap3A_689, %swap3A_690] {strides = array<i32>} : memref<12x50x128xf32, #tpu.memory_space<vmem>>, vector<1x1x16xf32>,
          %swap3A_692 = vector.shape_cast %swap3A_691 : vector<1x1x16xf32> to vector<16xf32>
          %swap3A_693 = vector.shape_cast %mul3A_686 : vector<16xf32> to vector<1x1x16xf32>
          tpu.vector_store %arg6[%swap3A_688, %swap3A_689, %swap3A_690], %swap3A_693 {strides = array<i32>} : memref<12x50x128xf32, #tpu.memory_space<vmem>>, vector<1x1x16xf32>,
        }
        %scan3A_537 = arith.constant 50 : i32
        %add3A_538 = arith.addi %mul3A_2, %add3A_430 : i32
        %dma_start3A_539 = arith.constant 2 : i32
        %dma_start3A_540 = arith.constant 2 : i32
        %dma_start3A_541 = arith.constant 0 : i32
        %dma_start3A_542 = arith.constant 0 : i32
        %dma_start3A_543 = tpu.memref_slice %arg6[%dma_start3A_539, %dma_start3A_541, %dma_start3A_542] : memref<12x50x128xf32, #tpu.memory_space<vmem>> -> memref<1x50x128xf32, #tpu.memory_space<vmem>>
        %dma_start3A_544 = tpu.memref_squeeze %dma_start3A_543 : memref<1x50x128xf32, #tpu.memory_space<vmem>> -> memref<50x128xf32, #tpu.memory_space<vmem>>
        %dma_start3A_545 = arith.constant 0 : i32
        %dma_start3A_546 = arith.constant 0 : i32
        %dma_start3A_547 = tpu.memref_slice %arg4[%add3A_538, %dma_start3A_545, %dma_start3A_546] : memref<4096x50x128xf32, #tpu.memory_space<hbm>> -> memref<1x50x128xf32, #tpu.memory_space<hbm>>
        %dma_start3A_548 = tpu.memref_squeeze %dma_start3A_547 : memref<1x50x128xf32, #tpu.memory_space<hbm>> -> memref<50x128xf32, #tpu.memory_space<hbm>>
        %dma_start3A_549 = tpu.memref_slice %arg8[%dma_start3A_540] : memref<12x!tpu.dma_semaphore, #tpu.memory_space<semaphore_mem>> -> memref<1x!tpu.dma_semaphore, #tpu.memory_space<semaphore_mem>>
        %dma_start3A_550 = tpu.memref_squeeze %dma_start3A_549 : memref<1x!tpu.dma_semaphore, #tpu.memory_space<semaphore_mem>> -> memref<!tpu.dma_semaphore, #tpu.memory_space<semaphore_mem>>
        %dma_start3A_551 = arith.constant 0 : i32
        %dma_start3A_552 = arith.constant 0 : i32
        %dma_start3A_553 = tpu.memref_slice %arg4[%add3A_538, %dma_start3A_551, %dma_start3A_552] : memref<4096x50x128xf32, #tpu.memory_space<hbm>> -> memref<1x50x128xf32, #tpu.memory_space<hbm>>
        %dma_start3A_554 = tpu.memref_squeeze %dma_start3A_553 : memref<1x50x128xf32, #tpu.memory_space<hbm>> -> memref<50x128xf32, #tpu.memory_space<hbm>>
        %dma_start3A_555 = arith.constant 0 : i32
        %dma_start3A_556 = arith.constant 0 : i32
        %dma_start3A_557 = tpu.memref_slice %arg6[%dma_start3A_539, %dma_start3A_555, %dma_start3A_556] : memref<12x50x128xf32, #tpu.memory_space<vmem>> -> memref<1x50x128xf32, #tpu.memory_space<vmem>>
        %dma_start3A_558 = tpu.memref_squeeze %dma_start3A_557 : memref<1x50x128xf32, #tpu.memory_space<vmem>> -> memref<50x128xf32, #tpu.memory_space<vmem>>
        tpu.enqueue_dma source(%dma_start3A_558 : memref<50x128xf32, #tpu.memory_space<vmem>>) target(%dma_start3A_554 : memref<50x128xf32, #tpu.memory_space<hbm>>) target_semaphore(%dma_start3A_550 : memref<!tpu.dma_semaphore, #tpu.memory_space<semaphore_mem>>)
        %add3A_559 = arith.constant 12 : i32
        %add3A_560 = arith.addi %add3A_430, %add3A_559 : i32
        %sub3A = arith.constant 1 : i32
        %sub3A_561 = arith.subi %add3A_560, %sub3A : i32
        %lt3A_562 = arith.constant 128 : i32
        %lt3A_563 = arith.cmpi slt, %sub3A_561, %lt3A_562 : i32
        %convert_element_type3A_564 = arith.extui %lt3A_563 : i1 to i32
        %cond3A_565 = arith.constant 0 : i32
        %cond3A_566 = arith.cmpi ne, %convert_element_type3A_564, %cond3A_565 : i32
        scf.if %cond3A_566 {
          %ge3A = arith.constant 1 : i32
          %ge3A_567 = arith.cmpi sge, %add3A_430, %ge3A : i32
          %convert_element_type3A_568 = arith.extui %ge3A_567 : i1 to i32
          %cond3A_569 = arith.constant 0 : i32
          %cond3A_570 = arith.cmpi ne, %convert_element_type3A_568, %cond3A_569 : i32
          scf.if %cond3A_570 {
            %dma_wait3A_585 = arith.constant 1 : i32
            %dma_wait3A_586 = arith.constant 1 : i32
            %dma_wait3A_587 = arith.constant 0 : i32
            %dma_wait3A_588 = arith.constant 0 : i32
            %dma_wait3A_589 = tpu.memref_slice %arg6[%dma_wait3A_585, %dma_wait3A_587, %dma_wait3A_588] : memref<12x50x128xf32, #tpu.memory_space<vmem>> -> memref<1x50x128xf32, #tpu.memory_space<vmem>>
            %dma_wait3A_590 = tpu.memref_squeeze %dma_wait3A_589 : memref<1x50x128xf32, #tpu.memory_space<vmem>> -> memref<50x128xf32, #tpu.memory_space<vmem>>
            %dma_wait3A_591 = arith.constant 0 : i32
            %dma_wait3A_592 = arith.constant 0 : i32
            %dma_wait3A_593 = tpu.memref_slice %arg4[%mul3A_2, %dma_wait3A_591, %dma_wait3A_592] : memref<4096x50x128xf32, #tpu.memory_space<hbm>> -> memref<1x50x128xf32, #tpu.memory_space<hbm>>
            %dma_wait3A_594 = tpu.memref_squeeze %dma_wait3A_593 : memref<1x50x128xf32, #tpu.memory_space<hbm>> -> memref<50x128xf32, #tpu.memory_space<hbm>>
            %dma_wait3A_595 = tpu.memref_slice %arg8[%dma_wait3A_586] : memref<12x!tpu.dma_semaphore, #tpu.memory_space<semaphore_mem>> -> memref<1x!tpu.dma_semaphore, #tpu.memory_space<semaphore_mem>>
            %dma_wait3A_596 = tpu.memref_squeeze %dma_wait3A_595 : memref<1x!tpu.dma_semaphore, #tpu.memory_space<semaphore_mem>> -> memref<!tpu.dma_semaphore, #tpu.memory_space<semaphore_mem>>
            %dma_wait3A_597 = arith.constant 0 : i32
            %dma_wait3A_598 = arith.constant 0 : i32
            %dma_wait3A_599 = tpu.memref_slice %arg4[%mul3A_2, %dma_wait3A_597, %dma_wait3A_598] : memref<4096x50x128xf32, #tpu.memory_space<hbm>> -> memref<1x50x128xf32, #tpu.memory_space<hbm>>
            %dma_wait3A_600 = tpu.memref_squeeze %dma_wait3A_599 : memref<1x50x128xf32, #tpu.memory_space<hbm>> -> memref<50x128xf32, #tpu.memory_space<hbm>>
            %dma_wait3A_601 = arith.constant 0 : i32
            %dma_wait3A_602 = arith.constant 0 : i32
            %dma_wait3A_603 = tpu.memref_slice %arg6[%dma_wait3A_585, %dma_wait3A_601, %dma_wait3A_602] : memref<12x50x128xf32, #tpu.memory_space<vmem>> -> memref<1x50x128xf32, #tpu.memory_space<vmem>>
            %dma_wait3A_604 = tpu.memref_squeeze %dma_wait3A_603 : memref<1x50x128xf32, #tpu.memory_space<vmem>> -> memref<50x128xf32, #tpu.memory_space<vmem>>
            tpu.wait_dma2 semaphore(%dma_wait3A_596 : memref<!tpu.dma_semaphore, #tpu.memory_space<semaphore_mem>>) src(%dma_wait3A_604 : memref<50x128xf32, #tpu.memory_space<vmem>>) dst(%dma_wait3A_600 : memref<50x128xf32, #tpu.memory_space<hbm>>)
          } else {
          }
          %dma_start3A_571 = arith.constant 1 : i32
          %dma_start3A_572 = arith.constant 1 : i32
          %dma_start3A_573 = arith.constant 0 : i32
          %dma_start3A_574 = arith.constant 0 : i32
          %dma_start3A_575 = tpu.memref_slice %arg6[%dma_start3A_571, %dma_start3A_573, %dma_start3A_574] : memref<12x50x128xf32, #tpu.memory_space<vmem>> -> memref<1x50x128xf32, #tpu.memory_space<vmem>>
          %dma_start3A_576 = tpu.memref_squeeze %dma_start3A_575 : memref<1x50x128xf32, #tpu.memory_space<vmem>> -> memref<50x128xf32, #tpu.memory_space<vmem>>
          %dma_start3A_577 = arith.constant 0 : i32
          %dma_start3A_578 = tpu.memref_slice %arg5[%sub3A_561, %dma_start3A_577] : memref<128x50xi32, #tpu.memory_space<vmem>> -> memref<1x50xi32, #tpu.memory_space<vmem>>
          %dma_start3A_579 = tpu.memref_squeeze %dma_start3A_578 : memref<1x50xi32, #tpu.memory_space<vmem>> -> memref<50xi32, #tpu.memory_space<vmem>>
          %dma_start3A_580 = arith.constant 0 : i32
          %dma_start3A_581 = arith.constant 0 : i32
          %dma_start3A_582 = tpu.memref_slice %arg2[%dma_start3A_580, %dma_start3A_581] : memref<100000x128xf32, #tpu.memory_space<hbm>> -> memref<100000x128xf32, #tpu.memory_space<hbm>>
          %dma_start3A_583 = tpu.memref_slice %arg7[%dma_start3A_572] : memref<12x!tpu.dma_semaphore, #tpu.memory_space<semaphore_mem>> -> memref<1x!tpu.dma_semaphore, #tpu.memory_space<semaphore_mem>>
          %dma_start3A_584 = tpu.memref_squeeze %dma_start3A_583 : memref<1x!tpu.dma_semaphore, #tpu.memory_space<semaphore_mem>> -> memref<!tpu.dma_semaphore, #tpu.memory_space<semaphore_mem>>
          tpu.enqueue_indirect_dma source(%dma_start3A_582 : memref<100000x128xf32, #tpu.memory_space<hbm>>) target(%dma_start3A_576 : memref<50x128xf32, #tpu.memory_space<vmem>>) offsets(%dma_start3A_579 : memref<50xi32, #tpu.memory_space<vmem>>) semaphore(%dma_start3A_584 : memref<!tpu.dma_semaphore, #tpu.memory_space<semaphore_mem>>)
        } else {
        }
      } else {
      }
      %mul3A_436 = arith.constant 12 : i32
      %mul3A_437 = arith.muli %scan3A_411, %mul3A_436 : i32
      %add3A_438 = arith.constant 3 : i32
      %add3A_439 = arith.addi %mul3A_437, %add3A_438 : i32
      %lt3A_440 = arith.constant 128 : i32
      %lt3A_441 = arith.cmpi slt, %add3A_439, %lt3A_440 : i32
      %convert_element_type3A_442 = arith.extui %lt3A_441 : i1 to i32
      %cond3A_443 = arith.constant 0 : i32
      %cond3A_444 = arith.cmpi ne, %convert_element_type3A_442, %cond3A_443 : i32
      scf.if %cond3A_444 {
        %dma_wait3A_517 = arith.constant 0 : i32
        %dma_wait3A_518 = arith.constant 3 : i32
        %dma_wait3A_519 = arith.constant 3 : i32
        %dma_wait3A_520 = arith.constant 0 : i32
        %dma_wait3A_521 = arith.constant 0 : i32
        %dma_wait3A_522 = tpu.memref_slice %arg6[%dma_wait3A_518, %dma_wait3A_520, %dma_wait3A_521] : memref<12x50x128xf32, #tpu.memory_space<vmem>> -> memref<1x50x128xf32, #tpu.memory_space<vmem>>
        %dma_wait3A_523 = tpu.memref_squeeze %dma_wait3A_522 : memref<1x50x128xf32, #tpu.memory_space<vmem>> -> memref<50x128xf32, #tpu.memory_space<vmem>>
        %dma_wait3A_524 = arith.constant 0 : i32
        %dma_wait3A_525 = tpu.memref_slice %arg5[%dma_wait3A_517, %dma_wait3A_524] : memref<128x50xi32, #tpu.memory_space<vmem>> -> memref<1x50xi32, #tpu.memory_space<vmem>>
        %dma_wait3A_526 = tpu.memref_squeeze %dma_wait3A_525 : memref<1x50xi32, #tpu.memory_space<vmem>> -> memref<50xi32, #tpu.memory_space<vmem>>
        %dma_wait3A_527 = arith.constant 0 : i32
        %dma_wait3A_528 = arith.constant 0 : i32
        %dma_wait3A_529 = tpu.memref_slice %arg2[%dma_wait3A_527, %dma_wait3A_528] : memref<100000x128xf32, #tpu.memory_space<hbm>> -> memref<100000x128xf32, #tpu.memory_space<hbm>>
        %dma_wait3A_530 = tpu.memref_slice %arg7[%dma_wait3A_519] : memref<12x!tpu.dma_semaphore, #tpu.memory_space<semaphore_mem>> -> memref<1x!tpu.dma_semaphore, #tpu.memory_space<semaphore_mem>>
        %dma_wait3A_531 = tpu.memref_squeeze %dma_wait3A_530 : memref<1x!tpu.dma_semaphore, #tpu.memory_space<semaphore_mem>> -> memref<!tpu.dma_semaphore, #tpu.memory_space<semaphore_mem>>
        tpu.wait_indirect_dma semaphore(%dma_wait3A_531 : memref<!tpu.dma_semaphore, #tpu.memory_space<semaphore_mem>>) src(%dma_wait3A_529 : memref<100000x128xf32, #tpu.memory_space<hbm>>) dst(%dma_wait3A_523 : memref<50x128xf32, #tpu.memory_space<vmem>>)
        %scan3A_532 = arith.constant 0 : i32
        %scan3A_533 = arith.constant 0 : i32
        %scan3A_534 = arith.constant 50 : i32
        %scan3A_535 = arith.addi %scan3A_533, %scan3A_534 : i32
        %scan3A_536 = arith.constant 1 : i32
        scf.for %scan3A_567 = %scan3A_533 to %scan3A_535 step %scan3A_536  : i32 {
          %get3A = arith.constant 3 : i32
          %get3A_568 = arith.index_cast %get3A : i32 to index
          %get3A_569 = arith.index_cast %scan3A_567 : i32 to index
          %get3A_570 = arith.constant 0 : index
          %get3A_571 = tpu.vector_load %arg6[%get3A_568, %get3A_569, %get3A_570] {strides = array<i32>} : memref<12x50x128xf32, #tpu.memory_space<vmem>>, vector<1x1x16xf32>,
          %get3A_572 = vector.shape_cast %get3A_571 : vector<1x1x16xf32> to vector<16xf32>
          %mul3A_573 = arith.constant 11.3137083 : f32
          %mul3A_574 = vector.broadcast %mul3A_573 : f32 to vector<16xf32>
          %mul3A_575 = arith.mulf %get3A_572, %mul3A_574 : vector<16xf32>
          %swap3A = arith.constant 3 : i32
          %swap3A_576 = arith.index_cast %swap3A : i32 to index
          %swap3A_577 = arith.index_cast %scan3A_567 : i32 to index
          %swap3A_578 = arith.constant 0 : index
          %swap3A_579 = tpu.vector_load %arg6[%swap3A_576, %swap3A_577, %swap3A_578] {strides = array<i32>} : memref<12x50x128xf32, #tpu.memory_space<vmem>>, vector<1x1x16xf32>,
          %swap3A_580 = vector.shape_cast %swap3A_579 : vector<1x1x16xf32> to vector<16xf32>
          %swap3A_581 = vector.shape_cast %mul3A_575 : vector<16xf32> to vector<1x1x16xf32>
          tpu.vector_store %arg6[%swap3A_576, %swap3A_577, %swap3A_578], %swap3A_581 {strides = array<i32>} : memref<12x50x128xf32, #tpu.memory_space<vmem>>, vector<1x1x16xf32>,
          %get3A_582 = arith.constant 3 : i32
          %get3A_583 = arith.index_cast %get3A_582 : i32 to index
          %get3A_584 = arith.index_cast %scan3A_567 : i32 to index
          %get3A_585 = arith.constant 16 : index
          %get3A_586 = tpu.vector_load %arg6[%get3A_583, %get3A_584, %get3A_585] {strides = array<i32>} : memref<12x50x128xf32, #tpu.memory_space<vmem>>, vector<1x1x16xf32>,
          %get3A_587 = vector.shape_cast %get3A_586 : vector<1x1x16xf32> to vector<16xf32>
          %mul3A_588 = arith.constant 11.3137083 : f32
          %mul3A_589 = vector.broadcast %mul3A_588 : f32 to vector<16xf32>
          %mul3A_590 = arith.mulf %get3A_587, %mul3A_589 : vector<16xf32>
          %swap3A_591 = arith.constant 3 : i32
          %swap3A_592 = arith.index_cast %swap3A_591 : i32 to index
          %swap3A_593 = arith.index_cast %scan3A_567 : i32 to index
          %swap3A_594 = arith.constant 16 : index
          %swap3A_595 = tpu.vector_load %arg6[%swap3A_592, %swap3A_593, %swap3A_594] {strides = array<i32>} : memref<12x50x128xf32, #tpu.memory_space<vmem>>, vector<1x1x16xf32>,
          %swap3A_596 = vector.shape_cast %swap3A_595 : vector<1x1x16xf32> to vector<16xf32>
          %swap3A_597 = vector.shape_cast %mul3A_590 : vector<16xf32> to vector<1x1x16xf32>
          tpu.vector_store %arg6[%swap3A_592, %swap3A_593, %swap3A_594], %swap3A_597 {strides = array<i32>} : memref<12x50x128xf32, #tpu.memory_space<vmem>>, vector<1x1x16xf32>,
          %get3A_598 = arith.constant 3 : i32
          %get3A_599 = arith.index_cast %get3A_598 : i32 to index
          %get3A_600 = arith.index_cast %scan3A_567 : i32 to index
          %get3A_601 = arith.constant 32 : index
          %get3A_602 = tpu.vector_load %arg6[%get3A_599, %get3A_600, %get3A_601] {strides = array<i32>} : memref<12x50x128xf32, #tpu.memory_space<vmem>>, vector<1x1x16xf32>,
          %get3A_603 = vector.shape_cast %get3A_602 : vector<1x1x16xf32> to vector<16xf32>
          %mul3A_604 = arith.constant 11.3137083 : f32
          %mul3A_605 = vector.broadcast %mul3A_604 : f32 to vector<16xf32>
          %mul3A_606 = arith.mulf %get3A_603, %mul3A_605 : vector<16xf32>
          %swap3A_607 = arith.constant 3 : i32
          %swap3A_608 = arith.index_cast %swap3A_607 : i32 to index
          %swap3A_609 = arith.index_cast %scan3A_567 : i32 to index
          %swap3A_610 = arith.constant 32 : index
          %swap3A_611 = tpu.vector_load %arg6[%swap3A_608, %swap3A_609, %swap3A_610] {strides = array<i32>} : memref<12x50x128xf32, #tpu.memory_space<vmem>>, vector<1x1x16xf32>,
          %swap3A_612 = vector.shape_cast %swap3A_611 : vector<1x1x16xf32> to vector<16xf32>
          %swap3A_613 = vector.shape_cast %mul3A_606 : vector<16xf32> to vector<1x1x16xf32>
          tpu.vector_store %arg6[%swap3A_608, %swap3A_609, %swap3A_610], %swap3A_613 {strides = array<i32>} : memref<12x50x128xf32, #tpu.memory_space<vmem>>, vector<1x1x16xf32>,
          %get3A_614 = arith.constant 3 : i32
          %get3A_615 = arith.index_cast %get3A_614 : i32 to index
          %get3A_616 = arith.index_cast %scan3A_567 : i32 to index
          %get3A_617 = arith.constant 48 : index
          %get3A_618 = tpu.vector_load %arg6[%get3A_615, %get3A_616, %get3A_617] {strides = array<i32>} : memref<12x50x128xf32, #tpu.memory_space<vmem>>, vector<1x1x16xf32>,
          %get3A_619 = vector.shape_cast %get3A_618 : vector<1x1x16xf32> to vector<16xf32>
          %mul3A_620 = arith.constant 11.3137083 : f32
          %mul3A_621 = vector.broadcast %mul3A_620 : f32 to vector<16xf32>
          %mul3A_622 = arith.mulf %get3A_619, %mul3A_621 : vector<16xf32>
          %swap3A_623 = arith.constant 3 : i32
          %swap3A_624 = arith.index_cast %swap3A_623 : i32 to index
          %swap3A_625 = arith.index_cast %scan3A_567 : i32 to index
          %swap3A_626 = arith.constant 48 : index
          %swap3A_627 = tpu.vector_load %arg6[%swap3A_624, %swap3A_625, %swap3A_626] {strides = array<i32>} : memref<12x50x128xf32, #tpu.memory_space<vmem>>, vector<1x1x16xf32>,
          %swap3A_628 = vector.shape_cast %swap3A_627 : vector<1x1x16xf32> to vector<16xf32>
          %swap3A_629 = vector.shape_cast %mul3A_622 : vector<16xf32> to vector<1x1x16xf32>
          tpu.vector_store %arg6[%swap3A_624, %swap3A_625, %swap3A_626], %swap3A_629 {strides = array<i32>} : memref<12x50x128xf32, #tpu.memory_space<vmem>>, vector<1x1x16xf32>,
          %get3A_630 = arith.constant 3 : i32
          %get3A_631 = arith.index_cast %get3A_630 : i32 to index
          %get3A_632 = arith.index_cast %scan3A_567 : i32 to index
          %get3A_633 = arith.constant 64 : index
          %get3A_634 = tpu.vector_load %arg6[%get3A_631, %get3A_632, %get3A_633] {strides = array<i32>} : memref<12x50x128xf32, #tpu.memory_space<vmem>>, vector<1x1x16xf32>,
          %get3A_635 = vector.shape_cast %get3A_634 : vector<1x1x16xf32> to vector<16xf32>
          %mul3A_636 = arith.constant 11.3137083 : f32
          %mul3A_637 = vector.broadcast %mul3A_636 : f32 to vector<16xf32>
          %mul3A_638 = arith.mulf %get3A_635, %mul3A_637 : vector<16xf32>
          %swap3A_639 = arith.constant 3 : i32
          %swap3A_640 = arith.index_cast %swap3A_639 : i32 to index
          %swap3A_641 = arith.index_cast %scan3A_567 : i32 to index
          %swap3A_642 = arith.constant 64 : index
          %swap3A_643 = tpu.vector_load %arg6[%swap3A_640, %swap3A_641, %swap3A_642] {strides = array<i32>} : memref<12x50x128xf32, #tpu.memory_space<vmem>>, vector<1x1x16xf32>,
          %swap3A_644 = vector.shape_cast %swap3A_643 : vector<1x1x16xf32> to vector<16xf32>
          %swap3A_645 = vector.shape_cast %mul3A_638 : vector<16xf32> to vector<1x1x16xf32>
          tpu.vector_store %arg6[%swap3A_640, %swap3A_641, %swap3A_642], %swap3A_645 {strides = array<i32>} : memref<12x50x128xf32, #tpu.memory_space<vmem>>, vector<1x1x16xf32>,
          %get3A_646 = arith.constant 3 : i32
          %get3A_647 = arith.index_cast %get3A_646 : i32 to index
          %get3A_648 = arith.index_cast %scan3A_567 : i32 to index
          %get3A_649 = arith.constant 80 : index
          %get3A_650 = tpu.vector_load %arg6[%get3A_647, %get3A_648, %get3A_649] {strides = array<i32>} : memref<12x50x128xf32, #tpu.memory_space<vmem>>, vector<1x1x16xf32>,
          %get3A_651 = vector.shape_cast %get3A_650 : vector<1x1x16xf32> to vector<16xf32>
          %mul3A_652 = arith.constant 11.3137083 : f32
          %mul3A_653 = vector.broadcast %mul3A_652 : f32 to vector<16xf32>
          %mul3A_654 = arith.mulf %get3A_651, %mul3A_653 : vector<16xf32>
          %swap3A_655 = arith.constant 3 : i32
          %swap3A_656 = arith.index_cast %swap3A_655 : i32 to index
          %swap3A_657 = arith.index_cast %scan3A_567 : i32 to index
          %swap3A_658 = arith.constant 80 : index
          %swap3A_659 = tpu.vector_load %arg6[%swap3A_656, %swap3A_657, %swap3A_658] {strides = array<i32>} : memref<12x50x128xf32, #tpu.memory_space<vmem>>, vector<1x1x16xf32>,
          %swap3A_660 = vector.shape_cast %swap3A_659 : vector<1x1x16xf32> to vector<16xf32>
          %swap3A_661 = vector.shape_cast %mul3A_654 : vector<16xf32> to vector<1x1x16xf32>
          tpu.vector_store %arg6[%swap3A_656, %swap3A_657, %swap3A_658], %swap3A_661 {strides = array<i32>} : memref<12x50x128xf32, #tpu.memory_space<vmem>>, vector<1x1x16xf32>,
          %get3A_662 = arith.constant 3 : i32
          %get3A_663 = arith.index_cast %get3A_662 : i32 to index
          %get3A_664 = arith.index_cast %scan3A_567 : i32 to index
          %get3A_665 = arith.constant 96 : index
          %get3A_666 = tpu.vector_load %arg6[%get3A_663, %get3A_664, %get3A_665] {strides = array<i32>} : memref<12x50x128xf32, #tpu.memory_space<vmem>>, vector<1x1x16xf32>,
          %get3A_667 = vector.shape_cast %get3A_666 : vector<1x1x16xf32> to vector<16xf32>
          %mul3A_668 = arith.constant 11.3137083 : f32
          %mul3A_669 = vector.broadcast %mul3A_668 : f32 to vector<16xf32>
          %mul3A_670 = arith.mulf %get3A_667, %mul3A_669 : vector<16xf32>
          %swap3A_671 = arith.constant 3 : i32
          %swap3A_672 = arith.index_cast %swap3A_671 : i32 to index
          %swap3A_673 = arith.index_cast %scan3A_567 : i32 to index
          %swap3A_674 = arith.constant 96 : index
          %swap3A_675 = tpu.vector_load %arg6[%swap3A_672, %swap3A_673, %swap3A_674] {strides = array<i32>} : memref<12x50x128xf32, #tpu.memory_space<vmem>>, vector<1x1x16xf32>,
          %swap3A_676 = vector.shape_cast %swap3A_675 : vector<1x1x16xf32> to vector<16xf32>
          %swap3A_677 = vector.shape_cast %mul3A_670 : vector<16xf32> to vector<1x1x16xf32>
          tpu.vector_store %arg6[%swap3A_672, %swap3A_673, %swap3A_674], %swap3A_677 {strides = array<i32>} : memref<12x50x128xf32, #tpu.memory_space<vmem>>, vector<1x1x16xf32>,
          %get3A_678 = arith.constant 3 : i32
          %get3A_679 = arith.index_cast %get3A_678 : i32 to index
          %get3A_680 = arith.index_cast %scan3A_567 : i32 to index
          %get3A_681 = arith.constant 112 : index
          %get3A_682 = tpu.vector_load %arg6[%get3A_679, %get3A_680, %get3A_681] {strides = array<i32>} : memref<12x50x128xf32, #tpu.memory_space<vmem>>, vector<1x1x16xf32>,
          %get3A_683 = vector.shape_cast %get3A_682 : vector<1x1x16xf32> to vector<16xf32>
          %mul3A_684 = arith.constant 11.3137083 : f32
          %mul3A_685 = vector.broadcast %mul3A_684 : f32 to vector<16xf32>
          %mul3A_686 = arith.mulf %get3A_683, %mul3A_685 : vector<16xf32>
          %swap3A_687 = arith.constant 3 : i32
          %swap3A_688 = arith.index_cast %swap3A_687 : i32 to index
          %swap3A_689 = arith.index_cast %scan3A_567 : i32 to index
          %swap3A_690 = arith.constant 112 : index
          %swap3A_691 = tpu.vector_load %arg6[%swap3A_688, %swap3A_689, %swap3A_690] {strides = array<i32>} : memref<12x50x128xf32, #tpu.memory_space<vmem>>, vector<1x1x16xf32>,
          %swap3A_692 = vector.shape_cast %swap3A_691 : vector<1x1x16xf32> to vector<16xf32>
          %swap3A_693 = vector.shape_cast %mul3A_686 : vector<16xf32> to vector<1x1x16xf32>
          tpu.vector_store %arg6[%swap3A_688, %swap3A_689, %swap3A_690], %swap3A_693 {strides = array<i32>} : memref<12x50x128xf32, #tpu.memory_space<vmem>>, vector<1x1x16xf32>,
        }
        %scan3A_537 = arith.constant 50 : i32
        %add3A_538 = arith.addi %mul3A_2, %add3A_439 : i32
        %dma_start3A_539 = arith.constant 3 : i32
        %dma_start3A_540 = arith.constant 3 : i32
        %dma_start3A_541 = arith.constant 0 : i32
        %dma_start3A_542 = arith.constant 0 : i32
        %dma_start3A_543 = tpu.memref_slice %arg6[%dma_start3A_539, %dma_start3A_541, %dma_start3A_542] : memref<12x50x128xf32, #tpu.memory_space<vmem>> -> memref<1x50x128xf32, #tpu.memory_space<vmem>>
        %dma_start3A_544 = tpu.memref_squeeze %dma_start3A_543 : memref<1x50x128xf32, #tpu.memory_space<vmem>> -> memref<50x128xf32, #tpu.memory_space<vmem>>
        %dma_start3A_545 = arith.constant 0 : i32
        %dma_start3A_546 = arith.constant 0 : i32
        %dma_start3A_547 = tpu.memref_slice %arg4[%add3A_538, %dma_start3A_545, %dma_start3A_546] : memref<4096x50x128xf32, #tpu.memory_space<hbm>> -> memref<1x50x128xf32, #tpu.memory_space<hbm>>
        %dma_start3A_548 = tpu.memref_squeeze %dma_start3A_547 : memref<1x50x128xf32, #tpu.memory_space<hbm>> -> memref<50x128xf32, #tpu.memory_space<hbm>>
        %dma_start3A_549 = tpu.memref_slice %arg8[%dma_start3A_540] : memref<12x!tpu.dma_semaphore, #tpu.memory_space<semaphore_mem>> -> memref<1x!tpu.dma_semaphore, #tpu.memory_space<semaphore_mem>>
        %dma_start3A_550 = tpu.memref_squeeze %dma_start3A_549 : memref<1x!tpu.dma_semaphore, #tpu.memory_space<semaphore_mem>> -> memref<!tpu.dma_semaphore, #tpu.memory_space<semaphore_mem>>
        %dma_start3A_551 = arith.constant 0 : i32
        %dma_start3A_552 = arith.constant 0 : i32
        %dma_start3A_553 = tpu.memref_slice %arg4[%add3A_538, %dma_start3A_551, %dma_start3A_552] : memref<4096x50x128xf32, #tpu.memory_space<hbm>> -> memref<1x50x128xf32, #tpu.memory_space<hbm>>
        %dma_start3A_554 = tpu.memref_squeeze %dma_start3A_553 : memref<1x50x128xf32, #tpu.memory_space<hbm>> -> memref<50x128xf32, #tpu.memory_space<hbm>>
        %dma_start3A_555 = arith.constant 0 : i32
        %dma_start3A_556 = arith.constant 0 : i32
        %dma_start3A_557 = tpu.memref_slice %arg6[%dma_start3A_539, %dma_start3A_555, %dma_start3A_556] : memref<12x50x128xf32, #tpu.memory_space<vmem>> -> memref<1x50x128xf32, #tpu.memory_space<vmem>>
        %dma_start3A_558 = tpu.memref_squeeze %dma_start3A_557 : memref<1x50x128xf32, #tpu.memory_space<vmem>> -> memref<50x128xf32, #tpu.memory_space<vmem>>
        tpu.enqueue_dma source(%dma_start3A_558 : memref<50x128xf32, #tpu.memory_space<vmem>>) target(%dma_start3A_554 : memref<50x128xf32, #tpu.memory_space<hbm>>) target_semaphore(%dma_start3A_550 : memref<!tpu.dma_semaphore, #tpu.memory_space<semaphore_mem>>)
        %add3A_559 = arith.constant 12 : i32
        %add3A_560 = arith.addi %add3A_439, %add3A_559 : i32
        %sub3A = arith.constant 1 : i32
        %sub3A_561 = arith.subi %add3A_560, %sub3A : i32
        %lt3A_562 = arith.constant 128 : i32
        %lt3A_563 = arith.cmpi slt, %sub3A_561, %lt3A_562 : i32
        %convert_element_type3A_564 = arith.extui %lt3A_563 : i1 to i32
        %cond3A_565 = arith.constant 0 : i32
        %cond3A_566 = arith.cmpi ne, %convert_element_type3A_564, %cond3A_565 : i32
        scf.if %cond3A_566 {
          %ge3A = arith.constant 1 : i32
          %ge3A_567 = arith.cmpi sge, %add3A_439, %ge3A : i32
          %convert_element_type3A_568 = arith.extui %ge3A_567 : i1 to i32
          %cond3A_569 = arith.constant 0 : i32
          %cond3A_570 = arith.cmpi ne, %convert_element_type3A_568, %cond3A_569 : i32
          scf.if %cond3A_570 {
            %dma_wait3A_585 = arith.constant 2 : i32
            %dma_wait3A_586 = arith.constant 2 : i32
            %dma_wait3A_587 = arith.constant 0 : i32
            %dma_wait3A_588 = arith.constant 0 : i32
            %dma_wait3A_589 = tpu.memref_slice %arg6[%dma_wait3A_585, %dma_wait3A_587, %dma_wait3A_588] : memref<12x50x128xf32, #tpu.memory_space<vmem>> -> memref<1x50x128xf32, #tpu.memory_space<vmem>>
            %dma_wait3A_590 = tpu.memref_squeeze %dma_wait3A_589 : memref<1x50x128xf32, #tpu.memory_space<vmem>> -> memref<50x128xf32, #tpu.memory_space<vmem>>
            %dma_wait3A_591 = arith.constant 0 : i32
            %dma_wait3A_592 = arith.constant 0 : i32
            %dma_wait3A_593 = tpu.memref_slice %arg4[%mul3A_2, %dma_wait3A_591, %dma_wait3A_592] : memref<4096x50x128xf32, #tpu.memory_space<hbm>> -> memref<1x50x128xf32, #tpu.memory_space<hbm>>
            %dma_wait3A_594 = tpu.memref_squeeze %dma_wait3A_593 : memref<1x50x128xf32, #tpu.memory_space<hbm>> -> memref<50x128xf32, #tpu.memory_space<hbm>>
            %dma_wait3A_595 = tpu.memref_slice %arg8[%dma_wait3A_586] : memref<12x!tpu.dma_semaphore, #tpu.memory_space<semaphore_mem>> -> memref<1x!tpu.dma_semaphore, #tpu.memory_space<semaphore_mem>>
            %dma_wait3A_596 = tpu.memref_squeeze %dma_wait3A_595 : memref<1x!tpu.dma_semaphore, #tpu.memory_space<semaphore_mem>> -> memref<!tpu.dma_semaphore, #tpu.memory_space<semaphore_mem>>
            %dma_wait3A_597 = arith.constant 0 : i32
            %dma_wait3A_598 = arith.constant 0 : i32
            %dma_wait3A_599 = tpu.memref_slice %arg4[%mul3A_2, %dma_wait3A_597, %dma_wait3A_598] : memref<4096x50x128xf32, #tpu.memory_space<hbm>> -> memref<1x50x128xf32, #tpu.memory_space<hbm>>
            %dma_wait3A_600 = tpu.memref_squeeze %dma_wait3A_599 : memref<1x50x128xf32, #tpu.memory_space<hbm>> -> memref<50x128xf32, #tpu.memory_space<hbm>>
            %dma_wait3A_601 = arith.constant 0 : i32
            %dma_wait3A_602 = arith.constant 0 : i32
            %dma_wait3A_603 = tpu.memref_slice %arg6[%dma_wait3A_585, %dma_wait3A_601, %dma_wait3A_602] : memref<12x50x128xf32, #tpu.memory_space<vmem>> -> memref<1x50x128xf32, #tpu.memory_space<vmem>>
            %dma_wait3A_604 = tpu.memref_squeeze %dma_wait3A_603 : memref<1x50x128xf32, #tpu.memory_space<vmem>> -> memref<50x128xf32, #tpu.memory_space<vmem>>
            tpu.wait_dma2 semaphore(%dma_wait3A_596 : memref<!tpu.dma_semaphore, #tpu.memory_space<semaphore_mem>>) src(%dma_wait3A_604 : memref<50x128xf32, #tpu.memory_space<vmem>>) dst(%dma_wait3A_600 : memref<50x128xf32, #tpu.memory_space<hbm>>)
          } else {
          }
          %dma_start3A_571 = arith.constant 2 : i32
          %dma_start3A_572 = arith.constant 2 : i32
          %dma_start3A_573 = arith.constant 0 : i32
          %dma_start3A_574 = arith.constant 0 : i32
          %dma_start3A_575 = tpu.memref_slice %arg6[%dma_start3A_571, %dma_start3A_573, %dma_start3A_574] : memref<12x50x128xf32, #tpu.memory_space<vmem>> -> memref<1x50x128xf32, #tpu.memory_space<vmem>>
          %dma_start3A_576 = tpu.memref_squeeze %dma_start3A_575 : memref<1x50x128xf32, #tpu.memory_space<vmem>> -> memref<50x128xf32, #tpu.memory_space<vmem>>
          %dma_start3A_577 = arith.constant 0 : i32
          %dma_start3A_578 = tpu.memref_slice %arg5[%sub3A_561, %dma_start3A_577] : memref<128x50xi32, #tpu.memory_space<vmem>> -> memref<1x50xi32, #tpu.memory_space<vmem>>
          %dma_start3A_579 = tpu.memref_squeeze %dma_start3A_578 : memref<1x50xi32, #tpu.memory_space<vmem>> -> memref<50xi32, #tpu.memory_space<vmem>>
          %dma_start3A_580 = arith.constant 0 : i32
          %dma_start3A_581 = arith.constant 0 : i32
          %dma_start3A_582 = tpu.memref_slice %arg2[%dma_start3A_580, %dma_start3A_581] : memref<100000x128xf32, #tpu.memory_space<hbm>> -> memref<100000x128xf32, #tpu.memory_space<hbm>>
          %dma_start3A_583 = tpu.memref_slice %arg7[%dma_start3A_572] : memref<12x!tpu.dma_semaphore, #tpu.memory_space<semaphore_mem>> -> memref<1x!tpu.dma_semaphore, #tpu.memory_space<semaphore_mem>>
          %dma_start3A_584 = tpu.memref_squeeze %dma_start3A_583 : memref<1x!tpu.dma_semaphore, #tpu.memory_space<semaphore_mem>> -> memref<!tpu.dma_semaphore, #tpu.memory_space<semaphore_mem>>
          tpu.enqueue_indirect_dma source(%dma_start3A_582 : memref<100000x128xf32, #tpu.memory_space<hbm>>) target(%dma_start3A_576 : memref<50x128xf32, #tpu.memory_space<vmem>>) offsets(%dma_start3A_579 : memref<50xi32, #tpu.memory_space<vmem>>) semaphore(%dma_start3A_584 : memref<!tpu.dma_semaphore, #tpu.memory_space<semaphore_mem>>)
        } else {
        }
      } else {
      }
      %mul3A_445 = arith.constant 12 : i32
      %mul3A_446 = arith.muli %scan3A_411, %mul3A_445 : i32
      %add3A_447 = arith.constant 4 : i32
      %add3A_448 = arith.addi %mul3A_446, %add3A_447 : i32
      %lt3A_449 = arith.constant 128 : i32
      %lt3A_450 = arith.cmpi slt, %add3A_448, %lt3A_449 : i32
      %convert_element_type3A_451 = arith.extui %lt3A_450 : i1 to i32
      %cond3A_452 = arith.constant 0 : i32
      %cond3A_453 = arith.cmpi ne, %convert_element_type3A_451, %cond3A_452 : i32
      scf.if %cond3A_453 {
        %dma_wait3A_517 = arith.constant 0 : i32
        %dma_wait3A_518 = arith.constant 4 : i32
        %dma_wait3A_519 = arith.constant 4 : i32
        %dma_wait3A_520 = arith.constant 0 : i32
        %dma_wait3A_521 = arith.constant 0 : i32
        %dma_wait3A_522 = tpu.memref_slice %arg6[%dma_wait3A_518, %dma_wait3A_520, %dma_wait3A_521] : memref<12x50x128xf32, #tpu.memory_space<vmem>> -> memref<1x50x128xf32, #tpu.memory_space<vmem>>
        %dma_wait3A_523 = tpu.memref_squeeze %dma_wait3A_522 : memref<1x50x128xf32, #tpu.memory_space<vmem>> -> memref<50x128xf32, #tpu.memory_space<vmem>>
        %dma_wait3A_524 = arith.constant 0 : i32
        %dma_wait3A_525 = tpu.memref_slice %arg5[%dma_wait3A_517, %dma_wait3A_524] : memref<128x50xi32, #tpu.memory_space<vmem>> -> memref<1x50xi32, #tpu.memory_space<vmem>>
        %dma_wait3A_526 = tpu.memref_squeeze %dma_wait3A_525 : memref<1x50xi32, #tpu.memory_space<vmem>> -> memref<50xi32, #tpu.memory_space<vmem>>
        %dma_wait3A_527 = arith.constant 0 : i32
        %dma_wait3A_528 = arith.constant 0 : i32
        %dma_wait3A_529 = tpu.memref_slice %arg2[%dma_wait3A_527, %dma_wait3A_528] : memref<100000x128xf32, #tpu.memory_space<hbm>> -> memref<100000x128xf32, #tpu.memory_space<hbm>>
        %dma_wait3A_530 = tpu.memref_slice %arg7[%dma_wait3A_519] : memref<12x!tpu.dma_semaphore, #tpu.memory_space<semaphore_mem>> -> memref<1x!tpu.dma_semaphore, #tpu.memory_space<semaphore_mem>>
        %dma_wait3A_531 = tpu.memref_squeeze %dma_wait3A_530 : memref<1x!tpu.dma_semaphore, #tpu.memory_space<semaphore_mem>> -> memref<!tpu.dma_semaphore, #tpu.memory_space<semaphore_mem>>
        tpu.wait_indirect_dma semaphore(%dma_wait3A_531 : memref<!tpu.dma_semaphore, #tpu.memory_space<semaphore_mem>>) src(%dma_wait3A_529 : memref<100000x128xf32, #tpu.memory_space<hbm>>) dst(%dma_wait3A_523 : memref<50x128xf32, #tpu.memory_space<vmem>>)
        %scan3A_532 = arith.constant 0 : i32
        %scan3A_533 = arith.constant 0 : i32
        %scan3A_534 = arith.constant 50 : i32
        %scan3A_535 = arith.addi %scan3A_533, %scan3A_534 : i32
        %scan3A_536 = arith.constant 1 : i32
        scf.for %scan3A_567 = %scan3A_533 to %scan3A_535 step %scan3A_536  : i32 {
          %get3A = arith.constant 4 : i32
          %get3A_568 = arith.index_cast %get3A : i32 to index
          %get3A_569 = arith.index_cast %scan3A_567 : i32 to index
          %get3A_570 = arith.constant 0 : index
          %get3A_571 = tpu.vector_load %arg6[%get3A_568, %get3A_569, %get3A_570] {strides = array<i32>} : memref<12x50x128xf32, #tpu.memory_space<vmem>>, vector<1x1x16xf32>,
          %get3A_572 = vector.shape_cast %get3A_571 : vector<1x1x16xf32> to vector<16xf32>
          %mul3A_573 = arith.constant 11.3137083 : f32
          %mul3A_574 = vector.broadcast %mul3A_573 : f32 to vector<16xf32>
          %mul3A_575 = arith.mulf %get3A_572, %mul3A_574 : vector<16xf32>
          %swap3A = arith.constant 4 : i32
          %swap3A_576 = arith.index_cast %swap3A : i32 to index
          %swap3A_577 = arith.index_cast %scan3A_567 : i32 to index
          %swap3A_578 = arith.constant 0 : index
          %swap3A_579 = tpu.vector_load %arg6[%swap3A_576, %swap3A_577, %swap3A_578] {strides = array<i32>} : memref<12x50x128xf32, #tpu.memory_space<vmem>>, vector<1x1x16xf32>,
          %swap3A_580 = vector.shape_cast %swap3A_579 : vector<1x1x16xf32> to vector<16xf32>
          %swap3A_581 = vector.shape_cast %mul3A_575 : vector<16xf32> to vector<1x1x16xf32>
          tpu.vector_store %arg6[%swap3A_576, %swap3A_577, %swap3A_578], %swap3A_581 {strides = array<i32>} : memref<12x50x128xf32, #tpu.memory_space<vmem>>, vector<1x1x16xf32>,
          %get3A_582 = arith.constant 4 : i32
          %get3A_583 = arith.index_cast %get3A_582 : i32 to index
          %get3A_584 = arith.index_cast %scan3A_567 : i32 to index
          %get3A_585 = arith.constant 16 : index
          %get3A_586 = tpu.vector_load %arg6[%get3A_583, %get3A_584, %get3A_585] {strides = array<i32>} : memref<12x50x128xf32, #tpu.memory_space<vmem>>, vector<1x1x16xf32>,
          %get3A_587 = vector.shape_cast %get3A_586 : vector<1x1x16xf32> to vector<16xf32>
          %mul3A_588 = arith.constant 11.3137083 : f32
          %mul3A_589 = vector.broadcast %mul3A_588 : f32 to vector<16xf32>
          %mul3A_590 = arith.mulf %get3A_587, %mul3A_589 : vector<16xf32>
          %swap3A_591 = arith.constant 4 : i32
          %swap3A_592 = arith.index_cast %swap3A_591 : i32 to index
          %swap3A_593 = arith.index_cast %scan3A_567 : i32 to index
          %swap3A_594 = arith.constant 16 : index
          %swap3A_595 = tpu.vector_load %arg6[%swap3A_592, %swap3A_593, %swap3A_594] {strides = array<i32>} : memref<12x50x128xf32, #tpu.memory_space<vmem>>, vector<1x1x16xf32>,
          %swap3A_596 = vector.shape_cast %swap3A_595 : vector<1x1x16xf32> to vector<16xf32>
          %swap3A_597 = vector.shape_cast %mul3A_590 : vector<16xf32> to vector<1x1x16xf32>
          tpu.vector_store %arg6[%swap3A_592, %swap3A_593, %swap3A_594], %swap3A_597 {strides = array<i32>} : memref<12x50x128xf32, #tpu.memory_space<vmem>>, vector<1x1x16xf32>,
          %get3A_598 = arith.constant 4 : i32
          %get3A_599 = arith.index_cast %get3A_598 : i32 to index
          %get3A_600 = arith.index_cast %scan3A_567 : i32 to index
          %get3A_601 = arith.constant 32 : index
          %get3A_602 = tpu.vector_load %arg6[%get3A_599, %get3A_600, %get3A_601] {strides = array<i32>} : memref<12x50x128xf32, #tpu.memory_space<vmem>>, vector<1x1x16xf32>,
          %get3A_603 = vector.shape_cast %get3A_602 : vector<1x1x16xf32> to vector<16xf32>
          %mul3A_604 = arith.constant 11.3137083 : f32
          %mul3A_605 = vector.broadcast %mul3A_604 : f32 to vector<16xf32>
          %mul3A_606 = arith.mulf %get3A_603, %mul3A_605 : vector<16xf32>
          %swap3A_607 = arith.constant 4 : i32
          %swap3A_608 = arith.index_cast %swap3A_607 : i32 to index
          %swap3A_609 = arith.index_cast %scan3A_567 : i32 to index
          %swap3A_610 = arith.constant 32 : index
          %swap3A_611 = tpu.vector_load %arg6[%swap3A_608, %swap3A_609, %swap3A_610] {strides = array<i32>} : memref<12x50x128xf32, #tpu.memory_space<vmem>>, vector<1x1x16xf32>,
          %swap3A_612 = vector.shape_cast %swap3A_611 : vector<1x1x16xf32> to vector<16xf32>
          %swap3A_613 = vector.shape_cast %mul3A_606 : vector<16xf32> to vector<1x1x16xf32>
          tpu.vector_store %arg6[%swap3A_608, %swap3A_609, %swap3A_610], %swap3A_613 {strides = array<i32>} : memref<12x50x128xf32, #tpu.memory_space<vmem>>, vector<1x1x16xf32>,
          %get3A_614 = arith.constant 4 : i32
          %get3A_615 = arith.index_cast %get3A_614 : i32 to index
          %get3A_616 = arith.index_cast %scan3A_567 : i32 to index
          %get3A_617 = arith.constant 48 : index
          %get3A_618 = tpu.vector_load %arg6[%get3A_615, %get3A_616, %get3A_617] {strides = array<i32>} : memref<12x50x128xf32, #tpu.memory_space<vmem>>, vector<1x1x16xf32>,
          %get3A_619 = vector.shape_cast %get3A_618 : vector<1x1x16xf32> to vector<16xf32>
          %mul3A_620 = arith.constant 11.3137083 : f32
          %mul3A_621 = vector.broadcast %mul3A_620 : f32 to vector<16xf32>
          %mul3A_622 = arith.mulf %get3A_619, %mul3A_621 : vector<16xf32>
          %swap3A_623 = arith.constant 4 : i32
          %swap3A_624 = arith.index_cast %swap3A_623 : i32 to index
          %swap3A_625 = arith.index_cast %scan3A_567 : i32 to index
          %swap3A_626 = arith.constant 48 : index
          %swap3A_627 = tpu.vector_load %arg6[%swap3A_624, %swap3A_625, %swap3A_626] {strides = array<i32>} : memref<12x50x128xf32, #tpu.memory_space<vmem>>, vector<1x1x16xf32>,
          %swap3A_628 = vector.shape_cast %swap3A_627 : vector<1x1x16xf32> to vector<16xf32>
          %swap3A_629 = vector.shape_cast %mul3A_622 : vector<16xf32> to vector<1x1x16xf32>
          tpu.vector_store %arg6[%swap3A_624, %swap3A_625, %swap3A_626], %swap3A_629 {strides = array<i32>} : memref<12x50x128xf32, #tpu.memory_space<vmem>>, vector<1x1x16xf32>,
          %get3A_630 = arith.constant 4 : i32
          %get3A_631 = arith.index_cast %get3A_630 : i32 to index
          %get3A_632 = arith.index_cast %scan3A_567 : i32 to index
          %get3A_633 = arith.constant 64 : index
          %get3A_634 = tpu.vector_load %arg6[%get3A_631, %get3A_632, %get3A_633] {strides = array<i32>} : memref<12x50x128xf32, #tpu.memory_space<vmem>>, vector<1x1x16xf32>,
          %get3A_635 = vector.shape_cast %get3A_634 : vector<1x1x16xf32> to vector<16xf32>
          %mul3A_636 = arith.constant 11.3137083 : f32
          %mul3A_637 = vector.broadcast %mul3A_636 : f32 to vector<16xf32>
          %mul3A_638 = arith.mulf %get3A_635, %mul3A_637 : vector<16xf32>
          %swap3A_639 = arith.constant 4 : i32
          %swap3A_640 = arith.index_cast %swap3A_639 : i32 to index
          %swap3A_641 = arith.index_cast %scan3A_567 : i32 to index
          %swap3A_642 = arith.constant 64 : index
          %swap3A_643 = tpu.vector_load %arg6[%swap3A_640, %swap3A_641, %swap3A_642] {strides = array<i32>} : memref<12x50x128xf32, #tpu.memory_space<vmem>>, vector<1x1x16xf32>,
          %swap3A_644 = vector.shape_cast %swap3A_643 : vector<1x1x16xf32> to vector<16xf32>
          %swap3A_645 = vector.shape_cast %mul3A_638 : vector<16xf32> to vector<1x1x16xf32>
          tpu.vector_store %arg6[%swap3A_640, %swap3A_641, %swap3A_642], %swap3A_645 {strides = array<i32>} : memref<12x50x128xf32, #tpu.memory_space<vmem>>, vector<1x1x16xf32>,
          %get3A_646 = arith.constant 4 : i32
          %get3A_647 = arith.index_cast %get3A_646 : i32 to index
          %get3A_648 = arith.index_cast %scan3A_567 : i32 to index
          %get3A_649 = arith.constant 80 : index
          %get3A_650 = tpu.vector_load %arg6[%get3A_647, %get3A_648, %get3A_649] {strides = array<i32>} : memref<12x50x128xf32, #tpu.memory_space<vmem>>, vector<1x1x16xf32>,
          %get3A_651 = vector.shape_cast %get3A_650 : vector<1x1x16xf32> to vector<16xf32>
          %mul3A_652 = arith.constant 11.3137083 : f32
          %mul3A_653 = vector.broadcast %mul3A_652 : f32 to vector<16xf32>
          %mul3A_654 = arith.mulf %get3A_651, %mul3A_653 : vector<16xf32>
          %swap3A_655 = arith.constant 4 : i32
          %swap3A_656 = arith.index_cast %swap3A_655 : i32 to index
          %swap3A_657 = arith.index_cast %scan3A_567 : i32 to index
          %swap3A_658 = arith.constant 80 : index
          %swap3A_659 = tpu.vector_load %arg6[%swap3A_656, %swap3A_657, %swap3A_658] {strides = array<i32>} : memref<12x50x128xf32, #tpu.memory_space<vmem>>, vector<1x1x16xf32>,
          %swap3A_660 = vector.shape_cast %swap3A_659 : vector<1x1x16xf32> to vector<16xf32>
          %swap3A_661 = vector.shape_cast %mul3A_654 : vector<16xf32> to vector<1x1x16xf32>
          tpu.vector_store %arg6[%swap3A_656, %swap3A_657, %swap3A_658], %swap3A_661 {strides = array<i32>} : memref<12x50x128xf32, #tpu.memory_space<vmem>>, vector<1x1x16xf32>,
          %get3A_662 = arith.constant 4 : i32
          %get3A_663 = arith.index_cast %get3A_662 : i32 to index
          %get3A_664 = arith.index_cast %scan3A_567 : i32 to index
          %get3A_665 = arith.constant 96 : index
          %get3A_666 = tpu.vector_load %arg6[%get3A_663, %get3A_664, %get3A_665] {strides = array<i32>} : memref<12x50x128xf32, #tpu.memory_space<vmem>>, vector<1x1x16xf32>,
          %get3A_667 = vector.shape_cast %get3A_666 : vector<1x1x16xf32> to vector<16xf32>
          %mul3A_668 = arith.constant 11.3137083 : f32
          %mul3A_669 = vector.broadcast %mul3A_668 : f32 to vector<16xf32>
          %mul3A_670 = arith.mulf %get3A_667, %mul3A_669 : vector<16xf32>
          %swap3A_671 = arith.constant 4 : i32
          %swap3A_672 = arith.index_cast %swap3A_671 : i32 to index
          %swap3A_673 = arith.index_cast %scan3A_567 : i32 to index
          %swap3A_674 = arith.constant 96 : index
          %swap3A_675 = tpu.vector_load %arg6[%swap3A_672, %swap3A_673, %swap3A_674] {strides = array<i32>} : memref<12x50x128xf32, #tpu.memory_space<vmem>>, vector<1x1x16xf32>,
          %swap3A_676 = vector.shape_cast %swap3A_675 : vector<1x1x16xf32> to vector<16xf32>
          %swap3A_677 = vector.shape_cast %mul3A_670 : vector<16xf32> to vector<1x1x16xf32>
          tpu.vector_store %arg6[%swap3A_672, %swap3A_673, %swap3A_674], %swap3A_677 {strides = array<i32>} : memref<12x50x128xf32, #tpu.memory_space<vmem>>, vector<1x1x16xf32>,
          %get3A_678 = arith.constant 4 : i32
          %get3A_679 = arith.index_cast %get3A_678 : i32 to index
          %get3A_680 = arith.index_cast %scan3A_567 : i32 to index
          %get3A_681 = arith.constant 112 : index
          %get3A_682 = tpu.vector_load %arg6[%get3A_679, %get3A_680, %get3A_681] {strides = array<i32>} : memref<12x50x128xf32, #tpu.memory_space<vmem>>, vector<1x1x16xf32>,
          %get3A_683 = vector.shape_cast %get3A_682 : vector<1x1x16xf32> to vector<16xf32>
          %mul3A_684 = arith.constant 11.3137083 : f32
          %mul3A_685 = vector.broadcast %mul3A_684 : f32 to vector<16xf32>
          %mul3A_686 = arith.mulf %get3A_683, %mul3A_685 : vector<16xf32>
          %swap3A_687 = arith.constant 4 : i32
          %swap3A_688 = arith.index_cast %swap3A_687 : i32 to index
          %swap3A_689 = arith.index_cast %scan3A_567 : i32 to index
          %swap3A_690 = arith.constant 112 : index
          %swap3A_691 = tpu.vector_load %arg6[%swap3A_688, %swap3A_689, %swap3A_690] {strides = array<i32>} : memref<12x50x128xf32, #tpu.memory_space<vmem>>, vector<1x1x16xf32>,
          %swap3A_692 = vector.shape_cast %swap3A_691 : vector<1x1x16xf32> to vector<16xf32>
          %swap3A_693 = vector.shape_cast %mul3A_686 : vector<16xf32> to vector<1x1x16xf32>
          tpu.vector_store %arg6[%swap3A_688, %swap3A_689, %swap3A_690], %swap3A_693 {strides = array<i32>} : memref<12x50x128xf32, #tpu.memory_space<vmem>>, vector<1x1x16xf32>,
        }
        %scan3A_537 = arith.constant 50 : i32
        %add3A_538 = arith.addi %mul3A_2, %add3A_448 : i32
        %dma_start3A_539 = arith.constant 4 : i32
        %dma_start3A_540 = arith.constant 4 : i32
        %dma_start3A_541 = arith.constant 0 : i32
        %dma_start3A_542 = arith.constant 0 : i32
        %dma_start3A_543 = tpu.memref_slice %arg6[%dma_start3A_539, %dma_start3A_541, %dma_start3A_542] : memref<12x50x128xf32, #tpu.memory_space<vmem>> -> memref<1x50x128xf32, #tpu.memory_space<vmem>>
        %dma_start3A_544 = tpu.memref_squeeze %dma_start3A_543 : memref<1x50x128xf32, #tpu.memory_space<vmem>> -> memref<50x128xf32, #tpu.memory_space<vmem>>
        %dma_start3A_545 = arith.constant 0 : i32
        %dma_start3A_546 = arith.constant 0 : i32
        %dma_start3A_547 = tpu.memref_slice %arg4[%add3A_538, %dma_start3A_545, %dma_start3A_546] : memref<4096x50x128xf32, #tpu.memory_space<hbm>> -> memref<1x50x128xf32, #tpu.memory_space<hbm>>
        %dma_start3A_548 = tpu.memref_squeeze %dma_start3A_547 : memref<1x50x128xf32, #tpu.memory_space<hbm>> -> memref<50x128xf32, #tpu.memory_space<hbm>>
        %dma_start3A_549 = tpu.memref_slice %arg8[%dma_start3A_540] : memref<12x!tpu.dma_semaphore, #tpu.memory_space<semaphore_mem>> -> memref<1x!tpu.dma_semaphore, #tpu.memory_space<semaphore_mem>>
        %dma_start3A_550 = tpu.memref_squeeze %dma_start3A_549 : memref<1x!tpu.dma_semaphore, #tpu.memory_space<semaphore_mem>> -> memref<!tpu.dma_semaphore, #tpu.memory_space<semaphore_mem>>
        %dma_start3A_551 = arith.constant 0 : i32
        %dma_start3A_552 = arith.constant 0 : i32
        %dma_start3A_553 = tpu.memref_slice %arg4[%add3A_538, %dma_start3A_551, %dma_start3A_552] : memref<4096x50x128xf32, #tpu.memory_space<hbm>> -> memref<1x50x128xf32, #tpu.memory_space<hbm>>
        %dma_start3A_554 = tpu.memref_squeeze %dma_start3A_553 : memref<1x50x128xf32, #tpu.memory_space<hbm>> -> memref<50x128xf32, #tpu.memory_space<hbm>>
        %dma_start3A_555 = arith.constant 0 : i32
        %dma_start3A_556 = arith.constant 0 : i32
        %dma_start3A_557 = tpu.memref_slice %arg6[%dma_start3A_539, %dma_start3A_555, %dma_start3A_556] : memref<12x50x128xf32, #tpu.memory_space<vmem>> -> memref<1x50x128xf32, #tpu.memory_space<vmem>>
        %dma_start3A_558 = tpu.memref_squeeze %dma_start3A_557 : memref<1x50x128xf32, #tpu.memory_space<vmem>> -> memref<50x128xf32, #tpu.memory_space<vmem>>
        tpu.enqueue_dma source(%dma_start3A_558 : memref<50x128xf32, #tpu.memory_space<vmem>>) target(%dma_start3A_554 : memref<50x128xf32, #tpu.memory_space<hbm>>) target_semaphore(%dma_start3A_550 : memref<!tpu.dma_semaphore, #tpu.memory_space<semaphore_mem>>)
        %add3A_559 = arith.constant 12 : i32
        %add3A_560 = arith.addi %add3A_448, %add3A_559 : i32
        %sub3A = arith.constant 1 : i32
        %sub3A_561 = arith.subi %add3A_560, %sub3A : i32
        %lt3A_562 = arith.constant 128 : i32
        %lt3A_563 = arith.cmpi slt, %sub3A_561, %lt3A_562 : i32
        %convert_element_type3A_564 = arith.extui %lt3A_563 : i1 to i32
        %cond3A_565 = arith.constant 0 : i32
        %cond3A_566 = arith.cmpi ne, %convert_element_type3A_564, %cond3A_565 : i32
        scf.if %cond3A_566 {
          %ge3A = arith.constant 1 : i32
          %ge3A_567 = arith.cmpi sge, %add3A_448, %ge3A : i32
          %convert_element_type3A_568 = arith.extui %ge3A_567 : i1 to i32
          %cond3A_569 = arith.constant 0 : i32
          %cond3A_570 = arith.cmpi ne, %convert_element_type3A_568, %cond3A_569 : i32
          scf.if %cond3A_570 {
            %dma_wait3A_585 = arith.constant 3 : i32
            %dma_wait3A_586 = arith.constant 3 : i32
            %dma_wait3A_587 = arith.constant 0 : i32
            %dma_wait3A_588 = arith.constant 0 : i32
            %dma_wait3A_589 = tpu.memref_slice %arg6[%dma_wait3A_585, %dma_wait3A_587, %dma_wait3A_588] : memref<12x50x128xf32, #tpu.memory_space<vmem>> -> memref<1x50x128xf32, #tpu.memory_space<vmem>>
            %dma_wait3A_590 = tpu.memref_squeeze %dma_wait3A_589 : memref<1x50x128xf32, #tpu.memory_space<vmem>> -> memref<50x128xf32, #tpu.memory_space<vmem>>
            %dma_wait3A_591 = arith.constant 0 : i32
            %dma_wait3A_592 = arith.constant 0 : i32
            %dma_wait3A_593 = tpu.memref_slice %arg4[%mul3A_2, %dma_wait3A_591, %dma_wait3A_592] : memref<4096x50x128xf32, #tpu.memory_space<hbm>> -> memref<1x50x128xf32, #tpu.memory_space<hbm>>
            %dma_wait3A_594 = tpu.memref_squeeze %dma_wait3A_593 : memref<1x50x128xf32, #tpu.memory_space<hbm>> -> memref<50x128xf32, #tpu.memory_space<hbm>>
            %dma_wait3A_595 = tpu.memref_slice %arg8[%dma_wait3A_586] : memref<12x!tpu.dma_semaphore, #tpu.memory_space<semaphore_mem>> -> memref<1x!tpu.dma_semaphore, #tpu.memory_space<semaphore_mem>>
            %dma_wait3A_596 = tpu.memref_squeeze %dma_wait3A_595 : memref<1x!tpu.dma_semaphore, #tpu.memory_space<semaphore_mem>> -> memref<!tpu.dma_semaphore, #tpu.memory_space<semaphore_mem>>
            %dma_wait3A_597 = arith.constant 0 : i32
            %dma_wait3A_598 = arith.constant 0 : i32
            %dma_wait3A_599 = tpu.memref_slice %arg4[%mul3A_2, %dma_wait3A_597, %dma_wait3A_598] : memref<4096x50x128xf32, #tpu.memory_space<hbm>> -> memref<1x50x128xf32, #tpu.memory_space<hbm>>
            %dma_wait3A_600 = tpu.memref_squeeze %dma_wait3A_599 : memref<1x50x128xf32, #tpu.memory_space<hbm>> -> memref<50x128xf32, #tpu.memory_space<hbm>>
            %dma_wait3A_601 = arith.constant 0 : i32
            %dma_wait3A_602 = arith.constant 0 : i32
            %dma_wait3A_603 = tpu.memref_slice %arg6[%dma_wait3A_585, %dma_wait3A_601, %dma_wait3A_602] : memref<12x50x128xf32, #tpu.memory_space<vmem>> -> memref<1x50x128xf32, #tpu.memory_space<vmem>>
            %dma_wait3A_604 = tpu.memref_squeeze %dma_wait3A_603 : memref<1x50x128xf32, #tpu.memory_space<vmem>> -> memref<50x128xf32, #tpu.memory_space<vmem>>
            tpu.wait_dma2 semaphore(%dma_wait3A_596 : memref<!tpu.dma_semaphore, #tpu.memory_space<semaphore_mem>>) src(%dma_wait3A_604 : memref<50x128xf32, #tpu.memory_space<vmem>>) dst(%dma_wait3A_600 : memref<50x128xf32, #tpu.memory_space<hbm>>)
          } else {
          }
          %dma_start3A_571 = arith.constant 3 : i32
          %dma_start3A_572 = arith.constant 3 : i32
          %dma_start3A_573 = arith.constant 0 : i32
          %dma_start3A_574 = arith.constant 0 : i32
          %dma_start3A_575 = tpu.memref_slice %arg6[%dma_start3A_571, %dma_start3A_573, %dma_start3A_574] : memref<12x50x128xf32, #tpu.memory_space<vmem>> -> memref<1x50x128xf32, #tpu.memory_space<vmem>>
          %dma_start3A_576 = tpu.memref_squeeze %dma_start3A_575 : memref<1x50x128xf32, #tpu.memory_space<vmem>> -> memref<50x128xf32, #tpu.memory_space<vmem>>
          %dma_start3A_577 = arith.constant 0 : i32
          %dma_start3A_578 = tpu.memref_slice %arg5[%sub3A_561, %dma_start3A_577] : memref<128x50xi32, #tpu.memory_space<vmem>> -> memref<1x50xi32, #tpu.memory_space<vmem>>
          %dma_start3A_579 = tpu.memref_squeeze %dma_start3A_578 : memref<1x50xi32, #tpu.memory_space<vmem>> -> memref<50xi32, #tpu.memory_space<vmem>>
          %dma_start3A_580 = arith.constant 0 : i32
          %dma_start3A_581 = arith.constant 0 : i32
          %dma_start3A_582 = tpu.memref_slice %arg2[%dma_start3A_580, %dma_start3A_581] : memref<100000x128xf32, #tpu.memory_space<hbm>> -> memref<100000x128xf32, #tpu.memory_space<hbm>>
          %dma_start3A_583 = tpu.memref_slice %arg7[%dma_start3A_572] : memref<12x!tpu.dma_semaphore, #tpu.memory_space<semaphore_mem>> -> memref<1x!tpu.dma_semaphore, #tpu.memory_space<semaphore_mem>>
          %dma_start3A_584 = tpu.memref_squeeze %dma_start3A_583 : memref<1x!tpu.dma_semaphore, #tpu.memory_space<semaphore_mem>> -> memref<!tpu.dma_semaphore, #tpu.memory_space<semaphore_mem>>
          tpu.enqueue_indirect_dma source(%dma_start3A_582 : memref<100000x128xf32, #tpu.memory_space<hbm>>) target(%dma_start3A_576 : memref<50x128xf32, #tpu.memory_space<vmem>>) offsets(%dma_start3A_579 : memref<50xi32, #tpu.memory_space<vmem>>) semaphore(%dma_start3A_584 : memref<!tpu.dma_semaphore, #tpu.memory_space<semaphore_mem>>)
        } else {
        }
      } else {
      }
      %mul3A_454 = arith.constant 12 : i32
      %mul3A_455 = arith.muli %scan3A_411, %mul3A_454 : i32
      %add3A_456 = arith.constant 5 : i32
      %add3A_457 = arith.addi %mul3A_455, %add3A_456 : i32
      %lt3A_458 = arith.constant 128 : i32
      %lt3A_459 = arith.cmpi slt, %add3A_457, %lt3A_458 : i32
      %convert_element_type3A_460 = arith.extui %lt3A_459 : i1 to i32
      %cond3A_461 = arith.constant 0 : i32
      %cond3A_462 = arith.cmpi ne, %convert_element_type3A_460, %cond3A_461 : i32
      scf.if %cond3A_462 {
        %dma_wait3A_517 = arith.constant 0 : i32
        %dma_wait3A_518 = arith.constant 5 : i32
        %dma_wait3A_519 = arith.constant 5 : i32
        %dma_wait3A_520 = arith.constant 0 : i32
        %dma_wait3A_521 = arith.constant 0 : i32
        %dma_wait3A_522 = tpu.memref_slice %arg6[%dma_wait3A_518, %dma_wait3A_520, %dma_wait3A_521] : memref<12x50x128xf32, #tpu.memory_space<vmem>> -> memref<1x50x128xf32, #tpu.memory_space<vmem>>
        %dma_wait3A_523 = tpu.memref_squeeze %dma_wait3A_522 : memref<1x50x128xf32, #tpu.memory_space<vmem>> -> memref<50x128xf32, #tpu.memory_space<vmem>>
        %dma_wait3A_524 = arith.constant 0 : i32
        %dma_wait3A_525 = tpu.memref_slice %arg5[%dma_wait3A_517, %dma_wait3A_524] : memref<128x50xi32, #tpu.memory_space<vmem>> -> memref<1x50xi32, #tpu.memory_space<vmem>>
        %dma_wait3A_526 = tpu.memref_squeeze %dma_wait3A_525 : memref<1x50xi32, #tpu.memory_space<vmem>> -> memref<50xi32, #tpu.memory_space<vmem>>
        %dma_wait3A_527 = arith.constant 0 : i32
        %dma_wait3A_528 = arith.constant 0 : i32
        %dma_wait3A_529 = tpu.memref_slice %arg2[%dma_wait3A_527, %dma_wait3A_528] : memref<100000x128xf32, #tpu.memory_space<hbm>> -> memref<100000x128xf32, #tpu.memory_space<hbm>>
        %dma_wait3A_530 = tpu.memref_slice %arg7[%dma_wait3A_519] : memref<12x!tpu.dma_semaphore, #tpu.memory_space<semaphore_mem>> -> memref<1x!tpu.dma_semaphore, #tpu.memory_space<semaphore_mem>>
        %dma_wait3A_531 = tpu.memref_squeeze %dma_wait3A_530 : memref<1x!tpu.dma_semaphore, #tpu.memory_space<semaphore_mem>> -> memref<!tpu.dma_semaphore, #tpu.memory_space<semaphore_mem>>
        tpu.wait_indirect_dma semaphore(%dma_wait3A_531 : memref<!tpu.dma_semaphore, #tpu.memory_space<semaphore_mem>>) src(%dma_wait3A_529 : memref<100000x128xf32, #tpu.memory_space<hbm>>) dst(%dma_wait3A_523 : memref<50x128xf32, #tpu.memory_space<vmem>>)
        %scan3A_532 = arith.constant 0 : i32
        %scan3A_533 = arith.constant 0 : i32
        %scan3A_534 = arith.constant 50 : i32
        %scan3A_535 = arith.addi %scan3A_533, %scan3A_534 : i32
        %scan3A_536 = arith.constant 1 : i32
        scf.for %scan3A_567 = %scan3A_533 to %scan3A_535 step %scan3A_536  : i32 {
          %get3A = arith.constant 5 : i32
          %get3A_568 = arith.index_cast %get3A : i32 to index
          %get3A_569 = arith.index_cast %scan3A_567 : i32 to index
          %get3A_570 = arith.constant 0 : index
          %get3A_571 = tpu.vector_load %arg6[%get3A_568, %get3A_569, %get3A_570] {strides = array<i32>} : memref<12x50x128xf32, #tpu.memory_space<vmem>>, vector<1x1x16xf32>,
          %get3A_572 = vector.shape_cast %get3A_571 : vector<1x1x16xf32> to vector<16xf32>
          %mul3A_573 = arith.constant 11.3137083 : f32
          %mul3A_574 = vector.broadcast %mul3A_573 : f32 to vector<16xf32>
          %mul3A_575 = arith.mulf %get3A_572, %mul3A_574 : vector<16xf32>
          %swap3A = arith.constant 5 : i32
          %swap3A_576 = arith.index_cast %swap3A : i32 to index
          %swap3A_577 = arith.index_cast %scan3A_567 : i32 to index
          %swap3A_578 = arith.constant 0 : index
          %swap3A_579 = tpu.vector_load %arg6[%swap3A_576, %swap3A_577, %swap3A_578] {strides = array<i32>} : memref<12x50x128xf32, #tpu.memory_space<vmem>>, vector<1x1x16xf32>,
          %swap3A_580 = vector.shape_cast %swap3A_579 : vector<1x1x16xf32> to vector<16xf32>
          %swap3A_581 = vector.shape_cast %mul3A_575 : vector<16xf32> to vector<1x1x16xf32>
          tpu.vector_store %arg6[%swap3A_576, %swap3A_577, %swap3A_578], %swap3A_581 {strides = array<i32>} : memref<12x50x128xf32, #tpu.memory_space<vmem>>, vector<1x1x16xf32>,
          %get3A_582 = arith.constant 5 : i32
          %get3A_583 = arith.index_cast %get3A_582 : i32 to index
          %get3A_584 = arith.index_cast %scan3A_567 : i32 to index
          %get3A_585 = arith.constant 16 : index
          %get3A_586 = tpu.vector_load %arg6[%get3A_583, %get3A_584, %get3A_585] {strides = array<i32>} : memref<12x50x128xf32, #tpu.memory_space<vmem>>, vector<1x1x16xf32>,
          %get3A_587 = vector.shape_cast %get3A_586 : vector<1x1x16xf32> to vector<16xf32>
          %mul3A_588 = arith.constant 11.3137083 : f32
          %mul3A_589 = vector.broadcast %mul3A_588 : f32 to vector<16xf32>
          %mul3A_590 = arith.mulf %get3A_587, %mul3A_589 : vector<16xf32>
          %swap3A_591 = arith.constant 5 : i32
          %swap3A_592 = arith.index_cast %swap3A_591 : i32 to index
          %swap3A_593 = arith.index_cast %scan3A_567 : i32 to index
          %swap3A_594 = arith.constant 16 : index
          %swap3A_595 = tpu.vector_load %arg6[%swap3A_592, %swap3A_593, %swap3A_594] {strides = array<i32>} : memref<12x50x128xf32, #tpu.memory_space<vmem>>, vector<1x1x16xf32>,
          %swap3A_596 = vector.shape_cast %swap3A_595 : vector<1x1x16xf32> to vector<16xf32>
          %swap3A_597 = vector.shape_cast %mul3A_590 : vector<16xf32> to vector<1x1x16xf32>
          tpu.vector_store %arg6[%swap3A_592, %swap3A_593, %swap3A_594], %swap3A_597 {strides = array<i32>} : memref<12x50x128xf32, #tpu.memory_space<vmem>>, vector<1x1x16xf32>,
          %get3A_598 = arith.constant 5 : i32
          %get3A_599 = arith.index_cast %get3A_598 : i32 to index
          %get3A_600 = arith.index_cast %scan3A_567 : i32 to index
          %get3A_601 = arith.constant 32 : index
          %get3A_602 = tpu.vector_load %arg6[%get3A_599, %get3A_600, %get3A_601] {strides = array<i32>} : memref<12x50x128xf32, #tpu.memory_space<vmem>>, vector<1x1x16xf32>,
          %get3A_603 = vector.shape_cast %get3A_602 : vector<1x1x16xf32> to vector<16xf32>
          %mul3A_604 = arith.constant 11.3137083 : f32
          %mul3A_605 = vector.broadcast %mul3A_604 : f32 to vector<16xf32>
          %mul3A_606 = arith.mulf %get3A_603, %mul3A_605 : vector<16xf32>
          %swap3A_607 = arith.constant 5 : i32
          %swap3A_608 = arith.index_cast %swap3A_607 : i32 to index
          %swap3A_609 = arith.index_cast %scan3A_567 : i32 to index
          %swap3A_610 = arith.constant 32 : index
          %swap3A_611 = tpu.vector_load %arg6[%swap3A_608, %swap3A_609, %swap3A_610] {strides = array<i32>} : memref<12x50x128xf32, #tpu.memory_space<vmem>>, vector<1x1x16xf32>,
          %swap3A_612 = vector.shape_cast %swap3A_611 : vector<1x1x16xf32> to vector<16xf32>
          %swap3A_613 = vector.shape_cast %mul3A_606 : vector<16xf32> to vector<1x1x16xf32>
          tpu.vector_store %arg6[%swap3A_608, %swap3A_609, %swap3A_610], %swap3A_613 {strides = array<i32>} : memref<12x50x128xf32, #tpu.memory_space<vmem>>, vector<1x1x16xf32>,
          %get3A_614 = arith.constant 5 : i32
          %get3A_615 = arith.index_cast %get3A_614 : i32 to index
          %get3A_616 = arith.index_cast %scan3A_567 : i32 to index
          %get3A_617 = arith.constant 48 : index
          %get3A_618 = tpu.vector_load %arg6[%get3A_615, %get3A_616, %get3A_617] {strides = array<i32>} : memref<12x50x128xf32, #tpu.memory_space<vmem>>, vector<1x1x16xf32>,
          %get3A_619 = vector.shape_cast %get3A_618 : vector<1x1x16xf32> to vector<16xf32>
          %mul3A_620 = arith.constant 11.3137083 : f32
          %mul3A_621 = vector.broadcast %mul3A_620 : f32 to vector<16xf32>
          %mul3A_622 = arith.mulf %get3A_619, %mul3A_621 : vector<16xf32>
          %swap3A_623 = arith.constant 5 : i32
          %swap3A_624 = arith.index_cast %swap3A_623 : i32 to index
          %swap3A_625 = arith.index_cast %scan3A_567 : i32 to index
          %swap3A_626 = arith.constant 48 : index
          %swap3A_627 = tpu.vector_load %arg6[%swap3A_624, %swap3A_625, %swap3A_626] {strides = array<i32>} : memref<12x50x128xf32, #tpu.memory_space<vmem>>, vector<1x1x16xf32>,
          %swap3A_628 = vector.shape_cast %swap3A_627 : vector<1x1x16xf32> to vector<16xf32>
          %swap3A_629 = vector.shape_cast %mul3A_622 : vector<16xf32> to vector<1x1x16xf32>
          tpu.vector_store %arg6[%swap3A_624, %swap3A_625, %swap3A_626], %swap3A_629 {strides = array<i32>} : memref<12x50x128xf32, #tpu.memory_space<vmem>>, vector<1x1x16xf32>,
          %get3A_630 = arith.constant 5 : i32
          %get3A_631 = arith.index_cast %get3A_630 : i32 to index
          %get3A_632 = arith.index_cast %scan3A_567 : i32 to index
          %get3A_633 = arith.constant 64 : index
          %get3A_634 = tpu.vector_load %arg6[%get3A_631, %get3A_632, %get3A_633] {strides = array<i32>} : memref<12x50x128xf32, #tpu.memory_space<vmem>>, vector<1x1x16xf32>,
          %get3A_635 = vector.shape_cast %get3A_634 : vector<1x1x16xf32> to vector<16xf32>
          %mul3A_636 = arith.constant 11.3137083 : f32
          %mul3A_637 = vector.broadcast %mul3A_636 : f32 to vector<16xf32>
          %mul3A_638 = arith.mulf %get3A_635, %mul3A_637 : vector<16xf32>
          %swap3A_639 = arith.constant 5 : i32
          %swap3A_640 = arith.index_cast %swap3A_639 : i32 to index
          %swap3A_641 = arith.index_cast %scan3A_567 : i32 to index
          %swap3A_642 = arith.constant 64 : index
          %swap3A_643 = tpu.vector_load %arg6[%swap3A_640, %swap3A_641, %swap3A_642] {strides = array<i32>} : memref<12x50x128xf32, #tpu.memory_space<vmem>>, vector<1x1x16xf32>,
          %swap3A_644 = vector.shape_cast %swap3A_643 : vector<1x1x16xf32> to vector<16xf32>
          %swap3A_645 = vector.shape_cast %mul3A_638 : vector<16xf32> to vector<1x1x16xf32>
          tpu.vector_store %arg6[%swap3A_640, %swap3A_641, %swap3A_642], %swap3A_645 {strides = array<i32>} : memref<12x50x128xf32, #tpu.memory_space<vmem>>, vector<1x1x16xf32>,
          %get3A_646 = arith.constant 5 : i32
          %get3A_647 = arith.index_cast %get3A_646 : i32 to index
          %get3A_648 = arith.index_cast %scan3A_567 : i32 to index
          %get3A_649 = arith.constant 80 : index
          %get3A_650 = tpu.vector_load %arg6[%get3A_647, %get3A_648, %get3A_649] {strides = array<i32>} : memref<12x50x128xf32, #tpu.memory_space<vmem>>, vector<1x1x16xf32>,
          %get3A_651 = vector.shape_cast %get3A_650 : vector<1x1x16xf32> to vector<16xf32>
          %mul3A_652 = arith.constant 11.3137083 : f32
          %mul3A_653 = vector.broadcast %mul3A_652 : f32 to vector<16xf32>
          %mul3A_654 = arith.mulf %get3A_651, %mul3A_653 : vector<16xf32>
          %swap3A_655 = arith.constant 5 : i32
          %swap3A_656 = arith.index_cast %swap3A_655 : i32 to index
          %swap3A_657 = arith.index_cast %scan3A_567 : i32 to index
          %swap3A_658 = arith.constant 80 : index
          %swap3A_659 = tpu.vector_load %arg6[%swap3A_656, %swap3A_657, %swap3A_658] {strides = array<i32>} : memref<12x50x128xf32, #tpu.memory_space<vmem>>, vector<1x1x16xf32>,
          %swap3A_660 = vector.shape_cast %swap3A_659 : vector<1x1x16xf32> to vector<16xf32>
          %swap3A_661 = vector.shape_cast %mul3A_654 : vector<16xf32> to vector<1x1x16xf32>
          tpu.vector_store %arg6[%swap3A_656, %swap3A_657, %swap3A_658], %swap3A_661 {strides = array<i32>} : memref<12x50x128xf32, #tpu.memory_space<vmem>>, vector<1x1x16xf32>,
          %get3A_662 = arith.constant 5 : i32
          %get3A_663 = arith.index_cast %get3A_662 : i32 to index
          %get3A_664 = arith.index_cast %scan3A_567 : i32 to index
          %get3A_665 = arith.constant 96 : index
          %get3A_666 = tpu.vector_load %arg6[%get3A_663, %get3A_664, %get3A_665] {strides = array<i32>} : memref<12x50x128xf32, #tpu.memory_space<vmem>>, vector<1x1x16xf32>,
          %get3A_667 = vector.shape_cast %get3A_666 : vector<1x1x16xf32> to vector<16xf32>
          %mul3A_668 = arith.constant 11.3137083 : f32
          %mul3A_669 = vector.broadcast %mul3A_668 : f32 to vector<16xf32>
          %mul3A_670 = arith.mulf %get3A_667, %mul3A_669 : vector<16xf32>
          %swap3A_671 = arith.constant 5 : i32
          %swap3A_672 = arith.index_cast %swap3A_671 : i32 to index
          %swap3A_673 = arith.index_cast %scan3A_567 : i32 to index
          %swap3A_674 = arith.constant 96 : index
          %swap3A_675 = tpu.vector_load %arg6[%swap3A_672, %swap3A_673, %swap3A_674] {strides = array<i32>} : memref<12x50x128xf32, #tpu.memory_space<vmem>>, vector<1x1x16xf32>,
          %swap3A_676 = vector.shape_cast %swap3A_675 : vector<1x1x16xf32> to vector<16xf32>
          %swap3A_677 = vector.shape_cast %mul3A_670 : vector<16xf32> to vector<1x1x16xf32>
          tpu.vector_store %arg6[%swap3A_672, %swap3A_673, %swap3A_674], %swap3A_677 {strides = array<i32>} : memref<12x50x128xf32, #tpu.memory_space<vmem>>, vector<1x1x16xf32>,
          %get3A_678 = arith.constant 5 : i32
          %get3A_679 = arith.index_cast %get3A_678 : i32 to index
          %get3A_680 = arith.index_cast %scan3A_567 : i32 to index
          %get3A_681 = arith.constant 112 : index
          %get3A_682 = tpu.vector_load %arg6[%get3A_679, %get3A_680, %get3A_681] {strides = array<i32>} : memref<12x50x128xf32, #tpu.memory_space<vmem>>, vector<1x1x16xf32>,
          %get3A_683 = vector.shape_cast %get3A_682 : vector<1x1x16xf32> to vector<16xf32>
          %mul3A_684 = arith.constant 11.3137083 : f32
          %mul3A_685 = vector.broadcast %mul3A_684 : f32 to vector<16xf32>
          %mul3A_686 = arith.mulf %get3A_683, %mul3A_685 : vector<16xf32>
          %swap3A_687 = arith.constant 5 : i32
          %swap3A_688 = arith.index_cast %swap3A_687 : i32 to index
          %swap3A_689 = arith.index_cast %scan3A_567 : i32 to index
          %swap3A_690 = arith.constant 112 : index
          %swap3A_691 = tpu.vector_load %arg6[%swap3A_688, %swap3A_689, %swap3A_690] {strides = array<i32>} : memref<12x50x128xf32, #tpu.memory_space<vmem>>, vector<1x1x16xf32>,
          %swap3A_692 = vector.shape_cast %swap3A_691 : vector<1x1x16xf32> to vector<16xf32>
          %swap3A_693 = vector.shape_cast %mul3A_686 : vector<16xf32> to vector<1x1x16xf32>
          tpu.vector_store %arg6[%swap3A_688, %swap3A_689, %swap3A_690], %swap3A_693 {strides = array<i32>} : memref<12x50x128xf32, #tpu.memory_space<vmem>>, vector<1x1x16xf32>,
        }
        %scan3A_537 = arith.constant 50 : i32
        %add3A_538 = arith.addi %mul3A_2, %add3A_457 : i32
        %dma_start3A_539 = arith.constant 5 : i32
        %dma_start3A_540 = arith.constant 5 : i32
        %dma_start3A_541 = arith.constant 0 : i32
        %dma_start3A_542 = arith.constant 0 : i32
        %dma_start3A_543 = tpu.memref_slice %arg6[%dma_start3A_539, %dma_start3A_541, %dma_start3A_542] : memref<12x50x128xf32, #tpu.memory_space<vmem>> -> memref<1x50x128xf32, #tpu.memory_space<vmem>>
        %dma_start3A_544 = tpu.memref_squeeze %dma_start3A_543 : memref<1x50x128xf32, #tpu.memory_space<vmem>> -> memref<50x128xf32, #tpu.memory_space<vmem>>
        %dma_start3A_545 = arith.constant 0 : i32
        %dma_start3A_546 = arith.constant 0 : i32
        %dma_start3A_547 = tpu.memref_slice %arg4[%add3A_538, %dma_start3A_545, %dma_start3A_546] : memref<4096x50x128xf32, #tpu.memory_space<hbm>> -> memref<1x50x128xf32, #tpu.memory_space<hbm>>
        %dma_start3A_548 = tpu.memref_squeeze %dma_start3A_547 : memref<1x50x128xf32, #tpu.memory_space<hbm>> -> memref<50x128xf32, #tpu.memory_space<hbm>>
        %dma_start3A_549 = tpu.memref_slice %arg8[%dma_start3A_540] : memref<12x!tpu.dma_semaphore, #tpu.memory_space<semaphore_mem>> -> memref<1x!tpu.dma_semaphore, #tpu.memory_space<semaphore_mem>>
        %dma_start3A_550 = tpu.memref_squeeze %dma_start3A_549 : memref<1x!tpu.dma_semaphore, #tpu.memory_space<semaphore_mem>> -> memref<!tpu.dma_semaphore, #tpu.memory_space<semaphore_mem>>
        %dma_start3A_551 = arith.constant 0 : i32
        %dma_start3A_552 = arith.constant 0 : i32
        %dma_start3A_553 = tpu.memref_slice %arg4[%add3A_538, %dma_start3A_551, %dma_start3A_552] : memref<4096x50x128xf32, #tpu.memory_space<hbm>> -> memref<1x50x128xf32, #tpu.memory_space<hbm>>
        %dma_start3A_554 = tpu.memref_squeeze %dma_start3A_553 : memref<1x50x128xf32, #tpu.memory_space<hbm>> -> memref<50x128xf32, #tpu.memory_space<hbm>>
        %dma_start3A_555 = arith.constant 0 : i32
        %dma_start3A_556 = arith.constant 0 : i32
        %dma_start3A_557 = tpu.memref_slice %arg6[%dma_start3A_539, %dma_start3A_555, %dma_start3A_556] : memref<12x50x128xf32, #tpu.memory_space<vmem>> -> memref<1x50x128xf32, #tpu.memory_space<vmem>>
        %dma_start3A_558 = tpu.memref_squeeze %dma_start3A_557 : memref<1x50x128xf32, #tpu.memory_space<vmem>> -> memref<50x128xf32, #tpu.memory_space<vmem>>
        tpu.enqueue_dma source(%dma_start3A_558 : memref<50x128xf32, #tpu.memory_space<vmem>>) target(%dma_start3A_554 : memref<50x128xf32, #tpu.memory_space<hbm>>) target_semaphore(%dma_start3A_550 : memref<!tpu.dma_semaphore, #tpu.memory_space<semaphore_mem>>)
        %add3A_559 = arith.constant 12 : i32
        %add3A_560 = arith.addi %add3A_457, %add3A_559 : i32
        %sub3A = arith.constant 1 : i32
        %sub3A_561 = arith.subi %add3A_560, %sub3A : i32
        %lt3A_562 = arith.constant 128 : i32
        %lt3A_563 = arith.cmpi slt, %sub3A_561, %lt3A_562 : i32
        %convert_element_type3A_564 = arith.extui %lt3A_563 : i1 to i32
        %cond3A_565 = arith.constant 0 : i32
        %cond3A_566 = arith.cmpi ne, %convert_element_type3A_564, %cond3A_565 : i32
        scf.if %cond3A_566 {
          %ge3A = arith.constant 1 : i32
          %ge3A_567 = arith.cmpi sge, %add3A_457, %ge3A : i32
          %convert_element_type3A_568 = arith.extui %ge3A_567 : i1 to i32
          %cond3A_569 = arith.constant 0 : i32
          %cond3A_570 = arith.cmpi ne, %convert_element_type3A_568, %cond3A_569 : i32
          scf.if %cond3A_570 {
            %dma_wait3A_585 = arith.constant 4 : i32
            %dma_wait3A_586 = arith.constant 4 : i32
            %dma_wait3A_587 = arith.constant 0 : i32
            %dma_wait3A_588 = arith.constant 0 : i32
            %dma_wait3A_589 = tpu.memref_slice %arg6[%dma_wait3A_585, %dma_wait3A_587, %dma_wait3A_588] : memref<12x50x128xf32, #tpu.memory_space<vmem>> -> memref<1x50x128xf32, #tpu.memory_space<vmem>>
            %dma_wait3A_590 = tpu.memref_squeeze %dma_wait3A_589 : memref<1x50x128xf32, #tpu.memory_space<vmem>> -> memref<50x128xf32, #tpu.memory_space<vmem>>
            %dma_wait3A_591 = arith.constant 0 : i32
            %dma_wait3A_592 = arith.constant 0 : i32
            %dma_wait3A_593 = tpu.memref_slice %arg4[%mul3A_2, %dma_wait3A_591, %dma_wait3A_592] : memref<4096x50x128xf32, #tpu.memory_space<hbm>> -> memref<1x50x128xf32, #tpu.memory_space<hbm>>
            %dma_wait3A_594 = tpu.memref_squeeze %dma_wait3A_593 : memref<1x50x128xf32, #tpu.memory_space<hbm>> -> memref<50x128xf32, #tpu.memory_space<hbm>>
            %dma_wait3A_595 = tpu.memref_slice %arg8[%dma_wait3A_586] : memref<12x!tpu.dma_semaphore, #tpu.memory_space<semaphore_mem>> -> memref<1x!tpu.dma_semaphore, #tpu.memory_space<semaphore_mem>>
            %dma_wait3A_596 = tpu.memref_squeeze %dma_wait3A_595 : memref<1x!tpu.dma_semaphore, #tpu.memory_space<semaphore_mem>> -> memref<!tpu.dma_semaphore, #tpu.memory_space<semaphore_mem>>
            %dma_wait3A_597 = arith.constant 0 : i32
            %dma_wait3A_598 = arith.constant 0 : i32
            %dma_wait3A_599 = tpu.memref_slice %arg4[%mul3A_2, %dma_wait3A_597, %dma_wait3A_598] : memref<4096x50x128xf32, #tpu.memory_space<hbm>> -> memref<1x50x128xf32, #tpu.memory_space<hbm>>
            %dma_wait3A_600 = tpu.memref_squeeze %dma_wait3A_599 : memref<1x50x128xf32, #tpu.memory_space<hbm>> -> memref<50x128xf32, #tpu.memory_space<hbm>>
            %dma_wait3A_601 = arith.constant 0 : i32
            %dma_wait3A_602 = arith.constant 0 : i32
            %dma_wait3A_603 = tpu.memref_slice %arg6[%dma_wait3A_585, %dma_wait3A_601, %dma_wait3A_602] : memref<12x50x128xf32, #tpu.memory_space<vmem>> -> memref<1x50x128xf32, #tpu.memory_space<vmem>>
            %dma_wait3A_604 = tpu.memref_squeeze %dma_wait3A_603 : memref<1x50x128xf32, #tpu.memory_space<vmem>> -> memref<50x128xf32, #tpu.memory_space<vmem>>
            tpu.wait_dma2 semaphore(%dma_wait3A_596 : memref<!tpu.dma_semaphore, #tpu.memory_space<semaphore_mem>>) src(%dma_wait3A_604 : memref<50x128xf32, #tpu.memory_space<vmem>>) dst(%dma_wait3A_600 : memref<50x128xf32, #tpu.memory_space<hbm>>)
          } else {
          }
          %dma_start3A_571 = arith.constant 4 : i32
          %dma_start3A_572 = arith.constant 4 : i32
          %dma_start3A_573 = arith.constant 0 : i32
          %dma_start3A_574 = arith.constant 0 : i32
          %dma_start3A_575 = tpu.memref_slice %arg6[%dma_start3A_571, %dma_start3A_573, %dma_start3A_574] : memref<12x50x128xf32, #tpu.memory_space<vmem>> -> memref<1x50x128xf32, #tpu.memory_space<vmem>>
          %dma_start3A_576 = tpu.memref_squeeze %dma_start3A_575 : memref<1x50x128xf32, #tpu.memory_space<vmem>> -> memref<50x128xf32, #tpu.memory_space<vmem>>
          %dma_start3A_577 = arith.constant 0 : i32
          %dma_start3A_578 = tpu.memref_slice %arg5[%sub3A_561, %dma_start3A_577] : memref<128x50xi32, #tpu.memory_space<vmem>> -> memref<1x50xi32, #tpu.memory_space<vmem>>
          %dma_start3A_579 = tpu.memref_squeeze %dma_start3A_578 : memref<1x50xi32, #tpu.memory_space<vmem>> -> memref<50xi32, #tpu.memory_space<vmem>>
          %dma_start3A_580 = arith.constant 0 : i32
          %dma_start3A_581 = arith.constant 0 : i32
          %dma_start3A_582 = tpu.memref_slice %arg2[%dma_start3A_580, %dma_start3A_581] : memref<100000x128xf32, #tpu.memory_space<hbm>> -> memref<100000x128xf32, #tpu.memory_space<hbm>>
          %dma_start3A_583 = tpu.memref_slice %arg7[%dma_start3A_572] : memref<12x!tpu.dma_semaphore, #tpu.memory_space<semaphore_mem>> -> memref<1x!tpu.dma_semaphore, #tpu.memory_space<semaphore_mem>>
          %dma_start3A_584 = tpu.memref_squeeze %dma_start3A_583 : memref<1x!tpu.dma_semaphore, #tpu.memory_space<semaphore_mem>> -> memref<!tpu.dma_semaphore, #tpu.memory_space<semaphore_mem>>
          tpu.enqueue_indirect_dma source(%dma_start3A_582 : memref<100000x128xf32, #tpu.memory_space<hbm>>) target(%dma_start3A_576 : memref<50x128xf32, #tpu.memory_space<vmem>>) offsets(%dma_start3A_579 : memref<50xi32, #tpu.memory_space<vmem>>) semaphore(%dma_start3A_584 : memref<!tpu.dma_semaphore, #tpu.memory_space<semaphore_mem>>)
        } else {
        }
      } else {
      }
      %mul3A_463 = arith.constant 12 : i32
      %mul3A_464 = arith.muli %scan3A_411, %mul3A_463 : i32
      %add3A_465 = arith.constant 6 : i32
      %add3A_466 = arith.addi %mul3A_464, %add3A_465 : i32
      %lt3A_467 = arith.constant 128 : i32
      %lt3A_468 = arith.cmpi slt, %add3A_466, %lt3A_467 : i32
      %convert_element_type3A_469 = arith.extui %lt3A_468 : i1 to i32
      %cond3A_470 = arith.constant 0 : i32
      %cond3A_471 = arith.cmpi ne, %convert_element_type3A_469, %cond3A_470 : i32
      scf.if %cond3A_471 {
        %dma_wait3A_517 = arith.constant 0 : i32
        %dma_wait3A_518 = arith.constant 6 : i32
        %dma_wait3A_519 = arith.constant 6 : i32
        %dma_wait3A_520 = arith.constant 0 : i32
        %dma_wait3A_521 = arith.constant 0 : i32
        %dma_wait3A_522 = tpu.memref_slice %arg6[%dma_wait3A_518, %dma_wait3A_520, %dma_wait3A_521] : memref<12x50x128xf32, #tpu.memory_space<vmem>> -> memref<1x50x128xf32, #tpu.memory_space<vmem>>
        %dma_wait3A_523 = tpu.memref_squeeze %dma_wait3A_522 : memref<1x50x128xf32, #tpu.memory_space<vmem>> -> memref<50x128xf32, #tpu.memory_space<vmem>>
        %dma_wait3A_524 = arith.constant 0 : i32
        %dma_wait3A_525 = tpu.memref_slice %arg5[%dma_wait3A_517, %dma_wait3A_524] : memref<128x50xi32, #tpu.memory_space<vmem>> -> memref<1x50xi32, #tpu.memory_space<vmem>>
        %dma_wait3A_526 = tpu.memref_squeeze %dma_wait3A_525 : memref<1x50xi32, #tpu.memory_space<vmem>> -> memref<50xi32, #tpu.memory_space<vmem>>
        %dma_wait3A_527 = arith.constant 0 : i32
        %dma_wait3A_528 = arith.constant 0 : i32
        %dma_wait3A_529 = tpu.memref_slice %arg2[%dma_wait3A_527, %dma_wait3A_528] : memref<100000x128xf32, #tpu.memory_space<hbm>> -> memref<100000x128xf32, #tpu.memory_space<hbm>>
        %dma_wait3A_530 = tpu.memref_slice %arg7[%dma_wait3A_519] : memref<12x!tpu.dma_semaphore, #tpu.memory_space<semaphore_mem>> -> memref<1x!tpu.dma_semaphore, #tpu.memory_space<semaphore_mem>>
        %dma_wait3A_531 = tpu.memref_squeeze %dma_wait3A_530 : memref<1x!tpu.dma_semaphore, #tpu.memory_space<semaphore_mem>> -> memref<!tpu.dma_semaphore, #tpu.memory_space<semaphore_mem>>
        tpu.wait_indirect_dma semaphore(%dma_wait3A_531 : memref<!tpu.dma_semaphore, #tpu.memory_space<semaphore_mem>>) src(%dma_wait3A_529 : memref<100000x128xf32, #tpu.memory_space<hbm>>) dst(%dma_wait3A_523 : memref<50x128xf32, #tpu.memory_space<vmem>>)
        %scan3A_532 = arith.constant 0 : i32
        %scan3A_533 = arith.constant 0 : i32
        %scan3A_534 = arith.constant 50 : i32
        %scan3A_535 = arith.addi %scan3A_533, %scan3A_534 : i32
        %scan3A_536 = arith.constant 1 : i32
        scf.for %scan3A_567 = %scan3A_533 to %scan3A_535 step %scan3A_536  : i32 {
          %get3A = arith.constant 6 : i32
          %get3A_568 = arith.index_cast %get3A : i32 to index
          %get3A_569 = arith.index_cast %scan3A_567 : i32 to index
          %get3A_570 = arith.constant 0 : index
          %get3A_571 = tpu.vector_load %arg6[%get3A_568, %get3A_569, %get3A_570] {strides = array<i32>} : memref<12x50x128xf32, #tpu.memory_space<vmem>>, vector<1x1x16xf32>,
          %get3A_572 = vector.shape_cast %get3A_571 : vector<1x1x16xf32> to vector<16xf32>
          %mul3A_573 = arith.constant 11.3137083 : f32
          %mul3A_574 = vector.broadcast %mul3A_573 : f32 to vector<16xf32>
          %mul3A_575 = arith.mulf %get3A_572, %mul3A_574 : vector<16xf32>
          %swap3A = arith.constant 6 : i32
          %swap3A_576 = arith.index_cast %swap3A : i32 to index
          %swap3A_577 = arith.index_cast %scan3A_567 : i32 to index
          %swap3A_578 = arith.constant 0 : index
          %swap3A_579 = tpu.vector_load %arg6[%swap3A_576, %swap3A_577, %swap3A_578] {strides = array<i32>} : memref<12x50x128xf32, #tpu.memory_space<vmem>>, vector<1x1x16xf32>,
          %swap3A_580 = vector.shape_cast %swap3A_579 : vector<1x1x16xf32> to vector<16xf32>
          %swap3A_581 = vector.shape_cast %mul3A_575 : vector<16xf32> to vector<1x1x16xf32>
          tpu.vector_store %arg6[%swap3A_576, %swap3A_577, %swap3A_578], %swap3A_581 {strides = array<i32>} : memref<12x50x128xf32, #tpu.memory_space<vmem>>, vector<1x1x16xf32>,
          %get3A_582 = arith.constant 6 : i32
          %get3A_583 = arith.index_cast %get3A_582 : i32 to index
          %get3A_584 = arith.index_cast %scan3A_567 : i32 to index
          %get3A_585 = arith.constant 16 : index
          %get3A_586 = tpu.vector_load %arg6[%get3A_583, %get3A_584, %get3A_585] {strides = array<i32>} : memref<12x50x128xf32, #tpu.memory_space<vmem>>, vector<1x1x16xf32>,
          %get3A_587 = vector.shape_cast %get3A_586 : vector<1x1x16xf32> to vector<16xf32>
          %mul3A_588 = arith.constant 11.3137083 : f32
          %mul3A_589 = vector.broadcast %mul3A_588 : f32 to vector<16xf32>
          %mul3A_590 = arith.mulf %get3A_587, %mul3A_589 : vector<16xf32>
          %swap3A_591 = arith.constant 6 : i32
          %swap3A_592 = arith.index_cast %swap3A_591 : i32 to index
          %swap3A_593 = arith.index_cast %scan3A_567 : i32 to index
          %swap3A_594 = arith.constant 16 : index
          %swap3A_595 = tpu.vector_load %arg6[%swap3A_592, %swap3A_593, %swap3A_594] {strides = array<i32>} : memref<12x50x128xf32, #tpu.memory_space<vmem>>, vector<1x1x16xf32>,
          %swap3A_596 = vector.shape_cast %swap3A_595 : vector<1x1x16xf32> to vector<16xf32>
          %swap3A_597 = vector.shape_cast %mul3A_590 : vector<16xf32> to vector<1x1x16xf32>
          tpu.vector_store %arg6[%swap3A_592, %swap3A_593, %swap3A_594], %swap3A_597 {strides = array<i32>} : memref<12x50x128xf32, #tpu.memory_space<vmem>>, vector<1x1x16xf32>,
          %get3A_598 = arith.constant 6 : i32
          %get3A_599 = arith.index_cast %get3A_598 : i32 to index
          %get3A_600 = arith.index_cast %scan3A_567 : i32 to index
          %get3A_601 = arith.constant 32 : index
          %get3A_602 = tpu.vector_load %arg6[%get3A_599, %get3A_600, %get3A_601] {strides = array<i32>} : memref<12x50x128xf32, #tpu.memory_space<vmem>>, vector<1x1x16xf32>,
          %get3A_603 = vector.shape_cast %get3A_602 : vector<1x1x16xf32> to vector<16xf32>
          %mul3A_604 = arith.constant 11.3137083 : f32
          %mul3A_605 = vector.broadcast %mul3A_604 : f32 to vector<16xf32>
          %mul3A_606 = arith.mulf %get3A_603, %mul3A_605 : vector<16xf32>
          %swap3A_607 = arith.constant 6 : i32
          %swap3A_608 = arith.index_cast %swap3A_607 : i32 to index
          %swap3A_609 = arith.index_cast %scan3A_567 : i32 to index
          %swap3A_610 = arith.constant 32 : index
          %swap3A_611 = tpu.vector_load %arg6[%swap3A_608, %swap3A_609, %swap3A_610] {strides = array<i32>} : memref<12x50x128xf32, #tpu.memory_space<vmem>>, vector<1x1x16xf32>,
          %swap3A_612 = vector.shape_cast %swap3A_611 : vector<1x1x16xf32> to vector<16xf32>
          %swap3A_613 = vector.shape_cast %mul3A_606 : vector<16xf32> to vector<1x1x16xf32>
          tpu.vector_store %arg6[%swap3A_608, %swap3A_609, %swap3A_610], %swap3A_613 {strides = array<i32>} : memref<12x50x128xf32, #tpu.memory_space<vmem>>, vector<1x1x16xf32>,
          %get3A_614 = arith.constant 6 : i32
          %get3A_615 = arith.index_cast %get3A_614 : i32 to index
          %get3A_616 = arith.index_cast %scan3A_567 : i32 to index
          %get3A_617 = arith.constant 48 : index
          %get3A_618 = tpu.vector_load %arg6[%get3A_615, %get3A_616, %get3A_617] {strides = array<i32>} : memref<12x50x128xf32, #tpu.memory_space<vmem>>, vector<1x1x16xf32>,
          %get3A_619 = vector.shape_cast %get3A_618 : vector<1x1x16xf32> to vector<16xf32>
          %mul3A_620 = arith.constant 11.3137083 : f32
          %mul3A_621 = vector.broadcast %mul3A_620 : f32 to vector<16xf32>
          %mul3A_622 = arith.mulf %get3A_619, %mul3A_621 : vector<16xf32>
          %swap3A_623 = arith.constant 6 : i32
          %swap3A_624 = arith.index_cast %swap3A_623 : i32 to index
          %swap3A_625 = arith.index_cast %scan3A_567 : i32 to index
          %swap3A_626 = arith.constant 48 : index
          %swap3A_627 = tpu.vector_load %arg6[%swap3A_624, %swap3A_625, %swap3A_626] {strides = array<i32>} : memref<12x50x128xf32, #tpu.memory_space<vmem>>, vector<1x1x16xf32>,
          %swap3A_628 = vector.shape_cast %swap3A_627 : vector<1x1x16xf32> to vector<16xf32>
          %swap3A_629 = vector.shape_cast %mul3A_622 : vector<16xf32> to vector<1x1x16xf32>
          tpu.vector_store %arg6[%swap3A_624, %swap3A_625, %swap3A_626], %swap3A_629 {strides = array<i32>} : memref<12x50x128xf32, #tpu.memory_space<vmem>>, vector<1x1x16xf32>,
          %get3A_630 = arith.constant 6 : i32
          %get3A_631 = arith.index_cast %get3A_630 : i32 to index
          %get3A_632 = arith.index_cast %scan3A_567 : i32 to index
          %get3A_633 = arith.constant 64 : index
          %get3A_634 = tpu.vector_load %arg6[%get3A_631, %get3A_632, %get3A_633] {strides = array<i32>} : memref<12x50x128xf32, #tpu.memory_space<vmem>>, vector<1x1x16xf32>,
          %get3A_635 = vector.shape_cast %get3A_634 : vector<1x1x16xf32> to vector<16xf32>
          %mul3A_636 = arith.constant 11.3137083 : f32
          %mul3A_637 = vector.broadcast %mul3A_636 : f32 to vector<16xf32>
          %mul3A_638 = arith.mulf %get3A_635, %mul3A_637 : vector<16xf32>
          %swap3A_639 = arith.constant 6 : i32
          %swap3A_640 = arith.index_cast %swap3A_639 : i32 to index
          %swap3A_641 = arith.index_cast %scan3A_567 : i32 to index
          %swap3A_642 = arith.constant 64 : index
          %swap3A_643 = tpu.vector_load %arg6[%swap3A_640, %swap3A_641, %swap3A_642] {strides = array<i32>} : memref<12x50x128xf32, #tpu.memory_space<vmem>>, vector<1x1x16xf32>,
          %swap3A_644 = vector.shape_cast %swap3A_643 : vector<1x1x16xf32> to vector<16xf32>
          %swap3A_645 = vector.shape_cast %mul3A_638 : vector<16xf32> to vector<1x1x16xf32>
          tpu.vector_store %arg6[%swap3A_640, %swap3A_641, %swap3A_642], %swap3A_645 {strides = array<i32>} : memref<12x50x128xf32, #tpu.memory_space<vmem>>, vector<1x1x16xf32>,
          %get3A_646 = arith.constant 6 : i32
          %get3A_647 = arith.index_cast %get3A_646 : i32 to index
          %get3A_648 = arith.index_cast %scan3A_567 : i32 to index
          %get3A_649 = arith.constant 80 : index
          %get3A_650 = tpu.vector_load %arg6[%get3A_647, %get3A_648, %get3A_649] {strides = array<i32>} : memref<12x50x128xf32, #tpu.memory_space<vmem>>, vector<1x1x16xf32>,
          %get3A_651 = vector.shape_cast %get3A_650 : vector<1x1x16xf32> to vector<16xf32>
          %mul3A_652 = arith.constant 11.3137083 : f32
          %mul3A_653 = vector.broadcast %mul3A_652 : f32 to vector<16xf32>
          %mul3A_654 = arith.mulf %get3A_651, %mul3A_653 : vector<16xf32>
          %swap3A_655 = arith.constant 6 : i32
          %swap3A_656 = arith.index_cast %swap3A_655 : i32 to index
          %swap3A_657 = arith.index_cast %scan3A_567 : i32 to index
          %swap3A_658 = arith.constant 80 : index
          %swap3A_659 = tpu.vector_load %arg6[%swap3A_656, %swap3A_657, %swap3A_658] {strides = array<i32>} : memref<12x50x128xf32, #tpu.memory_space<vmem>>, vector<1x1x16xf32>,
          %swap3A_660 = vector.shape_cast %swap3A_659 : vector<1x1x16xf32> to vector<16xf32>
          %swap3A_661 = vector.shape_cast %mul3A_654 : vector<16xf32> to vector<1x1x16xf32>
          tpu.vector_store %arg6[%swap3A_656, %swap3A_657, %swap3A_658], %swap3A_661 {strides = array<i32>} : memref<12x50x128xf32, #tpu.memory_space<vmem>>, vector<1x1x16xf32>,
          %get3A_662 = arith.constant 6 : i32
          %get3A_663 = arith.index_cast %get3A_662 : i32 to index
          %get3A_664 = arith.index_cast %scan3A_567 : i32 to index
          %get3A_665 = arith.constant 96 : index
          %get3A_666 = tpu.vector_load %arg6[%get3A_663, %get3A_664, %get3A_665] {strides = array<i32>} : memref<12x50x128xf32, #tpu.memory_space<vmem>>, vector<1x1x16xf32>,
          %get3A_667 = vector.shape_cast %get3A_666 : vector<1x1x16xf32> to vector<16xf32>
          %mul3A_668 = arith.constant 11.3137083 : f32
          %mul3A_669 = vector.broadcast %mul3A_668 : f32 to vector<16xf32>
          %mul3A_670 = arith.mulf %get3A_667, %mul3A_669 : vector<16xf32>
          %swap3A_671 = arith.constant 6 : i32
          %swap3A_672 = arith.index_cast %swap3A_671 : i32 to index
          %swap3A_673 = arith.index_cast %scan3A_567 : i32 to index
          %swap3A_674 = arith.constant 96 : index
          %swap3A_675 = tpu.vector_load %arg6[%swap3A_672, %swap3A_673, %swap3A_674] {strides = array<i32>} : memref<12x50x128xf32, #tpu.memory_space<vmem>>, vector<1x1x16xf32>,
          %swap3A_676 = vector.shape_cast %swap3A_675 : vector<1x1x16xf32> to vector<16xf32>
          %swap3A_677 = vector.shape_cast %mul3A_670 : vector<16xf32> to vector<1x1x16xf32>
          tpu.vector_store %arg6[%swap3A_672, %swap3A_673, %swap3A_674], %swap3A_677 {strides = array<i32>} : memref<12x50x128xf32, #tpu.memory_space<vmem>>, vector<1x1x16xf32>,
          %get3A_678 = arith.constant 6 : i32
          %get3A_679 = arith.index_cast %get3A_678 : i32 to index
          %get3A_680 = arith.index_cast %scan3A_567 : i32 to index
          %get3A_681 = arith.constant 112 : index
          %get3A_682 = tpu.vector_load %arg6[%get3A_679, %get3A_680, %get3A_681] {strides = array<i32>} : memref<12x50x128xf32, #tpu.memory_space<vmem>>, vector<1x1x16xf32>,
          %get3A_683 = vector.shape_cast %get3A_682 : vector<1x1x16xf32> to vector<16xf32>
          %mul3A_684 = arith.constant 11.3137083 : f32
          %mul3A_685 = vector.broadcast %mul3A_684 : f32 to vector<16xf32>
          %mul3A_686 = arith.mulf %get3A_683, %mul3A_685 : vector<16xf32>
          %swap3A_687 = arith.constant 6 : i32
          %swap3A_688 = arith.index_cast %swap3A_687 : i32 to index
          %swap3A_689 = arith.index_cast %scan3A_567 : i32 to index
          %swap3A_690 = arith.constant 112 : index
          %swap3A_691 = tpu.vector_load %arg6[%swap3A_688, %swap3A_689, %swap3A_690] {strides = array<i32>} : memref<12x50x128xf32, #tpu.memory_space<vmem>>, vector<1x1x16xf32>,
          %swap3A_692 = vector.shape_cast %swap3A_691 : vector<1x1x16xf32> to vector<16xf32>
          %swap3A_693 = vector.shape_cast %mul3A_686 : vector<16xf32> to vector<1x1x16xf32>
          tpu.vector_store %arg6[%swap3A_688, %swap3A_689, %swap3A_690], %swap3A_693 {strides = array<i32>} : memref<12x50x128xf32, #tpu.memory_space<vmem>>, vector<1x1x16xf32>,
        }
        %scan3A_537 = arith.constant 50 : i32
        %add3A_538 = arith.addi %mul3A_2, %add3A_466 : i32
        %dma_start3A_539 = arith.constant 6 : i32
        %dma_start3A_540 = arith.constant 6 : i32
        %dma_start3A_541 = arith.constant 0 : i32
        %dma_start3A_542 = arith.constant 0 : i32
        %dma_start3A_543 = tpu.memref_slice %arg6[%dma_start3A_539, %dma_start3A_541, %dma_start3A_542] : memref<12x50x128xf32, #tpu.memory_space<vmem>> -> memref<1x50x128xf32, #tpu.memory_space<vmem>>
        %dma_start3A_544 = tpu.memref_squeeze %dma_start3A_543 : memref<1x50x128xf32, #tpu.memory_space<vmem>> -> memref<50x128xf32, #tpu.memory_space<vmem>>
        %dma_start3A_545 = arith.constant 0 : i32
        %dma_start3A_546 = arith.constant 0 : i32
        %dma_start3A_547 = tpu.memref_slice %arg4[%add3A_538, %dma_start3A_545, %dma_start3A_546] : memref<4096x50x128xf32, #tpu.memory_space<hbm>> -> memref<1x50x128xf32, #tpu.memory_space<hbm>>
        %dma_start3A_548 = tpu.memref_squeeze %dma_start3A_547 : memref<1x50x128xf32, #tpu.memory_space<hbm>> -> memref<50x128xf32, #tpu.memory_space<hbm>>
        %dma_start3A_549 = tpu.memref_slice %arg8[%dma_start3A_540] : memref<12x!tpu.dma_semaphore, #tpu.memory_space<semaphore_mem>> -> memref<1x!tpu.dma_semaphore, #tpu.memory_space<semaphore_mem>>
        %dma_start3A_550 = tpu.memref_squeeze %dma_start3A_549 : memref<1x!tpu.dma_semaphore, #tpu.memory_space<semaphore_mem>> -> memref<!tpu.dma_semaphore, #tpu.memory_space<semaphore_mem>>
        %dma_start3A_551 = arith.constant 0 : i32
        %dma_start3A_552 = arith.constant 0 : i32
        %dma_start3A_553 = tpu.memref_slice %arg4[%add3A_538, %dma_start3A_551, %dma_start3A_552] : memref<4096x50x128xf32, #tpu.memory_space<hbm>> -> memref<1x50x128xf32, #tpu.memory_space<hbm>>
        %dma_start3A_554 = tpu.memref_squeeze %dma_start3A_553 : memref<1x50x128xf32, #tpu.memory_space<hbm>> -> memref<50x128xf32, #tpu.memory_space<hbm>>
        %dma_start3A_555 = arith.constant 0 : i32
        %dma_start3A_556 = arith.constant 0 : i32
        %dma_start3A_557 = tpu.memref_slice %arg6[%dma_start3A_539, %dma_start3A_555, %dma_start3A_556] : memref<12x50x128xf32, #tpu.memory_space<vmem>> -> memref<1x50x128xf32, #tpu.memory_space<vmem>>
        %dma_start3A_558 = tpu.memref_squeeze %dma_start3A_557 : memref<1x50x128xf32, #tpu.memory_space<vmem>> -> memref<50x128xf32, #tpu.memory_space<vmem>>
        tpu.enqueue_dma source(%dma_start3A_558 : memref<50x128xf32, #tpu.memory_space<vmem>>) target(%dma_start3A_554 : memref<50x128xf32, #tpu.memory_space<hbm>>) target_semaphore(%dma_start3A_550 : memref<!tpu.dma_semaphore, #tpu.memory_space<semaphore_mem>>)
        %add3A_559 = arith.constant 12 : i32
        %add3A_560 = arith.addi %add3A_466, %add3A_559 : i32
        %sub3A = arith.constant 1 : i32
        %sub3A_561 = arith.subi %add3A_560, %sub3A : i32
        %lt3A_562 = arith.constant 128 : i32
        %lt3A_563 = arith.cmpi slt, %sub3A_561, %lt3A_562 : i32
        %convert_element_type3A_564 = arith.extui %lt3A_563 : i1 to i32
        %cond3A_565 = arith.constant 0 : i32
        %cond3A_566 = arith.cmpi ne, %convert_element_type3A_564, %cond3A_565 : i32
        scf.if %cond3A_566 {
          %ge3A = arith.constant 1 : i32
          %ge3A_567 = arith.cmpi sge, %add3A_466, %ge3A : i32
          %convert_element_type3A_568 = arith.extui %ge3A_567 : i1 to i32
          %cond3A_569 = arith.constant 0 : i32
          %cond3A_570 = arith.cmpi ne, %convert_element_type3A_568, %cond3A_569 : i32
          scf.if %cond3A_570 {
            %dma_wait3A_585 = arith.constant 5 : i32
            %dma_wait3A_586 = arith.constant 5 : i32
            %dma_wait3A_587 = arith.constant 0 : i32
            %dma_wait3A_588 = arith.constant 0 : i32
            %dma_wait3A_589 = tpu.memref_slice %arg6[%dma_wait3A_585, %dma_wait3A_587, %dma_wait3A_588] : memref<12x50x128xf32, #tpu.memory_space<vmem>> -> memref<1x50x128xf32, #tpu.memory_space<vmem>>
            %dma_wait3A_590 = tpu.memref_squeeze %dma_wait3A_589 : memref<1x50x128xf32, #tpu.memory_space<vmem>> -> memref<50x128xf32, #tpu.memory_space<vmem>>
            %dma_wait3A_591 = arith.constant 0 : i32
            %dma_wait3A_592 = arith.constant 0 : i32
            %dma_wait3A_593 = tpu.memref_slice %arg4[%mul3A_2, %dma_wait3A_591, %dma_wait3A_592] : memref<4096x50x128xf32, #tpu.memory_space<hbm>> -> memref<1x50x128xf32, #tpu.memory_space<hbm>>
            %dma_wait3A_594 = tpu.memref_squeeze %dma_wait3A_593 : memref<1x50x128xf32, #tpu.memory_space<hbm>> -> memref<50x128xf32, #tpu.memory_space<hbm>>
            %dma_wait3A_595 = tpu.memref_slice %arg8[%dma_wait3A_586] : memref<12x!tpu.dma_semaphore, #tpu.memory_space<semaphore_mem>> -> memref<1x!tpu.dma_semaphore, #tpu.memory_space<semaphore_mem>>
            %dma_wait3A_596 = tpu.memref_squeeze %dma_wait3A_595 : memref<1x!tpu.dma_semaphore, #tpu.memory_space<semaphore_mem>> -> memref<!tpu.dma_semaphore, #tpu.memory_space<semaphore_mem>>
            %dma_wait3A_597 = arith.constant 0 : i32
            %dma_wait3A_598 = arith.constant 0 : i32
            %dma_wait3A_599 = tpu.memref_slice %arg4[%mul3A_2, %dma_wait3A_597, %dma_wait3A_598] : memref<4096x50x128xf32, #tpu.memory_space<hbm>> -> memref<1x50x128xf32, #tpu.memory_space<hbm>>
            %dma_wait3A_600 = tpu.memref_squeeze %dma_wait3A_599 : memref<1x50x128xf32, #tpu.memory_space<hbm>> -> memref<50x128xf32, #tpu.memory_space<hbm>>
            %dma_wait3A_601 = arith.constant 0 : i32
            %dma_wait3A_602 = arith.constant 0 : i32
            %dma_wait3A_603 = tpu.memref_slice %arg6[%dma_wait3A_585, %dma_wait3A_601, %dma_wait3A_602] : memref<12x50x128xf32, #tpu.memory_space<vmem>> -> memref<1x50x128xf32, #tpu.memory_space<vmem>>
            %dma_wait3A_604 = tpu.memref_squeeze %dma_wait3A_603 : memref<1x50x128xf32, #tpu.memory_space<vmem>> -> memref<50x128xf32, #tpu.memory_space<vmem>>
            tpu.wait_dma2 semaphore(%dma_wait3A_596 : memref<!tpu.dma_semaphore, #tpu.memory_space<semaphore_mem>>) src(%dma_wait3A_604 : memref<50x128xf32, #tpu.memory_space<vmem>>) dst(%dma_wait3A_600 : memref<50x128xf32, #tpu.memory_space<hbm>>)
          } else {
          }
          %dma_start3A_571 = arith.constant 5 : i32
          %dma_start3A_572 = arith.constant 5 : i32
          %dma_start3A_573 = arith.constant 0 : i32
          %dma_start3A_574 = arith.constant 0 : i32
          %dma_start3A_575 = tpu.memref_slice %arg6[%dma_start3A_571, %dma_start3A_573, %dma_start3A_574] : memref<12x50x128xf32, #tpu.memory_space<vmem>> -> memref<1x50x128xf32, #tpu.memory_space<vmem>>
          %dma_start3A_576 = tpu.memref_squeeze %dma_start3A_575 : memref<1x50x128xf32, #tpu.memory_space<vmem>> -> memref<50x128xf32, #tpu.memory_space<vmem>>
          %dma_start3A_577 = arith.constant 0 : i32
          %dma_start3A_578 = tpu.memref_slice %arg5[%sub3A_561, %dma_start3A_577] : memref<128x50xi32, #tpu.memory_space<vmem>> -> memref<1x50xi32, #tpu.memory_space<vmem>>
          %dma_start3A_579 = tpu.memref_squeeze %dma_start3A_578 : memref<1x50xi32, #tpu.memory_space<vmem>> -> memref<50xi32, #tpu.memory_space<vmem>>
          %dma_start3A_580 = arith.constant 0 : i32
          %dma_start3A_581 = arith.constant 0 : i32
          %dma_start3A_582 = tpu.memref_slice %arg2[%dma_start3A_580, %dma_start3A_581] : memref<100000x128xf32, #tpu.memory_space<hbm>> -> memref<100000x128xf32, #tpu.memory_space<hbm>>
          %dma_start3A_583 = tpu.memref_slice %arg7[%dma_start3A_572] : memref<12x!tpu.dma_semaphore, #tpu.memory_space<semaphore_mem>> -> memref<1x!tpu.dma_semaphore, #tpu.memory_space<semaphore_mem>>
          %dma_start3A_584 = tpu.memref_squeeze %dma_start3A_583 : memref<1x!tpu.dma_semaphore, #tpu.memory_space<semaphore_mem>> -> memref<!tpu.dma_semaphore, #tpu.memory_space<semaphore_mem>>
          tpu.enqueue_indirect_dma source(%dma_start3A_582 : memref<100000x128xf32, #tpu.memory_space<hbm>>) target(%dma_start3A_576 : memref<50x128xf32, #tpu.memory_space<vmem>>) offsets(%dma_start3A_579 : memref<50xi32, #tpu.memory_space<vmem>>) semaphore(%dma_start3A_584 : memref<!tpu.dma_semaphore, #tpu.memory_space<semaphore_mem>>)
        } else {
        }
      } else {
      }
      %mul3A_472 = arith.constant 12 : i32
      %mul3A_473 = arith.muli %scan3A_411, %mul3A_472 : i32
      %add3A_474 = arith.constant 7 : i32
      %add3A_475 = arith.addi %mul3A_473, %add3A_474 : i32
      %lt3A_476 = arith.constant 128 : i32
      %lt3A_477 = arith.cmpi slt, %add3A_475, %lt3A_476 : i32
      %convert_element_type3A_478 = arith.extui %lt3A_477 : i1 to i32
      %cond3A_479 = arith.constant 0 : i32
      %cond3A_480 = arith.cmpi ne, %convert_element_type3A_478, %cond3A_479 : i32
      scf.if %cond3A_480 {
        %dma_wait3A_517 = arith.constant 0 : i32
        %dma_wait3A_518 = arith.constant 7 : i32
        %dma_wait3A_519 = arith.constant 7 : i32
        %dma_wait3A_520 = arith.constant 0 : i32
        %dma_wait3A_521 = arith.constant 0 : i32
        %dma_wait3A_522 = tpu.memref_slice %arg6[%dma_wait3A_518, %dma_wait3A_520, %dma_wait3A_521] : memref<12x50x128xf32, #tpu.memory_space<vmem>> -> memref<1x50x128xf32, #tpu.memory_space<vmem>>
        %dma_wait3A_523 = tpu.memref_squeeze %dma_wait3A_522 : memref<1x50x128xf32, #tpu.memory_space<vmem>> -> memref<50x128xf32, #tpu.memory_space<vmem>>
        %dma_wait3A_524 = arith.constant 0 : i32
        %dma_wait3A_525 = tpu.memref_slice %arg5[%dma_wait3A_517, %dma_wait3A_524] : memref<128x50xi32, #tpu.memory_space<vmem>> -> memref<1x50xi32, #tpu.memory_space<vmem>>
        %dma_wait3A_526 = tpu.memref_squeeze %dma_wait3A_525 : memref<1x50xi32, #tpu.memory_space<vmem>> -> memref<50xi32, #tpu.memory_space<vmem>>
        %dma_wait3A_527 = arith.constant 0 : i32
        %dma_wait3A_528 = arith.constant 0 : i32
        %dma_wait3A_529 = tpu.memref_slice %arg2[%dma_wait3A_527, %dma_wait3A_528] : memref<100000x128xf32, #tpu.memory_space<hbm>> -> memref<100000x128xf32, #tpu.memory_space<hbm>>
        %dma_wait3A_530 = tpu.memref_slice %arg7[%dma_wait3A_519] : memref<12x!tpu.dma_semaphore, #tpu.memory_space<semaphore_mem>> -> memref<1x!tpu.dma_semaphore, #tpu.memory_space<semaphore_mem>>
        %dma_wait3A_531 = tpu.memref_squeeze %dma_wait3A_530 : memref<1x!tpu.dma_semaphore, #tpu.memory_space<semaphore_mem>> -> memref<!tpu.dma_semaphore, #tpu.memory_space<semaphore_mem>>
        tpu.wait_indirect_dma semaphore(%dma_wait3A_531 : memref<!tpu.dma_semaphore, #tpu.memory_space<semaphore_mem>>) src(%dma_wait3A_529 : memref<100000x128xf32, #tpu.memory_space<hbm>>) dst(%dma_wait3A_523 : memref<50x128xf32, #tpu.memory_space<vmem>>)
        %scan3A_532 = arith.constant 0 : i32
        %scan3A_533 = arith.constant 0 : i32
        %scan3A_534 = arith.constant 50 : i32
        %scan3A_535 = arith.addi %scan3A_533, %scan3A_534 : i32
        %scan3A_536 = arith.constant 1 : i32
        scf.for %scan3A_567 = %scan3A_533 to %scan3A_535 step %scan3A_536  : i32 {
          %get3A = arith.constant 7 : i32
          %get3A_568 = arith.index_cast %get3A : i32 to index
          %get3A_569 = arith.index_cast %scan3A_567 : i32 to index
          %get3A_570 = arith.constant 0 : index
          %get3A_571 = tpu.vector_load %arg6[%get3A_568, %get3A_569, %get3A_570] {strides = array<i32>} : memref<12x50x128xf32, #tpu.memory_space<vmem>>, vector<1x1x16xf32>,
          %get3A_572 = vector.shape_cast %get3A_571 : vector<1x1x16xf32> to vector<16xf32>
          %mul3A_573 = arith.constant 11.3137083 : f32
          %mul3A_574 = vector.broadcast %mul3A_573 : f32 to vector<16xf32>
          %mul3A_575 = arith.mulf %get3A_572, %mul3A_574 : vector<16xf32>
          %swap3A = arith.constant 7 : i32
          %swap3A_576 = arith.index_cast %swap3A : i32 to index
          %swap3A_577 = arith.index_cast %scan3A_567 : i32 to index
          %swap3A_578 = arith.constant 0 : index
          %swap3A_579 = tpu.vector_load %arg6[%swap3A_576, %swap3A_577, %swap3A_578] {strides = array<i32>} : memref<12x50x128xf32, #tpu.memory_space<vmem>>, vector<1x1x16xf32>,
          %swap3A_580 = vector.shape_cast %swap3A_579 : vector<1x1x16xf32> to vector<16xf32>
          %swap3A_581 = vector.shape_cast %mul3A_575 : vector<16xf32> to vector<1x1x16xf32>
          tpu.vector_store %arg6[%swap3A_576, %swap3A_577, %swap3A_578], %swap3A_581 {strides = array<i32>} : memref<12x50x128xf32, #tpu.memory_space<vmem>>, vector<1x1x16xf32>,
          %get3A_582 = arith.constant 7 : i32
          %get3A_583 = arith.index_cast %get3A_582 : i32 to index
          %get3A_584 = arith.index_cast %scan3A_567 : i32 to index
          %get3A_585 = arith.constant 16 : index
          %get3A_586 = tpu.vector_load %arg6[%get3A_583, %get3A_584, %get3A_585] {strides = array<i32>} : memref<12x50x128xf32, #tpu.memory_space<vmem>>, vector<1x1x16xf32>,
          %get3A_587 = vector.shape_cast %get3A_586 : vector<1x1x16xf32> to vector<16xf32>
          %mul3A_588 = arith.constant 11.3137083 : f32
          %mul3A_589 = vector.broadcast %mul3A_588 : f32 to vector<16xf32>
          %mul3A_590 = arith.mulf %get3A_587, %mul3A_589 : vector<16xf32>
          %swap3A_591 = arith.constant 7 : i32
          %swap3A_592 = arith.index_cast %swap3A_591 : i32 to index
          %swap3A_593 = arith.index_cast %scan3A_567 : i32 to index
          %swap3A_594 = arith.constant 16 : index
          %swap3A_595 = tpu.vector_load %arg6[%swap3A_592, %swap3A_593, %swap3A_594] {strides = array<i32>} : memref<12x50x128xf32, #tpu.memory_space<vmem>>, vector<1x1x16xf32>,
          %swap3A_596 = vector.shape_cast %swap3A_595 : vector<1x1x16xf32> to vector<16xf32>
          %swap3A_597 = vector.shape_cast %mul3A_590 : vector<16xf32> to vector<1x1x16xf32>
          tpu.vector_store %arg6[%swap3A_592, %swap3A_593, %swap3A_594], %swap3A_597 {strides = array<i32>} : memref<12x50x128xf32, #tpu.memory_space<vmem>>, vector<1x1x16xf32>,
          %get3A_598 = arith.constant 7 : i32
          %get3A_599 = arith.index_cast %get3A_598 : i32 to index
          %get3A_600 = arith.index_cast %scan3A_567 : i32 to index
          %get3A_601 = arith.constant 32 : index
          %get3A_602 = tpu.vector_load %arg6[%get3A_599, %get3A_600, %get3A_601] {strides = array<i32>} : memref<12x50x128xf32, #tpu.memory_space<vmem>>, vector<1x1x16xf32>,
          %get3A_603 = vector.shape_cast %get3A_602 : vector<1x1x16xf32> to vector<16xf32>
          %mul3A_604 = arith.constant 11.3137083 : f32
          %mul3A_605 = vector.broadcast %mul3A_604 : f32 to vector<16xf32>
          %mul3A_606 = arith.mulf %get3A_603, %mul3A_605 : vector<16xf32>
          %swap3A_607 = arith.constant 7 : i32
          %swap3A_608 = arith.index_cast %swap3A_607 : i32 to index
          %swap3A_609 = arith.index_cast %scan3A_567 : i32 to index
          %swap3A_610 = arith.constant 32 : index
          %swap3A_611 = tpu.vector_load %arg6[%swap3A_608, %swap3A_609, %swap3A_610] {strides = array<i32>} : memref<12x50x128xf32, #tpu.memory_space<vmem>>, vector<1x1x16xf32>,
          %swap3A_612 = vector.shape_cast %swap3A_611 : vector<1x1x16xf32> to vector<16xf32>
          %swap3A_613 = vector.shape_cast %mul3A_606 : vector<16xf32> to vector<1x1x16xf32>
          tpu.vector_store %arg6[%swap3A_608, %swap3A_609, %swap3A_610], %swap3A_613 {strides = array<i32>} : memref<12x50x128xf32, #tpu.memory_space<vmem>>, vector<1x1x16xf32>,
          %get3A_614 = arith.constant 7 : i32
          %get3A_615 = arith.index_cast %get3A_614 : i32 to index
          %get3A_616 = arith.index_cast %scan3A_567 : i32 to index
          %get3A_617 = arith.constant 48 : index
          %get3A_618 = tpu.vector_load %arg6[%get3A_615, %get3A_616, %get3A_617] {strides = array<i32>} : memref<12x50x128xf32, #tpu.memory_space<vmem>>, vector<1x1x16xf32>,
          %get3A_619 = vector.shape_cast %get3A_618 : vector<1x1x16xf32> to vector<16xf32>
          %mul3A_620 = arith.constant 11.3137083 : f32
          %mul3A_621 = vector.broadcast %mul3A_620 : f32 to vector<16xf32>
          %mul3A_622 = arith.mulf %get3A_619, %mul3A_621 : vector<16xf32>
          %swap3A_623 = arith.constant 7 : i32
          %swap3A_624 = arith.index_cast %swap3A_623 : i32 to index
          %swap3A_625 = arith.index_cast %scan3A_567 : i32 to index
          %swap3A_626 = arith.constant 48 : index
          %swap3A_627 = tpu.vector_load %arg6[%swap3A_624, %swap3A_625, %swap3A_626] {strides = array<i32>} : memref<12x50x128xf32, #tpu.memory_space<vmem>>, vector<1x1x16xf32>,
          %swap3A_628 = vector.shape_cast %swap3A_627 : vector<1x1x16xf32> to vector<16xf32>
          %swap3A_629 = vector.shape_cast %mul3A_622 : vector<16xf32> to vector<1x1x16xf32>
          tpu.vector_store %arg6[%swap3A_624, %swap3A_625, %swap3A_626], %swap3A_629 {strides = array<i32>} : memref<12x50x128xf32, #tpu.memory_space<vmem>>, vector<1x1x16xf32>,
          %get3A_630 = arith.constant 7 : i32
          %get3A_631 = arith.index_cast %get3A_630 : i32 to index
          %get3A_632 = arith.index_cast %scan3A_567 : i32 to index
          %get3A_633 = arith.constant 64 : index
          %get3A_634 = tpu.vector_load %arg6[%get3A_631, %get3A_632, %get3A_633] {strides = array<i32>} : memref<12x50x128xf32, #tpu.memory_space<vmem>>, vector<1x1x16xf32>,
          %get3A_635 = vector.shape_cast %get3A_634 : vector<1x1x16xf32> to vector<16xf32>
          %mul3A_636 = arith.constant 11.3137083 : f32
          %mul3A_637 = vector.broadcast %mul3A_636 : f32 to vector<16xf32>
          %mul3A_638 = arith.mulf %get3A_635, %mul3A_637 : vector<16xf32>
          %swap3A_639 = arith.constant 7 : i32
          %swap3A_640 = arith.index_cast %swap3A_639 : i32 to index
          %swap3A_641 = arith.index_cast %scan3A_567 : i32 to index
          %swap3A_642 = arith.constant 64 : index
          %swap3A_643 = tpu.vector_load %arg6[%swap3A_640, %swap3A_641, %swap3A_642] {strides = array<i32>} : memref<12x50x128xf32, #tpu.memory_space<vmem>>, vector<1x1x16xf32>,
          %swap3A_644 = vector.shape_cast %swap3A_643 : vector<1x1x16xf32> to vector<16xf32>
          %swap3A_645 = vector.shape_cast %mul3A_638 : vector<16xf32> to vector<1x1x16xf32>
          tpu.vector_store %arg6[%swap3A_640, %swap3A_641, %swap3A_642], %swap3A_645 {strides = array<i32>} : memref<12x50x128xf32, #tpu.memory_space<vmem>>, vector<1x1x16xf32>,
          %get3A_646 = arith.constant 7 : i32
          %get3A_647 = arith.index_cast %get3A_646 : i32 to index
          %get3A_648 = arith.index_cast %scan3A_567 : i32 to index
          %get3A_649 = arith.constant 80 : index
          %get3A_650 = tpu.vector_load %arg6[%get3A_647, %get3A_648, %get3A_649] {strides = array<i32>} : memref<12x50x128xf32, #tpu.memory_space<vmem>>, vector<1x1x16xf32>,
          %get3A_651 = vector.shape_cast %get3A_650 : vector<1x1x16xf32> to vector<16xf32>
          %mul3A_652 = arith.constant 11.3137083 : f32
          %mul3A_653 = vector.broadcast %mul3A_652 : f32 to vector<16xf32>
          %mul3A_654 = arith.mulf %get3A_651, %mul3A_653 : vector<16xf32>
          %swap3A_655 = arith.constant 7 : i32
          %swap3A_656 = arith.index_cast %swap3A_655 : i32 to index
          %swap3A_657 = arith.index_cast %scan3A_567 : i32 to index
          %swap3A_658 = arith.constant 80 : index
          %swap3A_659 = tpu.vector_load %arg6[%swap3A_656, %swap3A_657, %swap3A_658] {strides = array<i32>} : memref<12x50x128xf32, #tpu.memory_space<vmem>>, vector<1x1x16xf32>,
          %swap3A_660 = vector.shape_cast %swap3A_659 : vector<1x1x16xf32> to vector<16xf32>
          %swap3A_661 = vector.shape_cast %mul3A_654 : vector<16xf32> to vector<1x1x16xf32>
          tpu.vector_store %arg6[%swap3A_656, %swap3A_657, %swap3A_658], %swap3A_661 {strides = array<i32>} : memref<12x50x128xf32, #tpu.memory_space<vmem>>, vector<1x1x16xf32>,
          %get3A_662 = arith.constant 7 : i32
          %get3A_663 = arith.index_cast %get3A_662 : i32 to index
          %get3A_664 = arith.index_cast %scan3A_567 : i32 to index
          %get3A_665 = arith.constant 96 : index
          %get3A_666 = tpu.vector_load %arg6[%get3A_663, %get3A_664, %get3A_665] {strides = array<i32>} : memref<12x50x128xf32, #tpu.memory_space<vmem>>, vector<1x1x16xf32>,
          %get3A_667 = vector.shape_cast %get3A_666 : vector<1x1x16xf32> to vector<16xf32>
          %mul3A_668 = arith.constant 11.3137083 : f32
          %mul3A_669 = vector.broadcast %mul3A_668 : f32 to vector<16xf32>
          %mul3A_670 = arith.mulf %get3A_667, %mul3A_669 : vector<16xf32>
          %swap3A_671 = arith.constant 7 : i32
          %swap3A_672 = arith.index_cast %swap3A_671 : i32 to index
          %swap3A_673 = arith.index_cast %scan3A_567 : i32 to index
          %swap3A_674 = arith.constant 96 : index
          %swap3A_675 = tpu.vector_load %arg6[%swap3A_672, %swap3A_673, %swap3A_674] {strides = array<i32>} : memref<12x50x128xf32, #tpu.memory_space<vmem>>, vector<1x1x16xf32>,
          %swap3A_676 = vector.shape_cast %swap3A_675 : vector<1x1x16xf32> to vector<16xf32>
          %swap3A_677 = vector.shape_cast %mul3A_670 : vector<16xf32> to vector<1x1x16xf32>
          tpu.vector_store %arg6[%swap3A_672, %swap3A_673, %swap3A_674], %swap3A_677 {strides = array<i32>} : memref<12x50x128xf32, #tpu.memory_space<vmem>>, vector<1x1x16xf32>,
          %get3A_678 = arith.constant 7 : i32
          %get3A_679 = arith.index_cast %get3A_678 : i32 to index
          %get3A_680 = arith.index_cast %scan3A_567 : i32 to index
          %get3A_681 = arith.constant 112 : index
          %get3A_682 = tpu.vector_load %arg6[%get3A_679, %get3A_680, %get3A_681] {strides = array<i32>} : memref<12x50x128xf32, #tpu.memory_space<vmem>>, vector<1x1x16xf32>,
          %get3A_683 = vector.shape_cast %get3A_682 : vector<1x1x16xf32> to vector<16xf32>
          %mul3A_684 = arith.constant 11.3137083 : f32
          %mul3A_685 = vector.broadcast %mul3A_684 : f32 to vector<16xf32>
          %mul3A_686 = arith.mulf %get3A_683, %mul3A_685 : vector<16xf32>
          %swap3A_687 = arith.constant 7 : i32
          %swap3A_688 = arith.index_cast %swap3A_687 : i32 to index
          %swap3A_689 = arith.index_cast %scan3A_567 : i32 to index
          %swap3A_690 = arith.constant 112 : index
          %swap3A_691 = tpu.vector_load %arg6[%swap3A_688, %swap3A_689, %swap3A_690] {strides = array<i32>} : memref<12x50x128xf32, #tpu.memory_space<vmem>>, vector<1x1x16xf32>,
          %swap3A_692 = vector.shape_cast %swap3A_691 : vector<1x1x16xf32> to vector<16xf32>
          %swap3A_693 = vector.shape_cast %mul3A_686 : vector<16xf32> to vector<1x1x16xf32>
          tpu.vector_store %arg6[%swap3A_688, %swap3A_689, %swap3A_690], %swap3A_693 {strides = array<i32>} : memref<12x50x128xf32, #tpu.memory_space<vmem>>, vector<1x1x16xf32>,
        }
        %scan3A_537 = arith.constant 50 : i32
        %add3A_538 = arith.addi %mul3A_2, %add3A_475 : i32
        %dma_start3A_539 = arith.constant 7 : i32
        %dma_start3A_540 = arith.constant 7 : i32
        %dma_start3A_541 = arith.constant 0 : i32
        %dma_start3A_542 = arith.constant 0 : i32
        %dma_start3A_543 = tpu.memref_slice %arg6[%dma_start3A_539, %dma_start3A_541, %dma_start3A_542] : memref<12x50x128xf32, #tpu.memory_space<vmem>> -> memref<1x50x128xf32, #tpu.memory_space<vmem>>
        %dma_start3A_544 = tpu.memref_squeeze %dma_start3A_543 : memref<1x50x128xf32, #tpu.memory_space<vmem>> -> memref<50x128xf32, #tpu.memory_space<vmem>>
        %dma_start3A_545 = arith.constant 0 : i32
        %dma_start3A_546 = arith.constant 0 : i32
        %dma_start3A_547 = tpu.memref_slice %arg4[%add3A_538, %dma_start3A_545, %dma_start3A_546] : memref<4096x50x128xf32, #tpu.memory_space<hbm>> -> memref<1x50x128xf32, #tpu.memory_space<hbm>>
        %dma_start3A_548 = tpu.memref_squeeze %dma_start3A_547 : memref<1x50x128xf32, #tpu.memory_space<hbm>> -> memref<50x128xf32, #tpu.memory_space<hbm>>
        %dma_start3A_549 = tpu.memref_slice %arg8[%dma_start3A_540] : memref<12x!tpu.dma_semaphore, #tpu.memory_space<semaphore_mem>> -> memref<1x!tpu.dma_semaphore, #tpu.memory_space<semaphore_mem>>
        %dma_start3A_550 = tpu.memref_squeeze %dma_start3A_549 : memref<1x!tpu.dma_semaphore, #tpu.memory_space<semaphore_mem>> -> memref<!tpu.dma_semaphore, #tpu.memory_space<semaphore_mem>>
        %dma_start3A_551 = arith.constant 0 : i32
        %dma_start3A_552 = arith.constant 0 : i32
        %dma_start3A_553 = tpu.memref_slice %arg4[%add3A_538, %dma_start3A_551, %dma_start3A_552] : memref<4096x50x128xf32, #tpu.memory_space<hbm>> -> memref<1x50x128xf32, #tpu.memory_space<hbm>>
        %dma_start3A_554 = tpu.memref_squeeze %dma_start3A_553 : memref<1x50x128xf32, #tpu.memory_space<hbm>> -> memref<50x128xf32, #tpu.memory_space<hbm>>
        %dma_start3A_555 = arith.constant 0 : i32
        %dma_start3A_556 = arith.constant 0 : i32
        %dma_start3A_557 = tpu.memref_slice %arg6[%dma_start3A_539, %dma_start3A_555, %dma_start3A_556] : memref<12x50x128xf32, #tpu.memory_space<vmem>> -> memref<1x50x128xf32, #tpu.memory_space<vmem>>
        %dma_start3A_558 = tpu.memref_squeeze %dma_start3A_557 : memref<1x50x128xf32, #tpu.memory_space<vmem>> -> memref<50x128xf32, #tpu.memory_space<vmem>>
        tpu.enqueue_dma source(%dma_start3A_558 : memref<50x128xf32, #tpu.memory_space<vmem>>) target(%dma_start3A_554 : memref<50x128xf32, #tpu.memory_space<hbm>>) target_semaphore(%dma_start3A_550 : memref<!tpu.dma_semaphore, #tpu.memory_space<semaphore_mem>>)
        %add3A_559 = arith.constant 12 : i32
        %add3A_560 = arith.addi %add3A_475, %add3A_559 : i32
        %sub3A = arith.constant 1 : i32
        %sub3A_561 = arith.subi %add3A_560, %sub3A : i32
        %lt3A_562 = arith.constant 128 : i32
        %lt3A_563 = arith.cmpi slt, %sub3A_561, %lt3A_562 : i32
        %convert_element_type3A_564 = arith.extui %lt3A_563 : i1 to i32
        %cond3A_565 = arith.constant 0 : i32
        %cond3A_566 = arith.cmpi ne, %convert_element_type3A_564, %cond3A_565 : i32
        scf.if %cond3A_566 {
          %ge3A = arith.constant 1 : i32
          %ge3A_567 = arith.cmpi sge, %add3A_475, %ge3A : i32
          %convert_element_type3A_568 = arith.extui %ge3A_567 : i1 to i32
          %cond3A_569 = arith.constant 0 : i32
          %cond3A_570 = arith.cmpi ne, %convert_element_type3A_568, %cond3A_569 : i32
          scf.if %cond3A_570 {
            %dma_wait3A_585 = arith.constant 6 : i32
            %dma_wait3A_586 = arith.constant 6 : i32
            %dma_wait3A_587 = arith.constant 0 : i32
            %dma_wait3A_588 = arith.constant 0 : i32
            %dma_wait3A_589 = tpu.memref_slice %arg6[%dma_wait3A_585, %dma_wait3A_587, %dma_wait3A_588] : memref<12x50x128xf32, #tpu.memory_space<vmem>> -> memref<1x50x128xf32, #tpu.memory_space<vmem>>
            %dma_wait3A_590 = tpu.memref_squeeze %dma_wait3A_589 : memref<1x50x128xf32, #tpu.memory_space<vmem>> -> memref<50x128xf32, #tpu.memory_space<vmem>>
            %dma_wait3A_591 = arith.constant 0 : i32
            %dma_wait3A_592 = arith.constant 0 : i32
            %dma_wait3A_593 = tpu.memref_slice %arg4[%mul3A_2, %dma_wait3A_591, %dma_wait3A_592] : memref<4096x50x128xf32, #tpu.memory_space<hbm>> -> memref<1x50x128xf32, #tpu.memory_space<hbm>>
            %dma_wait3A_594 = tpu.memref_squeeze %dma_wait3A_593 : memref<1x50x128xf32, #tpu.memory_space<hbm>> -> memref<50x128xf32, #tpu.memory_space<hbm>>
            %dma_wait3A_595 = tpu.memref_slice %arg8[%dma_wait3A_586] : memref<12x!tpu.dma_semaphore, #tpu.memory_space<semaphore_mem>> -> memref<1x!tpu.dma_semaphore, #tpu.memory_space<semaphore_mem>>
            %dma_wait3A_596 = tpu.memref_squeeze %dma_wait3A_595 : memref<1x!tpu.dma_semaphore, #tpu.memory_space<semaphore_mem>> -> memref<!tpu.dma_semaphore, #tpu.memory_space<semaphore_mem>>
            %dma_wait3A_597 = arith.constant 0 : i32
            %dma_wait3A_598 = arith.constant 0 : i32
            %dma_wait3A_599 = tpu.memref_slice %arg4[%mul3A_2, %dma_wait3A_597, %dma_wait3A_598] : memref<4096x50x128xf32, #tpu.memory_space<hbm>> -> memref<1x50x128xf32, #tpu.memory_space<hbm>>
            %dma_wait3A_600 = tpu.memref_squeeze %dma_wait3A_599 : memref<1x50x128xf32, #tpu.memory_space<hbm>> -> memref<50x128xf32, #tpu.memory_space<hbm>>
            %dma_wait3A_601 = arith.constant 0 : i32
            %dma_wait3A_602 = arith.constant 0 : i32
            %dma_wait3A_603 = tpu.memref_slice %arg6[%dma_wait3A_585, %dma_wait3A_601, %dma_wait3A_602] : memref<12x50x128xf32, #tpu.memory_space<vmem>> -> memref<1x50x128xf32, #tpu.memory_space<vmem>>
            %dma_wait3A_604 = tpu.memref_squeeze %dma_wait3A_603 : memref<1x50x128xf32, #tpu.memory_space<vmem>> -> memref<50x128xf32, #tpu.memory_space<vmem>>
            tpu.wait_dma2 semaphore(%dma_wait3A_596 : memref<!tpu.dma_semaphore, #tpu.memory_space<semaphore_mem>>) src(%dma_wait3A_604 : memref<50x128xf32, #tpu.memory_space<vmem>>) dst(%dma_wait3A_600 : memref<50x128xf32, #tpu.memory_space<hbm>>)
          } else {
          }
          %dma_start3A_571 = arith.constant 6 : i32
          %dma_start3A_572 = arith.constant 6 : i32
          %dma_start3A_573 = arith.constant 0 : i32
          %dma_start3A_574 = arith.constant 0 : i32
          %dma_start3A_575 = tpu.memref_slice %arg6[%dma_start3A_571, %dma_start3A_573, %dma_start3A_574] : memref<12x50x128xf32, #tpu.memory_space<vmem>> -> memref<1x50x128xf32, #tpu.memory_space<vmem>>
          %dma_start3A_576 = tpu.memref_squeeze %dma_start3A_575 : memref<1x50x128xf32, #tpu.memory_space<vmem>> -> memref<50x128xf32, #tpu.memory_space<vmem>>
          %dma_start3A_577 = arith.constant 0 : i32
          %dma_start3A_578 = tpu.memref_slice %arg5[%sub3A_561, %dma_start3A_577] : memref<128x50xi32, #tpu.memory_space<vmem>> -> memref<1x50xi32, #tpu.memory_space<vmem>>
          %dma_start3A_579 = tpu.memref_squeeze %dma_start3A_578 : memref<1x50xi32, #tpu.memory_space<vmem>> -> memref<50xi32, #tpu.memory_space<vmem>>
          %dma_start3A_580 = arith.constant 0 : i32
          %dma_start3A_581 = arith.constant 0 : i32
          %dma_start3A_582 = tpu.memref_slice %arg2[%dma_start3A_580, %dma_start3A_581] : memref<100000x128xf32, #tpu.memory_space<hbm>> -> memref<100000x128xf32, #tpu.memory_space<hbm>>
          %dma_start3A_583 = tpu.memref_slice %arg7[%dma_start3A_572] : memref<12x!tpu.dma_semaphore, #tpu.memory_space<semaphore_mem>> -> memref<1x!tpu.dma_semaphore, #tpu.memory_space<semaphore_mem>>
          %dma_start3A_584 = tpu.memref_squeeze %dma_start3A_583 : memref<1x!tpu.dma_semaphore, #tpu.memory_space<semaphore_mem>> -> memref<!tpu.dma_semaphore, #tpu.memory_space<semaphore_mem>>
          tpu.enqueue_indirect_dma source(%dma_start3A_582 : memref<100000x128xf32, #tpu.memory_space<hbm>>) target(%dma_start3A_576 : memref<50x128xf32, #tpu.memory_space<vmem>>) offsets(%dma_start3A_579 : memref<50xi32, #tpu.memory_space<vmem>>) semaphore(%dma_start3A_584 : memref<!tpu.dma_semaphore, #tpu.memory_space<semaphore_mem>>)
        } else {
        }
      } else {
      }
      %mul3A_481 = arith.constant 12 : i32
      %mul3A_482 = arith.muli %scan3A_411, %mul3A_481 : i32
      %add3A_483 = arith.constant 8 : i32
      %add3A_484 = arith.addi %mul3A_482, %add3A_483 : i32
      %lt3A_485 = arith.constant 128 : i32
      %lt3A_486 = arith.cmpi slt, %add3A_484, %lt3A_485 : i32
      %convert_element_type3A_487 = arith.extui %lt3A_486 : i1 to i32
      %cond3A_488 = arith.constant 0 : i32
      %cond3A_489 = arith.cmpi ne, %convert_element_type3A_487, %cond3A_488 : i32
      scf.if %cond3A_489 {
        %dma_wait3A_517 = arith.constant 0 : i32
        %dma_wait3A_518 = arith.constant 8 : i32
        %dma_wait3A_519 = arith.constant 8 : i32
        %dma_wait3A_520 = arith.constant 0 : i32
        %dma_wait3A_521 = arith.constant 0 : i32
        %dma_wait3A_522 = tpu.memref_slice %arg6[%dma_wait3A_518, %dma_wait3A_520, %dma_wait3A_521] : memref<12x50x128xf32, #tpu.memory_space<vmem>> -> memref<1x50x128xf32, #tpu.memory_space<vmem>>
        %dma_wait3A_523 = tpu.memref_squeeze %dma_wait3A_522 : memref<1x50x128xf32, #tpu.memory_space<vmem>> -> memref<50x128xf32, #tpu.memory_space<vmem>>
        %dma_wait3A_524 = arith.constant 0 : i32
        %dma_wait3A_525 = tpu.memref_slice %arg5[%dma_wait3A_517, %dma_wait3A_524] : memref<128x50xi32, #tpu.memory_space<vmem>> -> memref<1x50xi32, #tpu.memory_space<vmem>>
        %dma_wait3A_526 = tpu.memref_squeeze %dma_wait3A_525 : memref<1x50xi32, #tpu.memory_space<vmem>> -> memref<50xi32, #tpu.memory_space<vmem>>
        %dma_wait3A_527 = arith.constant 0 : i32
        %dma_wait3A_528 = arith.constant 0 : i32
        %dma_wait3A_529 = tpu.memref_slice %arg2[%dma_wait3A_527, %dma_wait3A_528] : memref<100000x128xf32, #tpu.memory_space<hbm>> -> memref<100000x128xf32, #tpu.memory_space<hbm>>
        %dma_wait3A_530 = tpu.memref_slice %arg7[%dma_wait3A_519] : memref<12x!tpu.dma_semaphore, #tpu.memory_space<semaphore_mem>> -> memref<1x!tpu.dma_semaphore, #tpu.memory_space<semaphore_mem>>
        %dma_wait3A_531 = tpu.memref_squeeze %dma_wait3A_530 : memref<1x!tpu.dma_semaphore, #tpu.memory_space<semaphore_mem>> -> memref<!tpu.dma_semaphore, #tpu.memory_space<semaphore_mem>>
        tpu.wait_indirect_dma semaphore(%dma_wait3A_531 : memref<!tpu.dma_semaphore, #tpu.memory_space<semaphore_mem>>) src(%dma_wait3A_529 : memref<100000x128xf32, #tpu.memory_space<hbm>>) dst(%dma_wait3A_523 : memref<50x128xf32, #tpu.memory_space<vmem>>)
        %scan3A_532 = arith.constant 0 : i32
        %scan3A_533 = arith.constant 0 : i32
        %scan3A_534 = arith.constant 50 : i32
        %scan3A_535 = arith.addi %scan3A_533, %scan3A_534 : i32
        %scan3A_536 = arith.constant 1 : i32
        scf.for %scan3A_567 = %scan3A_533 to %scan3A_535 step %scan3A_536  : i32 {
          %get3A = arith.constant 8 : i32
          %get3A_568 = arith.index_cast %get3A : i32 to index
          %get3A_569 = arith.index_cast %scan3A_567 : i32 to index
          %get3A_570 = arith.constant 0 : index
          %get3A_571 = tpu.vector_load %arg6[%get3A_568, %get3A_569, %get3A_570] {strides = array<i32>} : memref<12x50x128xf32, #tpu.memory_space<vmem>>, vector<1x1x16xf32>,
          %get3A_572 = vector.shape_cast %get3A_571 : vector<1x1x16xf32> to vector<16xf32>
          %mul3A_573 = arith.constant 11.3137083 : f32
          %mul3A_574 = vector.broadcast %mul3A_573 : f32 to vector<16xf32>
          %mul3A_575 = arith.mulf %get3A_572, %mul3A_574 : vector<16xf32>
          %swap3A = arith.constant 8 : i32
          %swap3A_576 = arith.index_cast %swap3A : i32 to index
          %swap3A_577 = arith.index_cast %scan3A_567 : i32 to index
          %swap3A_578 = arith.constant 0 : index
          %swap3A_579 = tpu.vector_load %arg6[%swap3A_576, %swap3A_577, %swap3A_578] {strides = array<i32>} : memref<12x50x128xf32, #tpu.memory_space<vmem>>, vector<1x1x16xf32>,
          %swap3A_580 = vector.shape_cast %swap3A_579 : vector<1x1x16xf32> to vector<16xf32>
          %swap3A_581 = vector.shape_cast %mul3A_575 : vector<16xf32> to vector<1x1x16xf32>
          tpu.vector_store %arg6[%swap3A_576, %swap3A_577, %swap3A_578], %swap3A_581 {strides = array<i32>} : memref<12x50x128xf32, #tpu.memory_space<vmem>>, vector<1x1x16xf32>,
          %get3A_582 = arith.constant 8 : i32
          %get3A_583 = arith.index_cast %get3A_582 : i32 to index
          %get3A_584 = arith.index_cast %scan3A_567 : i32 to index
          %get3A_585 = arith.constant 16 : index
          %get3A_586 = tpu.vector_load %arg6[%get3A_583, %get3A_584, %get3A_585] {strides = array<i32>} : memref<12x50x128xf32, #tpu.memory_space<vmem>>, vector<1x1x16xf32>,
          %get3A_587 = vector.shape_cast %get3A_586 : vector<1x1x16xf32> to vector<16xf32>
          %mul3A_588 = arith.constant 11.3137083 : f32
          %mul3A_589 = vector.broadcast %mul3A_588 : f32 to vector<16xf32>
          %mul3A_590 = arith.mulf %get3A_587, %mul3A_589 : vector<16xf32>
          %swap3A_591 = arith.constant 8 : i32
          %swap3A_592 = arith.index_cast %swap3A_591 : i32 to index
          %swap3A_593 = arith.index_cast %scan3A_567 : i32 to index
          %swap3A_594 = arith.constant 16 : index
          %swap3A_595 = tpu.vector_load %arg6[%swap3A_592, %swap3A_593, %swap3A_594] {strides = array<i32>} : memref<12x50x128xf32, #tpu.memory_space<vmem>>, vector<1x1x16xf32>,
          %swap3A_596 = vector.shape_cast %swap3A_595 : vector<1x1x16xf32> to vector<16xf32>
          %swap3A_597 = vector.shape_cast %mul3A_590 : vector<16xf32> to vector<1x1x16xf32>
          tpu.vector_store %arg6[%swap3A_592, %swap3A_593, %swap3A_594], %swap3A_597 {strides = array<i32>} : memref<12x50x128xf32, #tpu.memory_space<vmem>>, vector<1x1x16xf32>,
          %get3A_598 = arith.constant 8 : i32
          %get3A_599 = arith.index_cast %get3A_598 : i32 to index
          %get3A_600 = arith.index_cast %scan3A_567 : i32 to index
          %get3A_601 = arith.constant 32 : index
          %get3A_602 = tpu.vector_load %arg6[%get3A_599, %get3A_600, %get3A_601] {strides = array<i32>} : memref<12x50x128xf32, #tpu.memory_space<vmem>>, vector<1x1x16xf32>,
          %get3A_603 = vector.shape_cast %get3A_602 : vector<1x1x16xf32> to vector<16xf32>
          %mul3A_604 = arith.constant 11.3137083 : f32
          %mul3A_605 = vector.broadcast %mul3A_604 : f32 to vector<16xf32>
          %mul3A_606 = arith.mulf %get3A_603, %mul3A_605 : vector<16xf32>
          %swap3A_607 = arith.constant 8 : i32
          %swap3A_608 = arith.index_cast %swap3A_607 : i32 to index
          %swap3A_609 = arith.index_cast %scan3A_567 : i32 to index
          %swap3A_610 = arith.constant 32 : index
          %swap3A_611 = tpu.vector_load %arg6[%swap3A_608, %swap3A_609, %swap3A_610] {strides = array<i32>} : memref<12x50x128xf32, #tpu.memory_space<vmem>>, vector<1x1x16xf32>,
          %swap3A_612 = vector.shape_cast %swap3A_611 : vector<1x1x16xf32> to vector<16xf32>
          %swap3A_613 = vector.shape_cast %mul3A_606 : vector<16xf32> to vector<1x1x16xf32>
          tpu.vector_store %arg6[%swap3A_608, %swap3A_609, %swap3A_610], %swap3A_613 {strides = array<i32>} : memref<12x50x128xf32, #tpu.memory_space<vmem>>, vector<1x1x16xf32>,
          %get3A_614 = arith.constant 8 : i32
          %get3A_615 = arith.index_cast %get3A_614 : i32 to index
          %get3A_616 = arith.index_cast %scan3A_567 : i32 to index
          %get3A_617 = arith.constant 48 : index
          %get3A_618 = tpu.vector_load %arg6[%get3A_615, %get3A_616, %get3A_617] {strides = array<i32>} : memref<12x50x128xf32, #tpu.memory_space<vmem>>, vector<1x1x16xf32>,
          %get3A_619 = vector.shape_cast %get3A_618 : vector<1x1x16xf32> to vector<16xf32>
          %mul3A_620 = arith.constant 11.3137083 : f32
          %mul3A_621 = vector.broadcast %mul3A_620 : f32 to vector<16xf32>
          %mul3A_622 = arith.mulf %get3A_619, %mul3A_621 : vector<16xf32>
          %swap3A_623 = arith.constant 8 : i32
          %swap3A_624 = arith.index_cast %swap3A_623 : i32 to index
          %swap3A_625 = arith.index_cast %scan3A_567 : i32 to index
          %swap3A_626 = arith.constant 48 : index
          %swap3A_627 = tpu.vector_load %arg6[%swap3A_624, %swap3A_625, %swap3A_626] {strides = array<i32>} : memref<12x50x128xf32, #tpu.memory_space<vmem>>, vector<1x1x16xf32>,
          %swap3A_628 = vector.shape_cast %swap3A_627 : vector<1x1x16xf32> to vector<16xf32>
          %swap3A_629 = vector.shape_cast %mul3A_622 : vector<16xf32> to vector<1x1x16xf32>
          tpu.vector_store %arg6[%swap3A_624, %swap3A_625, %swap3A_626], %swap3A_629 {strides = array<i32>} : memref<12x50x128xf32, #tpu.memory_space<vmem>>, vector<1x1x16xf32>,
          %get3A_630 = arith.constant 8 : i32
          %get3A_631 = arith.index_cast %get3A_630 : i32 to index
          %get3A_632 = arith.index_cast %scan3A_567 : i32 to index
          %get3A_633 = arith.constant 64 : index
          %get3A_634 = tpu.vector_load %arg6[%get3A_631, %get3A_632, %get3A_633] {strides = array<i32>} : memref<12x50x128xf32, #tpu.memory_space<vmem>>, vector<1x1x16xf32>,
          %get3A_635 = vector.shape_cast %get3A_634 : vector<1x1x16xf32> to vector<16xf32>
          %mul3A_636 = arith.constant 11.3137083 : f32
          %mul3A_637 = vector.broadcast %mul3A_636 : f32 to vector<16xf32>
          %mul3A_638 = arith.mulf %get3A_635, %mul3A_637 : vector<16xf32>
          %swap3A_639 = arith.constant 8 : i32
          %swap3A_640 = arith.index_cast %swap3A_639 : i32 to index
          %swap3A_641 = arith.index_cast %scan3A_567 : i32 to index
          %swap3A_642 = arith.constant 64 : index
          %swap3A_643 = tpu.vector_load %arg6[%swap3A_640, %swap3A_641, %swap3A_642] {strides = array<i32>} : memref<12x50x128xf32, #tpu.memory_space<vmem>>, vector<1x1x16xf32>,
          %swap3A_644 = vector.shape_cast %swap3A_643 : vector<1x1x16xf32> to vector<16xf32>
          %swap3A_645 = vector.shape_cast %mul3A_638 : vector<16xf32> to vector<1x1x16xf32>
          tpu.vector_store %arg6[%swap3A_640, %swap3A_641, %swap3A_642], %swap3A_645 {strides = array<i32>} : memref<12x50x128xf32, #tpu.memory_space<vmem>>, vector<1x1x16xf32>,
          %get3A_646 = arith.constant 8 : i32
          %get3A_647 = arith.index_cast %get3A_646 : i32 to index
          %get3A_648 = arith.index_cast %scan3A_567 : i32 to index
          %get3A_649 = arith.constant 80 : index
          %get3A_650 = tpu.vector_load %arg6[%get3A_647, %get3A_648, %get3A_649] {strides = array<i32>} : memref<12x50x128xf32, #tpu.memory_space<vmem>>, vector<1x1x16xf32>,
          %get3A_651 = vector.shape_cast %get3A_650 : vector<1x1x16xf32> to vector<16xf32>
          %mul3A_652 = arith.constant 11.3137083 : f32
          %mul3A_653 = vector.broadcast %mul3A_652 : f32 to vector<16xf32>
          %mul3A_654 = arith.mulf %get3A_651, %mul3A_653 : vector<16xf32>
          %swap3A_655 = arith.constant 8 : i32
          %swap3A_656 = arith.index_cast %swap3A_655 : i32 to index
          %swap3A_657 = arith.index_cast %scan3A_567 : i32 to index
          %swap3A_658 = arith.constant 80 : index
          %swap3A_659 = tpu.vector_load %arg6[%swap3A_656, %swap3A_657, %swap3A_658] {strides = array<i32>} : memref<12x50x128xf32, #tpu.memory_space<vmem>>, vector<1x1x16xf32>,
          %swap3A_660 = vector.shape_cast %swap3A_659 : vector<1x1x16xf32> to vector<16xf32>
          %swap3A_661 = vector.shape_cast %mul3A_654 : vector<16xf32> to vector<1x1x16xf32>
          tpu.vector_store %arg6[%swap3A_656, %swap3A_657, %swap3A_658], %swap3A_661 {strides = array<i32>} : memref<12x50x128xf32, #tpu.memory_space<vmem>>, vector<1x1x16xf32>,
          %get3A_662 = arith.constant 8 : i32
          %get3A_663 = arith.index_cast %get3A_662 : i32 to index
          %get3A_664 = arith.index_cast %scan3A_567 : i32 to index
          %get3A_665 = arith.constant 96 : index
          %get3A_666 = tpu.vector_load %arg6[%get3A_663, %get3A_664, %get3A_665] {strides = array<i32>} : memref<12x50x128xf32, #tpu.memory_space<vmem>>, vector<1x1x16xf32>,
          %get3A_667 = vector.shape_cast %get3A_666 : vector<1x1x16xf32> to vector<16xf32>
          %mul3A_668 = arith.constant 11.3137083 : f32
          %mul3A_669 = vector.broadcast %mul3A_668 : f32 to vector<16xf32>
          %mul3A_670 = arith.mulf %get3A_667, %mul3A_669 : vector<16xf32>
          %swap3A_671 = arith.constant 8 : i32
          %swap3A_672 = arith.index_cast %swap3A_671 : i32 to index
          %swap3A_673 = arith.index_cast %scan3A_567 : i32 to index
          %swap3A_674 = arith.constant 96 : index
          %swap3A_675 = tpu.vector_load %arg6[%swap3A_672, %swap3A_673, %swap3A_674] {strides = array<i32>} : memref<12x50x128xf32, #tpu.memory_space<vmem>>, vector<1x1x16xf32>,
          %swap3A_676 = vector.shape_cast %swap3A_675 : vector<1x1x16xf32> to vector<16xf32>
          %swap3A_677 = vector.shape_cast %mul3A_670 : vector<16xf32> to vector<1x1x16xf32>
          tpu.vector_store %arg6[%swap3A_672, %swap3A_673, %swap3A_674], %swap3A_677 {strides = array<i32>} : memref<12x50x128xf32, #tpu.memory_space<vmem>>, vector<1x1x16xf32>,
          %get3A_678 = arith.constant 8 : i32
          %get3A_679 = arith.index_cast %get3A_678 : i32 to index
          %get3A_680 = arith.index_cast %scan3A_567 : i32 to index
          %get3A_681 = arith.constant 112 : index
          %get3A_682 = tpu.vector_load %arg6[%get3A_679, %get3A_680, %get3A_681] {strides = array<i32>} : memref<12x50x128xf32, #tpu.memory_space<vmem>>, vector<1x1x16xf32>,
          %get3A_683 = vector.shape_cast %get3A_682 : vector<1x1x16xf32> to vector<16xf32>
          %mul3A_684 = arith.constant 11.3137083 : f32
          %mul3A_685 = vector.broadcast %mul3A_684 : f32 to vector<16xf32>
          %mul3A_686 = arith.mulf %get3A_683, %mul3A_685 : vector<16xf32>
          %swap3A_687 = arith.constant 8 : i32
          %swap3A_688 = arith.index_cast %swap3A_687 : i32 to index
          %swap3A_689 = arith.index_cast %scan3A_567 : i32 to index
          %swap3A_690 = arith.constant 112 : index
          %swap3A_691 = tpu.vector_load %arg6[%swap3A_688, %swap3A_689, %swap3A_690] {strides = array<i32>} : memref<12x50x128xf32, #tpu.memory_space<vmem>>, vector<1x1x16xf32>,
          %swap3A_692 = vector.shape_cast %swap3A_691 : vector<1x1x16xf32> to vector<16xf32>
          %swap3A_693 = vector.shape_cast %mul3A_686 : vector<16xf32> to vector<1x1x16xf32>
          tpu.vector_store %arg6[%swap3A_688, %swap3A_689, %swap3A_690], %swap3A_693 {strides = array<i32>} : memref<12x50x128xf32, #tpu.memory_space<vmem>>, vector<1x1x16xf32>,
        }
        %scan3A_537 = arith.constant 50 : i32
        %add3A_538 = arith.addi %mul3A_2, %add3A_484 : i32
        %dma_start3A_539 = arith.constant 8 : i32
        %dma_start3A_540 = arith.constant 8 : i32
        %dma_start3A_541 = arith.constant 0 : i32
        %dma_start3A_542 = arith.constant 0 : i32
        %dma_start3A_543 = tpu.memref_slice %arg6[%dma_start3A_539, %dma_start3A_541, %dma_start3A_542] : memref<12x50x128xf32, #tpu.memory_space<vmem>> -> memref<1x50x128xf32, #tpu.memory_space<vmem>>
        %dma_start3A_544 = tpu.memref_squeeze %dma_start3A_543 : memref<1x50x128xf32, #tpu.memory_space<vmem>> -> memref<50x128xf32, #tpu.memory_space<vmem>>
        %dma_start3A_545 = arith.constant 0 : i32
        %dma_start3A_546 = arith.constant 0 : i32
        %dma_start3A_547 = tpu.memref_slice %arg4[%add3A_538, %dma_start3A_545, %dma_start3A_546] : memref<4096x50x128xf32, #tpu.memory_space<hbm>> -> memref<1x50x128xf32, #tpu.memory_space<hbm>>
        %dma_start3A_548 = tpu.memref_squeeze %dma_start3A_547 : memref<1x50x128xf32, #tpu.memory_space<hbm>> -> memref<50x128xf32, #tpu.memory_space<hbm>>
        %dma_start3A_549 = tpu.memref_slice %arg8[%dma_start3A_540] : memref<12x!tpu.dma_semaphore, #tpu.memory_space<semaphore_mem>> -> memref<1x!tpu.dma_semaphore, #tpu.memory_space<semaphore_mem>>
        %dma_start3A_550 = tpu.memref_squeeze %dma_start3A_549 : memref<1x!tpu.dma_semaphore, #tpu.memory_space<semaphore_mem>> -> memref<!tpu.dma_semaphore, #tpu.memory_space<semaphore_mem>>
        %dma_start3A_551 = arith.constant 0 : i32
        %dma_start3A_552 = arith.constant 0 : i32
        %dma_start3A_553 = tpu.memref_slice %arg4[%add3A_538, %dma_start3A_551, %dma_start3A_552] : memref<4096x50x128xf32, #tpu.memory_space<hbm>> -> memref<1x50x128xf32, #tpu.memory_space<hbm>>
        %dma_start3A_554 = tpu.memref_squeeze %dma_start3A_553 : memref<1x50x128xf32, #tpu.memory_space<hbm>> -> memref<50x128xf32, #tpu.memory_space<hbm>>
        %dma_start3A_555 = arith.constant 0 : i32
        %dma_start3A_556 = arith.constant 0 : i32
        %dma_start3A_557 = tpu.memref_slice %arg6[%dma_start3A_539, %dma_start3A_555, %dma_start3A_556] : memref<12x50x128xf32, #tpu.memory_space<vmem>> -> memref<1x50x128xf32, #tpu.memory_space<vmem>>
        %dma_start3A_558 = tpu.memref_squeeze %dma_start3A_557 : memref<1x50x128xf32, #tpu.memory_space<vmem>> -> memref<50x128xf32, #tpu.memory_space<vmem>>
        tpu.enqueue_dma source(%dma_start3A_558 : memref<50x128xf32, #tpu.memory_space<vmem>>) target(%dma_start3A_554 : memref<50x128xf32, #tpu.memory_space<hbm>>) target_semaphore(%dma_start3A_550 : memref<!tpu.dma_semaphore, #tpu.memory_space<semaphore_mem>>)
        %add3A_559 = arith.constant 12 : i32
        %add3A_560 = arith.addi %add3A_484, %add3A_559 : i32
        %sub3A = arith.constant 1 : i32
        %sub3A_561 = arith.subi %add3A_560, %sub3A : i32
        %lt3A_562 = arith.constant 128 : i32
        %lt3A_563 = arith.cmpi slt, %sub3A_561, %lt3A_562 : i32
        %convert_element_type3A_564 = arith.extui %lt3A_563 : i1 to i32
        %cond3A_565 = arith.constant 0 : i32
        %cond3A_566 = arith.cmpi ne, %convert_element_type3A_564, %cond3A_565 : i32
        scf.if %cond3A_566 {
          %ge3A = arith.constant 1 : i32
          %ge3A_567 = arith.cmpi sge, %add3A_484, %ge3A : i32
          %convert_element_type3A_568 = arith.extui %ge3A_567 : i1 to i32
          %cond3A_569 = arith.constant 0 : i32
          %cond3A_570 = arith.cmpi ne, %convert_element_type3A_568, %cond3A_569 : i32
          scf.if %cond3A_570 {
            %dma_wait3A_585 = arith.constant 7 : i32
            %dma_wait3A_586 = arith.constant 7 : i32
            %dma_wait3A_587 = arith.constant 0 : i32
            %dma_wait3A_588 = arith.constant 0 : i32
            %dma_wait3A_589 = tpu.memref_slice %arg6[%dma_wait3A_585, %dma_wait3A_587, %dma_wait3A_588] : memref<12x50x128xf32, #tpu.memory_space<vmem>> -> memref<1x50x128xf32, #tpu.memory_space<vmem>>
            %dma_wait3A_590 = tpu.memref_squeeze %dma_wait3A_589 : memref<1x50x128xf32, #tpu.memory_space<vmem>> -> memref<50x128xf32, #tpu.memory_space<vmem>>
            %dma_wait3A_591 = arith.constant 0 : i32
            %dma_wait3A_592 = arith.constant 0 : i32
            %dma_wait3A_593 = tpu.memref_slice %arg4[%mul3A_2, %dma_wait3A_591, %dma_wait3A_592] : memref<4096x50x128xf32, #tpu.memory_space<hbm>> -> memref<1x50x128xf32, #tpu.memory_space<hbm>>
            %dma_wait3A_594 = tpu.memref_squeeze %dma_wait3A_593 : memref<1x50x128xf32, #tpu.memory_space<hbm>> -> memref<50x128xf32, #tpu.memory_space<hbm>>
            %dma_wait3A_595 = tpu.memref_slice %arg8[%dma_wait3A_586] : memref<12x!tpu.dma_semaphore, #tpu.memory_space<semaphore_mem>> -> memref<1x!tpu.dma_semaphore, #tpu.memory_space<semaphore_mem>>
            %dma_wait3A_596 = tpu.memref_squeeze %dma_wait3A_595 : memref<1x!tpu.dma_semaphore, #tpu.memory_space<semaphore_mem>> -> memref<!tpu.dma_semaphore, #tpu.memory_space<semaphore_mem>>
            %dma_wait3A_597 = arith.constant 0 : i32
            %dma_wait3A_598 = arith.constant 0 : i32
            %dma_wait3A_599 = tpu.memref_slice %arg4[%mul3A_2, %dma_wait3A_597, %dma_wait3A_598] : memref<4096x50x128xf32, #tpu.memory_space<hbm>> -> memref<1x50x128xf32, #tpu.memory_space<hbm>>
            %dma_wait3A_600 = tpu.memref_squeeze %dma_wait3A_599 : memref<1x50x128xf32, #tpu.memory_space<hbm>> -> memref<50x128xf32, #tpu.memory_space<hbm>>
            %dma_wait3A_601 = arith.constant 0 : i32
            %dma_wait3A_602 = arith.constant 0 : i32
            %dma_wait3A_603 = tpu.memref_slice %arg6[%dma_wait3A_585, %dma_wait3A_601, %dma_wait3A_602] : memref<12x50x128xf32, #tpu.memory_space<vmem>> -> memref<1x50x128xf32, #tpu.memory_space<vmem>>
            %dma_wait3A_604 = tpu.memref_squeeze %dma_wait3A_603 : memref<1x50x128xf32, #tpu.memory_space<vmem>> -> memref<50x128xf32, #tpu.memory_space<vmem>>
            tpu.wait_dma2 semaphore(%dma_wait3A_596 : memref<!tpu.dma_semaphore, #tpu.memory_space<semaphore_mem>>) src(%dma_wait3A_604 : memref<50x128xf32, #tpu.memory_space<vmem>>) dst(%dma_wait3A_600 : memref<50x128xf32, #tpu.memory_space<hbm>>)
          } else {
          }
          %dma_start3A_571 = arith.constant 7 : i32
          %dma_start3A_572 = arith.constant 7 : i32
          %dma_start3A_573 = arith.constant 0 : i32
          %dma_start3A_574 = arith.constant 0 : i32
          %dma_start3A_575 = tpu.memref_slice %arg6[%dma_start3A_571, %dma_start3A_573, %dma_start3A_574] : memref<12x50x128xf32, #tpu.memory_space<vmem>> -> memref<1x50x128xf32, #tpu.memory_space<vmem>>
          %dma_start3A_576 = tpu.memref_squeeze %dma_start3A_575 : memref<1x50x128xf32, #tpu.memory_space<vmem>> -> memref<50x128xf32, #tpu.memory_space<vmem>>
          %dma_start3A_577 = arith.constant 0 : i32
          %dma_start3A_578 = tpu.memref_slice %arg5[%sub3A_561, %dma_start3A_577] : memref<128x50xi32, #tpu.memory_space<vmem>> -> memref<1x50xi32, #tpu.memory_space<vmem>>
          %dma_start3A_579 = tpu.memref_squeeze %dma_start3A_578 : memref<1x50xi32, #tpu.memory_space<vmem>> -> memref<50xi32, #tpu.memory_space<vmem>>
          %dma_start3A_580 = arith.constant 0 : i32
          %dma_start3A_581 = arith.constant 0 : i32
          %dma_start3A_582 = tpu.memref_slice %arg2[%dma_start3A_580, %dma_start3A_581] : memref<100000x128xf32, #tpu.memory_space<hbm>> -> memref<100000x128xf32, #tpu.memory_space<hbm>>
          %dma_start3A_583 = tpu.memref_slice %arg7[%dma_start3A_572] : memref<12x!tpu.dma_semaphore, #tpu.memory_space<semaphore_mem>> -> memref<1x!tpu.dma_semaphore, #tpu.memory_space<semaphore_mem>>
          %dma_start3A_584 = tpu.memref_squeeze %dma_start3A_583 : memref<1x!tpu.dma_semaphore, #tpu.memory_space<semaphore_mem>> -> memref<!tpu.dma_semaphore, #tpu.memory_space<semaphore_mem>>
          tpu.enqueue_indirect_dma source(%dma_start3A_582 : memref<100000x128xf32, #tpu.memory_space<hbm>>) target(%dma_start3A_576 : memref<50x128xf32, #tpu.memory_space<vmem>>) offsets(%dma_start3A_579 : memref<50xi32, #tpu.memory_space<vmem>>) semaphore(%dma_start3A_584 : memref<!tpu.dma_semaphore, #tpu.memory_space<semaphore_mem>>)
        } else {
        }
      } else {
      }
      %mul3A_490 = arith.constant 12 : i32
      %mul3A_491 = arith.muli %scan3A_411, %mul3A_490 : i32
      %add3A_492 = arith.constant 9 : i32
      %add3A_493 = arith.addi %mul3A_491, %add3A_492 : i32
      %lt3A_494 = arith.constant 128 : i32
      %lt3A_495 = arith.cmpi slt, %add3A_493, %lt3A_494 : i32
      %convert_element_type3A_496 = arith.extui %lt3A_495 : i1 to i32
      %cond3A_497 = arith.constant 0 : i32
      %cond3A_498 = arith.cmpi ne, %convert_element_type3A_496, %cond3A_497 : i32
      scf.if %cond3A_498 {
        %dma_wait3A_517 = arith.constant 0 : i32
        %dma_wait3A_518 = arith.constant 9 : i32
        %dma_wait3A_519 = arith.constant 9 : i32
        %dma_wait3A_520 = arith.constant 0 : i32
        %dma_wait3A_521 = arith.constant 0 : i32
        %dma_wait3A_522 = tpu.memref_slice %arg6[%dma_wait3A_518, %dma_wait3A_520, %dma_wait3A_521] : memref<12x50x128xf32, #tpu.memory_space<vmem>> -> memref<1x50x128xf32, #tpu.memory_space<vmem>>
        %dma_wait3A_523 = tpu.memref_squeeze %dma_wait3A_522 : memref<1x50x128xf32, #tpu.memory_space<vmem>> -> memref<50x128xf32, #tpu.memory_space<vmem>>
        %dma_wait3A_524 = arith.constant 0 : i32
        %dma_wait3A_525 = tpu.memref_slice %arg5[%dma_wait3A_517, %dma_wait3A_524] : memref<128x50xi32, #tpu.memory_space<vmem>> -> memref<1x50xi32, #tpu.memory_space<vmem>>
        %dma_wait3A_526 = tpu.memref_squeeze %dma_wait3A_525 : memref<1x50xi32, #tpu.memory_space<vmem>> -> memref<50xi32, #tpu.memory_space<vmem>>
        %dma_wait3A_527 = arith.constant 0 : i32
        %dma_wait3A_528 = arith.constant 0 : i32
        %dma_wait3A_529 = tpu.memref_slice %arg2[%dma_wait3A_527, %dma_wait3A_528] : memref<100000x128xf32, #tpu.memory_space<hbm>> -> memref<100000x128xf32, #tpu.memory_space<hbm>>
        %dma_wait3A_530 = tpu.memref_slice %arg7[%dma_wait3A_519] : memref<12x!tpu.dma_semaphore, #tpu.memory_space<semaphore_mem>> -> memref<1x!tpu.dma_semaphore, #tpu.memory_space<semaphore_mem>>
        %dma_wait3A_531 = tpu.memref_squeeze %dma_wait3A_530 : memref<1x!tpu.dma_semaphore, #tpu.memory_space<semaphore_mem>> -> memref<!tpu.dma_semaphore, #tpu.memory_space<semaphore_mem>>
        tpu.wait_indirect_dma semaphore(%dma_wait3A_531 : memref<!tpu.dma_semaphore, #tpu.memory_space<semaphore_mem>>) src(%dma_wait3A_529 : memref<100000x128xf32, #tpu.memory_space<hbm>>) dst(%dma_wait3A_523 : memref<50x128xf32, #tpu.memory_space<vmem>>)
        %scan3A_532 = arith.constant 0 : i32
        %scan3A_533 = arith.constant 0 : i32
        %scan3A_534 = arith.constant 50 : i32
        %scan3A_535 = arith.addi %scan3A_533, %scan3A_534 : i32
        %scan3A_536 = arith.constant 1 : i32
        scf.for %scan3A_567 = %scan3A_533 to %scan3A_535 step %scan3A_536  : i32 {
          %get3A = arith.constant 9 : i32
          %get3A_568 = arith.index_cast %get3A : i32 to index
          %get3A_569 = arith.index_cast %scan3A_567 : i32 to index
          %get3A_570 = arith.constant 0 : index
          %get3A_571 = tpu.vector_load %arg6[%get3A_568, %get3A_569, %get3A_570] {strides = array<i32>} : memref<12x50x128xf32, #tpu.memory_space<vmem>>, vector<1x1x16xf32>,
          %get3A_572 = vector.shape_cast %get3A_571 : vector<1x1x16xf32> to vector<16xf32>
          %mul3A_573 = arith.constant 11.3137083 : f32
          %mul3A_574 = vector.broadcast %mul3A_573 : f32 to vector<16xf32>
          %mul3A_575 = arith.mulf %get3A_572, %mul3A_574 : vector<16xf32>
          %swap3A = arith.constant 9 : i32
          %swap3A_576 = arith.index_cast %swap3A : i32 to index
          %swap3A_577 = arith.index_cast %scan3A_567 : i32 to index
          %swap3A_578 = arith.constant 0 : index
          %swap3A_579 = tpu.vector_load %arg6[%swap3A_576, %swap3A_577, %swap3A_578] {strides = array<i32>} : memref<12x50x128xf32, #tpu.memory_space<vmem>>, vector<1x1x16xf32>,
          %swap3A_580 = vector.shape_cast %swap3A_579 : vector<1x1x16xf32> to vector<16xf32>
          %swap3A_581 = vector.shape_cast %mul3A_575 : vector<16xf32> to vector<1x1x16xf32>
          tpu.vector_store %arg6[%swap3A_576, %swap3A_577, %swap3A_578], %swap3A_581 {strides = array<i32>} : memref<12x50x128xf32, #tpu.memory_space<vmem>>, vector<1x1x16xf32>,
          %get3A_582 = arith.constant 9 : i32
          %get3A_583 = arith.index_cast %get3A_582 : i32 to index
          %get3A_584 = arith.index_cast %scan3A_567 : i32 to index
          %get3A_585 = arith.constant 16 : index
          %get3A_586 = tpu.vector_load %arg6[%get3A_583, %get3A_584, %get3A_585] {strides = array<i32>} : memref<12x50x128xf32, #tpu.memory_space<vmem>>, vector<1x1x16xf32>,
          %get3A_587 = vector.shape_cast %get3A_586 : vector<1x1x16xf32> to vector<16xf32>
          %mul3A_588 = arith.constant 11.3137083 : f32
          %mul3A_589 = vector.broadcast %mul3A_588 : f32 to vector<16xf32>
          %mul3A_590 = arith.mulf %get3A_587, %mul3A_589 : vector<16xf32>
          %swap3A_591 = arith.constant 9 : i32
          %swap3A_592 = arith.index_cast %swap3A_591 : i32 to index
          %swap3A_593 = arith.index_cast %scan3A_567 : i32 to index
          %swap3A_594 = arith.constant 16 : index
          %swap3A_595 = tpu.vector_load %arg6[%swap3A_592, %swap3A_593, %swap3A_594] {strides = array<i32>} : memref<12x50x128xf32, #tpu.memory_space<vmem>>, vector<1x1x16xf32>,
          %swap3A_596 = vector.shape_cast %swap3A_595 : vector<1x1x16xf32> to vector<16xf32>
          %swap3A_597 = vector.shape_cast %mul3A_590 : vector<16xf32> to vector<1x1x16xf32>
          tpu.vector_store %arg6[%swap3A_592, %swap3A_593, %swap3A_594], %swap3A_597 {strides = array<i32>} : memref<12x50x128xf32, #tpu.memory_space<vmem>>, vector<1x1x16xf32>,
          %get3A_598 = arith.constant 9 : i32
          %get3A_599 = arith.index_cast %get3A_598 : i32 to index
          %get3A_600 = arith.index_cast %scan3A_567 : i32 to index
          %get3A_601 = arith.constant 32 : index
          %get3A_602 = tpu.vector_load %arg6[%get3A_599, %get3A_600, %get3A_601] {strides = array<i32>} : memref<12x50x128xf32, #tpu.memory_space<vmem>>, vector<1x1x16xf32>,
          %get3A_603 = vector.shape_cast %get3A_602 : vector<1x1x16xf32> to vector<16xf32>
          %mul3A_604 = arith.constant 11.3137083 : f32
          %mul3A_605 = vector.broadcast %mul3A_604 : f32 to vector<16xf32>
          %mul3A_606 = arith.mulf %get3A_603, %mul3A_605 : vector<16xf32>
          %swap3A_607 = arith.constant 9 : i32
          %swap3A_608 = arith.index_cast %swap3A_607 : i32 to index
          %swap3A_609 = arith.index_cast %scan3A_567 : i32 to index
          %swap3A_610 = arith.constant 32 : index
          %swap3A_611 = tpu.vector_load %arg6[%swap3A_608, %swap3A_609, %swap3A_610] {strides = array<i32>} : memref<12x50x128xf32, #tpu.memory_space<vmem>>, vector<1x1x16xf32>,
          %swap3A_612 = vector.shape_cast %swap3A_611 : vector<1x1x16xf32> to vector<16xf32>
          %swap3A_613 = vector.shape_cast %mul3A_606 : vector<16xf32> to vector<1x1x16xf32>
          tpu.vector_store %arg6[%swap3A_608, %swap3A_609, %swap3A_610], %swap3A_613 {strides = array<i32>} : memref<12x50x128xf32, #tpu.memory_space<vmem>>, vector<1x1x16xf32>,
          %get3A_614 = arith.constant 9 : i32
          %get3A_615 = arith.index_cast %get3A_614 : i32 to index
          %get3A_616 = arith.index_cast %scan3A_567 : i32 to index
          %get3A_617 = arith.constant 48 : index
          %get3A_618 = tpu.vector_load %arg6[%get3A_615, %get3A_616, %get3A_617] {strides = array<i32>} : memref<12x50x128xf32, #tpu.memory_space<vmem>>, vector<1x1x16xf32>,
          %get3A_619 = vector.shape_cast %get3A_618 : vector<1x1x16xf32> to vector<16xf32>
          %mul3A_620 = arith.constant 11.3137083 : f32
          %mul3A_621 = vector.broadcast %mul3A_620 : f32 to vector<16xf32>
          %mul3A_622 = arith.mulf %get3A_619, %mul3A_621 : vector<16xf32>
          %swap3A_623 = arith.constant 9 : i32
          %swap3A_624 = arith.index_cast %swap3A_623 : i32 to index
          %swap3A_625 = arith.index_cast %scan3A_567 : i32 to index
          %swap3A_626 = arith.constant 48 : index
          %swap3A_627 = tpu.vector_load %arg6[%swap3A_624, %swap3A_625, %swap3A_626] {strides = array<i32>} : memref<12x50x128xf32, #tpu.memory_space<vmem>>, vector<1x1x16xf32>,
          %swap3A_628 = vector.shape_cast %swap3A_627 : vector<1x1x16xf32> to vector<16xf32>
          %swap3A_629 = vector.shape_cast %mul3A_622 : vector<16xf32> to vector<1x1x16xf32>
          tpu.vector_store %arg6[%swap3A_624, %swap3A_625, %swap3A_626], %swap3A_629 {strides = array<i32>} : memref<12x50x128xf32, #tpu.memory_space<vmem>>, vector<1x1x16xf32>,
          %get3A_630 = arith.constant 9 : i32
          %get3A_631 = arith.index_cast %get3A_630 : i32 to index
          %get3A_632 = arith.index_cast %scan3A_567 : i32 to index
          %get3A_633 = arith.constant 64 : index
          %get3A_634 = tpu.vector_load %arg6[%get3A_631, %get3A_632, %get3A_633] {strides = array<i32>} : memref<12x50x128xf32, #tpu.memory_space<vmem>>, vector<1x1x16xf32>,
          %get3A_635 = vector.shape_cast %get3A_634 : vector<1x1x16xf32> to vector<16xf32>
          %mul3A_636 = arith.constant 11.3137083 : f32
          %mul3A_637 = vector.broadcast %mul3A_636 : f32 to vector<16xf32>
          %mul3A_638 = arith.mulf %get3A_635, %mul3A_637 : vector<16xf32>
          %swap3A_639 = arith.constant 9 : i32
          %swap3A_640 = arith.index_cast %swap3A_639 : i32 to index
          %swap3A_641 = arith.index_cast %scan3A_567 : i32 to index
          %swap3A_642 = arith.constant 64 : index
          %swap3A_643 = tpu.vector_load %arg6[%swap3A_640, %swap3A_641, %swap3A_642] {strides = array<i32>} : memref<12x50x128xf32, #tpu.memory_space<vmem>>, vector<1x1x16xf32>,
          %swap3A_644 = vector.shape_cast %swap3A_643 : vector<1x1x16xf32> to vector<16xf32>
          %swap3A_645 = vector.shape_cast %mul3A_638 : vector<16xf32> to vector<1x1x16xf32>
          tpu.vector_store %arg6[%swap3A_640, %swap3A_641, %swap3A_642], %swap3A_645 {strides = array<i32>} : memref<12x50x128xf32, #tpu.memory_space<vmem>>, vector<1x1x16xf32>,
          %get3A_646 = arith.constant 9 : i32
          %get3A_647 = arith.index_cast %get3A_646 : i32 to index
          %get3A_648 = arith.index_cast %scan3A_567 : i32 to index
          %get3A_649 = arith.constant 80 : index
          %get3A_650 = tpu.vector_load %arg6[%get3A_647, %get3A_648, %get3A_649] {strides = array<i32>} : memref<12x50x128xf32, #tpu.memory_space<vmem>>, vector<1x1x16xf32>,
          %get3A_651 = vector.shape_cast %get3A_650 : vector<1x1x16xf32> to vector<16xf32>
          %mul3A_652 = arith.constant 11.3137083 : f32
          %mul3A_653 = vector.broadcast %mul3A_652 : f32 to vector<16xf32>
          %mul3A_654 = arith.mulf %get3A_651, %mul3A_653 : vector<16xf32>
          %swap3A_655 = arith.constant 9 : i32
          %swap3A_656 = arith.index_cast %swap3A_655 : i32 to index
          %swap3A_657 = arith.index_cast %scan3A_567 : i32 to index
          %swap3A_658 = arith.constant 80 : index
          %swap3A_659 = tpu.vector_load %arg6[%swap3A_656, %swap3A_657, %swap3A_658] {strides = array<i32>} : memref<12x50x128xf32, #tpu.memory_space<vmem>>, vector<1x1x16xf32>,
          %swap3A_660 = vector.shape_cast %swap3A_659 : vector<1x1x16xf32> to vector<16xf32>
          %swap3A_661 = vector.shape_cast %mul3A_654 : vector<16xf32> to vector<1x1x16xf32>
          tpu.vector_store %arg6[%swap3A_656, %swap3A_657, %swap3A_658], %swap3A_661 {strides = array<i32>} : memref<12x50x128xf32, #tpu.memory_space<vmem>>, vector<1x1x16xf32>,
          %get3A_662 = arith.constant 9 : i32
          %get3A_663 = arith.index_cast %get3A_662 : i32 to index
          %get3A_664 = arith.index_cast %scan3A_567 : i32 to index
          %get3A_665 = arith.constant 96 : index
          %get3A_666 = tpu.vector_load %arg6[%get3A_663, %get3A_664, %get3A_665] {strides = array<i32>} : memref<12x50x128xf32, #tpu.memory_space<vmem>>, vector<1x1x16xf32>,
          %get3A_667 = vector.shape_cast %get3A_666 : vector<1x1x16xf32> to vector<16xf32>
          %mul3A_668 = arith.constant 11.3137083 : f32
          %mul3A_669 = vector.broadcast %mul3A_668 : f32 to vector<16xf32>
          %mul3A_670 = arith.mulf %get3A_667, %mul3A_669 : vector<16xf32>
          %swap3A_671 = arith.constant 9 : i32
          %swap3A_672 = arith.index_cast %swap3A_671 : i32 to index
          %swap3A_673 = arith.index_cast %scan3A_567 : i32 to index
          %swap3A_674 = arith.constant 96 : index
          %swap3A_675 = tpu.vector_load %arg6[%swap3A_672, %swap3A_673, %swap3A_674] {strides = array<i32>} : memref<12x50x128xf32, #tpu.memory_space<vmem>>, vector<1x1x16xf32>,
          %swap3A_676 = vector.shape_cast %swap3A_675 : vector<1x1x16xf32> to vector<16xf32>
          %swap3A_677 = vector.shape_cast %mul3A_670 : vector<16xf32> to vector<1x1x16xf32>
          tpu.vector_store %arg6[%swap3A_672, %swap3A_673, %swap3A_674], %swap3A_677 {strides = array<i32>} : memref<12x50x128xf32, #tpu.memory_space<vmem>>, vector<1x1x16xf32>,
          %get3A_678 = arith.constant 9 : i32
          %get3A_679 = arith.index_cast %get3A_678 : i32 to index
          %get3A_680 = arith.index_cast %scan3A_567 : i32 to index
          %get3A_681 = arith.constant 112 : index
          %get3A_682 = tpu.vector_load %arg6[%get3A_679, %get3A_680, %get3A_681] {strides = array<i32>} : memref<12x50x128xf32, #tpu.memory_space<vmem>>, vector<1x1x16xf32>,
          %get3A_683 = vector.shape_cast %get3A_682 : vector<1x1x16xf32> to vector<16xf32>
          %mul3A_684 = arith.constant 11.3137083 : f32
          %mul3A_685 = vector.broadcast %mul3A_684 : f32 to vector<16xf32>
          %mul3A_686 = arith.mulf %get3A_683, %mul3A_685 : vector<16xf32>
          %swap3A_687 = arith.constant 9 : i32
          %swap3A_688 = arith.index_cast %swap3A_687 : i32 to index
          %swap3A_689 = arith.index_cast %scan3A_567 : i32 to index
          %swap3A_690 = arith.constant 112 : index
          %swap3A_691 = tpu.vector_load %arg6[%swap3A_688, %swap3A_689, %swap3A_690] {strides = array<i32>} : memref<12x50x128xf32, #tpu.memory_space<vmem>>, vector<1x1x16xf32>,
          %swap3A_692 = vector.shape_cast %swap3A_691 : vector<1x1x16xf32> to vector<16xf32>
          %swap3A_693 = vector.shape_cast %mul3A_686 : vector<16xf32> to vector<1x1x16xf32>
          tpu.vector_store %arg6[%swap3A_688, %swap3A_689, %swap3A_690], %swap3A_693 {strides = array<i32>} : memref<12x50x128xf32, #tpu.memory_space<vmem>>, vector<1x1x16xf32>,
        }
        %scan3A_537 = arith.constant 50 : i32
        %add3A_538 = arith.addi %mul3A_2, %add3A_493 : i32
        %dma_start3A_539 = arith.constant 9 : i32
        %dma_start3A_540 = arith.constant 9 : i32
        %dma_start3A_541 = arith.constant 0 : i32
        %dma_start3A_542 = arith.constant 0 : i32
        %dma_start3A_543 = tpu.memref_slice %arg6[%dma_start3A_539, %dma_start3A_541, %dma_start3A_542] : memref<12x50x128xf32, #tpu.memory_space<vmem>> -> memref<1x50x128xf32, #tpu.memory_space<vmem>>
        %dma_start3A_544 = tpu.memref_squeeze %dma_start3A_543 : memref<1x50x128xf32, #tpu.memory_space<vmem>> -> memref<50x128xf32, #tpu.memory_space<vmem>>
        %dma_start3A_545 = arith.constant 0 : i32
        %dma_start3A_546 = arith.constant 0 : i32
        %dma_start3A_547 = tpu.memref_slice %arg4[%add3A_538, %dma_start3A_545, %dma_start3A_546] : memref<4096x50x128xf32, #tpu.memory_space<hbm>> -> memref<1x50x128xf32, #tpu.memory_space<hbm>>
        %dma_start3A_548 = tpu.memref_squeeze %dma_start3A_547 : memref<1x50x128xf32, #tpu.memory_space<hbm>> -> memref<50x128xf32, #tpu.memory_space<hbm>>
        %dma_start3A_549 = tpu.memref_slice %arg8[%dma_start3A_540] : memref<12x!tpu.dma_semaphore, #tpu.memory_space<semaphore_mem>> -> memref<1x!tpu.dma_semaphore, #tpu.memory_space<semaphore_mem>>
        %dma_start3A_550 = tpu.memref_squeeze %dma_start3A_549 : memref<1x!tpu.dma_semaphore, #tpu.memory_space<semaphore_mem>> -> memref<!tpu.dma_semaphore, #tpu.memory_space<semaphore_mem>>
        %dma_start3A_551 = arith.constant 0 : i32
        %dma_start3A_552 = arith.constant 0 : i32
        %dma_start3A_553 = tpu.memref_slice %arg4[%add3A_538, %dma_start3A_551, %dma_start3A_552] : memref<4096x50x128xf32, #tpu.memory_space<hbm>> -> memref<1x50x128xf32, #tpu.memory_space<hbm>>
        %dma_start3A_554 = tpu.memref_squeeze %dma_start3A_553 : memref<1x50x128xf32, #tpu.memory_space<hbm>> -> memref<50x128xf32, #tpu.memory_space<hbm>>
        %dma_start3A_555 = arith.constant 0 : i32
        %dma_start3A_556 = arith.constant 0 : i32
        %dma_start3A_557 = tpu.memref_slice %arg6[%dma_start3A_539, %dma_start3A_555, %dma_start3A_556] : memref<12x50x128xf32, #tpu.memory_space<vmem>> -> memref<1x50x128xf32, #tpu.memory_space<vmem>>
        %dma_start3A_558 = tpu.memref_squeeze %dma_start3A_557 : memref<1x50x128xf32, #tpu.memory_space<vmem>> -> memref<50x128xf32, #tpu.memory_space<vmem>>
        tpu.enqueue_dma source(%dma_start3A_558 : memref<50x128xf32, #tpu.memory_space<vmem>>) target(%dma_start3A_554 : memref<50x128xf32, #tpu.memory_space<hbm>>) target_semaphore(%dma_start3A_550 : memref<!tpu.dma_semaphore, #tpu.memory_space<semaphore_mem>>)
        %add3A_559 = arith.constant 12 : i32
        %add3A_560 = arith.addi %add3A_493, %add3A_559 : i32
        %sub3A = arith.constant 1 : i32
        %sub3A_561 = arith.subi %add3A_560, %sub3A : i32
        %lt3A_562 = arith.constant 128 : i32
        %lt3A_563 = arith.cmpi slt, %sub3A_561, %lt3A_562 : i32
        %convert_element_type3A_564 = arith.extui %lt3A_563 : i1 to i32
        %cond3A_565 = arith.constant 0 : i32
        %cond3A_566 = arith.cmpi ne, %convert_element_type3A_564, %cond3A_565 : i32
        scf.if %cond3A_566 {
          %ge3A = arith.constant 1 : i32
          %ge3A_567 = arith.cmpi sge, %add3A_493, %ge3A : i32
          %convert_element_type3A_568 = arith.extui %ge3A_567 : i1 to i32
          %cond3A_569 = arith.constant 0 : i32
          %cond3A_570 = arith.cmpi ne, %convert_element_type3A_568, %cond3A_569 : i32
          scf.if %cond3A_570 {
            %dma_wait3A_585 = arith.constant 8 : i32
            %dma_wait3A_586 = arith.constant 8 : i32
            %dma_wait3A_587 = arith.constant 0 : i32
            %dma_wait3A_588 = arith.constant 0 : i32
            %dma_wait3A_589 = tpu.memref_slice %arg6[%dma_wait3A_585, %dma_wait3A_587, %dma_wait3A_588] : memref<12x50x128xf32, #tpu.memory_space<vmem>> -> memref<1x50x128xf32, #tpu.memory_space<vmem>>
            %dma_wait3A_590 = tpu.memref_squeeze %dma_wait3A_589 : memref<1x50x128xf32, #tpu.memory_space<vmem>> -> memref<50x128xf32, #tpu.memory_space<vmem>>
            %dma_wait3A_591 = arith.constant 0 : i32
            %dma_wait3A_592 = arith.constant 0 : i32
            %dma_wait3A_593 = tpu.memref_slice %arg4[%mul3A_2, %dma_wait3A_591, %dma_wait3A_592] : memref<4096x50x128xf32, #tpu.memory_space<hbm>> -> memref<1x50x128xf32, #tpu.memory_space<hbm>>
            %dma_wait3A_594 = tpu.memref_squeeze %dma_wait3A_593 : memref<1x50x128xf32, #tpu.memory_space<hbm>> -> memref<50x128xf32, #tpu.memory_space<hbm>>
            %dma_wait3A_595 = tpu.memref_slice %arg8[%dma_wait3A_586] : memref<12x!tpu.dma_semaphore, #tpu.memory_space<semaphore_mem>> -> memref<1x!tpu.dma_semaphore, #tpu.memory_space<semaphore_mem>>
            %dma_wait3A_596 = tpu.memref_squeeze %dma_wait3A_595 : memref<1x!tpu.dma_semaphore, #tpu.memory_space<semaphore_mem>> -> memref<!tpu.dma_semaphore, #tpu.memory_space<semaphore_mem>>
            %dma_wait3A_597 = arith.constant 0 : i32
            %dma_wait3A_598 = arith.constant 0 : i32
            %dma_wait3A_599 = tpu.memref_slice %arg4[%mul3A_2, %dma_wait3A_597, %dma_wait3A_598] : memref<4096x50x128xf32, #tpu.memory_space<hbm>> -> memref<1x50x128xf32, #tpu.memory_space<hbm>>
            %dma_wait3A_600 = tpu.memref_squeeze %dma_wait3A_599 : memref<1x50x128xf32, #tpu.memory_space<hbm>> -> memref<50x128xf32, #tpu.memory_space<hbm>>
            %dma_wait3A_601 = arith.constant 0 : i32
            %dma_wait3A_602 = arith.constant 0 : i32
            %dma_wait3A_603 = tpu.memref_slice %arg6[%dma_wait3A_585, %dma_wait3A_601, %dma_wait3A_602] : memref<12x50x128xf32, #tpu.memory_space<vmem>> -> memref<1x50x128xf32, #tpu.memory_space<vmem>>
            %dma_wait3A_604 = tpu.memref_squeeze %dma_wait3A_603 : memref<1x50x128xf32, #tpu.memory_space<vmem>> -> memref<50x128xf32, #tpu.memory_space<vmem>>
            tpu.wait_dma2 semaphore(%dma_wait3A_596 : memref<!tpu.dma_semaphore, #tpu.memory_space<semaphore_mem>>) src(%dma_wait3A_604 : memref<50x128xf32, #tpu.memory_space<vmem>>) dst(%dma_wait3A_600 : memref<50x128xf32, #tpu.memory_space<hbm>>)
          } else {
          }
          %dma_start3A_571 = arith.constant 8 : i32
          %dma_start3A_572 = arith.constant 8 : i32
          %dma_start3A_573 = arith.constant 0 : i32
          %dma_start3A_574 = arith.constant 0 : i32
          %dma_start3A_575 = tpu.memref_slice %arg6[%dma_start3A_571, %dma_start3A_573, %dma_start3A_574] : memref<12x50x128xf32, #tpu.memory_space<vmem>> -> memref<1x50x128xf32, #tpu.memory_space<vmem>>
          %dma_start3A_576 = tpu.memref_squeeze %dma_start3A_575 : memref<1x50x128xf32, #tpu.memory_space<vmem>> -> memref<50x128xf32, #tpu.memory_space<vmem>>
          %dma_start3A_577 = arith.constant 0 : i32
          %dma_start3A_578 = tpu.memref_slice %arg5[%sub3A_561, %dma_start3A_577] : memref<128x50xi32, #tpu.memory_space<vmem>> -> memref<1x50xi32, #tpu.memory_space<vmem>>
          %dma_start3A_579 = tpu.memref_squeeze %dma_start3A_578 : memref<1x50xi32, #tpu.memory_space<vmem>> -> memref<50xi32, #tpu.memory_space<vmem>>
          %dma_start3A_580 = arith.constant 0 : i32
          %dma_start3A_581 = arith.constant 0 : i32
          %dma_start3A_582 = tpu.memref_slice %arg2[%dma_start3A_580, %dma_start3A_581] : memref<100000x128xf32, #tpu.memory_space<hbm>> -> memref<100000x128xf32, #tpu.memory_space<hbm>>
          %dma_start3A_583 = tpu.memref_slice %arg7[%dma_start3A_572] : memref<12x!tpu.dma_semaphore, #tpu.memory_space<semaphore_mem>> -> memref<1x!tpu.dma_semaphore, #tpu.memory_space<semaphore_mem>>
          %dma_start3A_584 = tpu.memref_squeeze %dma_start3A_583 : memref<1x!tpu.dma_semaphore, #tpu.memory_space<semaphore_mem>> -> memref<!tpu.dma_semaphore, #tpu.memory_space<semaphore_mem>>
          tpu.enqueue_indirect_dma source(%dma_start3A_582 : memref<100000x128xf32, #tpu.memory_space<hbm>>) target(%dma_start3A_576 : memref<50x128xf32, #tpu.memory_space<vmem>>) offsets(%dma_start3A_579 : memref<50xi32, #tpu.memory_space<vmem>>) semaphore(%dma_start3A_584 : memref<!tpu.dma_semaphore, #tpu.memory_space<semaphore_mem>>)
        } else {
        }
      } else {
      }
      %mul3A_499 = arith.constant 12 : i32
      %mul3A_500 = arith.muli %scan3A_411, %mul3A_499 : i32
      %add3A_501 = arith.constant 10 : i32
      %add3A_502 = arith.addi %mul3A_500, %add3A_501 : i32
      %lt3A_503 = arith.constant 128 : i32
      %lt3A_504 = arith.cmpi slt, %add3A_502, %lt3A_503 : i32
      %convert_element_type3A_505 = arith.extui %lt3A_504 : i1 to i32
      %cond3A_506 = arith.constant 0 : i32
      %cond3A_507 = arith.cmpi ne, %convert_element_type3A_505, %cond3A_506 : i32
      scf.if %cond3A_507 {
        %dma_wait3A_517 = arith.constant 0 : i32
        %dma_wait3A_518 = arith.constant 10 : i32
        %dma_wait3A_519 = arith.constant 10 : i32
        %dma_wait3A_520 = arith.constant 0 : i32
        %dma_wait3A_521 = arith.constant 0 : i32
        %dma_wait3A_522 = tpu.memref_slice %arg6[%dma_wait3A_518, %dma_wait3A_520, %dma_wait3A_521] : memref<12x50x128xf32, #tpu.memory_space<vmem>> -> memref<1x50x128xf32, #tpu.memory_space<vmem>>
        %dma_wait3A_523 = tpu.memref_squeeze %dma_wait3A_522 : memref<1x50x128xf32, #tpu.memory_space<vmem>> -> memref<50x128xf32, #tpu.memory_space<vmem>>
        %dma_wait3A_524 = arith.constant 0 : i32
        %dma_wait3A_525 = tpu.memref_slice %arg5[%dma_wait3A_517, %dma_wait3A_524] : memref<128x50xi32, #tpu.memory_space<vmem>> -> memref<1x50xi32, #tpu.memory_space<vmem>>
        %dma_wait3A_526 = tpu.memref_squeeze %dma_wait3A_525 : memref<1x50xi32, #tpu.memory_space<vmem>> -> memref<50xi32, #tpu.memory_space<vmem>>
        %dma_wait3A_527 = arith.constant 0 : i32
        %dma_wait3A_528 = arith.constant 0 : i32
        %dma_wait3A_529 = tpu.memref_slice %arg2[%dma_wait3A_527, %dma_wait3A_528] : memref<100000x128xf32, #tpu.memory_space<hbm>> -> memref<100000x128xf32, #tpu.memory_space<hbm>>
        %dma_wait3A_530 = tpu.memref_slice %arg7[%dma_wait3A_519] : memref<12x!tpu.dma_semaphore, #tpu.memory_space<semaphore_mem>> -> memref<1x!tpu.dma_semaphore, #tpu.memory_space<semaphore_mem>>
        %dma_wait3A_531 = tpu.memref_squeeze %dma_wait3A_530 : memref<1x!tpu.dma_semaphore, #tpu.memory_space<semaphore_mem>> -> memref<!tpu.dma_semaphore, #tpu.memory_space<semaphore_mem>>
        tpu.wait_indirect_dma semaphore(%dma_wait3A_531 : memref<!tpu.dma_semaphore, #tpu.memory_space<semaphore_mem>>) src(%dma_wait3A_529 : memref<100000x128xf32, #tpu.memory_space<hbm>>) dst(%dma_wait3A_523 : memref<50x128xf32, #tpu.memory_space<vmem>>)
        %scan3A_532 = arith.constant 0 : i32
        %scan3A_533 = arith.constant 0 : i32
        %scan3A_534 = arith.constant 50 : i32
        %scan3A_535 = arith.addi %scan3A_533, %scan3A_534 : i32
        %scan3A_536 = arith.constant 1 : i32
        scf.for %scan3A_567 = %scan3A_533 to %scan3A_535 step %scan3A_536  : i32 {
          %get3A = arith.constant 10 : i32
          %get3A_568 = arith.index_cast %get3A : i32 to index
          %get3A_569 = arith.index_cast %scan3A_567 : i32 to index
          %get3A_570 = arith.constant 0 : index
          %get3A_571 = tpu.vector_load %arg6[%get3A_568, %get3A_569, %get3A_570] {strides = array<i32>} : memref<12x50x128xf32, #tpu.memory_space<vmem>>, vector<1x1x16xf32>,
          %get3A_572 = vector.shape_cast %get3A_571 : vector<1x1x16xf32> to vector<16xf32>
          %mul3A_573 = arith.constant 11.3137083 : f32
          %mul3A_574 = vector.broadcast %mul3A_573 : f32 to vector<16xf32>
          %mul3A_575 = arith.mulf %get3A_572, %mul3A_574 : vector<16xf32>
          %swap3A = arith.constant 10 : i32
          %swap3A_576 = arith.index_cast %swap3A : i32 to index
          %swap3A_577 = arith.index_cast %scan3A_567 : i32 to index
          %swap3A_578 = arith.constant 0 : index
          %swap3A_579 = tpu.vector_load %arg6[%swap3A_576, %swap3A_577, %swap3A_578] {strides = array<i32>} : memref<12x50x128xf32, #tpu.memory_space<vmem>>, vector<1x1x16xf32>,
          %swap3A_580 = vector.shape_cast %swap3A_579 : vector<1x1x16xf32> to vector<16xf32>
          %swap3A_581 = vector.shape_cast %mul3A_575 : vector<16xf32> to vector<1x1x16xf32>
          tpu.vector_store %arg6[%swap3A_576, %swap3A_577, %swap3A_578], %swap3A_581 {strides = array<i32>} : memref<12x50x128xf32, #tpu.memory_space<vmem>>, vector<1x1x16xf32>,
          %get3A_582 = arith.constant 10 : i32
          %get3A_583 = arith.index_cast %get3A_582 : i32 to index
          %get3A_584 = arith.index_cast %scan3A_567 : i32 to index
          %get3A_585 = arith.constant 16 : index
          %get3A_586 = tpu.vector_load %arg6[%get3A_583, %get3A_584, %get3A_585] {strides = array<i32>} : memref<12x50x128xf32, #tpu.memory_space<vmem>>, vector<1x1x16xf32>,
          %get3A_587 = vector.shape_cast %get3A_586 : vector<1x1x16xf32> to vector<16xf32>
          %mul3A_588 = arith.constant 11.3137083 : f32
          %mul3A_589 = vector.broadcast %mul3A_588 : f32 to vector<16xf32>
          %mul3A_590 = arith.mulf %get3A_587, %mul3A_589 : vector<16xf32>
          %swap3A_591 = arith.constant 10 : i32
          %swap3A_592 = arith.index_cast %swap3A_591 : i32 to index
          %swap3A_593 = arith.index_cast %scan3A_567 : i32 to index
          %swap3A_594 = arith.constant 16 : index
          %swap3A_595 = tpu.vector_load %arg6[%swap3A_592, %swap3A_593, %swap3A_594] {strides = array<i32>} : memref<12x50x128xf32, #tpu.memory_space<vmem>>, vector<1x1x16xf32>,
          %swap3A_596 = vector.shape_cast %swap3A_595 : vector<1x1x16xf32> to vector<16xf32>
          %swap3A_597 = vector.shape_cast %mul3A_590 : vector<16xf32> to vector<1x1x16xf32>
          tpu.vector_store %arg6[%swap3A_592, %swap3A_593, %swap3A_594], %swap3A_597 {strides = array<i32>} : memref<12x50x128xf32, #tpu.memory_space<vmem>>, vector<1x1x16xf32>,
          %get3A_598 = arith.constant 10 : i32
          %get3A_599 = arith.index_cast %get3A_598 : i32 to index
          %get3A_600 = arith.index_cast %scan3A_567 : i32 to index
          %get3A_601 = arith.constant 32 : index
          %get3A_602 = tpu.vector_load %arg6[%get3A_599, %get3A_600, %get3A_601] {strides = array<i32>} : memref<12x50x128xf32, #tpu.memory_space<vmem>>, vector<1x1x16xf32>,
          %get3A_603 = vector.shape_cast %get3A_602 : vector<1x1x16xf32> to vector<16xf32>
          %mul3A_604 = arith.constant 11.3137083 : f32
          %mul3A_605 = vector.broadcast %mul3A_604 : f32 to vector<16xf32>
          %mul3A_606 = arith.mulf %get3A_603, %mul3A_605 : vector<16xf32>
          %swap3A_607 = arith.constant 10 : i32
          %swap3A_608 = arith.index_cast %swap3A_607 : i32 to index
          %swap3A_609 = arith.index_cast %scan3A_567 : i32 to index
          %swap3A_610 = arith.constant 32 : index
          %swap3A_611 = tpu.vector_load %arg6[%swap3A_608, %swap3A_609, %swap3A_610] {strides = array<i32>} : memref<12x50x128xf32, #tpu.memory_space<vmem>>, vector<1x1x16xf32>,
          %swap3A_612 = vector.shape_cast %swap3A_611 : vector<1x1x16xf32> to vector<16xf32>
          %swap3A_613 = vector.shape_cast %mul3A_606 : vector<16xf32> to vector<1x1x16xf32>
          tpu.vector_store %arg6[%swap3A_608, %swap3A_609, %swap3A_610], %swap3A_613 {strides = array<i32>} : memref<12x50x128xf32, #tpu.memory_space<vmem>>, vector<1x1x16xf32>,
          %get3A_614 = arith.constant 10 : i32
          %get3A_615 = arith.index_cast %get3A_614 : i32 to index
          %get3A_616 = arith.index_cast %scan3A_567 : i32 to index
          %get3A_617 = arith.constant 48 : index
          %get3A_618 = tpu.vector_load %arg6[%get3A_615, %get3A_616, %get3A_617] {strides = array<i32>} : memref<12x50x128xf32, #tpu.memory_space<vmem>>, vector<1x1x16xf32>,
          %get3A_619 = vector.shape_cast %get3A_618 : vector<1x1x16xf32> to vector<16xf32>
          %mul3A_620 = arith.constant 11.3137083 : f32
          %mul3A_621 = vector.broadcast %mul3A_620 : f32 to vector<16xf32>
          %mul3A_622 = arith.mulf %get3A_619, %mul3A_621 : vector<16xf32>
          %swap3A_623 = arith.constant 10 : i32
          %swap3A_624 = arith.index_cast %swap3A_623 : i32 to index
          %swap3A_625 = arith.index_cast %scan3A_567 : i32 to index
          %swap3A_626 = arith.constant 48 : index
          %swap3A_627 = tpu.vector_load %arg6[%swap3A_624, %swap3A_625, %swap3A_626] {strides = array<i32>} : memref<12x50x128xf32, #tpu.memory_space<vmem>>, vector<1x1x16xf32>,
          %swap3A_628 = vector.shape_cast %swap3A_627 : vector<1x1x16xf32> to vector<16xf32>
          %swap3A_629 = vector.shape_cast %mul3A_622 : vector<16xf32> to vector<1x1x16xf32>
          tpu.vector_store %arg6[%swap3A_624, %swap3A_625, %swap3A_626], %swap3A_629 {strides = array<i32>} : memref<12x50x128xf32, #tpu.memory_space<vmem>>, vector<1x1x16xf32>,
          %get3A_630 = arith.constant 10 : i32
          %get3A_631 = arith.index_cast %get3A_630 : i32 to index
          %get3A_632 = arith.index_cast %scan3A_567 : i32 to index
          %get3A_633 = arith.constant 64 : index
          %get3A_634 = tpu.vector_load %arg6[%get3A_631, %get3A_632, %get3A_633] {strides = array<i32>} : memref<12x50x128xf32, #tpu.memory_space<vmem>>, vector<1x1x16xf32>,
          %get3A_635 = vector.shape_cast %get3A_634 : vector<1x1x16xf32> to vector<16xf32>
          %mul3A_636 = arith.constant 11.3137083 : f32
          %mul3A_637 = vector.broadcast %mul3A_636 : f32 to vector<16xf32>
          %mul3A_638 = arith.mulf %get3A_635, %mul3A_637 : vector<16xf32>
          %swap3A_639 = arith.constant 10 : i32
          %swap3A_640 = arith.index_cast %swap3A_639 : i32 to index
          %swap3A_641 = arith.index_cast %scan3A_567 : i32 to index
          %swap3A_642 = arith.constant 64 : index
          %swap3A_643 = tpu.vector_load %arg6[%swap3A_640, %swap3A_641, %swap3A_642] {strides = array<i32>} : memref<12x50x128xf32, #tpu.memory_space<vmem>>, vector<1x1x16xf32>,
          %swap3A_644 = vector.shape_cast %swap3A_643 : vector<1x1x16xf32> to vector<16xf32>
          %swap3A_645 = vector.shape_cast %mul3A_638 : vector<16xf32> to vector<1x1x16xf32>
          tpu.vector_store %arg6[%swap3A_640, %swap3A_641, %swap3A_642], %swap3A_645 {strides = array<i32>} : memref<12x50x128xf32, #tpu.memory_space<vmem>>, vector<1x1x16xf32>,
          %get3A_646 = arith.constant 10 : i32
          %get3A_647 = arith.index_cast %get3A_646 : i32 to index
          %get3A_648 = arith.index_cast %scan3A_567 : i32 to index
          %get3A_649 = arith.constant 80 : index
          %get3A_650 = tpu.vector_load %arg6[%get3A_647, %get3A_648, %get3A_649] {strides = array<i32>} : memref<12x50x128xf32, #tpu.memory_space<vmem>>, vector<1x1x16xf32>,
          %get3A_651 = vector.shape_cast %get3A_650 : vector<1x1x16xf32> to vector<16xf32>
          %mul3A_652 = arith.constant 11.3137083 : f32
          %mul3A_653 = vector.broadcast %mul3A_652 : f32 to vector<16xf32>
          %mul3A_654 = arith.mulf %get3A_651, %mul3A_653 : vector<16xf32>
          %swap3A_655 = arith.constant 10 : i32
          %swap3A_656 = arith.index_cast %swap3A_655 : i32 to index
          %swap3A_657 = arith.index_cast %scan3A_567 : i32 to index
          %swap3A_658 = arith.constant 80 : index
          %swap3A_659 = tpu.vector_load %arg6[%swap3A_656, %swap3A_657, %swap3A_658] {strides = array<i32>} : memref<12x50x128xf32, #tpu.memory_space<vmem>>, vector<1x1x16xf32>,
          %swap3A_660 = vector.shape_cast %swap3A_659 : vector<1x1x16xf32> to vector<16xf32>
          %swap3A_661 = vector.shape_cast %mul3A_654 : vector<16xf32> to vector<1x1x16xf32>
          tpu.vector_store %arg6[%swap3A_656, %swap3A_657, %swap3A_658], %swap3A_661 {strides = array<i32>} : memref<12x50x128xf32, #tpu.memory_space<vmem>>, vector<1x1x16xf32>,
          %get3A_662 = arith.constant 10 : i32
          %get3A_663 = arith.index_cast %get3A_662 : i32 to index
          %get3A_664 = arith.index_cast %scan3A_567 : i32 to index
          %get3A_665 = arith.constant 96 : index
          %get3A_666 = tpu.vector_load %arg6[%get3A_663, %get3A_664, %get3A_665] {strides = array<i32>} : memref<12x50x128xf32, #tpu.memory_space<vmem>>, vector<1x1x16xf32>,
          %get3A_667 = vector.shape_cast %get3A_666 : vector<1x1x16xf32> to vector<16xf32>
          %mul3A_668 = arith.constant 11.3137083 : f32
          %mul3A_669 = vector.broadcast %mul3A_668 : f32 to vector<16xf32>
          %mul3A_670 = arith.mulf %get3A_667, %mul3A_669 : vector<16xf32>
          %swap3A_671 = arith.constant 10 : i32
          %swap3A_672 = arith.index_cast %swap3A_671 : i32 to index
          %swap3A_673 = arith.index_cast %scan3A_567 : i32 to index
          %swap3A_674 = arith.constant 96 : index
          %swap3A_675 = tpu.vector_load %arg6[%swap3A_672, %swap3A_673, %swap3A_674] {strides = array<i32>} : memref<12x50x128xf32, #tpu.memory_space<vmem>>, vector<1x1x16xf32>,
          %swap3A_676 = vector.shape_cast %swap3A_675 : vector<1x1x16xf32> to vector<16xf32>
          %swap3A_677 = vector.shape_cast %mul3A_670 : vector<16xf32> to vector<1x1x16xf32>
          tpu.vector_store %arg6[%swap3A_672, %swap3A_673, %swap3A_674], %swap3A_677 {strides = array<i32>} : memref<12x50x128xf32, #tpu.memory_space<vmem>>, vector<1x1x16xf32>,
          %get3A_678 = arith.constant 10 : i32
          %get3A_679 = arith.index_cast %get3A_678 : i32 to index
          %get3A_680 = arith.index_cast %scan3A_567 : i32 to index
          %get3A_681 = arith.constant 112 : index
          %get3A_682 = tpu.vector_load %arg6[%get3A_679, %get3A_680, %get3A_681] {strides = array<i32>} : memref<12x50x128xf32, #tpu.memory_space<vmem>>, vector<1x1x16xf32>,
          %get3A_683 = vector.shape_cast %get3A_682 : vector<1x1x16xf32> to vector<16xf32>
          %mul3A_684 = arith.constant 11.3137083 : f32
          %mul3A_685 = vector.broadcast %mul3A_684 : f32 to vector<16xf32>
          %mul3A_686 = arith.mulf %get3A_683, %mul3A_685 : vector<16xf32>
          %swap3A_687 = arith.constant 10 : i32
          %swap3A_688 = arith.index_cast %swap3A_687 : i32 to index
          %swap3A_689 = arith.index_cast %scan3A_567 : i32 to index
          %swap3A_690 = arith.constant 112 : index
          %swap3A_691 = tpu.vector_load %arg6[%swap3A_688, %swap3A_689, %swap3A_690] {strides = array<i32>} : memref<12x50x128xf32, #tpu.memory_space<vmem>>, vector<1x1x16xf32>,
          %swap3A_692 = vector.shape_cast %swap3A_691 : vector<1x1x16xf32> to vector<16xf32>
          %swap3A_693 = vector.shape_cast %mul3A_686 : vector<16xf32> to vector<1x1x16xf32>
          tpu.vector_store %arg6[%swap3A_688, %swap3A_689, %swap3A_690], %swap3A_693 {strides = array<i32>} : memref<12x50x128xf32, #tpu.memory_space<vmem>>, vector<1x1x16xf32>,
        }
        %scan3A_537 = arith.constant 50 : i32
        %add3A_538 = arith.addi %mul3A_2, %add3A_502 : i32
        %dma_start3A_539 = arith.constant 10 : i32
        %dma_start3A_540 = arith.constant 10 : i32
        %dma_start3A_541 = arith.constant 0 : i32
        %dma_start3A_542 = arith.constant 0 : i32
        %dma_start3A_543 = tpu.memref_slice %arg6[%dma_start3A_539, %dma_start3A_541, %dma_start3A_542] : memref<12x50x128xf32, #tpu.memory_space<vmem>> -> memref<1x50x128xf32, #tpu.memory_space<vmem>>
        %dma_start3A_544 = tpu.memref_squeeze %dma_start3A_543 : memref<1x50x128xf32, #tpu.memory_space<vmem>> -> memref<50x128xf32, #tpu.memory_space<vmem>>
        %dma_start3A_545 = arith.constant 0 : i32
        %dma_start3A_546 = arith.constant 0 : i32
        %dma_start3A_547 = tpu.memref_slice %arg4[%add3A_538, %dma_start3A_545, %dma_start3A_546] : memref<4096x50x128xf32, #tpu.memory_space<hbm>> -> memref<1x50x128xf32, #tpu.memory_space<hbm>>
        %dma_start3A_548 = tpu.memref_squeeze %dma_start3A_547 : memref<1x50x128xf32, #tpu.memory_space<hbm>> -> memref<50x128xf32, #tpu.memory_space<hbm>>
        %dma_start3A_549 = tpu.memref_slice %arg8[%dma_start3A_540] : memref<12x!tpu.dma_semaphore, #tpu.memory_space<semaphore_mem>> -> memref<1x!tpu.dma_semaphore, #tpu.memory_space<semaphore_mem>>
        %dma_start3A_550 = tpu.memref_squeeze %dma_start3A_549 : memref<1x!tpu.dma_semaphore, #tpu.memory_space<semaphore_mem>> -> memref<!tpu.dma_semaphore, #tpu.memory_space<semaphore_mem>>
        %dma_start3A_551 = arith.constant 0 : i32
        %dma_start3A_552 = arith.constant 0 : i32
        %dma_start3A_553 = tpu.memref_slice %arg4[%add3A_538, %dma_start3A_551, %dma_start3A_552] : memref<4096x50x128xf32, #tpu.memory_space<hbm>> -> memref<1x50x128xf32, #tpu.memory_space<hbm>>
        %dma_start3A_554 = tpu.memref_squeeze %dma_start3A_553 : memref<1x50x128xf32, #tpu.memory_space<hbm>> -> memref<50x128xf32, #tpu.memory_space<hbm>>
        %dma_start3A_555 = arith.constant 0 : i32
        %dma_start3A_556 = arith.constant 0 : i32
        %dma_start3A_557 = tpu.memref_slice %arg6[%dma_start3A_539, %dma_start3A_555, %dma_start3A_556] : memref<12x50x128xf32, #tpu.memory_space<vmem>> -> memref<1x50x128xf32, #tpu.memory_space<vmem>>
        %dma_start3A_558 = tpu.memref_squeeze %dma_start3A_557 : memref<1x50x128xf32, #tpu.memory_space<vmem>> -> memref<50x128xf32, #tpu.memory_space<vmem>>
        tpu.enqueue_dma source(%dma_start3A_558 : memref<50x128xf32, #tpu.memory_space<vmem>>) target(%dma_start3A_554 : memref<50x128xf32, #tpu.memory_space<hbm>>) target_semaphore(%dma_start3A_550 : memref<!tpu.dma_semaphore, #tpu.memory_space<semaphore_mem>>)
        %add3A_559 = arith.constant 12 : i32
        %add3A_560 = arith.addi %add3A_502, %add3A_559 : i32
        %sub3A = arith.constant 1 : i32
        %sub3A_561 = arith.subi %add3A_560, %sub3A : i32
        %lt3A_562 = arith.constant 128 : i32
        %lt3A_563 = arith.cmpi slt, %sub3A_561, %lt3A_562 : i32
        %convert_element_type3A_564 = arith.extui %lt3A_563 : i1 to i32
        %cond3A_565 = arith.constant 0 : i32
        %cond3A_566 = arith.cmpi ne, %convert_element_type3A_564, %cond3A_565 : i32
        scf.if %cond3A_566 {
          %ge3A = arith.constant 1 : i32
          %ge3A_567 = arith.cmpi sge, %add3A_502, %ge3A : i32
          %convert_element_type3A_568 = arith.extui %ge3A_567 : i1 to i32
          %cond3A_569 = arith.constant 0 : i32
          %cond3A_570 = arith.cmpi ne, %convert_element_type3A_568, %cond3A_569 : i32
          scf.if %cond3A_570 {
            %dma_wait3A_585 = arith.constant 9 : i32
            %dma_wait3A_586 = arith.constant 9 : i32
            %dma_wait3A_587 = arith.constant 0 : i32
            %dma_wait3A_588 = arith.constant 0 : i32
            %dma_wait3A_589 = tpu.memref_slice %arg6[%dma_wait3A_585, %dma_wait3A_587, %dma_wait3A_588] : memref<12x50x128xf32, #tpu.memory_space<vmem>> -> memref<1x50x128xf32, #tpu.memory_space<vmem>>
            %dma_wait3A_590 = tpu.memref_squeeze %dma_wait3A_589 : memref<1x50x128xf32, #tpu.memory_space<vmem>> -> memref<50x128xf32, #tpu.memory_space<vmem>>
            %dma_wait3A_591 = arith.constant 0 : i32
            %dma_wait3A_592 = arith.constant 0 : i32
            %dma_wait3A_593 = tpu.memref_slice %arg4[%mul3A_2, %dma_wait3A_591, %dma_wait3A_592] : memref<4096x50x128xf32, #tpu.memory_space<hbm>> -> memref<1x50x128xf32, #tpu.memory_space<hbm>>
            %dma_wait3A_594 = tpu.memref_squeeze %dma_wait3A_593 : memref<1x50x128xf32, #tpu.memory_space<hbm>> -> memref<50x128xf32, #tpu.memory_space<hbm>>
            %dma_wait3A_595 = tpu.memref_slice %arg8[%dma_wait3A_586] : memref<12x!tpu.dma_semaphore, #tpu.memory_space<semaphore_mem>> -> memref<1x!tpu.dma_semaphore, #tpu.memory_space<semaphore_mem>>
            %dma_wait3A_596 = tpu.memref_squeeze %dma_wait3A_595 : memref<1x!tpu.dma_semaphore, #tpu.memory_space<semaphore_mem>> -> memref<!tpu.dma_semaphore, #tpu.memory_space<semaphore_mem>>
            %dma_wait3A_597 = arith.constant 0 : i32
            %dma_wait3A_598 = arith.constant 0 : i32
            %dma_wait3A_599 = tpu.memref_slice %arg4[%mul3A_2, %dma_wait3A_597, %dma_wait3A_598] : memref<4096x50x128xf32, #tpu.memory_space<hbm>> -> memref<1x50x128xf32, #tpu.memory_space<hbm>>
            %dma_wait3A_600 = tpu.memref_squeeze %dma_wait3A_599 : memref<1x50x128xf32, #tpu.memory_space<hbm>> -> memref<50x128xf32, #tpu.memory_space<hbm>>
            %dma_wait3A_601 = arith.constant 0 : i32
            %dma_wait3A_602 = arith.constant 0 : i32
            %dma_wait3A_603 = tpu.memref_slice %arg6[%dma_wait3A_585, %dma_wait3A_601, %dma_wait3A_602] : memref<12x50x128xf32, #tpu.memory_space<vmem>> -> memref<1x50x128xf32, #tpu.memory_space<vmem>>
            %dma_wait3A_604 = tpu.memref_squeeze %dma_wait3A_603 : memref<1x50x128xf32, #tpu.memory_space<vmem>> -> memref<50x128xf32, #tpu.memory_space<vmem>>
            tpu.wait_dma2 semaphore(%dma_wait3A_596 : memref<!tpu.dma_semaphore, #tpu.memory_space<semaphore_mem>>) src(%dma_wait3A_604 : memref<50x128xf32, #tpu.memory_space<vmem>>) dst(%dma_wait3A_600 : memref<50x128xf32, #tpu.memory_space<hbm>>)
          } else {
          }
          %dma_start3A_571 = arith.constant 9 : i32
          %dma_start3A_572 = arith.constant 9 : i32
          %dma_start3A_573 = arith.constant 0 : i32
          %dma_start3A_574 = arith.constant 0 : i32
          %dma_start3A_575 = tpu.memref_slice %arg6[%dma_start3A_571, %dma_start3A_573, %dma_start3A_574] : memref<12x50x128xf32, #tpu.memory_space<vmem>> -> memref<1x50x128xf32, #tpu.memory_space<vmem>>
          %dma_start3A_576 = tpu.memref_squeeze %dma_start3A_575 : memref<1x50x128xf32, #tpu.memory_space<vmem>> -> memref<50x128xf32, #tpu.memory_space<vmem>>
          %dma_start3A_577 = arith.constant 0 : i32
          %dma_start3A_578 = tpu.memref_slice %arg5[%sub3A_561, %dma_start3A_577] : memref<128x50xi32, #tpu.memory_space<vmem>> -> memref<1x50xi32, #tpu.memory_space<vmem>>
          %dma_start3A_579 = tpu.memref_squeeze %dma_start3A_578 : memref<1x50xi32, #tpu.memory_space<vmem>> -> memref<50xi32, #tpu.memory_space<vmem>>
          %dma_start3A_580 = arith.constant 0 : i32
          %dma_start3A_581 = arith.constant 0 : i32
          %dma_start3A_582 = tpu.memref_slice %arg2[%dma_start3A_580, %dma_start3A_581] : memref<100000x128xf32, #tpu.memory_space<hbm>> -> memref<100000x128xf32, #tpu.memory_space<hbm>>
          %dma_start3A_583 = tpu.memref_slice %arg7[%dma_start3A_572] : memref<12x!tpu.dma_semaphore, #tpu.memory_space<semaphore_mem>> -> memref<1x!tpu.dma_semaphore, #tpu.memory_space<semaphore_mem>>
          %dma_start3A_584 = tpu.memref_squeeze %dma_start3A_583 : memref<1x!tpu.dma_semaphore, #tpu.memory_space<semaphore_mem>> -> memref<!tpu.dma_semaphore, #tpu.memory_space<semaphore_mem>>
          tpu.enqueue_indirect_dma source(%dma_start3A_582 : memref<100000x128xf32, #tpu.memory_space<hbm>>) target(%dma_start3A_576 : memref<50x128xf32, #tpu.memory_space<vmem>>) offsets(%dma_start3A_579 : memref<50xi32, #tpu.memory_space<vmem>>) semaphore(%dma_start3A_584 : memref<!tpu.dma_semaphore, #tpu.memory_space<semaphore_mem>>)
        } else {
        }
      } else {
      }
      %mul3A_508 = arith.constant 12 : i32
      %mul3A_509 = arith.muli %scan3A_411, %mul3A_508 : i32
      %add3A_510 = arith.constant 11 : i32
      %add3A_511 = arith.addi %mul3A_509, %add3A_510 : i32
      %lt3A_512 = arith.constant 128 : i32
      %lt3A_513 = arith.cmpi slt, %add3A_511, %lt3A_512 : i32
      %convert_element_type3A_514 = arith.extui %lt3A_513 : i1 to i32
      %cond3A_515 = arith.constant 0 : i32
      %cond3A_516 = arith.cmpi ne, %convert_element_type3A_514, %cond3A_515 : i32
      scf.if %cond3A_516 {
        %dma_wait3A_517 = arith.constant 0 : i32
        %dma_wait3A_518 = arith.constant 11 : i32
        %dma_wait3A_519 = arith.constant 11 : i32
        %dma_wait3A_520 = arith.constant 0 : i32
        %dma_wait3A_521 = arith.constant 0 : i32
        %dma_wait3A_522 = tpu.memref_slice %arg6[%dma_wait3A_518, %dma_wait3A_520, %dma_wait3A_521] : memref<12x50x128xf32, #tpu.memory_space<vmem>> -> memref<1x50x128xf32, #tpu.memory_space<vmem>>
        %dma_wait3A_523 = tpu.memref_squeeze %dma_wait3A_522 : memref<1x50x128xf32, #tpu.memory_space<vmem>> -> memref<50x128xf32, #tpu.memory_space<vmem>>
        %dma_wait3A_524 = arith.constant 0 : i32
        %dma_wait3A_525 = tpu.memref_slice %arg5[%dma_wait3A_517, %dma_wait3A_524] : memref<128x50xi32, #tpu.memory_space<vmem>> -> memref<1x50xi32, #tpu.memory_space<vmem>>
        %dma_wait3A_526 = tpu.memref_squeeze %dma_wait3A_525 : memref<1x50xi32, #tpu.memory_space<vmem>> -> memref<50xi32, #tpu.memory_space<vmem>>
        %dma_wait3A_527 = arith.constant 0 : i32
        %dma_wait3A_528 = arith.constant 0 : i32
        %dma_wait3A_529 = tpu.memref_slice %arg2[%dma_wait3A_527, %dma_wait3A_528] : memref<100000x128xf32, #tpu.memory_space<hbm>> -> memref<100000x128xf32, #tpu.memory_space<hbm>>
        %dma_wait3A_530 = tpu.memref_slice %arg7[%dma_wait3A_519] : memref<12x!tpu.dma_semaphore, #tpu.memory_space<semaphore_mem>> -> memref<1x!tpu.dma_semaphore, #tpu.memory_space<semaphore_mem>>
        %dma_wait3A_531 = tpu.memref_squeeze %dma_wait3A_530 : memref<1x!tpu.dma_semaphore, #tpu.memory_space<semaphore_mem>> -> memref<!tpu.dma_semaphore, #tpu.memory_space<semaphore_mem>>
        tpu.wait_indirect_dma semaphore(%dma_wait3A_531 : memref<!tpu.dma_semaphore, #tpu.memory_space<semaphore_mem>>) src(%dma_wait3A_529 : memref<100000x128xf32, #tpu.memory_space<hbm>>) dst(%dma_wait3A_523 : memref<50x128xf32, #tpu.memory_space<vmem>>)
        %scan3A_532 = arith.constant 0 : i32
        %scan3A_533 = arith.constant 0 : i32
        %scan3A_534 = arith.constant 50 : i32
        %scan3A_535 = arith.addi %scan3A_533, %scan3A_534 : i32
        %scan3A_536 = arith.constant 1 : i32
        scf.for %scan3A_567 = %scan3A_533 to %scan3A_535 step %scan3A_536  : i32 {
          %get3A = arith.constant 11 : i32
          %get3A_568 = arith.index_cast %get3A : i32 to index
          %get3A_569 = arith.index_cast %scan3A_567 : i32 to index
          %get3A_570 = arith.constant 0 : index
          %get3A_571 = tpu.vector_load %arg6[%get3A_568, %get3A_569, %get3A_570] {strides = array<i32>} : memref<12x50x128xf32, #tpu.memory_space<vmem>>, vector<1x1x16xf32>,
          %get3A_572 = vector.shape_cast %get3A_571 : vector<1x1x16xf32> to vector<16xf32>
          %mul3A_573 = arith.constant 11.3137083 : f32
          %mul3A_574 = vector.broadcast %mul3A_573 : f32 to vector<16xf32>
          %mul3A_575 = arith.mulf %get3A_572, %mul3A_574 : vector<16xf32>
          %swap3A = arith.constant 11 : i32
          %swap3A_576 = arith.index_cast %swap3A : i32 to index
          %swap3A_577 = arith.index_cast %scan3A_567 : i32 to index
          %swap3A_578 = arith.constant 0 : index
          %swap3A_579 = tpu.vector_load %arg6[%swap3A_576, %swap3A_577, %swap3A_578] {strides = array<i32>} : memref<12x50x128xf32, #tpu.memory_space<vmem>>, vector<1x1x16xf32>,
          %swap3A_580 = vector.shape_cast %swap3A_579 : vector<1x1x16xf32> to vector<16xf32>
          %swap3A_581 = vector.shape_cast %mul3A_575 : vector<16xf32> to vector<1x1x16xf32>
          tpu.vector_store %arg6[%swap3A_576, %swap3A_577, %swap3A_578], %swap3A_581 {strides = array<i32>} : memref<12x50x128xf32, #tpu.memory_space<vmem>>, vector<1x1x16xf32>,
          %get3A_582 = arith.constant 11 : i32
          %get3A_583 = arith.index_cast %get3A_582 : i32 to index
          %get3A_584 = arith.index_cast %scan3A_567 : i32 to index
          %get3A_585 = arith.constant 16 : index
          %get3A_586 = tpu.vector_load %arg6[%get3A_583, %get3A_584, %get3A_585] {strides = array<i32>} : memref<12x50x128xf32, #tpu.memory_space<vmem>>, vector<1x1x16xf32>,
          %get3A_587 = vector.shape_cast %get3A_586 : vector<1x1x16xf32> to vector<16xf32>
          %mul3A_588 = arith.constant 11.3137083 : f32
          %mul3A_589 = vector.broadcast %mul3A_588 : f32 to vector<16xf32>
          %mul3A_590 = arith.mulf %get3A_587, %mul3A_589 : vector<16xf32>
          %swap3A_591 = arith.constant 11 : i32
          %swap3A_592 = arith.index_cast %swap3A_591 : i32 to index
          %swap3A_593 = arith.index_cast %scan3A_567 : i32 to index
          %swap3A_594 = arith.constant 16 : index
          %swap3A_595 = tpu.vector_load %arg6[%swap3A_592, %swap3A_593, %swap3A_594] {strides = array<i32>} : memref<12x50x128xf32, #tpu.memory_space<vmem>>, vector<1x1x16xf32>,
          %swap3A_596 = vector.shape_cast %swap3A_595 : vector<1x1x16xf32> to vector<16xf32>
          %swap3A_597 = vector.shape_cast %mul3A_590 : vector<16xf32> to vector<1x1x16xf32>
          tpu.vector_store %arg6[%swap3A_592, %swap3A_593, %swap3A_594], %swap3A_597 {strides = array<i32>} : memref<12x50x128xf32, #tpu.memory_space<vmem>>, vector<1x1x16xf32>,
          %get3A_598 = arith.constant 11 : i32
          %get3A_599 = arith.index_cast %get3A_598 : i32 to index
          %get3A_600 = arith.index_cast %scan3A_567 : i32 to index
          %get3A_601 = arith.constant 32 : index
          %get3A_602 = tpu.vector_load %arg6[%get3A_599, %get3A_600, %get3A_601] {strides = array<i32>} : memref<12x50x128xf32, #tpu.memory_space<vmem>>, vector<1x1x16xf32>,
          %get3A_603 = vector.shape_cast %get3A_602 : vector<1x1x16xf32> to vector<16xf32>
          %mul3A_604 = arith.constant 11.3137083 : f32
          %mul3A_605 = vector.broadcast %mul3A_604 : f32 to vector<16xf32>
          %mul3A_606 = arith.mulf %get3A_603, %mul3A_605 : vector<16xf32>
          %swap3A_607 = arith.constant 11 : i32
          %swap3A_608 = arith.index_cast %swap3A_607 : i32 to index
          %swap3A_609 = arith.index_cast %scan3A_567 : i32 to index
          %swap3A_610 = arith.constant 32 : index
          %swap3A_611 = tpu.vector_load %arg6[%swap3A_608, %swap3A_609, %swap3A_610] {strides = array<i32>} : memref<12x50x128xf32, #tpu.memory_space<vmem>>, vector<1x1x16xf32>,
          %swap3A_612 = vector.shape_cast %swap3A_611 : vector<1x1x16xf32> to vector<16xf32>
          %swap3A_613 = vector.shape_cast %mul3A_606 : vector<16xf32> to vector<1x1x16xf32>
          tpu.vector_store %arg6[%swap3A_608, %swap3A_609, %swap3A_610], %swap3A_613 {strides = array<i32>} : memref<12x50x128xf32, #tpu.memory_space<vmem>>, vector<1x1x16xf32>,
          %get3A_614 = arith.constant 11 : i32
          %get3A_615 = arith.index_cast %get3A_614 : i32 to index
          %get3A_616 = arith.index_cast %scan3A_567 : i32 to index
          %get3A_617 = arith.constant 48 : index
          %get3A_618 = tpu.vector_load %arg6[%get3A_615, %get3A_616, %get3A_617] {strides = array<i32>} : memref<12x50x128xf32, #tpu.memory_space<vmem>>, vector<1x1x16xf32>,
          %get3A_619 = vector.shape_cast %get3A_618 : vector<1x1x16xf32> to vector<16xf32>
          %mul3A_620 = arith.constant 11.3137083 : f32
          %mul3A_621 = vector.broadcast %mul3A_620 : f32 to vector<16xf32>
          %mul3A_622 = arith.mulf %get3A_619, %mul3A_621 : vector<16xf32>
          %swap3A_623 = arith.constant 11 : i32
          %swap3A_624 = arith.index_cast %swap3A_623 : i32 to index
          %swap3A_625 = arith.index_cast %scan3A_567 : i32 to index
          %swap3A_626 = arith.constant 48 : index
          %swap3A_627 = tpu.vector_load %arg6[%swap3A_624, %swap3A_625, %swap3A_626] {strides = array<i32>} : memref<12x50x128xf32, #tpu.memory_space<vmem>>, vector<1x1x16xf32>,
          %swap3A_628 = vector.shape_cast %swap3A_627 : vector<1x1x16xf32> to vector<16xf32>
          %swap3A_629 = vector.shape_cast %mul3A_622 : vector<16xf32> to vector<1x1x16xf32>
          tpu.vector_store %arg6[%swap3A_624, %swap3A_625, %swap3A_626], %swap3A_629 {strides = array<i32>} : memref<12x50x128xf32, #tpu.memory_space<vmem>>, vector<1x1x16xf32>,
          %get3A_630 = arith.constant 11 : i32
          %get3A_631 = arith.index_cast %get3A_630 : i32 to index
          %get3A_632 = arith.index_cast %scan3A_567 : i32 to index
          %get3A_633 = arith.constant 64 : index
          %get3A_634 = tpu.vector_load %arg6[%get3A_631, %get3A_632, %get3A_633] {strides = array<i32>} : memref<12x50x128xf32, #tpu.memory_space<vmem>>, vector<1x1x16xf32>,
          %get3A_635 = vector.shape_cast %get3A_634 : vector<1x1x16xf32> to vector<16xf32>
          %mul3A_636 = arith.constant 11.3137083 : f32
          %mul3A_637 = vector.broadcast %mul3A_636 : f32 to vector<16xf32>
          %mul3A_638 = arith.mulf %get3A_635, %mul3A_637 : vector<16xf32>
          %swap3A_639 = arith.constant 11 : i32
          %swap3A_640 = arith.index_cast %swap3A_639 : i32 to index
          %swap3A_641 = arith.index_cast %scan3A_567 : i32 to index
          %swap3A_642 = arith.constant 64 : index
          %swap3A_643 = tpu.vector_load %arg6[%swap3A_640, %swap3A_641, %swap3A_642] {strides = array<i32>} : memref<12x50x128xf32, #tpu.memory_space<vmem>>, vector<1x1x16xf32>,
          %swap3A_644 = vector.shape_cast %swap3A_643 : vector<1x1x16xf32> to vector<16xf32>
          %swap3A_645 = vector.shape_cast %mul3A_638 : vector<16xf32> to vector<1x1x16xf32>
          tpu.vector_store %arg6[%swap3A_640, %swap3A_641, %swap3A_642], %swap3A_645 {strides = array<i32>} : memref<12x50x128xf32, #tpu.memory_space<vmem>>, vector<1x1x16xf32>,
          %get3A_646 = arith.constant 11 : i32
          %get3A_647 = arith.index_cast %get3A_646 : i32 to index
          %get3A_648 = arith.index_cast %scan3A_567 : i32 to index
          %get3A_649 = arith.constant 80 : index
          %get3A_650 = tpu.vector_load %arg6[%get3A_647, %get3A_648, %get3A_649] {strides = array<i32>} : memref<12x50x128xf32, #tpu.memory_space<vmem>>, vector<1x1x16xf32>,
          %get3A_651 = vector.shape_cast %get3A_650 : vector<1x1x16xf32> to vector<16xf32>
          %mul3A_652 = arith.constant 11.3137083 : f32
          %mul3A_653 = vector.broadcast %mul3A_652 : f32 to vector<16xf32>
          %mul3A_654 = arith.mulf %get3A_651, %mul3A_653 : vector<16xf32>
          %swap3A_655 = arith.constant 11 : i32
          %swap3A_656 = arith.index_cast %swap3A_655 : i32 to index
          %swap3A_657 = arith.index_cast %scan3A_567 : i32 to index
          %swap3A_658 = arith.constant 80 : index
          %swap3A_659 = tpu.vector_load %arg6[%swap3A_656, %swap3A_657, %swap3A_658] {strides = array<i32>} : memref<12x50x128xf32, #tpu.memory_space<vmem>>, vector<1x1x16xf32>,
          %swap3A_660 = vector.shape_cast %swap3A_659 : vector<1x1x16xf32> to vector<16xf32>
          %swap3A_661 = vector.shape_cast %mul3A_654 : vector<16xf32> to vector<1x1x16xf32>
          tpu.vector_store %arg6[%swap3A_656, %swap3A_657, %swap3A_658], %swap3A_661 {strides = array<i32>} : memref<12x50x128xf32, #tpu.memory_space<vmem>>, vector<1x1x16xf32>,
          %get3A_662 = arith.constant 11 : i32
          %get3A_663 = arith.index_cast %get3A_662 : i32 to index
          %get3A_664 = arith.index_cast %scan3A_567 : i32 to index
          %get3A_665 = arith.constant 96 : index
          %get3A_666 = tpu.vector_load %arg6[%get3A_663, %get3A_664, %get3A_665] {strides = array<i32>} : memref<12x50x128xf32, #tpu.memory_space<vmem>>, vector<1x1x16xf32>,
          %get3A_667 = vector.shape_cast %get3A_666 : vector<1x1x16xf32> to vector<16xf32>
          %mul3A_668 = arith.constant 11.3137083 : f32
          %mul3A_669 = vector.broadcast %mul3A_668 : f32 to vector<16xf32>
          %mul3A_670 = arith.mulf %get3A_667, %mul3A_669 : vector<16xf32>
          %swap3A_671 = arith.constant 11 : i32
          %swap3A_672 = arith.index_cast %swap3A_671 : i32 to index
          %swap3A_673 = arith.index_cast %scan3A_567 : i32 to index
          %swap3A_674 = arith.constant 96 : index
          %swap3A_675 = tpu.vector_load %arg6[%swap3A_672, %swap3A_673, %swap3A_674] {strides = array<i32>} : memref<12x50x128xf32, #tpu.memory_space<vmem>>, vector<1x1x16xf32>,
          %swap3A_676 = vector.shape_cast %swap3A_675 : vector<1x1x16xf32> to vector<16xf32>
          %swap3A_677 = vector.shape_cast %mul3A_670 : vector<16xf32> to vector<1x1x16xf32>
          tpu.vector_store %arg6[%swap3A_672, %swap3A_673, %swap3A_674], %swap3A_677 {strides = array<i32>} : memref<12x50x128xf32, #tpu.memory_space<vmem>>, vector<1x1x16xf32>,
          %get3A_678 = arith.constant 11 : i32
          %get3A_679 = arith.index_cast %get3A_678 : i32 to index
          %get3A_680 = arith.index_cast %scan3A_567 : i32 to index
          %get3A_681 = arith.constant 112 : index
          %get3A_682 = tpu.vector_load %arg6[%get3A_679, %get3A_680, %get3A_681] {strides = array<i32>} : memref<12x50x128xf32, #tpu.memory_space<vmem>>, vector<1x1x16xf32>,
          %get3A_683 = vector.shape_cast %get3A_682 : vector<1x1x16xf32> to vector<16xf32>
          %mul3A_684 = arith.constant 11.3137083 : f32
          %mul3A_685 = vector.broadcast %mul3A_684 : f32 to vector<16xf32>
          %mul3A_686 = arith.mulf %get3A_683, %mul3A_685 : vector<16xf32>
          %swap3A_687 = arith.constant 11 : i32
          %swap3A_688 = arith.index_cast %swap3A_687 : i32 to index
          %swap3A_689 = arith.index_cast %scan3A_567 : i32 to index
          %swap3A_690 = arith.constant 112 : index
          %swap3A_691 = tpu.vector_load %arg6[%swap3A_688, %swap3A_689, %swap3A_690] {strides = array<i32>} : memref<12x50x128xf32, #tpu.memory_space<vmem>>, vector<1x1x16xf32>,
          %swap3A_692 = vector.shape_cast %swap3A_691 : vector<1x1x16xf32> to vector<16xf32>
          %swap3A_693 = vector.shape_cast %mul3A_686 : vector<16xf32> to vector<1x1x16xf32>
          tpu.vector_store %arg6[%swap3A_688, %swap3A_689, %swap3A_690], %swap3A_693 {strides = array<i32>} : memref<12x50x128xf32, #tpu.memory_space<vmem>>, vector<1x1x16xf32>,
        }
        %scan3A_537 = arith.constant 50 : i32
        %add3A_538 = arith.addi %mul3A_2, %add3A_511 : i32
        %dma_start3A_539 = arith.constant 11 : i32
        %dma_start3A_540 = arith.constant 11 : i32
        %dma_start3A_541 = arith.constant 0 : i32
        %dma_start3A_542 = arith.constant 0 : i32
        %dma_start3A_543 = tpu.memref_slice %arg6[%dma_start3A_539, %dma_start3A_541, %dma_start3A_542] : memref<12x50x128xf32, #tpu.memory_space<vmem>> -> memref<1x50x128xf32, #tpu.memory_space<vmem>>
        %dma_start3A_544 = tpu.memref_squeeze %dma_start3A_543 : memref<1x50x128xf32, #tpu.memory_space<vmem>> -> memref<50x128xf32, #tpu.memory_space<vmem>>
        %dma_start3A_545 = arith.constant 0 : i32
        %dma_start3A_546 = arith.constant 0 : i32
        %dma_start3A_547 = tpu.memref_slice %arg4[%add3A_538, %dma_start3A_545, %dma_start3A_546] : memref<4096x50x128xf32, #tpu.memory_space<hbm>> -> memref<1x50x128xf32, #tpu.memory_space<hbm>>
        %dma_start3A_548 = tpu.memref_squeeze %dma_start3A_547 : memref<1x50x128xf32, #tpu.memory_space<hbm>> -> memref<50x128xf32, #tpu.memory_space<hbm>>
        %dma_start3A_549 = tpu.memref_slice %arg8[%dma_start3A_540] : memref<12x!tpu.dma_semaphore, #tpu.memory_space<semaphore_mem>> -> memref<1x!tpu.dma_semaphore, #tpu.memory_space<semaphore_mem>>
        %dma_start3A_550 = tpu.memref_squeeze %dma_start3A_549 : memref<1x!tpu.dma_semaphore, #tpu.memory_space<semaphore_mem>> -> memref<!tpu.dma_semaphore, #tpu.memory_space<semaphore_mem>>
        %dma_start3A_551 = arith.constant 0 : i32
        %dma_start3A_552 = arith.constant 0 : i32
        %dma_start3A_553 = tpu.memref_slice %arg4[%add3A_538, %dma_start3A_551, %dma_start3A_552] : memref<4096x50x128xf32, #tpu.memory_space<hbm>> -> memref<1x50x128xf32, #tpu.memory_space<hbm>>
        %dma_start3A_554 = tpu.memref_squeeze %dma_start3A_553 : memref<1x50x128xf32, #tpu.memory_space<hbm>> -> memref<50x128xf32, #tpu.memory_space<hbm>>
        %dma_start3A_555 = arith.constant 0 : i32
        %dma_start3A_556 = arith.constant 0 : i32
        %dma_start3A_557 = tpu.memref_slice %arg6[%dma_start3A_539, %dma_start3A_555, %dma_start3A_556] : memref<12x50x128xf32, #tpu.memory_space<vmem>> -> memref<1x50x128xf32, #tpu.memory_space<vmem>>
        %dma_start3A_558 = tpu.memref_squeeze %dma_start3A_557 : memref<1x50x128xf32, #tpu.memory_space<vmem>> -> memref<50x128xf32, #tpu.memory_space<vmem>>
        tpu.enqueue_dma source(%dma_start3A_558 : memref<50x128xf32, #tpu.memory_space<vmem>>) target(%dma_start3A_554 : memref<50x128xf32, #tpu.memory_space<hbm>>) target_semaphore(%dma_start3A_550 : memref<!tpu.dma_semaphore, #tpu.memory_space<semaphore_mem>>)
        %add3A_559 = arith.constant 12 : i32
        %add3A_560 = arith.addi %add3A_511, %add3A_559 : i32
        %sub3A = arith.constant 1 : i32
        %sub3A_561 = arith.subi %add3A_560, %sub3A : i32
        %lt3A_562 = arith.constant 128 : i32
        %lt3A_563 = arith.cmpi slt, %sub3A_561, %lt3A_562 : i32
        %convert_element_type3A_564 = arith.extui %lt3A_563 : i1 to i32
        %cond3A_565 = arith.constant 0 : i32
        %cond3A_566 = arith.cmpi ne, %convert_element_type3A_564, %cond3A_565 : i32
        scf.if %cond3A_566 {
          %ge3A = arith.constant 1 : i32
          %ge3A_567 = arith.cmpi sge, %add3A_511, %ge3A : i32
          %convert_element_type3A_568 = arith.extui %ge3A_567 : i1 to i32
          %cond3A_569 = arith.constant 0 : i32
          %cond3A_570 = arith.cmpi ne, %convert_element_type3A_568, %cond3A_569 : i32
          scf.if %cond3A_570 {
            %dma_wait3A_585 = arith.constant 10 : i32
            %dma_wait3A_586 = arith.constant 10 : i32
            %dma_wait3A_587 = arith.constant 0 : i32
            %dma_wait3A_588 = arith.constant 0 : i32
            %dma_wait3A_589 = tpu.memref_slice %arg6[%dma_wait3A_585, %dma_wait3A_587, %dma_wait3A_588] : memref<12x50x128xf32, #tpu.memory_space<vmem>> -> memref<1x50x128xf32, #tpu.memory_space<vmem>>
            %dma_wait3A_590 = tpu.memref_squeeze %dma_wait3A_589 : memref<1x50x128xf32, #tpu.memory_space<vmem>> -> memref<50x128xf32, #tpu.memory_space<vmem>>
            %dma_wait3A_591 = arith.constant 0 : i32
            %dma_wait3A_592 = arith.constant 0 : i32
            %dma_wait3A_593 = tpu.memref_slice %arg4[%mul3A_2, %dma_wait3A_591, %dma_wait3A_592] : memref<4096x50x128xf32, #tpu.memory_space<hbm>> -> memref<1x50x128xf32, #tpu.memory_space<hbm>>
            %dma_wait3A_594 = tpu.memref_squeeze %dma_wait3A_593 : memref<1x50x128xf32, #tpu.memory_space<hbm>> -> memref<50x128xf32, #tpu.memory_space<hbm>>
            %dma_wait3A_595 = tpu.memref_slice %arg8[%dma_wait3A_586] : memref<12x!tpu.dma_semaphore, #tpu.memory_space<semaphore_mem>> -> memref<1x!tpu.dma_semaphore, #tpu.memory_space<semaphore_mem>>
            %dma_wait3A_596 = tpu.memref_squeeze %dma_wait3A_595 : memref<1x!tpu.dma_semaphore, #tpu.memory_space<semaphore_mem>> -> memref<!tpu.dma_semaphore, #tpu.memory_space<semaphore_mem>>
            %dma_wait3A_597 = arith.constant 0 : i32
            %dma_wait3A_598 = arith.constant 0 : i32
            %dma_wait3A_599 = tpu.memref_slice %arg4[%mul3A_2, %dma_wait3A_597, %dma_wait3A_598] : memref<4096x50x128xf32, #tpu.memory_space<hbm>> -> memref<1x50x128xf32, #tpu.memory_space<hbm>>
            %dma_wait3A_600 = tpu.memref_squeeze %dma_wait3A_599 : memref<1x50x128xf32, #tpu.memory_space<hbm>> -> memref<50x128xf32, #tpu.memory_space<hbm>>
            %dma_wait3A_601 = arith.constant 0 : i32
            %dma_wait3A_602 = arith.constant 0 : i32
            %dma_wait3A_603 = tpu.memref_slice %arg6[%dma_wait3A_585, %dma_wait3A_601, %dma_wait3A_602] : memref<12x50x128xf32, #tpu.memory_space<vmem>> -> memref<1x50x128xf32, #tpu.memory_space<vmem>>
            %dma_wait3A_604 = tpu.memref_squeeze %dma_wait3A_603 : memref<1x50x128xf32, #tpu.memory_space<vmem>> -> memref<50x128xf32, #tpu.memory_space<vmem>>
            tpu.wait_dma2 semaphore(%dma_wait3A_596 : memref<!tpu.dma_semaphore, #tpu.memory_space<semaphore_mem>>) src(%dma_wait3A_604 : memref<50x128xf32, #tpu.memory_space<vmem>>) dst(%dma_wait3A_600 : memref<50x128xf32, #tpu.memory_space<hbm>>)
          } else {
          }
          %dma_start3A_571 = arith.constant 10 : i32
          %dma_start3A_572 = arith.constant 10 : i32
          %dma_start3A_573 = arith.constant 0 : i32
          %dma_start3A_574 = arith.constant 0 : i32
          %dma_start3A_575 = tpu.memref_slice %arg6[%dma_start3A_571, %dma_start3A_573, %dma_start3A_574] : memref<12x50x128xf32, #tpu.memory_space<vmem>> -> memref<1x50x128xf32, #tpu.memory_space<vmem>>
          %dma_start3A_576 = tpu.memref_squeeze %dma_start3A_575 : memref<1x50x128xf32, #tpu.memory_space<vmem>> -> memref<50x128xf32, #tpu.memory_space<vmem>>
          %dma_start3A_577 = arith.constant 0 : i32
          %dma_start3A_578 = tpu.memref_slice %arg5[%sub3A_561, %dma_start3A_577] : memref<128x50xi32, #tpu.memory_space<vmem>> -> memref<1x50xi32, #tpu.memory_space<vmem>>
          %dma_start3A_579 = tpu.memref_squeeze %dma_start3A_578 : memref<1x50xi32, #tpu.memory_space<vmem>> -> memref<50xi32, #tpu.memory_space<vmem>>
          %dma_start3A_580 = arith.constant 0 : i32
          %dma_start3A_581 = arith.constant 0 : i32
          %dma_start3A_582 = tpu.memref_slice %arg2[%dma_start3A_580, %dma_start3A_581] : memref<100000x128xf32, #tpu.memory_space<hbm>> -> memref<100000x128xf32, #tpu.memory_space<hbm>>
          %dma_start3A_583 = tpu.memref_slice %arg7[%dma_start3A_572] : memref<12x!tpu.dma_semaphore, #tpu.memory_space<semaphore_mem>> -> memref<1x!tpu.dma_semaphore, #tpu.memory_space<semaphore_mem>>
          %dma_start3A_584 = tpu.memref_squeeze %dma_start3A_583 : memref<1x!tpu.dma_semaphore, #tpu.memory_space<semaphore_mem>> -> memref<!tpu.dma_semaphore, #tpu.memory_space<semaphore_mem>>
          tpu.enqueue_indirect_dma source(%dma_start3A_582 : memref<100000x128xf32, #tpu.memory_space<hbm>>) target(%dma_start3A_576 : memref<50x128xf32, #tpu.memory_space<vmem>>) offsets(%dma_start3A_579 : memref<50xi32, #tpu.memory_space<vmem>>) semaphore(%dma_start3A_584 : memref<!tpu.dma_semaphore, #tpu.memory_space<semaphore_mem>>)
        } else {
        }
      } else {
      }
    }
    %scan3A_171 = arith.constant 11 : i32
    %dma_wait3A = arith.constant 0 : i32
    %dma_wait3A_172 = arith.constant 0 : i32
    %dma_wait3A_173 = arith.constant 0 : i32
    %dma_wait3A_174 = arith.constant 0 : i32
    %dma_wait3A_175 = tpu.memref_slice %arg6[%dma_wait3A, %dma_wait3A_173, %dma_wait3A_174] : memref<12x50x128xf32, #tpu.memory_space<vmem>> -> memref<1x50x128xf32, #tpu.memory_space<vmem>>
    %dma_wait3A_176 = tpu.memref_squeeze %dma_wait3A_175 : memref<1x50x128xf32, #tpu.memory_space<vmem>> -> memref<50x128xf32, #tpu.memory_space<vmem>>
    %dma_wait3A_177 = arith.constant 0 : i32
    %dma_wait3A_178 = arith.constant 0 : i32
    %dma_wait3A_179 = tpu.memref_slice %arg4[%mul3A_2, %dma_wait3A_177, %dma_wait3A_178] : memref<4096x50x128xf32, #tpu.memory_space<hbm>> -> memref<1x50x128xf32, #tpu.memory_space<hbm>>
    %dma_wait3A_180 = tpu.memref_squeeze %dma_wait3A_179 : memref<1x50x128xf32, #tpu.memory_space<hbm>> -> memref<50x128xf32, #tpu.memory_space<hbm>>
    %dma_wait3A_181 = tpu.memref_slice %arg8[%dma_wait3A_172] : memref<12x!tpu.dma_semaphore, #tpu.memory_space<semaphore_mem>> -> memref<1x!tpu.dma_semaphore, #tpu.memory_space<semaphore_mem>>
    %dma_wait3A_182 = tpu.memref_squeeze %dma_wait3A_181 : memref<1x!tpu.dma_semaphore, #tpu.memory_space<semaphore_mem>> -> memref<!tpu.dma_semaphore, #tpu.memory_space<semaphore_mem>>
    %dma_wait3A_183 = arith.constant 0 : i32
    %dma_wait3A_184 = arith.constant 0 : i32
    %dma_wait3A_185 = tpu.memref_slice %arg4[%mul3A_2, %dma_wait3A_183, %dma_wait3A_184] : memref<4096x50x128xf32, #tpu.memory_space<hbm>> -> memref<1x50x128xf32, #tpu.memory_space<hbm>>
    %dma_wait3A_186 = tpu.memref_squeeze %dma_wait3A_185 : memref<1x50x128xf32, #tpu.memory_space<hbm>> -> memref<50x128xf32, #tpu.memory_space<hbm>>
    %dma_wait3A_187 = arith.constant 0 : i32
    %dma_wait3A_188 = arith.constant 0 : i32
    %dma_wait3A_189 = tpu.memref_slice %arg6[%dma_wait3A, %dma_wait3A_187, %dma_wait3A_188] : memref<12x50x128xf32, #tpu.memory_space<vmem>> -> memref<1x50x128xf32, #tpu.memory_space<vmem>>
    %dma_wait3A_190 = tpu.memref_squeeze %dma_wait3A_189 : memref<1x50x128xf32, #tpu.memory_space<vmem>> -> memref<50x128xf32, #tpu.memory_space<vmem>>
    tpu.wait_dma2 semaphore(%dma_wait3A_182 : memref<!tpu.dma_semaphore, #tpu.memory_space<semaphore_mem>>) src(%dma_wait3A_190 : memref<50x128xf32, #tpu.memory_space<vmem>>) dst(%dma_wait3A_186 : memref<50x128xf32, #tpu.memory_space<hbm>>)
    %dma_wait3A_191 = arith.constant 1 : i32
    %dma_wait3A_192 = arith.constant 1 : i32
    %dma_wait3A_193 = arith.constant 0 : i32
    %dma_wait3A_194 = arith.constant 0 : i32
    %dma_wait3A_195 = tpu.memref_slice %arg6[%dma_wait3A_191, %dma_wait3A_193, %dma_wait3A_194] : memref<12x50x128xf32, #tpu.memory_space<vmem>> -> memref<1x50x128xf32, #tpu.memory_space<vmem>>
    %dma_wait3A_196 = tpu.memref_squeeze %dma_wait3A_195 : memref<1x50x128xf32, #tpu.memory_space<vmem>> -> memref<50x128xf32, #tpu.memory_space<vmem>>
    %dma_wait3A_197 = arith.constant 0 : i32
    %dma_wait3A_198 = arith.constant 0 : i32
    %dma_wait3A_199 = tpu.memref_slice %arg4[%mul3A_2, %dma_wait3A_197, %dma_wait3A_198] : memref<4096x50x128xf32, #tpu.memory_space<hbm>> -> memref<1x50x128xf32, #tpu.memory_space<hbm>>
    %dma_wait3A_200 = tpu.memref_squeeze %dma_wait3A_199 : memref<1x50x128xf32, #tpu.memory_space<hbm>> -> memref<50x128xf32, #tpu.memory_space<hbm>>
    %dma_wait3A_201 = tpu.memref_slice %arg8[%dma_wait3A_192] : memref<12x!tpu.dma_semaphore, #tpu.memory_space<semaphore_mem>> -> memref<1x!tpu.dma_semaphore, #tpu.memory_space<semaphore_mem>>
    %dma_wait3A_202 = tpu.memref_squeeze %dma_wait3A_201 : memref<1x!tpu.dma_semaphore, #tpu.memory_space<semaphore_mem>> -> memref<!tpu.dma_semaphore, #tpu.memory_space<semaphore_mem>>
    %dma_wait3A_203 = arith.constant 0 : i32
    %dma_wait3A_204 = arith.constant 0 : i32
    %dma_wait3A_205 = tpu.memref_slice %arg4[%mul3A_2, %dma_wait3A_203, %dma_wait3A_204] : memref<4096x50x128xf32, #tpu.memory_space<hbm>> -> memref<1x50x128xf32, #tpu.memory_space<hbm>>
    %dma_wait3A_206 = tpu.memref_squeeze %dma_wait3A_205 : memref<1x50x128xf32, #tpu.memory_space<hbm>> -> memref<50x128xf32, #tpu.memory_space<hbm>>
    %dma_wait3A_207 = arith.constant 0 : i32
    %dma_wait3A_208 = arith.constant 0 : i32
    %dma_wait3A_209 = tpu.memref_slice %arg6[%dma_wait3A_191, %dma_wait3A_207, %dma_wait3A_208] : memref<12x50x128xf32, #tpu.memory_space<vmem>> -> memref<1x50x128xf32, #tpu.memory_space<vmem>>
    %dma_wait3A_210 = tpu.memref_squeeze %dma_wait3A_209 : memref<1x50x128xf32, #tpu.memory_space<vmem>> -> memref<50x128xf32, #tpu.memory_space<vmem>>
    tpu.wait_dma2 semaphore(%dma_wait3A_202 : memref<!tpu.dma_semaphore, #tpu.memory_space<semaphore_mem>>) src(%dma_wait3A_210 : memref<50x128xf32, #tpu.memory_space<vmem>>) dst(%dma_wait3A_206 : memref<50x128xf32, #tpu.memory_space<hbm>>)
    %dma_wait3A_211 = arith.constant 2 : i32
    %dma_wait3A_212 = arith.constant 2 : i32
    %dma_wait3A_213 = arith.constant 0 : i32
    %dma_wait3A_214 = arith.constant 0 : i32
    %dma_wait3A_215 = tpu.memref_slice %arg6[%dma_wait3A_211, %dma_wait3A_213, %dma_wait3A_214] : memref<12x50x128xf32, #tpu.memory_space<vmem>> -> memref<1x50x128xf32, #tpu.memory_space<vmem>>
    %dma_wait3A_216 = tpu.memref_squeeze %dma_wait3A_215 : memref<1x50x128xf32, #tpu.memory_space<vmem>> -> memref<50x128xf32, #tpu.memory_space<vmem>>
    %dma_wait3A_217 = arith.constant 0 : i32
    %dma_wait3A_218 = arith.constant 0 : i32
    %dma_wait3A_219 = tpu.memref_slice %arg4[%mul3A_2, %dma_wait3A_217, %dma_wait3A_218] : memref<4096x50x128xf32, #tpu.memory_space<hbm>> -> memref<1x50x128xf32, #tpu.memory_space<hbm>>
    %dma_wait3A_220 = tpu.memref_squeeze %dma_wait3A_219 : memref<1x50x128xf32, #tpu.memory_space<hbm>> -> memref<50x128xf32, #tpu.memory_space<hbm>>
    %dma_wait3A_221 = tpu.memref_slice %arg8[%dma_wait3A_212] : memref<12x!tpu.dma_semaphore, #tpu.memory_space<semaphore_mem>> -> memref<1x!tpu.dma_semaphore, #tpu.memory_space<semaphore_mem>>
    %dma_wait3A_222 = tpu.memref_squeeze %dma_wait3A_221 : memref<1x!tpu.dma_semaphore, #tpu.memory_space<semaphore_mem>> -> memref<!tpu.dma_semaphore, #tpu.memory_space<semaphore_mem>>
    %dma_wait3A_223 = arith.constant 0 : i32
    %dma_wait3A_224 = arith.constant 0 : i32
    %dma_wait3A_225 = tpu.memref_slice %arg4[%mul3A_2, %dma_wait3A_223, %dma_wait3A_224] : memref<4096x50x128xf32, #tpu.memory_space<hbm>> -> memref<1x50x128xf32, #tpu.memory_space<hbm>>
    %dma_wait3A_226 = tpu.memref_squeeze %dma_wait3A_225 : memref<1x50x128xf32, #tpu.memory_space<hbm>> -> memref<50x128xf32, #tpu.memory_space<hbm>>
    %dma_wait3A_227 = arith.constant 0 : i32
    %dma_wait3A_228 = arith.constant 0 : i32
    %dma_wait3A_229 = tpu.memref_slice %arg6[%dma_wait3A_211, %dma_wait3A_227, %dma_wait3A_228] : memref<12x50x128xf32, #tpu.memory_space<vmem>> -> memref<1x50x128xf32, #tpu.memory_space<vmem>>
    %dma_wait3A_230 = tpu.memref_squeeze %dma_wait3A_229 : memref<1x50x128xf32, #tpu.memory_space<vmem>> -> memref<50x128xf32, #tpu.memory_space<vmem>>
    tpu.wait_dma2 semaphore(%dma_wait3A_222 : memref<!tpu.dma_semaphore, #tpu.memory_space<semaphore_mem>>) src(%dma_wait3A_230 : memref<50x128xf32, #tpu.memory_space<vmem>>) dst(%dma_wait3A_226 : memref<50x128xf32, #tpu.memory_space<hbm>>)
    %dma_wait3A_231 = arith.constant 3 : i32
    %dma_wait3A_232 = arith.constant 3 : i32
    %dma_wait3A_233 = arith.constant 0 : i32
    %dma_wait3A_234 = arith.constant 0 : i32
    %dma_wait3A_235 = tpu.memref_slice %arg6[%dma_wait3A_231, %dma_wait3A_233, %dma_wait3A_234] : memref<12x50x128xf32, #tpu.memory_space<vmem>> -> memref<1x50x128xf32, #tpu.memory_space<vmem>>
    %dma_wait3A_236 = tpu.memref_squeeze %dma_wait3A_235 : memref<1x50x128xf32, #tpu.memory_space<vmem>> -> memref<50x128xf32, #tpu.memory_space<vmem>>
    %dma_wait3A_237 = arith.constant 0 : i32
    %dma_wait3A_238 = arith.constant 0 : i32
    %dma_wait3A_239 = tpu.memref_slice %arg4[%mul3A_2, %dma_wait3A_237, %dma_wait3A_238] : memref<4096x50x128xf32, #tpu.memory_space<hbm>> -> memref<1x50x128xf32, #tpu.memory_space<hbm>>
    %dma_wait3A_240 = tpu.memref_squeeze %dma_wait3A_239 : memref<1x50x128xf32, #tpu.memory_space<hbm>> -> memref<50x128xf32, #tpu.memory_space<hbm>>
    %dma_wait3A_241 = tpu.memref_slice %arg8[%dma_wait3A_232] : memref<12x!tpu.dma_semaphore, #tpu.memory_space<semaphore_mem>> -> memref<1x!tpu.dma_semaphore, #tpu.memory_space<semaphore_mem>>
    %dma_wait3A_242 = tpu.memref_squeeze %dma_wait3A_241 : memref<1x!tpu.dma_semaphore, #tpu.memory_space<semaphore_mem>> -> memref<!tpu.dma_semaphore, #tpu.memory_space<semaphore_mem>>
    %dma_wait3A_243 = arith.constant 0 : i32
    %dma_wait3A_244 = arith.constant 0 : i32
    %dma_wait3A_245 = tpu.memref_slice %arg4[%mul3A_2, %dma_wait3A_243, %dma_wait3A_244] : memref<4096x50x128xf32, #tpu.memory_space<hbm>> -> memref<1x50x128xf32, #tpu.memory_space<hbm>>
    %dma_wait3A_246 = tpu.memref_squeeze %dma_wait3A_245 : memref<1x50x128xf32, #tpu.memory_space<hbm>> -> memref<50x128xf32, #tpu.memory_space<hbm>>
    %dma_wait3A_247 = arith.constant 0 : i32
    %dma_wait3A_248 = arith.constant 0 : i32
    %dma_wait3A_249 = tpu.memref_slice %arg6[%dma_wait3A_231, %dma_wait3A_247, %dma_wait3A_248] : memref<12x50x128xf32, #tpu.memory_space<vmem>> -> memref<1x50x128xf32, #tpu.memory_space<vmem>>
    %dma_wait3A_250 = tpu.memref_squeeze %dma_wait3A_249 : memref<1x50x128xf32, #tpu.memory_space<vmem>> -> memref<50x128xf32, #tpu.memory_space<vmem>>
    tpu.wait_dma2 semaphore(%dma_wait3A_242 : memref<!tpu.dma_semaphore, #tpu.memory_space<semaphore_mem>>) src(%dma_wait3A_250 : memref<50x128xf32, #tpu.memory_space<vmem>>) dst(%dma_wait3A_246 : memref<50x128xf32, #tpu.memory_space<hbm>>)
    %dma_wait3A_251 = arith.constant 4 : i32
    %dma_wait3A_252 = arith.constant 4 : i32
    %dma_wait3A_253 = arith.constant 0 : i32
    %dma_wait3A_254 = arith.constant 0 : i32
    %dma_wait3A_255 = tpu.memref_slice %arg6[%dma_wait3A_251, %dma_wait3A_253, %dma_wait3A_254] : memref<12x50x128xf32, #tpu.memory_space<vmem>> -> memref<1x50x128xf32, #tpu.memory_space<vmem>>
    %dma_wait3A_256 = tpu.memref_squeeze %dma_wait3A_255 : memref<1x50x128xf32, #tpu.memory_space<vmem>> -> memref<50x128xf32, #tpu.memory_space<vmem>>
    %dma_wait3A_257 = arith.constant 0 : i32
    %dma_wait3A_258 = arith.constant 0 : i32
    %dma_wait3A_259 = tpu.memref_slice %arg4[%mul3A_2, %dma_wait3A_257, %dma_wait3A_258] : memref<4096x50x128xf32, #tpu.memory_space<hbm>> -> memref<1x50x128xf32, #tpu.memory_space<hbm>>
    %dma_wait3A_260 = tpu.memref_squeeze %dma_wait3A_259 : memref<1x50x128xf32, #tpu.memory_space<hbm>> -> memref<50x128xf32, #tpu.memory_space<hbm>>
    %dma_wait3A_261 = tpu.memref_slice %arg8[%dma_wait3A_252] : memref<12x!tpu.dma_semaphore, #tpu.memory_space<semaphore_mem>> -> memref<1x!tpu.dma_semaphore, #tpu.memory_space<semaphore_mem>>
    %dma_wait3A_262 = tpu.memref_squeeze %dma_wait3A_261 : memref<1x!tpu.dma_semaphore, #tpu.memory_space<semaphore_mem>> -> memref<!tpu.dma_semaphore, #tpu.memory_space<semaphore_mem>>
    %dma_wait3A_263 = arith.constant 0 : i32
    %dma_wait3A_264 = arith.constant 0 : i32
    %dma_wait3A_265 = tpu.memref_slice %arg4[%mul3A_2, %dma_wait3A_263, %dma_wait3A_264] : memref<4096x50x128xf32, #tpu.memory_space<hbm>> -> memref<1x50x128xf32, #tpu.memory_space<hbm>>
    %dma_wait3A_266 = tpu.memref_squeeze %dma_wait3A_265 : memref<1x50x128xf32, #tpu.memory_space<hbm>> -> memref<50x128xf32, #tpu.memory_space<hbm>>
    %dma_wait3A_267 = arith.constant 0 : i32
    %dma_wait3A_268 = arith.constant 0 : i32
    %dma_wait3A_269 = tpu.memref_slice %arg6[%dma_wait3A_251, %dma_wait3A_267, %dma_wait3A_268] : memref<12x50x128xf32, #tpu.memory_space<vmem>> -> memref<1x50x128xf32, #tpu.memory_space<vmem>>
    %dma_wait3A_270 = tpu.memref_squeeze %dma_wait3A_269 : memref<1x50x128xf32, #tpu.memory_space<vmem>> -> memref<50x128xf32, #tpu.memory_space<vmem>>
    tpu.wait_dma2 semaphore(%dma_wait3A_262 : memref<!tpu.dma_semaphore, #tpu.memory_space<semaphore_mem>>) src(%dma_wait3A_270 : memref<50x128xf32, #tpu.memory_space<vmem>>) dst(%dma_wait3A_266 : memref<50x128xf32, #tpu.memory_space<hbm>>)
    %dma_wait3A_271 = arith.constant 5 : i32
    %dma_wait3A_272 = arith.constant 5 : i32
    %dma_wait3A_273 = arith.constant 0 : i32
    %dma_wait3A_274 = arith.constant 0 : i32
    %dma_wait3A_275 = tpu.memref_slice %arg6[%dma_wait3A_271, %dma_wait3A_273, %dma_wait3A_274] : memref<12x50x128xf32, #tpu.memory_space<vmem>> -> memref<1x50x128xf32, #tpu.memory_space<vmem>>
    %dma_wait3A_276 = tpu.memref_squeeze %dma_wait3A_275 : memref<1x50x128xf32, #tpu.memory_space<vmem>> -> memref<50x128xf32, #tpu.memory_space<vmem>>
    %dma_wait3A_277 = arith.constant 0 : i32
    %dma_wait3A_278 = arith.constant 0 : i32
    %dma_wait3A_279 = tpu.memref_slice %arg4[%mul3A_2, %dma_wait3A_277, %dma_wait3A_278] : memref<4096x50x128xf32, #tpu.memory_space<hbm>> -> memref<1x50x128xf32, #tpu.memory_space<hbm>>
    %dma_wait3A_280 = tpu.memref_squeeze %dma_wait3A_279 : memref<1x50x128xf32, #tpu.memory_space<hbm>> -> memref<50x128xf32, #tpu.memory_space<hbm>>
    %dma_wait3A_281 = tpu.memref_slice %arg8[%dma_wait3A_272] : memref<12x!tpu.dma_semaphore, #tpu.memory_space<semaphore_mem>> -> memref<1x!tpu.dma_semaphore, #tpu.memory_space<semaphore_mem>>
    %dma_wait3A_282 = tpu.memref_squeeze %dma_wait3A_281 : memref<1x!tpu.dma_semaphore, #tpu.memory_space<semaphore_mem>> -> memref<!tpu.dma_semaphore, #tpu.memory_space<semaphore_mem>>
    %dma_wait3A_283 = arith.constant 0 : i32
    %dma_wait3A_284 = arith.constant 0 : i32
    %dma_wait3A_285 = tpu.memref_slice %arg4[%mul3A_2, %dma_wait3A_283, %dma_wait3A_284] : memref<4096x50x128xf32, #tpu.memory_space<hbm>> -> memref<1x50x128xf32, #tpu.memory_space<hbm>>
    %dma_wait3A_286 = tpu.memref_squeeze %dma_wait3A_285 : memref<1x50x128xf32, #tpu.memory_space<hbm>> -> memref<50x128xf32, #tpu.memory_space<hbm>>
    %dma_wait3A_287 = arith.constant 0 : i32
    %dma_wait3A_288 = arith.constant 0 : i32
    %dma_wait3A_289 = tpu.memref_slice %arg6[%dma_wait3A_271, %dma_wait3A_287, %dma_wait3A_288] : memref<12x50x128xf32, #tpu.memory_space<vmem>> -> memref<1x50x128xf32, #tpu.memory_space<vmem>>
    %dma_wait3A_290 = tpu.memref_squeeze %dma_wait3A_289 : memref<1x50x128xf32, #tpu.memory_space<vmem>> -> memref<50x128xf32, #tpu.memory_space<vmem>>
    tpu.wait_dma2 semaphore(%dma_wait3A_282 : memref<!tpu.dma_semaphore, #tpu.memory_space<semaphore_mem>>) src(%dma_wait3A_290 : memref<50x128xf32, #tpu.memory_space<vmem>>) dst(%dma_wait3A_286 : memref<50x128xf32, #tpu.memory_space<hbm>>)
    %dma_wait3A_291 = arith.constant 6 : i32
    %dma_wait3A_292 = arith.constant 6 : i32
    %dma_wait3A_293 = arith.constant 0 : i32
    %dma_wait3A_294 = arith.constant 0 : i32
    %dma_wait3A_295 = tpu.memref_slice %arg6[%dma_wait3A_291, %dma_wait3A_293, %dma_wait3A_294] : memref<12x50x128xf32, #tpu.memory_space<vmem>> -> memref<1x50x128xf32, #tpu.memory_space<vmem>>
    %dma_wait3A_296 = tpu.memref_squeeze %dma_wait3A_295 : memref<1x50x128xf32, #tpu.memory_space<vmem>> -> memref<50x128xf32, #tpu.memory_space<vmem>>
    %dma_wait3A_297 = arith.constant 0 : i32
    %dma_wait3A_298 = arith.constant 0 : i32
    %dma_wait3A_299 = tpu.memref_slice %arg4[%mul3A_2, %dma_wait3A_297, %dma_wait3A_298] : memref<4096x50x128xf32, #tpu.memory_space<hbm>> -> memref<1x50x128xf32, #tpu.memory_space<hbm>>
    %dma_wait3A_300 = tpu.memref_squeeze %dma_wait3A_299 : memref<1x50x128xf32, #tpu.memory_space<hbm>> -> memref<50x128xf32, #tpu.memory_space<hbm>>
    %dma_wait3A_301 = tpu.memref_slice %arg8[%dma_wait3A_292] : memref<12x!tpu.dma_semaphore, #tpu.memory_space<semaphore_mem>> -> memref<1x!tpu.dma_semaphore, #tpu.memory_space<semaphore_mem>>
    %dma_wait3A_302 = tpu.memref_squeeze %dma_wait3A_301 : memref<1x!tpu.dma_semaphore, #tpu.memory_space<semaphore_mem>> -> memref<!tpu.dma_semaphore, #tpu.memory_space<semaphore_mem>>
    %dma_wait3A_303 = arith.constant 0 : i32
    %dma_wait3A_304 = arith.constant 0 : i32
    %dma_wait3A_305 = tpu.memref_slice %arg4[%mul3A_2, %dma_wait3A_303, %dma_wait3A_304] : memref<4096x50x128xf32, #tpu.memory_space<hbm>> -> memref<1x50x128xf32, #tpu.memory_space<hbm>>
    %dma_wait3A_306 = tpu.memref_squeeze %dma_wait3A_305 : memref<1x50x128xf32, #tpu.memory_space<hbm>> -> memref<50x128xf32, #tpu.memory_space<hbm>>
    %dma_wait3A_307 = arith.constant 0 : i32
    %dma_wait3A_308 = arith.constant 0 : i32
    %dma_wait3A_309 = tpu.memref_slice %arg6[%dma_wait3A_291, %dma_wait3A_307, %dma_wait3A_308] : memref<12x50x128xf32, #tpu.memory_space<vmem>> -> memref<1x50x128xf32, #tpu.memory_space<vmem>>
    %dma_wait3A_310 = tpu.memref_squeeze %dma_wait3A_309 : memref<1x50x128xf32, #tpu.memory_space<vmem>> -> memref<50x128xf32, #tpu.memory_space<vmem>>
    tpu.wait_dma2 semaphore(%dma_wait3A_302 : memref<!tpu.dma_semaphore, #tpu.memory_space<semaphore_mem>>) src(%dma_wait3A_310 : memref<50x128xf32, #tpu.memory_space<vmem>>) dst(%dma_wait3A_306 : memref<50x128xf32, #tpu.memory_space<hbm>>)
    %dma_wait3A_311 = arith.constant 7 : i32
    %dma_wait3A_312 = arith.constant 7 : i32
    %dma_wait3A_313 = arith.constant 0 : i32
    %dma_wait3A_314 = arith.constant 0 : i32
    %dma_wait3A_315 = tpu.memref_slice %arg6[%dma_wait3A_311, %dma_wait3A_313, %dma_wait3A_314] : memref<12x50x128xf32, #tpu.memory_space<vmem>> -> memref<1x50x128xf32, #tpu.memory_space<vmem>>
    %dma_wait3A_316 = tpu.memref_squeeze %dma_wait3A_315 : memref<1x50x128xf32, #tpu.memory_space<vmem>> -> memref<50x128xf32, #tpu.memory_space<vmem>>
    %dma_wait3A_317 = arith.constant 0 : i32
    %dma_wait3A_318 = arith.constant 0 : i32
    %dma_wait3A_319 = tpu.memref_slice %arg4[%mul3A_2, %dma_wait3A_317, %dma_wait3A_318] : memref<4096x50x128xf32, #tpu.memory_space<hbm>> -> memref<1x50x128xf32, #tpu.memory_space<hbm>>
    %dma_wait3A_320 = tpu.memref_squeeze %dma_wait3A_319 : memref<1x50x128xf32, #tpu.memory_space<hbm>> -> memref<50x128xf32, #tpu.memory_space<hbm>>
    %dma_wait3A_321 = tpu.memref_slice %arg8[%dma_wait3A_312] : memref<12x!tpu.dma_semaphore, #tpu.memory_space<semaphore_mem>> -> memref<1x!tpu.dma_semaphore, #tpu.memory_space<semaphore_mem>>
    %dma_wait3A_322 = tpu.memref_squeeze %dma_wait3A_321 : memref<1x!tpu.dma_semaphore, #tpu.memory_space<semaphore_mem>> -> memref<!tpu.dma_semaphore, #tpu.memory_space<semaphore_mem>>
    %dma_wait3A_323 = arith.constant 0 : i32
    %dma_wait3A_324 = arith.constant 0 : i32
    %dma_wait3A_325 = tpu.memref_slice %arg4[%mul3A_2, %dma_wait3A_323, %dma_wait3A_324] : memref<4096x50x128xf32, #tpu.memory_space<hbm>> -> memref<1x50x128xf32, #tpu.memory_space<hbm>>
    %dma_wait3A_326 = tpu.memref_squeeze %dma_wait3A_325 : memref<1x50x128xf32, #tpu.memory_space<hbm>> -> memref<50x128xf32, #tpu.memory_space<hbm>>
    %dma_wait3A_327 = arith.constant 0 : i32
    %dma_wait3A_328 = arith.constant 0 : i32
    %dma_wait3A_329 = tpu.memref_slice %arg6[%dma_wait3A_311, %dma_wait3A_327, %dma_wait3A_328] : memref<12x50x128xf32, #tpu.memory_space<vmem>> -> memref<1x50x128xf32, #tpu.memory_space<vmem>>
    %dma_wait3A_330 = tpu.memref_squeeze %dma_wait3A_329 : memref<1x50x128xf32, #tpu.memory_space<vmem>> -> memref<50x128xf32, #tpu.memory_space<vmem>>
    tpu.wait_dma2 semaphore(%dma_wait3A_322 : memref<!tpu.dma_semaphore, #tpu.memory_space<semaphore_mem>>) src(%dma_wait3A_330 : memref<50x128xf32, #tpu.memory_space<vmem>>) dst(%dma_wait3A_326 : memref<50x128xf32, #tpu.memory_space<hbm>>)
    %dma_wait3A_331 = arith.constant 8 : i32
    %dma_wait3A_332 = arith.constant 8 : i32
    %dma_wait3A_333 = arith.constant 0 : i32
    %dma_wait3A_334 = arith.constant 0 : i32
    %dma_wait3A_335 = tpu.memref_slice %arg6[%dma_wait3A_331, %dma_wait3A_333, %dma_wait3A_334] : memref<12x50x128xf32, #tpu.memory_space<vmem>> -> memref<1x50x128xf32, #tpu.memory_space<vmem>>
    %dma_wait3A_336 = tpu.memref_squeeze %dma_wait3A_335 : memref<1x50x128xf32, #tpu.memory_space<vmem>> -> memref<50x128xf32, #tpu.memory_space<vmem>>
    %dma_wait3A_337 = arith.constant 0 : i32
    %dma_wait3A_338 = arith.constant 0 : i32
    %dma_wait3A_339 = tpu.memref_slice %arg4[%mul3A_2, %dma_wait3A_337, %dma_wait3A_338] : memref<4096x50x128xf32, #tpu.memory_space<hbm>> -> memref<1x50x128xf32, #tpu.memory_space<hbm>>
    %dma_wait3A_340 = tpu.memref_squeeze %dma_wait3A_339 : memref<1x50x128xf32, #tpu.memory_space<hbm>> -> memref<50x128xf32, #tpu.memory_space<hbm>>
    %dma_wait3A_341 = tpu.memref_slice %arg8[%dma_wait3A_332] : memref<12x!tpu.dma_semaphore, #tpu.memory_space<semaphore_mem>> -> memref<1x!tpu.dma_semaphore, #tpu.memory_space<semaphore_mem>>
    %dma_wait3A_342 = tpu.memref_squeeze %dma_wait3A_341 : memref<1x!tpu.dma_semaphore, #tpu.memory_space<semaphore_mem>> -> memref<!tpu.dma_semaphore, #tpu.memory_space<semaphore_mem>>
    %dma_wait3A_343 = arith.constant 0 : i32
    %dma_wait3A_344 = arith.constant 0 : i32
    %dma_wait3A_345 = tpu.memref_slice %arg4[%mul3A_2, %dma_wait3A_343, %dma_wait3A_344] : memref<4096x50x128xf32, #tpu.memory_space<hbm>> -> memref<1x50x128xf32, #tpu.memory_space<hbm>>
    %dma_wait3A_346 = tpu.memref_squeeze %dma_wait3A_345 : memref<1x50x128xf32, #tpu.memory_space<hbm>> -> memref<50x128xf32, #tpu.memory_space<hbm>>
    %dma_wait3A_347 = arith.constant 0 : i32
    %dma_wait3A_348 = arith.constant 0 : i32
    %dma_wait3A_349 = tpu.memref_slice %arg6[%dma_wait3A_331, %dma_wait3A_347, %dma_wait3A_348] : memref<12x50x128xf32, #tpu.memory_space<vmem>> -> memref<1x50x128xf32, #tpu.memory_space<vmem>>
    %dma_wait3A_350 = tpu.memref_squeeze %dma_wait3A_349 : memref<1x50x128xf32, #tpu.memory_space<vmem>> -> memref<50x128xf32, #tpu.memory_space<vmem>>
    tpu.wait_dma2 semaphore(%dma_wait3A_342 : memref<!tpu.dma_semaphore, #tpu.memory_space<semaphore_mem>>) src(%dma_wait3A_350 : memref<50x128xf32, #tpu.memory_space<vmem>>) dst(%dma_wait3A_346 : memref<50x128xf32, #tpu.memory_space<hbm>>)
    %dma_wait3A_351 = arith.constant 9 : i32
    %dma_wait3A_352 = arith.constant 9 : i32
    %dma_wait3A_353 = arith.constant 0 : i32
    %dma_wait3A_354 = arith.constant 0 : i32
    %dma_wait3A_355 = tpu.memref_slice %arg6[%dma_wait3A_351, %dma_wait3A_353, %dma_wait3A_354] : memref<12x50x128xf32, #tpu.memory_space<vmem>> -> memref<1x50x128xf32, #tpu.memory_space<vmem>>
    %dma_wait3A_356 = tpu.memref_squeeze %dma_wait3A_355 : memref<1x50x128xf32, #tpu.memory_space<vmem>> -> memref<50x128xf32, #tpu.memory_space<vmem>>
    %dma_wait3A_357 = arith.constant 0 : i32
    %dma_wait3A_358 = arith.constant 0 : i32
    %dma_wait3A_359 = tpu.memref_slice %arg4[%mul3A_2, %dma_wait3A_357, %dma_wait3A_358] : memref<4096x50x128xf32, #tpu.memory_space<hbm>> -> memref<1x50x128xf32, #tpu.memory_space<hbm>>
    %dma_wait3A_360 = tpu.memref_squeeze %dma_wait3A_359 : memref<1x50x128xf32, #tpu.memory_space<hbm>> -> memref<50x128xf32, #tpu.memory_space<hbm>>
    %dma_wait3A_361 = tpu.memref_slice %arg8[%dma_wait3A_352] : memref<12x!tpu.dma_semaphore, #tpu.memory_space<semaphore_mem>> -> memref<1x!tpu.dma_semaphore, #tpu.memory_space<semaphore_mem>>
    %dma_wait3A_362 = tpu.memref_squeeze %dma_wait3A_361 : memref<1x!tpu.dma_semaphore, #tpu.memory_space<semaphore_mem>> -> memref<!tpu.dma_semaphore, #tpu.memory_space<semaphore_mem>>
    %dma_wait3A_363 = arith.constant 0 : i32
    %dma_wait3A_364 = arith.constant 0 : i32
    %dma_wait3A_365 = tpu.memref_slice %arg4[%mul3A_2, %dma_wait3A_363, %dma_wait3A_364] : memref<4096x50x128xf32, #tpu.memory_space<hbm>> -> memref<1x50x128xf32, #tpu.memory_space<hbm>>
    %dma_wait3A_366 = tpu.memref_squeeze %dma_wait3A_365 : memref<1x50x128xf32, #tpu.memory_space<hbm>> -> memref<50x128xf32, #tpu.memory_space<hbm>>
    %dma_wait3A_367 = arith.constant 0 : i32
    %dma_wait3A_368 = arith.constant 0 : i32
    %dma_wait3A_369 = tpu.memref_slice %arg6[%dma_wait3A_351, %dma_wait3A_367, %dma_wait3A_368] : memref<12x50x128xf32, #tpu.memory_space<vmem>> -> memref<1x50x128xf32, #tpu.memory_space<vmem>>
    %dma_wait3A_370 = tpu.memref_squeeze %dma_wait3A_369 : memref<1x50x128xf32, #tpu.memory_space<vmem>> -> memref<50x128xf32, #tpu.memory_space<vmem>>
    tpu.wait_dma2 semaphore(%dma_wait3A_362 : memref<!tpu.dma_semaphore, #tpu.memory_space<semaphore_mem>>) src(%dma_wait3A_370 : memref<50x128xf32, #tpu.memory_space<vmem>>) dst(%dma_wait3A_366 : memref<50x128xf32, #tpu.memory_space<hbm>>)
    %dma_wait3A_371 = arith.constant 10 : i32
    %dma_wait3A_372 = arith.constant 10 : i32
    %dma_wait3A_373 = arith.constant 0 : i32
    %dma_wait3A_374 = arith.constant 0 : i32
    %dma_wait3A_375 = tpu.memref_slice %arg6[%dma_wait3A_371, %dma_wait3A_373, %dma_wait3A_374] : memref<12x50x128xf32, #tpu.memory_space<vmem>> -> memref<1x50x128xf32, #tpu.memory_space<vmem>>
    %dma_wait3A_376 = tpu.memref_squeeze %dma_wait3A_375 : memref<1x50x128xf32, #tpu.memory_space<vmem>> -> memref<50x128xf32, #tpu.memory_space<vmem>>
    %dma_wait3A_377 = arith.constant 0 : i32
    %dma_wait3A_378 = arith.constant 0 : i32
    %dma_wait3A_379 = tpu.memref_slice %arg4[%mul3A_2, %dma_wait3A_377, %dma_wait3A_378] : memref<4096x50x128xf32, #tpu.memory_space<hbm>> -> memref<1x50x128xf32, #tpu.memory_space<hbm>>
    %dma_wait3A_380 = tpu.memref_squeeze %dma_wait3A_379 : memref<1x50x128xf32, #tpu.memory_space<hbm>> -> memref<50x128xf32, #tpu.memory_space<hbm>>
    %dma_wait3A_381 = tpu.memref_slice %arg8[%dma_wait3A_372] : memref<12x!tpu.dma_semaphore, #tpu.memory_space<semaphore_mem>> -> memref<1x!tpu.dma_semaphore, #tpu.memory_space<semaphore_mem>>
    %dma_wait3A_382 = tpu.memref_squeeze %dma_wait3A_381 : memref<1x!tpu.dma_semaphore, #tpu.memory_space<semaphore_mem>> -> memref<!tpu.dma_semaphore, #tpu.memory_space<semaphore_mem>>
    %dma_wait3A_383 = arith.constant 0 : i32
    %dma_wait3A_384 = arith.constant 0 : i32
    %dma_wait3A_385 = tpu.memref_slice %arg4[%mul3A_2, %dma_wait3A_383, %dma_wait3A_384] : memref<4096x50x128xf32, #tpu.memory_space<hbm>> -> memref<1x50x128xf32, #tpu.memory_space<hbm>>
    %dma_wait3A_386 = tpu.memref_squeeze %dma_wait3A_385 : memref<1x50x128xf32, #tpu.memory_space<hbm>> -> memref<50x128xf32, #tpu.memory_space<hbm>>
    %dma_wait3A_387 = arith.constant 0 : i32
    %dma_wait3A_388 = arith.constant 0 : i32
    %dma_wait3A_389 = tpu.memref_slice %arg6[%dma_wait3A_371, %dma_wait3A_387, %dma_wait3A_388] : memref<12x50x128xf32, #tpu.memory_space<vmem>> -> memref<1x50x128xf32, #tpu.memory_space<vmem>>
    %dma_wait3A_390 = tpu.memref_squeeze %dma_wait3A_389 : memref<1x50x128xf32, #tpu.memory_space<vmem>> -> memref<50x128xf32, #tpu.memory_space<vmem>>
    tpu.wait_dma2 semaphore(%dma_wait3A_382 : memref<!tpu.dma_semaphore, #tpu.memory_space<semaphore_mem>>) src(%dma_wait3A_390 : memref<50x128xf32, #tpu.memory_space<vmem>>) dst(%dma_wait3A_386 : memref<50x128xf32, #tpu.memory_space<hbm>>)
    %dma_wait3A_391 = arith.constant 11 : i32
    %dma_wait3A_392 = arith.constant 11 : i32
    %dma_wait3A_393 = arith.constant 0 : i32
    %dma_wait3A_394 = arith.constant 0 : i32
    %dma_wait3A_395 = tpu.memref_slice %arg6[%dma_wait3A_391, %dma_wait3A_393, %dma_wait3A_394] : memref<12x50x128xf32, #tpu.memory_space<vmem>> -> memref<1x50x128xf32, #tpu.memory_space<vmem>>
    %dma_wait3A_396 = tpu.memref_squeeze %dma_wait3A_395 : memref<1x50x128xf32, #tpu.memory_space<vmem>> -> memref<50x128xf32, #tpu.memory_space<vmem>>
    %dma_wait3A_397 = arith.constant 0 : i32
    %dma_wait3A_398 = arith.constant 0 : i32
    %dma_wait3A_399 = tpu.memref_slice %arg4[%mul3A_2, %dma_wait3A_397, %dma_wait3A_398] : memref<4096x50x128xf32, #tpu.memory_space<hbm>> -> memref<1x50x128xf32, #tpu.memory_space<hbm>>
    %dma_wait3A_400 = tpu.memref_squeeze %dma_wait3A_399 : memref<1x50x128xf32, #tpu.memory_space<hbm>> -> memref<50x128xf32, #tpu.memory_space<hbm>>
    %dma_wait3A_401 = tpu.memref_slice %arg8[%dma_wait3A_392] : memref<12x!tpu.dma_semaphore, #tpu.memory_space<semaphore_mem>> -> memref<1x!tpu.dma_semaphore, #tpu.memory_space<semaphore_mem>>
    %dma_wait3A_402 = tpu.memref_squeeze %dma_wait3A_401 : memref<1x!tpu.dma_semaphore, #tpu.memory_space<semaphore_mem>> -> memref<!tpu.dma_semaphore, #tpu.memory_space<semaphore_mem>>
    %dma_wait3A_403 = arith.constant 0 : i32
    %dma_wait3A_404 = arith.constant 0 : i32
    %dma_wait3A_405 = tpu.memref_slice %arg4[%mul3A_2, %dma_wait3A_403, %dma_wait3A_404] : memref<4096x50x128xf32, #tpu.memory_space<hbm>> -> memref<1x50x128xf32, #tpu.memory_space<hbm>>
    %dma_wait3A_406 = tpu.memref_squeeze %dma_wait3A_405 : memref<1x50x128xf32, #tpu.memory_space<hbm>> -> memref<50x128xf32, #tpu.memory_space<hbm>>
    %dma_wait3A_407 = arith.constant 0 : i32
    %dma_wait3A_408 = arith.constant 0 : i32
    %dma_wait3A_409 = tpu.memref_slice %arg6[%dma_wait3A_391, %dma_wait3A_407, %dma_wait3A_408] : memref<12x50x128xf32, #tpu.memory_space<vmem>> -> memref<1x50x128xf32, #tpu.memory_space<vmem>>
    %dma_wait3A_410 = tpu.memref_squeeze %dma_wait3A_409 : memref<1x50x128xf32, #tpu.memory_space<vmem>> -> memref<50x128xf32, #tpu.memory_space<vmem>>
    tpu.wait_dma2 semaphore(%dma_wait3A_402 : memref<!tpu.dma_semaphore, #tpu.memory_space<semaphore_mem>>) src(%dma_wait3A_410 : memref<50x128xf32, #tpu.memory_space<vmem>>) dst(%dma_wait3A_406 : memref<50x128xf32, #tpu.memory_space<hbm>>)
    return
  }
}

</mosaic_0001>

<sc_bundles>
// kernel: kernel.3.cloned.1.call-start
scs
__scs_entry_jumppad:
0x0: {  	(pc) =	sbr.rel $0x88, $3  }
0x1: {  	(tag) =	ssettag $0x0;
	lr =	simm.s32 $0x1  }
0x2: {  	[smem:$0x3F9F] =	sst lr;
	_ =	strace $0xD0000000  }
0x3: {  	_ = 	snop  }
0x4: {  	_ = 	snop  }
0x5: {  	_ = 	snop  }
0x6: {  	_ = 	snop  }
0x7: {  	_ = 	snop  }
__scs_overlays_trampoline_lowered:
0x8: {  	[smem:$0x3FAE] =	sst s0  }
0x9: {  	[smem:$0x3FAF] =	sst s1  }
0xa: {  	[smem:$0x3FB0] =	sst s2  }
0xb: {  	[smem:$0x3FB1] =	sst s3  }
0xc: {  	[smem:$0x3FB2] =	sst s4  }
0xd: {  	[smem:$0x3FB3] =	sst s5  }
0xe: {  	[smem:$0x3FB4] =	sst s6  }
0xf: {  	[smem:$0x3FB5] =	sst s7  }
0x10: {  	[smem:$0x3FB6] =	sst s8  }
0x11: {  	[smem:$0x3FB7] =	sst s9;
	s0 =	simm.s32 @!p0 $0x0  }
0x12: {  	s1 =	sld [smem:$0x3F9D];
	s0 =	simm.s32 @p0 $0x1  }
0x13: {  	[smem:$0x3FB8] =	sst s0;
	s0 =	simm.s32 @!p1 $0x0  }
0x14: {  	s2 =	sld [smem:$0x3F9C];
	s0 =	simm.s32 @p1 $0x1  }
0x15: {  	[smem:$0x3FB9] =	sst s0;
	s0 =	simm.s32 @!p2 $0x0  }
0x16: {  	s3 =	sld [smem:$0x3FDB];
	s0 =	simm.s32 @p2 $0x1  }
0x17: {  	s4 =	simm.s32 $0x1BF5;
	[smem:$0x3FBB] =	sst s0  }
0x18: {  	s0 =	sld [smem:$0x3F9E];
	_ =	swait.ge [sflag:s4], $0x0  }
0x19: {  	s7 =	sld [smem:$0x3F9F]  }
0x1a: {  	s8 =	sadd.s32 $0xFFFFE003, lr  }
0x1b: {  	s9 =	sadd.s32 $0xFFFFFEF7, lr;
	s5 =	simm.s32 $0xFFFFFFFF;
	p2 =	slt.u32 s8, $0xFFFFF086  }
0x1c: {  	p1 =	slt.u32 s9, $0xF7A;
	s5 =	simm.s32 @!p2 $0x0  }
0x1d: {  	s5 =	simm.s32 @p1 $0x1;
	p0 =	seq.s32 s7, s2  }
0x1e: {  	s7 =	smul.u32 @!p0 $0xF7A, s2;
	p2 =	seq.s32 @!p0 s5, $0x0  }
0x1f: {  	s9 =	smul.u32 $0xF7A, s1;
	s8 =	simm.s32 @!p0 $0x1BF5;
	p2 =	por !p2, p0  }
0x20: {  	[sflag:s8] =	ssyncset.s32 @!p0 $0xFFFFF086;
	s6 =	sadd.s32 @!p0 s3, s7;
	s7 =	simm.s32 @!p0 $0x108  }
0x21: {  	s3 =	sadd.s32 s3, s9;
	s6 =	sadd.s32 @!p0 $0x88, s6;
	s7 =	simm.s32 @p2 $0x1082  }
0x22: {  	[simem:s7], [sflag:s8] =	dma.local @!p0 [hbm:s6], $0xF7A  }
0x23: {  	s9 =	sor.u32 $0xD0000000, s2;
	s6 =	simm.s32 $0x108;
	_ =	swait.ge @!p0 [sflag:s8], $0x0  }
0x24: {  	s3 =	sadd.s32 $0x88, s3;
	s6 =	simm.s32 @!p1 $0x1082;
	[sflag:s4] =	ssyncset.s32 $0xFFFFF086  }
0x25: {  	[simem:s6], [sflag:s4] =	dma.local [hbm:s3], $0xF7A  }
0x26: {  	[smem:$0x3F9F] =	sst s1;
	(tag) =	ssettag s2;
	_ =	strace s9  }
0x27: {  	s1 =	sld [smem:$0x3FAF]  }
0x28: {  	s2 =	sld [smem:$0x3FB0]  }
0x29: {  	s4 =	sld [smem:$0x3FB2]  }
0x2a: {  	p0 =	seq.s32 s5, $0x0;
	s5 =	sld [smem:$0x3FB3]  }
0x2b: {  	s6 =	sld [smem:$0x3FB4]  }
0x2c: {  	s7 =	sld [smem:$0x3FB5]  }
0x2d: {  	s3 =	simm.s32 $0x108;
	s8 =	sld [smem:$0x3FB6]  }
0x2e: {  	s3 =	simm.s32 @!p0 $0x1082;
	s9 =	sld [smem:$0x3FB7]  }
0x2f: {  	lr =	sadd.s32 s0, s3;
	s0 =	sld [smem:$0x3FAE]  }
0x30: {  	s3 =	sld [smem:$0x3FB1]  }
0x31: {  	[smem:$0x3FBA] =	sst s10  }
0x32: {  	s10 =	sld [smem:$0x3FB8];
	_ =	sdelay $0x3  }
0x33: {  	p0 =	seq.s32 s10, $0x1;
	s10 =	sld [smem:$0x3FBA];
	_ =	sdelay $0x3  }
0x34: {  	[smem:$0x3FBA] =	sst s10  }
0x35: {  	s10 =	sld [smem:$0x3FB9];
	_ =	sdelay $0x3  }
0x36: {  	p1 =	seq.s32 s10, $0x1;
	s10 =	sld [smem:$0x3FBA];
	_ =	sdelay $0x3  }
0x37: {  	[smem:$0x3FBA] =	sst s10  }
0x38: {  	s10 =	sld [smem:$0x3FBB]  }
0x39: {  	_ = 	snop;
	(pc) =	sbr.ind lr, $3  }
0x3a: {  	_ = 	snop  }
0x3b: {  	_ = 	snop  }
0x3c: {  	p2 =	seq.s32 s10, $0x1;
	s10 =	sld [smem:$0x3FBA]  }
0x3d: {  	_ =	shalt  }
0x3e: {  	_ =	shalt  }
0x3f: {  	_ =	shalt  }
0x40: {  	_ =	shalt  }
0x41: {  	_ =	shalt  }
0x42: {  	_ =	shalt  }
0x43: {  	_ =	shalt  }
0x44: {  	_ =	shalt  }
0x45: {  	_ =	shalt  }
0x46: {  	_ =	shalt  }
0x47: {  	_ =	shalt  }
0x48: {  	_ =	shalt  }
0x49: {  	_ =	shalt  }
0x4a: {  	_ =	shalt  }
0x4b: {  	_ =	shalt  }
0x4c: {  	_ =	shalt  }
0x4d: {  	_ =	shalt  }
0x4e: {  	_ =	shalt  }
0x4f: {  	_ =	shalt  }
0x50: {  	_ =	shalt  }
0x51: {  	_ =	shalt  }
0x52: {  	_ =	shalt  }
0x53: {  	_ =	shalt  }
0x54: {  	_ =	shalt  }
0x55: {  	_ =	shalt  }
0x56: {  	_ =	shalt  }
0x57: {  	_ =	shalt  }
0x58: {  	_ =	shalt  }
0x59: {  	_ =	shalt  }
0x5a: {  	_ =	shalt  }
0x5b: {  	_ =	shalt  }
0x5c: {  	_ =	shalt  }
0x5d: {  	_ =	shalt  }
0x5e: {  	_ =	shalt  }
0x5f: {  	_ =	shalt  }
0x60: {  	_ =	shalt  }
0x61: {  	_ =	shalt  }
0x62: {  	_ =	shalt  }
0x63: {  	_ =	shalt  }
0x64: {  	_ =	shalt  }
0x65: {  	_ =	shalt  }
0x66: {  	_ =	shalt  }
0x67: {  	_ =	shalt  }
0x68: {  	_ =	shalt  }
0x69: {  	_ =	shalt  }
0x6a: {  	_ =	shalt  }
0x6b: {  	_ =	shalt  }
0x6c: {  	_ =	shalt  }
0x6d: {  	_ =	shalt  }
0x6e: {  	_ =	shalt  }
0x6f: {  	_ =	shalt  }
0x70: {  	_ =	shalt  }
0x71: {  	_ =	shalt  }
0x72: {  	_ =	shalt  }
0x73: {  	_ =	shalt  }
0x74: {  	_ =	shalt  }
0x75: {  	_ =	shalt  }
0x76: {  	_ =	shalt  }
0x77: {  	_ =	shalt  }
0x78: {  	_ =	shalt  }
0x79: {  	_ =	shalt  }
0x7a: {  	_ =	shalt  }
0x7b: {  	_ =	shalt  }
0x7c: {  	_ =	shalt  }
0x7d: {  	_ =	shalt  }
0x7e: {  	_ =	shalt  }
0x7f: {  	_ =	shalt  }
0x80: {  	_ =	shalt  }
0x81: {  	_ =	shalt  }
0x82: {  	_ =	shalt  }
0x83: {  	_ =	shalt  }
0x84: {  	_ =	shalt  }
0x85: {  	_ =	shalt  }
0x86: {  	_ =	shalt  }
0x87: {  	_ =	shalt  }
.Lfunc_end0:
.L_simem_size_0:
called_computation_lowered:
.L_overlay_start_0:
0x88: {  	s2 =	sld [smem:$0x3FD9]  }
0x89: {  	s3 =	sld [smem:$0x3FFE];
	_ =	sdelay $0x1  }
0x8a: {  	s1 =	srdreg.scid  }
0x8b: {  	s0 =	sand.u32 $0x1, s1  }
0x8c: {  	s17 =	sshll.u32 s0, $0xA;
	s2 =	sadd.s32 s3, s2  }
0x8d: {  	s2 =	sadd.s32 s2, s17  }
0x8e: {  	[smem:$0x3FC6] =	sst s2  }
0x8f: {  	_ = 	snop  }
0x90: {  	s2 =	sld [smem:$0x3FC8]  }
0x91: {  	s18 =	sld [smem:$0x3FD0];
	(tm) =	ssettm $0x1  }
0x92: {  	s4 =	sld [smem:$0x3FFB];
	_ =	sdelay $0x3  }
0x93: {  	_ =	strace s4  }
0x94: {  	s4 =	sld [smem:$0x3FFC];
	_ =	sdelay $0x3  }
0x95: {  	_ =	strace s4  }
0x96: {  	s4 =	sld [smem:$0x3FFD];
	_ =	sdelay $0x3  }
0x97: {  	_ =	strace s4  }
0x98: {  	_ =	strace $0x8FFFFFFF  }
0x99: {  	s19 =	sld [smem:$0x3FDB];
	_ =	sdelay $0x1  }
0x9a: {  	s5 =	simm.s32 $_scs_section_size  }
0x9b: {  	s6 =	simm.s32 $_size__tile_overlayer_lowered;
	s7 =	simm.s32 $_tile_overlayer_lowered  }
0x9c: {  	s22 =	simm.s32 $0x1BFF;
	s21 =	sshll.u32 s7, $0x1;
	s4 =	sadd.s32 s5, s19  }
0x9d: {  	s8 =	simm.s32 $0x0;
	s20 =	sshll.u32 s6, $0x1;
	s6 =	sadd.s32 s21, s4  }
0x9e: {  	[timem:s8], [sflag:s22] =	dma.local [hbm:s6], s20  }
0x9f: {  	_ =	swait.ge [sflag:s22], s20  }
0xa0: {  	s5 =	ssub.s32 $0x0, s20;
	[sflag:s22] =	ssyncset.done $0x0  }
0xa1: {  	[sflag:s22] =	ssyncadd.s32 s5;
	_ =	sdelay $0x1  }
0xa2: {  	s23 =	simm.s32 $0x1B8B  }
0xa3: {  	_ =	swait.ge [sflag:s23], $0x1  }
0xa4: {  	[sflag:s23] =	ssyncset.done $0x0  }
0xa5: {  	s25 =	simm.s32 $0x1B8E;
	s24 =	sld [smem:$0x3FFE];
	[sflag:s23] =	ssyncadd.s32 $0xFFFFFFFF  }
0xa6: {  	s26 =	simm.s32 $execute0_lowered;
	[smem:$0x3FD2] =	sst s25  }
0xa7: {  	s6 =	sshll.u32 s26, $0x1;
	_ =	strace $0x80000046;
	[dreg:$0x1] =	wrdreg $0xFFFFFFFF  }
0xa8: {  	s28 =	simm.s32 $_size_execute0_lowered;
	s4 =	sadd.s32 s4, s6;
	[dreg:$0x0] =	wrdreg $0x0  }
0xa9: {  	s6 =	sshll.u32 s28, $0x1;
	[dreg:$0x2] =	wrdreg s4  }
0xaa: {  	[dreg:$0x3] =	wrdreg s6  }
0xab: {  	[dreg:$0x4] =	wrdreg $0xC0  }
0xac: {  	_ =	task [dreg:s8], $0x5FFFF  }
0xad: {  	[dreg:$0x1] =	wrdreg $0xFFFFFFFF  }
0xae: {  	[dreg:$0x0] =	wrdreg $0x60  }
0xaf: {  	[dreg:$0x2] =	wrdreg s2  }
0xb0: {  	[dreg:$0x3] =	wrdreg s18  }
0xb1: {  	[dreg:$0x4] =	wrdreg s24  }
0xb2: {  	[dreg:$0x5] =	wrdreg $0x9  }
0xb3: {  	_ =	task.clear_ibuf [dreg:s8], $0x6FFFF;
	_ =	strace $0x90000046  }
0xb4: {  	s29 =	simm.s32 $0x9;
	_ =	strace $0x80000048  }
0xb5: {  	_ =	swait.ge [sflag:s29], $0x1  }
0xb6: {  	[sflag:s29] =	ssyncadd.s32 $0xFFFFFFFF  }
0xb7: {  	_ =	strace $0x90000048  }
0xb8: {  	_ =	sfence  }
0xb9: {  	s30 =	sld [smem:$0x0];
	_ =	sdelay $0x2  }
0xba: {  	s31 =	sshll.u32 s1, $0xD;
	s1 =	sshrl.u32 s1, $0x2  }
0xbb: {  	s3 =	sand.u32 $0x4000, s31;
	s1 =	sadd.s32 s1, s30  }
0xbc: {  	s0 =	sor.u32 s3, s0;
	s1 =	sshll.u32 s1, $0x11  }
0xbd: {  	s0 =	sor.u32 s1, s0  }
0xbe: {  	s0 =	sadd.s32 $0x8F2B, s0  }
0xbf: {  	[sflag:s0] =	ssyncadd.remote.s32 $0x1  }
0xc0: {  	_ =	sfence.sel $0xFFFF  }
0xc1: {  	[dreg:$0x0] =	wrdreg $0xFFFFFFFF;
	(pc) =	sbr.abs _section_cstart, $3  }
0xc2: {  	[dreg:$0x1] =	wrdreg $0xFFFFFFFF  }
0xc3: {  	_ =	task.clear_ibuf [dreg:s8], $0x2FFFF;
	_ =	strace $0x9FFFFFFF  }
0xc4: {  	(tm) =	ssettm $0x7FFFFFFF  }
0xc5: {  	_ =	shalt  }
tec
execute0_lowered:
.L_overlay_start_1:
0x0: {  	(tag) =	ssettag $0x1  }
0x1: {  	s1 =	rddreg [dreg:$0x0]  }
0x2: {  	s0 =	rddreg [dreg:$0x1]  }
0x3: {  	s2 =	rddreg [dreg:$0x2];
	s4 =	srdreg.scid  }
0x4: {  	s3 =	simm.s32 $0x0;
	s5 =	stileid.u32;
	s29 =	simm.s32 $0x1  }
0x5: {  	s31 =	simm.s32 $0x4;
	s28 =	simm.s32 $0x14;
	s30 =	simm.s32 $0xA  }
0x6: {  	s14 =	simm.s32 $0xC;
	s9 =	simm.s32 $0x0;
	s4 =	sand.u32 $0x1, s4  }
0x7: {  	[smem:$0x7FF] =	sst s3;
	s5 =	sshll.u32 s5, $0x8;
	s6 =	sshll.u32 s4, $0x7  }
0x8: {  	_ =	strace $0x80000047;
	s7 =	ssub.s32 $0x2, s4;
	s4 =	sor.u32 s6, s5  }
0x9: {  	s5 =	sadd.s32 $0x400, s2;
	s18 =	sshrl.u32 s7, $0x1;
	s19 =	sor.u32 $0x1, s4  }
0xa: {  	s6 =	sshll.u32 s4, $0x4;
	s20 =	sor.u32 $0x2, s4;
	[dreg:$0x5] =	wrdreg s19  }
0xb: {  	s2 =	ssub.s32 s7, s18;
	s21 =	sor.u32 $0x3, s4;
	[dreg:$0x6] =	wrdreg s20  }
0xc: {  	s10 =	sor.u32 $0x4, s4;
	s22 =	sor.u32 $0x8, s4;
	[dreg:$0x7] =	wrdreg s21  }
0xd: {  	s11 =	sor.u32 $0x5, s4;
	s23 =	sor.u32 $0x9, s4;
	[dreg:$0x8] =	wrdreg s22  }
0xe: {  	s12 =	sor.u32 $0x6, s4;
	s24 =	sor.u32 $0xA, s4;
	[dreg:$0x9] =	wrdreg s23  }
0xf: {  	s13 =	sor.u32 $0x7, s4;
	s25 =	sor.u32 $0xB, s4;
	[dreg:$0xa] =	wrdreg s24  }
0x10: {  	s18 =	simm.s32 $0x2;
	s0 =	sadd.s32 s0, s6;
	[dreg:$0xb] =	wrdreg s25  }
.Ltmp0:
0x11: {  	s26 =	smax.u32 s2, $0x1;
	s20 =	simm.s32 $0x32;
	(pc) =	sbr.rel .LBB2_1-.Ltmp0, $4  }
0x12: {  	s22 =	simm.s32 $0xE800;
	s19 =	simm.s32 $0x3;
	s24 =	simm.s32 $0x5  }
0x13: {  	s2 =	simm.s32 $0x6;
	s21 =	simm.s32 $0x7;
	s23 =	simm.s32 $0x8  }
0x14: {  	s25 =	simm.s32 $0x13;
	s6 =	simm.s32 $0xB;
	[dreg:$0x4] =	wrdreg s0  }
0x15: {  	[dreg:$0xc] =	wrdreg s26;
	s26 =	simm.s32 $0x10400;
	s0 =	simm.s32 $0x9  }
.LBB2_32:
0x16: {  	s7 =	simm.s32 $0xD  }
0x17: {  	_ =	swait.ge [sflag:s7], $0x1900  }
0x18: {  	[sflag:s7] =	ssyncset.done $0x0  }
0x19: {  	s9 =	simm.s32 $0xE;
	[sflag:s7] =	ssyncadd.s32 $0xFFFFE700  }
0x1a: {  	_ =	swait.ge [sflag:s9], $0x1900  }
0x1b: {  	[sflag:s9] =	ssyncset.done $0x0  }
0x1c: {  	s15 =	simm.s32 $0xF;
	[sflag:s9] =	ssyncadd.s32 $0xFFFFE700  }
0x1d: {  	_ =	swait.ge [sflag:s15], $0x1900  }
0x1e: {  	[sflag:s15] =	ssyncset.done $0x0  }
0x1f: {  	s16 =	simm.s32 $0x10;
	[sflag:s15] =	ssyncadd.s32 $0xFFFFE700  }
0x20: {  	_ =	swait.ge [sflag:s16], $0x1900  }
0x21: {  	[sflag:s16] =	ssyncset.done $0x0  }
0x22: {  	s17 =	simm.s32 $0x11;
	[sflag:s16] =	ssyncadd.s32 $0xFFFFE700  }
0x23: {  	_ =	swait.ge [sflag:s17], $0x1900  }
0x24: {  	[sflag:s17] =	ssyncset.done $0x0  }
0x25: {  	s8 =	simm.s32 $0x12;
	[sflag:s17] =	ssyncadd.s32 $0xFFFFE700  }
0x26: {  	_ =	swait.ge [sflag:s8], $0x1900  }
0x27: {  	[sflag:s8] =	ssyncset.done $0x0  }
0x28: {  	[sflag:s8] =	ssyncadd.s32 $0xFFFFE700  }
0x29: {  	_ =	swait.ge [sflag:s25], $0x1900  }
0x2a: {  	[sflag:s25] =	ssyncset.done $0x0  }
0x2b: {  	[sflag:s25] =	ssyncadd.s32 $0xFFFFE700  }
0x2c: {  	_ =	swait.ge [sflag:s28], $0x1900  }
0x2d: {  	[sflag:s28] =	ssyncset.done $0x0  }
0x2e: {  	s9 =	simm.s32 $0x15;
	[sflag:s28] =	ssyncadd.s32 $0xFFFFE700  }
0x2f: {  	_ =	swait.ge [sflag:s9], $0x1900  }
0x30: {  	[sflag:s9] =	ssyncset.done $0x0  }
0x31: {  	s15 =	simm.s32 $0x16;
	[sflag:s9] =	ssyncadd.s32 $0xFFFFE700  }
0x32: {  	_ =	swait.ge [sflag:s15], $0x1900  }
0x33: {  	[sflag:s15] =	ssyncset.done $0x0  }
0x34: {  	s16 =	simm.s32 $0x17;
	[sflag:s15] =	ssyncadd.s32 $0xFFFFE700  }
0x35: {  	_ =	swait.ge [sflag:s16], $0x1900  }
0x36: {  	[sflag:s16] =	ssyncset.done $0x0  }
0x37: {  	s8 =	simm.s32 $0x18;
	[sflag:s16] =	ssyncadd.s32 $0xFFFFE700  }
0x38: {  	_ =	swait.ge [sflag:s8], $0x1900  }
0x39: {  	s9 =	rddreg [dreg:$0xd]  }
0x3a: {  	s17 =	rddreg [dreg:$0xc];
	s9 =	sadd.s32 $0x1, s9  }
0x3b: {  	p0 =	sne.s32 s9, s17  }
.Ltmp1:
0x3c: {  	_ = 	snop;
	(pc) =	sbr.rel @!p0 .LBB2_33-.Ltmp1, $3  }
0x3d: {  	_ =	sdelay $0x1  }
0x3e: {  	[sflag:s8] =	ssyncset.done $0x0  }
0x3f: {  	[sflag:s8] =	ssyncadd.s32 $0xFFFFE700  }
.LBB2_1:
0x40: {  	[dreg:$0xd] =	wrdreg s9  }
0x41: {  	s7 =	rddreg [dreg:$0x4];
	s15 =	simm.s32 $0x19  }
0x42: {  	[tilespmem:s3], [sflag:$0x19] =	stream.linear.gather [hbm4b:s7+s3], $0x4000, $0x38;
	[tilespmem:$0x19000] =	vst v63  }
0x43: {  	_ =	swait.ge [sflag:s15], $0x4000  }
0x44: {  	[sflag:s15] =	ssyncset.done $0x0  }
0x45: {  	s16 =	simm.s32 $0x4000;
	[sflag:s15] =	ssyncadd.s32 $0xFFFFC000  }
0x46: {  	[tilespmem:s16], [sflag:$0x1] =	stream.indirect.gather [hbm4b:s1+s20], $0x80, s3, s20, $0xb8;
	[tilespmem:$0x19000] =	vst v63  }
0x47: {  	s17 =	simm.s32 $0x80;
	s8 =	simm.s32 $0x5C00  }
0x48: {  	[tilespmem:s8], [sflag:$0x2] =	stream.indirect.gather [hbm4b:s1+s20], $0x80, s17, s20, $0xb8;
	[tilespmem:$0x19000] =	vst v63  }
0x49: {  	s9 =	simm.s32 $0x100;
	s15 =	simm.s32 $0x7800  }
0x4a: {  	[tilespmem:s15], [sflag:$0x3] =	stream.indirect.gather [hbm4b:s1+s20], $0x80, s9, s20, $0xb8;
	[tilespmem:$0x19000] =	vst v63  }
0x4b: {  	s16 =	simm.s32 $0x180;
	s17 =	simm.s32 $0x9400  }
0x4c: {  	[tilespmem:s17], [sflag:$0x4] =	stream.indirect.gather [hbm4b:s1+s20], $0x80, s16, s20, $0xb8;
	[tilespmem:$0x19000] =	vst v63  }
0x4d: {  	s9 =	simm.s32 $0x200;
	s15 =	simm.s32 $0xB000  }
0x4e: {  	[tilespmem:s15], [sflag:$0x5] =	stream.indirect.gather [hbm4b:s1+s20], $0x80, s9, s20, $0xb8;
	[tilespmem:$0x19000] =	vst v63  }
0x4f: {  	s16 =	simm.s32 $0x280;
	s17 =	simm.s32 $0xCC00  }
0x50: {  	[tilespmem:s17], [sflag:$0x6] =	stream.indirect.gather [hbm4b:s1+s20], $0x80, s16, s20, $0xb8;
	[tilespmem:$0x19000] =	vst v63  }
0x51: {  	s9 =	simm.s32 $0x300  }
0x52: {  	[tilespmem:s22], [sflag:$0x7] =	stream.indirect.gather [hbm4b:s1+s20], $0x80, s9, s20, $0xb8;
	[tilespmem:$0x19000] =	vst v63  }
0x53: {  	s15 =	simm.s32 $0x380  }
0x54: {  	[tilespmem:s26], [sflag:$0x8] =	stream.indirect.gather [hbm4b:s1+s20], $0x80, s15, s20, $0xb8;
	[tilespmem:$0x19000] =	vst v63  }
0x55: {  	s16 =	simm.s32 $0x400;
	s17 =	simm.s32 $0x12000  }
0x56: {  	[tilespmem:s17], [sflag:$0x9] =	stream.indirect.gather [hbm4b:s1+s20], $0x80, s16, s20, $0xb8;
	[tilespmem:$0x19000] =	vst v63  }
0x57: {  	s9 =	simm.s32 $0x480;
	s15 =	simm.s32 $0x13C00  }
0x58: {  	[tilespmem:s15], [sflag:$0xA] =	stream.indirect.gather [hbm4b:s1+s20], $0x80, s9, s20, $0xb8;
	[tilespmem:$0x19000] =	vst v63  }
0x59: {  	s16 =	simm.s32 $0x500;
	s17 =	simm.s32 $0x15800;
	s15 =	simm.s32 $0x0  }
0x5a: {  	[tilespmem:s17], [sflag:$0xB] =	stream.indirect.gather [hbm4b:s1+s20], $0x80, s16, s20, $0xb8;
	[tilespmem:$0x19000] =	vst v63  }
.LBB2_2:
0x5b: {  	_ =	swait.ge [sflag:s29], $0x1900  }
0x5c: {  	[sflag:s29] =	ssyncset.done $0x0  }
0x5d: {  	s17 =	simm.s32 $0x0;
	[sflag:s29] =	ssyncadd.s32 $0xFFFFE700  }
0x5e: {  	v2 =	vld [tilespmem:s17+$0x4000]  }
0x5f: {  	v5 =	vld [tilespmem:s17+$0x4010]  }
0x60: {  	v4 =	vld [tilespmem:s17+$0x4020]  }
0x61: {  	v3 =	vld [tilespmem:s17+$0x4030]  }
0x62: {  	v1 =	vld [tilespmem:s17+$0x4040]  }
0x63: {  	v0 =	vld [tilespmem:s17+$0x4050];
	v6 =	vmul.f32 $1.131370830e+01, v2  }
0x64: {  	s7 =	simm.s32 $0x200;
	v5 =	vmul.f32 $1.131370830e+01, v5;
	v2 =	vld [tilespmem:s17+$0x4060]  }
.LBB2_3:
0x65: {  	s8 =	sshra.s32 s7, $0x2;
	p0 =	sne.s32 s7, $0x6200;
	[tilespmem:s17+$0x4000] =	vst v6;
	v4 =	vmul.f32 $1.131370830e+01, v4;
	v6 =	vld [tilespmem:s17+$0x4070]  }
0x66: {  	v7 =	vld [tilespmem:s8+$0x4000];
	[tilespmem:s17+$0x4010] =	vst v5;
	v3 =	vmul.f32 $1.131370830e+01, v3  }
0x67: {  	v5 =	vld [tilespmem:s8+$0x4010];
	[tilespmem:s17+$0x4020] =	vst v4;
	v1 =	vmul.f32 $1.131370830e+01, v1  }
.Ltmp2:
0x68: {  	v4 =	vld [tilespmem:s8+$0x4020];
	[tilespmem:s17+$0x4030] =	vst v3;
	v0 =	vmul.f32 $1.131370830e+01, v0;
	(pc) =	sbr.rel @p0 .LBB2_3-.Ltmp2, $4  }
0x69: {  	v3 =	vld [tilespmem:s8+$0x4030];
	[tilespmem:s17+$0x4040] =	vst v1;
	v2 =	vmul.f32 $1.131370830e+01, v2  }
0x6a: {  	v1 =	vld [tilespmem:s8+$0x4040];
	[tilespmem:s17+$0x4050] =	vst v0;
	v8 =	vmul.f32 $1.131370830e+01, v6  }
0x6b: {  	v6 =	vmul.f32 $1.131370830e+01, v7;
	v0 =	vld [tilespmem:s8+$0x4050];
	[tilespmem:s17+$0x4060] =	vst v2  }
0x6c: {  	s7 =	sadd.s32 $0x200, s7;
	v5 =	vmul.f32 $1.131370830e+01, v5;
	v2 =	vld [tilespmem:s8+$0x4060];
	[tilespmem:s17+$0x4070] =	vst v8;
	s17 =	smov.u32 s8  }
0x6d: {  	[tilespmem:s17+$0x4000] =	vst v6;
	v4 =	vmul.f32 $1.131370830e+01, v4;
	v61 =	vld [tilespmem:s17+$0x4070]  }
0x6e: {  	[tilespmem:s17+$0x4010] =	vst v5;
	v3 =	vmul.f32 $1.131370830e+01, v3  }
0x6f: {  	s16 =	smul.u32 $0xC, s15;
	[tilespmem:s17+$0x4020] =	vst v4;
	v1 =	vmul.f32 $1.131370830e+01, v1  }
0x70: {  	p0 =	seq.s32 s15, $0x0;
	[tilespmem:s17+$0x4030] =	vst v3;
	v0 =	vmul.f32 $1.131370830e+01, v0  }
.Ltmp3:
0x71: {  	s7 =	sadd.s32 s4, s16;
	[tilespmem:s17+$0x4040] =	vst v1;
	v62 =	vmul.f32 $1.131370830e+01, v2;
	(pc) =	sbr.rel @p0 .LBB2_7-.Ltmp3, $4  }
0x72: {  	s7 =	smul.u32 $0x380, s7;
	[tilespmem:s17+$0x4050] =	vst v0;
	v63 =	vmul.f32 $1.131370830e+01, v61  }
0x73: {  	[tilespmem:s17+$0x4060] =	vst v62  }
0x74: {  	s8 =	simm.s32 $0x4000;
	s7 =	sadd.s32 s5, s7;
	[tilespmem:s17+$0x4070] =	vst v63  }
0x75: {  	[hbm4b:s7+s3] =	stream.linear.scatter [tilespmem:s8], [sflag:$0xD], $0x1900, $0x38;
	[tilespmem:$0x19000] =	vst v63  }
0x76: {  	p0 =	seq.s32 s15, $0xA  }
.Ltmp4:
0x77: {  	_ = 	snop;
	(pc) =	sbr.rel @p0 .LBB2_8-.Ltmp4, $1  }
0x78: {  	_ =	sdelay $0x3  }
0x79: {  	s7 =	simm.s32 $0x18  }
0x7a: {  	_ =	swait.ge [sflag:s7], $0x1900  }
0x7b: {  	[sflag:s7] =	ssyncset.done $0x0  }
0x7c: {  	[sflag:s7] =	ssyncadd.s32 $0xFFFFE700  }
.LBB2_7:
0x7d: {  	s7 =	smul.u32 $0x1800, s15;
	_ =	sdelay $0x1  }
0x7e: {  	s7 =	sshra.s32 s7, $0x2  }
0x7f: {  	s8 =	simm.s32 $0x17400;
	s7 =	sadd.s32 $0x580, s7  }
0x80: {  	[tilespmem:s8], [sflag:$0xC] =	stream.indirect.gather [hbm4b:s1+s20], $0x80, s7, s20, $0xb8;
	[tilespmem:$0x19000] =	vst v63  }
.LBB2_8:
0x81: {  	_ =	swait.ge [sflag:s18], $0x1900  }
0x82: {  	[sflag:s18] =	ssyncset.done $0x0  }
0x83: {  	s17 =	simm.s32 $0x0;
	[sflag:s18] =	ssyncadd.s32 $0xFFFFE700  }
0x84: {  	v3 =	vld [tilespmem:s17+$0x5C00]  }
0x85: {  	v5 =	vld [tilespmem:s17+$0x5C10]  }
0x86: {  	v4 =	vld [tilespmem:s17+$0x5C20]  }
0x87: {  	v2 =	vld [tilespmem:s17+$0x5C30]  }
0x88: {  	v0 =	vld [tilespmem:s17+$0x5C40]  }
0x89: {  	v1 =	vld [tilespmem:s17+$0x5C50];
	v6 =	vmul.f32 $1.131370830e+01, v3  }
0x8a: {  	s7 =	simm.s32 $0x200;
	v5 =	vmul.f32 $1.131370830e+01, v5;
	v3 =	vld [tilespmem:s17+$0x5C60]  }
.LBB2_9:
0x8b: {  	s8 =	sshra.s32 s7, $0x2;
	p0 =	sne.s32 s7, $0x6200;
	[tilespmem:s17+$0x5C00] =	vst v6;
	v4 =	vmul.f32 $1.131370830e+01, v4;
	v6 =	vld [tilespmem:s17+$0x5C70]  }
0x8c: {  	v7 =	vld [tilespmem:s8+$0x5C00];
	[tilespmem:s17+$0x5C10] =	vst v5;
	v2 =	vmul.f32 $1.131370830e+01, v2  }
0x8d: {  	v5 =	vld [tilespmem:s8+$0x5C10];
	[tilespmem:s17+$0x5C20] =	vst v4;
	v0 =	vmul.f32 $1.131370830e+01, v0  }
.Ltmp5:
0x8e: {  	v4 =	vld [tilespmem:s8+$0x5C20];
	[tilespmem:s17+$0x5C30] =	vst v2;
	v1 =	vmul.f32 $1.131370830e+01, v1;
	(pc) =	sbr.rel @p0 .LBB2_9-.Ltmp5, $4  }
0x8f: {  	v2 =	vld [tilespmem:s8+$0x5C30];
	[tilespmem:s17+$0x5C40] =	vst v0;
	v3 =	vmul.f32 $1.131370830e+01, v3  }
0x90: {  	v0 =	vld [tilespmem:s8+$0x5C40];
	[tilespmem:s17+$0x5C50] =	vst v1;
	v8 =	vmul.f32 $1.131370830e+01, v6  }
0x91: {  	v6 =	vmul.f32 $1.131370830e+01, v7;
	v1 =	vld [tilespmem:s8+$0x5C50];
	[tilespmem:s17+$0x5C60] =	vst v3  }
0x92: {  	s7 =	sadd.s32 $0x200, s7;
	v5 =	vmul.f32 $1.131370830e+01, v5;
	v3 =	vld [tilespmem:s8+$0x5C60];
	[tilespmem:s17+$0x5C70] =	vst v8;
	s17 =	smov.u32 s8  }
0x93: {  	[tilespmem:s17+$0x5C00] =	vst v6;
	v4 =	vmul.f32 $1.131370830e+01, v4;
	v6 =	vld [tilespmem:s17+$0x5C70]  }
0x94: {  	[tilespmem:s17+$0x5C10] =	vst v5;
	v2 =	vmul.f32 $1.131370830e+01, v2  }
0x95: {  	[tilespmem:s17+$0x5C20] =	vst v4;
	v0 =	vmul.f32 $1.131370830e+01, v0  }
0x96: {  	s7 =	rddreg [dreg:$0x5];
	[tilespmem:s17+$0x5C30] =	vst v2;
	v1 =	vmul.f32 $1.131370830e+01, v1  }
0x97: {  	s7 =	sadd.s32 s16, s7;
	[tilespmem:s17+$0x5C40] =	vst v0;
	v0 =	vmul.f32 $1.131370830e+01, v3  }
0x98: {  	s7 =	smul.u32 $0x380, s7;
	[tilespmem:s17+$0x5C50] =	vst v1;
	v1 =	vmul.f32 $1.131370830e+01, v6  }
0x99: {  	[tilespmem:s17+$0x5C60] =	vst v0  }
0x9a: {  	s8 =	simm.s32 $0x5C00;
	p0 =	seq.s32 s15, $0xA;
	s7 =	sadd.s32 s5, s7;
	[tilespmem:s17+$0x5C70] =	vst v1  }
0x9b: {  	[hbm4b:s7+s3] =	stream.linear.scatter [tilespmem:s8], [sflag:$0xE], $0x1900, $0x38;
	[tilespmem:$0x19000] =	vst v63  }
0x9c: {  	s7 =	simm.s32 @!p0 $0xD;
	s8 =	smul.u32 @!p0 $0x1800, s15  }
0x9d: {  	_ =	swait.ge @!p0 [sflag:s7], $0x1900  }
0x9e: {  	s9 =	simm.s32 @!p0 $0x4000;
	[sflag:s7] =	ssyncset.done @!p0 $0x0;
	s17 =	sshra.s32 @!p0 s8, $0x2  }
0x9f: {  	s8 =	simm.s32 @!p0 $0x32;
	[sflag:s7] =	ssyncadd.s32 @!p0 $0xFFFFE700;
	s7 =	sadd.s32 @!p0 $0x600, s17  }
0xa0: {  	[tilespmem:s9], [sflag:$0x1] =	stream.indirect.gather @!p0 [hbm4b:s1+s8], $0x80, s7, s8, $0xb8;
	[tilespmem:$0x19000] =	vst v63  }
0xa1: {  	_ =	swait.ge [sflag:s19], $0x1900  }
0xa2: {  	[sflag:s19] =	ssyncset.done $0x0  }
0xa3: {  	s7 =	simm.s32 $0x0;
	[sflag:s19] =	ssyncadd.s32 $0xFFFFE700  }
0xa4: {  	v3 =	vld [tilespmem:s7+$0x7800]  }
0xa5: {  	v5 =	vld [tilespmem:s7+$0x7810]  }
0xa6: {  	v4 =	vld [tilespmem:s7+$0x7820]  }
0xa7: {  	v2 =	vld [tilespmem:s7+$0x7830]  }
0xa8: {  	v0 =	vld [tilespmem:s7+$0x7840]  }
0xa9: {  	v1 =	vld [tilespmem:s7+$0x7850];
	v6 =	vmul.f32 $1.131370830e+01, v3  }
0xaa: {  	s8 =	simm.s32 $0x200;
	v5 =	vmul.f32 $1.131370830e+01, v5;
	v3 =	vld [tilespmem:s7+$0x7860]  }
.LBB2_11:
0xab: {  	s9 =	sshra.s32 s8, $0x2;
	p1 =	sne.s32 s8, $0x6200;
	[tilespmem:s7+$0x7800] =	vst v6;
	v4 =	vmul.f32 $1.131370830e+01, v4;
	v6 =	vld [tilespmem:s7+$0x7870]  }
0xac: {  	v7 =	vld [tilespmem:s9+$0x7800];
	[tilespmem:s7+$0x7810] =	vst v5;
	v2 =	vmul.f32 $1.131370830e+01, v2  }
0xad: {  	v5 =	vld [tilespmem:s9+$0x7810];
	[tilespmem:s7+$0x7820] =	vst v4;
	v0 =	vmul.f32 $1.131370830e+01, v0  }
.Ltmp6:
0xae: {  	v4 =	vld [tilespmem:s9+$0x7820];
	[tilespmem:s7+$0x7830] =	vst v2;
	v1 =	vmul.f32 $1.131370830e+01, v1;
	(pc) =	sbr.rel @p1 .LBB2_11-.Ltmp6, $4  }
0xaf: {  	v2 =	vld [tilespmem:s9+$0x7830];
	[tilespmem:s7+$0x7840] =	vst v0;
	v3 =	vmul.f32 $1.131370830e+01, v3  }
0xb0: {  	v0 =	vld [tilespmem:s9+$0x7840];
	[tilespmem:s7+$0x7850] =	vst v1;
	v8 =	vmul.f32 $1.131370830e+01, v6  }
0xb1: {  	v6 =	vmul.f32 $1.131370830e+01, v7;
	v1 =	vld [tilespmem:s9+$0x7850];
	[tilespmem:s7+$0x7860] =	vst v3  }
0xb2: {  	s8 =	sadd.s32 $0x200, s8;
	v5 =	vmul.f32 $1.131370830e+01, v5;
	v3 =	vld [tilespmem:s9+$0x7860];
	[tilespmem:s7+$0x7870] =	vst v8;
	s7 =	smov.u32 s9  }
0xb3: {  	[tilespmem:s7+$0x7800] =	vst v6;
	v4 =	vmul.f32 $1.131370830e+01, v4;
	v6 =	vld [tilespmem:s7+$0x7870]  }
0xb4: {  	[tilespmem:s7+$0x7810] =	vst v5;
	v2 =	vmul.f32 $1.131370830e+01, v2  }
0xb5: {  	[tilespmem:s7+$0x7820] =	vst v4;
	v0 =	vmul.f32 $1.131370830e+01, v0  }
0xb6: {  	s8 =	rddreg [dreg:$0x6];
	[tilespmem:s7+$0x7830] =	vst v2;
	v1 =	vmul.f32 $1.131370830e+01, v1  }
0xb7: {  	s8 =	sadd.s32 s16, s8;
	[tilespmem:s7+$0x7840] =	vst v0;
	v0 =	vmul.f32 $1.131370830e+01, v3  }
0xb8: {  	s8 =	smul.u32 $0x380, s8;
	[tilespmem:s7+$0x7850] =	vst v1;
	v1 =	vmul.f32 $1.131370830e+01, v6  }
0xb9: {  	[tilespmem:s7+$0x7860] =	vst v0  }
0xba: {  	s9 =	simm.s32 $0x7800;
	s8 =	sadd.s32 s5, s8;
	[tilespmem:s7+$0x7870] =	vst v1;
	s7 =	simm.s32 @!p0 $0xE  }
0xbb: {  	[hbm4b:s8+s3] =	stream.linear.scatter [tilespmem:s9], [sflag:$0xF], $0x1900, $0x38;
	[tilespmem:$0x19000] =	vst v63  }
0xbc: {  	_ =	swait.ge @!p0 [sflag:s7], $0x1900  }
0xbd: {  	s8 =	simm.s32 @!p0 $0x32;
	[sflag:s7] =	ssyncset.done @!p0 $0x0  }
0xbe: {  	s9 =	simm.s32 @!p0 $0x5C00;
	[sflag:s7] =	ssyncadd.s32 @!p0 $0xFFFFE700;
	s7 =	sadd.s32 @!p0 $0x680, s17  }
0xbf: {  	[tilespmem:s9], [sflag:$0x2] =	stream.indirect.gather @!p0 [hbm4b:s1+s8], $0x80, s7, s8, $0xb8;
	[tilespmem:$0x19000] =	vst v63  }
0xc0: {  	_ =	swait.ge [sflag:s31], $0x1900  }
0xc1: {  	[sflag:s31] =	ssyncset.done $0x0  }
0xc2: {  	s7 =	simm.s32 $0x0;
	[sflag:s31] =	ssyncadd.s32 $0xFFFFE700  }
0xc3: {  	v3 =	vld [tilespmem:s7+$0x9400]  }
0xc4: {  	v5 =	vld [tilespmem:s7+$0x9410]  }
0xc5: {  	v4 =	vld [tilespmem:s7+$0x9420]  }
0xc6: {  	v2 =	vld [tilespmem:s7+$0x9430]  }
0xc7: {  	v0 =	vld [tilespmem:s7+$0x9440]  }
0xc8: {  	v1 =	vld [tilespmem:s7+$0x9450];
	v6 =	vmul.f32 $1.131370830e+01, v3  }
0xc9: {  	s8 =	simm.s32 $0x200;
	v5 =	vmul.f32 $1.131370830e+01, v5;
	v3 =	vld [tilespmem:s7+$0x9460]  }
.LBB2_13:
0xca: {  	s9 =	sshra.s32 s8, $0x2;
	p1 =	sne.s32 s8, $0x6200;
	[tilespmem:s7+$0x9400] =	vst v6;
	v4 =	vmul.f32 $1.131370830e+01, v4;
	v6 =	vld [tilespmem:s7+$0x9470]  }
0xcb: {  	v7 =	vld [tilespmem:s9+$0x9400];
	[tilespmem:s7+$0x9410] =	vst v5;
	v2 =	vmul.f32 $1.131370830e+01, v2  }
0xcc: {  	v5 =	vld [tilespmem:s9+$0x9410];
	[tilespmem:s7+$0x9420] =	vst v4;
	v0 =	vmul.f32 $1.131370830e+01, v0  }
.Ltmp7:
0xcd: {  	v4 =	vld [tilespmem:s9+$0x9420];
	[tilespmem:s7+$0x9430] =	vst v2;
	v1 =	vmul.f32 $1.131370830e+01, v1;
	(pc) =	sbr.rel @p1 .LBB2_13-.Ltmp7, $4  }
0xce: {  	v2 =	vld [tilespmem:s9+$0x9430];
	[tilespmem:s7+$0x9440] =	vst v0;
	v3 =	vmul.f32 $1.131370830e+01, v3  }
0xcf: {  	v0 =	vld [tilespmem:s9+$0x9440];
	[tilespmem:s7+$0x9450] =	vst v1;
	v8 =	vmul.f32 $1.131370830e+01, v6  }
0xd0: {  	v6 =	vmul.f32 $1.131370830e+01, v7;
	v1 =	vld [tilespmem:s9+$0x9450];
	[tilespmem:s7+$0x9460] =	vst v3  }
0xd1: {  	s8 =	sadd.s32 $0x200, s8;
	v5 =	vmul.f32 $1.131370830e+01, v5;
	v3 =	vld [tilespmem:s9+$0x9460];
	[tilespmem:s7+$0x9470] =	vst v8;
	s7 =	smov.u32 s9  }
0xd2: {  	[tilespmem:s7+$0x9400] =	vst v6;
	v4 =	vmul.f32 $1.131370830e+01, v4;
	v6 =	vld [tilespmem:s7+$0x9470]  }
0xd3: {  	[tilespmem:s7+$0x9410] =	vst v5;
	v2 =	vmul.f32 $1.131370830e+01, v2  }
0xd4: {  	[tilespmem:s7+$0x9420] =	vst v4;
	v0 =	vmul.f32 $1.131370830e+01, v0  }
0xd5: {  	s8 =	rddreg [dreg:$0x7];
	[tilespmem:s7+$0x9430] =	vst v2;
	v1 =	vmul.f32 $1.131370830e+01, v1  }
0xd6: {  	s8 =	sadd.s32 s16, s8;
	[tilespmem:s7+$0x9440] =	vst v0;
	v0 =	vmul.f32 $1.131370830e+01, v3  }
0xd7: {  	s8 =	smul.u32 $0x380, s8;
	[tilespmem:s7+$0x9450] =	vst v1;
	v1 =	vmul.f32 $1.131370830e+01, v6  }
0xd8: {  	[tilespmem:s7+$0x9460] =	vst v0  }
0xd9: {  	s9 =	simm.s32 $0x9400;
	s8 =	sadd.s32 s5, s8;
	[tilespmem:s7+$0x9470] =	vst v1;
	s7 =	simm.s32 @!p0 $0xF  }
0xda: {  	[hbm4b:s8+s3] =	stream.linear.scatter [tilespmem:s9], [sflag:$0x10], $0x1900, $0x38;
	[tilespmem:$0x19000] =	vst v63  }
0xdb: {  	_ =	swait.ge @!p0 [sflag:s7], $0x1900  }
0xdc: {  	s8 =	simm.s32 @!p0 $0x32;
	[sflag:s7] =	ssyncset.done @!p0 $0x0  }
0xdd: {  	s9 =	simm.s32 @!p0 $0x7800;
	[sflag:s7] =	ssyncadd.s32 @!p0 $0xFFFFE700;
	s7 =	sadd.s32 @!p0 $0x700, s17  }
0xde: {  	[tilespmem:s9], [sflag:$0x3] =	stream.indirect.gather @!p0 [hbm4b:s1+s8], $0x80, s7, s8, $0xb8;
	[tilespmem:$0x19000] =	vst v63  }
0xdf: {  	_ =	swait.ge [sflag:s24], $0x1900  }
0xe0: {  	[sflag:s24] =	ssyncset.done $0x0  }
0xe1: {  	s7 =	simm.s32 $0x0;
	[sflag:s24] =	ssyncadd.s32 $0xFFFFE700  }
0xe2: {  	v3 =	vld [tilespmem:s7+$0xB000]  }
0xe3: {  	v5 =	vld [tilespmem:s7+$0xB010]  }
0xe4: {  	v4 =	vld [tilespmem:s7+$0xB020]  }
0xe5: {  	v2 =	vld [tilespmem:s7+$0xB030]  }
0xe6: {  	v0 =	vld [tilespmem:s7+$0xB040]  }
0xe7: {  	v1 =	vld [tilespmem:s7+$0xB050];
	v6 =	vmul.f32 $1.131370830e+01, v3  }
0xe8: {  	s8 =	simm.s32 $0x200;
	v5 =	vmul.f32 $1.131370830e+01, v5;
	v3 =	vld [tilespmem:s7+$0xB060]  }
.LBB2_15:
0xe9: {  	s9 =	sshra.s32 s8, $0x2;
	p1 =	sne.s32 s8, $0x6200;
	[tilespmem:s7+$0xB000] =	vst v6;
	v4 =	vmul.f32 $1.131370830e+01, v4;
	v6 =	vld [tilespmem:s7+$0xB070]  }
0xea: {  	v7 =	vld [tilespmem:s9+$0xB000];
	[tilespmem:s7+$0xB010] =	vst v5;
	v2 =	vmul.f32 $1.131370830e+01, v2  }
0xeb: {  	v5 =	vld [tilespmem:s9+$0xB010];
	[tilespmem:s7+$0xB020] =	vst v4;
	v0 =	vmul.f32 $1.131370830e+01, v0  }
.Ltmp8:
0xec: {  	v4 =	vld [tilespmem:s9+$0xB020];
	[tilespmem:s7+$0xB030] =	vst v2;
	v1 =	vmul.f32 $1.131370830e+01, v1;
	(pc) =	sbr.rel @p1 .LBB2_15-.Ltmp8, $4  }
0xed: {  	v2 =	vld [tilespmem:s9+$0xB030];
	[tilespmem:s7+$0xB040] =	vst v0;
	v3 =	vmul.f32 $1.131370830e+01, v3  }
0xee: {  	v0 =	vld [tilespmem:s9+$0xB040];
	[tilespmem:s7+$0xB050] =	vst v1;
	v8 =	vmul.f32 $1.131370830e+01, v6  }
0xef: {  	v6 =	vmul.f32 $1.131370830e+01, v7;
	v1 =	vld [tilespmem:s9+$0xB050];
	[tilespmem:s7+$0xB060] =	vst v3  }
0xf0: {  	s8 =	sadd.s32 $0x200, s8;
	v5 =	vmul.f32 $1.131370830e+01, v5;
	v3 =	vld [tilespmem:s9+$0xB060];
	[tilespmem:s7+$0xB070] =	vst v8;
	s7 =	smov.u32 s9  }
0xf1: {  	[tilespmem:s7+$0xB000] =	vst v6;
	v4 =	vmul.f32 $1.131370830e+01, v4;
	v6 =	vld [tilespmem:s7+$0xB070]  }
0xf2: {  	[tilespmem:s7+$0xB010] =	vst v5;
	v2 =	vmul.f32 $1.131370830e+01, v2  }
0xf3: {  	[tilespmem:s7+$0xB020] =	vst v4;
	v0 =	vmul.f32 $1.131370830e+01, v0  }
0xf4: {  	[tilespmem:s7+$0xB030] =	vst v2;
	v1 =	vmul.f32 $1.131370830e+01, v1  }
0xf5: {  	s8 =	sadd.s32 s16, s10;
	[tilespmem:s7+$0xB040] =	vst v0;
	v0 =	vmul.f32 $1.131370830e+01, v3  }
0xf6: {  	s8 =	smul.u32 $0x380, s8;
	[tilespmem:s7+$0xB050] =	vst v1;
	v1 =	vmul.f32 $1.131370830e+01, v6  }
0xf7: {  	[tilespmem:s7+$0xB060] =	vst v0  }
0xf8: {  	s9 =	simm.s32 $0xB000;
	s8 =	sadd.s32 s5, s8;
	[tilespmem:s7+$0xB070] =	vst v1;
	s7 =	simm.s32 @!p0 $0x10  }
0xf9: {  	[hbm4b:s8+s3] =	stream.linear.scatter [tilespmem:s9], [sflag:$0x11], $0x1900, $0x38;
	[tilespmem:$0x19000] =	vst v63  }
0xfa: {  	_ =	swait.ge @!p0 [sflag:s7], $0x1900  }
0xfb: {  	s8 =	simm.s32 @!p0 $0x32;
	[sflag:s7] =	ssyncset.done @!p0 $0x0  }
0xfc: {  	s9 =	simm.s32 @!p0 $0x9400;
	[sflag:s7] =	ssyncadd.s32 @!p0 $0xFFFFE700;
	s7 =	sadd.s32 @!p0 $0x780, s17  }
0xfd: {  	[tilespmem:s9], [sflag:$0x4] =	stream.indirect.gather @!p0 [hbm4b:s1+s8], $0x80, s7, s8, $0xb8;
	[tilespmem:$0x19000] =	vst v63  }
0xfe: {  	_ =	swait.ge [sflag:s2], $0x1900  }
0xff: {  	[sflag:s2] =	ssyncset.done $0x0  }
0x100: {  	s7 =	simm.s32 $0x0;
	[sflag:s2] =	ssyncadd.s32 $0xFFFFE700  }
0x101: {  	v3 =	vld [tilespmem:s7+$0xCC00]  }
0x102: {  	v5 =	vld [tilespmem:s7+$0xCC10]  }
0x103: {  	v4 =	vld [tilespmem:s7+$0xCC20]  }
0x104: {  	v2 =	vld [tilespmem:s7+$0xCC30]  }
0x105: {  	v0 =	vld [tilespmem:s7+$0xCC40]  }
0x106: {  	v1 =	vld [tilespmem:s7+$0xCC50];
	v6 =	vmul.f32 $1.131370830e+01, v3  }
0x107: {  	s8 =	simm.s32 $0x200;
	v5 =	vmul.f32 $1.131370830e+01, v5;
	v3 =	vld [tilespmem:s7+$0xCC60]  }
.LBB2_17:
0x108: {  	s9 =	sshra.s32 s8, $0x2;
	p1 =	sne.s32 s8, $0x6200;
	[tilespmem:s7+$0xCC00] =	vst v6;
	v4 =	vmul.f32 $1.131370830e+01, v4;
	v6 =	vld [tilespmem:s7+$0xCC70]  }
0x109: {  	v7 =	vld [tilespmem:s9+$0xCC00];
	[tilespmem:s7+$0xCC10] =	vst v5;
	v2 =	vmul.f32 $1.131370830e+01, v2  }
0x10a: {  	v5 =	vld [tilespmem:s9+$0xCC10];
	[tilespmem:s7+$0xCC20] =	vst v4;
	v0 =	vmul.f32 $1.131370830e+01, v0  }
.Ltmp9:
0x10b: {  	v4 =	vld [tilespmem:s9+$0xCC20];
	[tilespmem:s7+$0xCC30] =	vst v2;
	v1 =	vmul.f32 $1.131370830e+01, v1;
	(pc) =	sbr.rel @p1 .LBB2_17-.Ltmp9, $4  }
0x10c: {  	v2 =	vld [tilespmem:s9+$0xCC30];
	[tilespmem:s7+$0xCC40] =	vst v0;
	v3 =	vmul.f32 $1.131370830e+01, v3  }
0x10d: {  	v0 =	vld [tilespmem:s9+$0xCC40];
	[tilespmem:s7+$0xCC50] =	vst v1;
	v8 =	vmul.f32 $1.131370830e+01, v6  }
0x10e: {  	v6 =	vmul.f32 $1.131370830e+01, v7;
	v1 =	vld [tilespmem:s9+$0xCC50];
	[tilespmem:s7+$0xCC60] =	vst v3  }
0x10f: {  	s8 =	sadd.s32 $0x200, s8;
	v5 =	vmul.f32 $1.131370830e+01, v5;
	v3 =	vld [tilespmem:s9+$0xCC60];
	[tilespmem:s7+$0xCC70] =	vst v8;
	s7 =	smov.u32 s9  }
0x110: {  	[tilespmem:s7+$0xCC00] =	vst v6;
	v4 =	vmul.f32 $1.131370830e+01, v4;
	v6 =	vld [tilespmem:s7+$0xCC70]  }
0x111: {  	[tilespmem:s7+$0xCC10] =	vst v5;
	v2 =	vmul.f32 $1.131370830e+01, v2  }
0x112: {  	[tilespmem:s7+$0xCC20] =	vst v4;
	v0 =	vmul.f32 $1.131370830e+01, v0  }
0x113: {  	[tilespmem:s7+$0xCC30] =	vst v2;
	v1 =	vmul.f32 $1.131370830e+01, v1  }
0x114: {  	s8 =	sadd.s32 s16, s11;
	[tilespmem:s7+$0xCC40] =	vst v0;
	v0 =	vmul.f32 $1.131370830e+01, v3  }
0x115: {  	s8 =	smul.u32 $0x380, s8;
	[tilespmem:s7+$0xCC50] =	vst v1;
	v1 =	vmul.f32 $1.131370830e+01, v6  }
0x116: {  	[tilespmem:s7+$0xCC60] =	vst v0  }
0x117: {  	s9 =	simm.s32 $0xCC00;
	s8 =	sadd.s32 s5, s8;
	[tilespmem:s7+$0xCC70] =	vst v1;
	s7 =	simm.s32 @!p0 $0x11  }
0x118: {  	[hbm4b:s8+s3] =	stream.linear.scatter [tilespmem:s9], [sflag:$0x12], $0x1900, $0x38;
	[tilespmem:$0x19000] =	vst v63  }
0x119: {  	_ =	swait.ge @!p0 [sflag:s7], $0x1900  }
0x11a: {  	s8 =	simm.s32 @!p0 $0x32;
	[sflag:s7] =	ssyncset.done @!p0 $0x0  }
0x11b: {  	s9 =	simm.s32 @!p0 $0xB000;
	[sflag:s7] =	ssyncadd.s32 @!p0 $0xFFFFE700;
	s7 =	sadd.s32 @!p0 $0x800, s17  }
0x11c: {  	[tilespmem:s9], [sflag:$0x5] =	stream.indirect.gather @!p0 [hbm4b:s1+s8], $0x80, s7, s8, $0xb8;
	[tilespmem:$0x19000] =	vst v63  }
0x11d: {  	_ =	swait.ge [sflag:s21], $0x1900  }
0x11e: {  	[sflag:s21] =	ssyncset.done $0x0  }
0x11f: {  	s7 =	simm.s32 $0x0;
	[sflag:s21] =	ssyncadd.s32 $0xFFFFE700  }
0x120: {  	v3 =	vld [tilespmem:s7+$0xE800]  }
0x121: {  	v5 =	vld [tilespmem:s7+$0xE810]  }
0x122: {  	v4 =	vld [tilespmem:s7+$0xE820]  }
0x123: {  	v2 =	vld [tilespmem:s7+$0xE830]  }
0x124: {  	v0 =	vld [tilespmem:s7+$0xE840]  }
0x125: {  	v1 =	vld [tilespmem:s7+$0xE850];
	v6 =	vmul.f32 $1.131370830e+01, v3  }
0x126: {  	s8 =	simm.s32 $0x200;
	v5 =	vmul.f32 $1.131370830e+01, v5;
	v3 =	vld [tilespmem:s7+$0xE860]  }
.LBB2_19:
0x127: {  	s9 =	sshra.s32 s8, $0x2;
	p1 =	sne.s32 s8, $0x6200;
	[tilespmem:s7+$0xE800] =	vst v6;
	v4 =	vmul.f32 $1.131370830e+01, v4;
	v6 =	vld [tilespmem:s7+$0xE870]  }
0x128: {  	v7 =	vld [tilespmem:s9+$0xE800];
	[tilespmem:s7+$0xE810] =	vst v5;
	v2 =	vmul.f32 $1.131370830e+01, v2  }
0x129: {  	v5 =	vld [tilespmem:s9+$0xE810];
	[tilespmem:s7+$0xE820] =	vst v4;
	v0 =	vmul.f32 $1.131370830e+01, v0  }
.Ltmp10:
0x12a: {  	v4 =	vld [tilespmem:s9+$0xE820];
	[tilespmem:s7+$0xE830] =	vst v2;
	v1 =	vmul.f32 $1.131370830e+01, v1;
	(pc) =	sbr.rel @p1 .LBB2_19-.Ltmp10, $4  }
0x12b: {  	v2 =	vld [tilespmem:s9+$0xE830];
	[tilespmem:s7+$0xE840] =	vst v0;
	v3 =	vmul.f32 $1.131370830e+01, v3  }
0x12c: {  	v0 =	vld [tilespmem:s9+$0xE840];
	[tilespmem:s7+$0xE850] =	vst v1;
	v8 =	vmul.f32 $1.131370830e+01, v6  }
0x12d: {  	v6 =	vmul.f32 $1.131370830e+01, v7;
	v1 =	vld [tilespmem:s9+$0xE850];
	[tilespmem:s7+$0xE860] =	vst v3  }
0x12e: {  	s8 =	sadd.s32 $0x200, s8;
	v5 =	vmul.f32 $1.131370830e+01, v5;
	v3 =	vld [tilespmem:s9+$0xE860];
	[tilespmem:s7+$0xE870] =	vst v8;
	s7 =	smov.u32 s9  }
0x12f: {  	[tilespmem:s7+$0xE800] =	vst v6;
	v4 =	vmul.f32 $1.131370830e+01, v4;
	v6 =	vld [tilespmem:s7+$0xE870]  }
0x130: {  	[tilespmem:s7+$0xE810] =	vst v5;
	v2 =	vmul.f32 $1.131370830e+01, v2  }
0x131: {  	[tilespmem:s7+$0xE820] =	vst v4;
	v0 =	vmul.f32 $1.131370830e+01, v0  }
0x132: {  	[tilespmem:s7+$0xE830] =	vst v2;
	v1 =	vmul.f32 $1.131370830e+01, v1  }
0x133: {  	s8 =	sadd.s32 s16, s12;
	[tilespmem:s7+$0xE840] =	vst v0;
	v0 =	vmul.f32 $1.131370830e+01, v3  }
0x134: {  	s8 =	smul.u32 $0x380, s8;
	[tilespmem:s7+$0xE850] =	vst v1;
	v1 =	vmul.f32 $1.131370830e+01, v6  }
0x135: {  	[tilespmem:s7+$0xE860] =	vst v0  }
0x136: {  	s9 =	sadd.s32 s5, s8;
	[tilespmem:s7+$0xE870] =	vst v1;
	s7 =	simm.s32 @!p0 $0x12  }
0x137: {  	[hbm4b:s9+s3] =	stream.linear.scatter [tilespmem:s22], [sflag:$0x13], $0x1900, $0x38;
	[tilespmem:$0x19000] =	vst v63  }
0x138: {  	_ =	swait.ge @!p0 [sflag:s7], $0x1900  }
0x139: {  	s8 =	simm.s32 @!p0 $0x32;
	[sflag:s7] =	ssyncset.done @!p0 $0x0  }
0x13a: {  	s9 =	simm.s32 @!p0 $0xCC00;
	[sflag:s7] =	ssyncadd.s32 @!p0 $0xFFFFE700;
	s7 =	sadd.s32 @!p0 $0x880, s17  }
0x13b: {  	[tilespmem:s9], [sflag:$0x6] =	stream.indirect.gather @!p0 [hbm4b:s1+s8], $0x80, s7, s8, $0xb8;
	[tilespmem:$0x19000] =	vst v63  }
0x13c: {  	_ =	swait.ge [sflag:s23], $0x1900  }
0x13d: {  	[sflag:s23] =	ssyncset.done $0x0  }
0x13e: {  	s7 =	simm.s32 $0x0;
	[sflag:s23] =	ssyncadd.s32 $0xFFFFE700  }
0x13f: {  	v3 =	vld [tilespmem:s7+$0x10400]  }
0x140: {  	v5 =	vld [tilespmem:s7+$0x10410]  }
0x141: {  	v4 =	vld [tilespmem:s7+$0x10420]  }
0x142: {  	v2 =	vld [tilespmem:s7+$0x10430]  }
0x143: {  	v0 =	vld [tilespmem:s7+$0x10440]  }
0x144: {  	v1 =	vld [tilespmem:s7+$0x10450];
	v6 =	vmul.f32 $1.131370830e+01, v3  }
0x145: {  	s8 =	simm.s32 $0x200;
	v5 =	vmul.f32 $1.131370830e+01, v5;
	v3 =	vld [tilespmem:s7+$0x10460]  }
.LBB2_21:
0x146: {  	s9 =	sshra.s32 s8, $0x2;
	p1 =	sne.s32 s8, $0x6200;
	[tilespmem:s7+$0x10400] =	vst v6;
	v4 =	vmul.f32 $1.131370830e+01, v4;
	v6 =	vld [tilespmem:s7+$0x10470]  }
0x147: {  	v7 =	vld [tilespmem:s9+$0x10400];
	[tilespmem:s7+$0x10410] =	vst v5;
	v2 =	vmul.f32 $1.131370830e+01, v2  }
0x148: {  	v5 =	vld [tilespmem:s9+$0x10410];
	[tilespmem:s7+$0x10420] =	vst v4;
	v0 =	vmul.f32 $1.131370830e+01, v0  }
.Ltmp11:
0x149: {  	v4 =	vld [tilespmem:s9+$0x10420];
	[tilespmem:s7+$0x10430] =	vst v2;
	v1 =	vmul.f32 $1.131370830e+01, v1;
	(pc) =	sbr.rel @p1 .LBB2_21-.Ltmp11, $4  }
0x14a: {  	v2 =	vld [tilespmem:s9+$0x10430];
	[tilespmem:s7+$0x10440] =	vst v0;
	v3 =	vmul.f32 $1.131370830e+01, v3  }
0x14b: {  	v0 =	vld [tilespmem:s9+$0x10440];
	[tilespmem:s7+$0x10450] =	vst v1;
	v8 =	vmul.f32 $1.131370830e+01, v6  }
0x14c: {  	v6 =	vmul.f32 $1.131370830e+01, v7;
	v1 =	vld [tilespmem:s9+$0x10450];
	[tilespmem:s7+$0x10460] =	vst v3  }
0x14d: {  	s8 =	sadd.s32 $0x200, s8;
	v5 =	vmul.f32 $1.131370830e+01, v5;
	v3 =	vld [tilespmem:s9+$0x10460];
	[tilespmem:s7+$0x10470] =	vst v8;
	s7 =	smov.u32 s9  }
0x14e: {  	[tilespmem:s7+$0x10400] =	vst v6;
	v4 =	vmul.f32 $1.131370830e+01, v4;
	v61 =	vld [tilespmem:s7+$0x10470]  }
0x14f: {  	[tilespmem:s7+$0x10410] =	vst v5;
	v2 =	vmul.f32 $1.131370830e+01, v2  }
0x150: {  	[tilespmem:s7+$0x10420] =	vst v4;
	v0 =	vmul.f32 $1.131370830e+01, v0  }
0x151: {  	[tilespmem:s7+$0x10430] =	vst v2;
	v1 =	vmul.f32 $1.131370830e+01, v1  }
.Ltmp12:
0x152: {  	s8 =	sadd.s32 s16, s13;
	[tilespmem:s7+$0x10440] =	vst v0;
	v62 =	vmul.f32 $1.131370830e+01, v3;
	(pc) =	sbr.rel @p0 .LBB2_32-.Ltmp12, $4  }
0x153: {  	s8 =	smul.u32 $0x380, s8;
	[tilespmem:s7+$0x10450] =	vst v1;
	v63 =	vmul.f32 $1.131370830e+01, v61  }
0x154: {  	[tilespmem:s7+$0x10460] =	vst v62  }
0x155: {  	s17 =	sadd.s32 s5, s8;
	[tilespmem:s7+$0x10470] =	vst v63  }
0x156: {  	[hbm4b:s17+s3] =	stream.linear.scatter [tilespmem:s26], [sflag:$0x14], $0x1900, $0x38;
	[tilespmem:$0x19000] =	vst v63  }
0x157: {  	s7 =	smul.u32 $0x1800, s15  }
0x158: {  	_ =	swait.ge [sflag:s25], $0x1900  }
0x159: {  	[sflag:s25] =	ssyncset.done $0x0;
	s17 =	sshra.s32 s7, $0x2  }
0x15a: {  	[sflag:s25] =	ssyncadd.s32 $0xFFFFE700;
	s7 =	sadd.s32 $0x900, s17  }
0x15b: {  	[tilespmem:s22], [sflag:$0x7] =	stream.indirect.gather [hbm4b:s1+s20], $0x80, s7, s20, $0xb8;
	[tilespmem:$0x19000] =	vst v63  }
0x15c: {  	_ =	swait.ge [sflag:s0], $0x1900  }
0x15d: {  	[sflag:s0] =	ssyncset.done $0x0  }
0x15e: {  	s7 =	simm.s32 $0x0;
	[sflag:s0] =	ssyncadd.s32 $0xFFFFE700  }
0x15f: {  	v3 =	vld [tilespmem:s7+$0x12000]  }
0x160: {  	v5 =	vld [tilespmem:s7+$0x12010]  }
0x161: {  	v4 =	vld [tilespmem:s7+$0x12020]  }
0x162: {  	v2 =	vld [tilespmem:s7+$0x12030]  }
0x163: {  	v0 =	vld [tilespmem:s7+$0x12040]  }
0x164: {  	v1 =	vld [tilespmem:s7+$0x12050];
	v6 =	vmul.f32 $1.131370830e+01, v3  }
0x165: {  	s8 =	simm.s32 $0x200;
	v5 =	vmul.f32 $1.131370830e+01, v5;
	v3 =	vld [tilespmem:s7+$0x12060]  }
.LBB2_24:
0x166: {  	s9 =	sshra.s32 s8, $0x2;
	p0 =	sne.s32 s8, $0x6200;
	[tilespmem:s7+$0x12000] =	vst v6;
	v4 =	vmul.f32 $1.131370830e+01, v4;
	v6 =	vld [tilespmem:s7+$0x12070]  }
0x167: {  	v7 =	vld [tilespmem:s9+$0x12000];
	[tilespmem:s7+$0x12010] =	vst v5;
	v2 =	vmul.f32 $1.131370830e+01, v2  }
0x168: {  	v5 =	vld [tilespmem:s9+$0x12010];
	[tilespmem:s7+$0x12020] =	vst v4;
	v0 =	vmul.f32 $1.131370830e+01, v0  }
.Ltmp13:
0x169: {  	v4 =	vld [tilespmem:s9+$0x12020];
	[tilespmem:s7+$0x12030] =	vst v2;
	v1 =	vmul.f32 $1.131370830e+01, v1;
	(pc) =	sbr.rel @p0 .LBB2_24-.Ltmp13, $4  }
0x16a: {  	v2 =	vld [tilespmem:s9+$0x12030];
	[tilespmem:s7+$0x12040] =	vst v0;
	v3 =	vmul.f32 $1.131370830e+01, v3  }
0x16b: {  	v0 =	vld [tilespmem:s9+$0x12040];
	[tilespmem:s7+$0x12050] =	vst v1;
	v8 =	vmul.f32 $1.131370830e+01, v6  }
0x16c: {  	v6 =	vmul.f32 $1.131370830e+01, v7;
	v1 =	vld [tilespmem:s9+$0x12050];
	[tilespmem:s7+$0x12060] =	vst v3  }
0x16d: {  	s8 =	sadd.s32 $0x200, s8;
	v5 =	vmul.f32 $1.131370830e+01, v5;
	v3 =	vld [tilespmem:s9+$0x12060];
	[tilespmem:s7+$0x12070] =	vst v8;
	s7 =	smov.u32 s9  }
0x16e: {  	[tilespmem:s7+$0x12000] =	vst v6;
	v4 =	vmul.f32 $1.131370830e+01, v4;
	v6 =	vld [tilespmem:s7+$0x12070]  }
0x16f: {  	[tilespmem:s7+$0x12010] =	vst v5;
	v2 =	vmul.f32 $1.131370830e+01, v2  }
0x170: {  	[tilespmem:s7+$0x12020] =	vst v4;
	v0 =	vmul.f32 $1.131370830e+01, v0  }
0x171: {  	s8 =	rddreg [dreg:$0x8];
	[tilespmem:s7+$0x12030] =	vst v2;
	v1 =	vmul.f32 $1.131370830e+01, v1  }
0x172: {  	s8 =	sadd.s32 s16, s8;
	[tilespmem:s7+$0x12040] =	vst v0;
	v0 =	vmul.f32 $1.131370830e+01, v3  }
0x173: {  	s8 =	smul.u32 $0x380, s8;
	[tilespmem:s7+$0x12050] =	vst v1;
	v1 =	vmul.f32 $1.131370830e+01, v6  }
0x174: {  	[tilespmem:s7+$0x12060] =	vst v0  }
0x175: {  	s9 =	simm.s32 $0x12000;
	[tilespmem:s7+$0x12070] =	vst v1;
	s7 =	sadd.s32 s5, s8;
	s8 =	simm.s32 $0x0  }
0x176: {  	[hbm4b:s7+s8] =	stream.linear.scatter [tilespmem:s9], [sflag:$0x15], $0x1900, $0x38;
	[tilespmem:$0x19000] =	vst v63  }
0x177: {  	_ =	swait.ge [sflag:s28], $0x1900  }
0x178: {  	[sflag:s28] =	ssyncset.done $0x0  }
0x179: {  	s9 =	sadd.s32 $0x980, s17;
	[sflag:s28] =	ssyncadd.s32 $0xFFFFE700  }
0x17a: {  	[tilespmem:s26], [sflag:$0x8] =	stream.indirect.gather [hbm4b:s1+s20], $0x80, s9, s20, $0xb8;
	[tilespmem:$0x19000] =	vst v63  }
0x17b: {  	_ =	swait.ge [sflag:s30], $0x1900  }
0x17c: {  	[sflag:s30] =	ssyncset.done $0x0  }
0x17d: {  	s7 =	simm.s32 $0x0;
	[sflag:s30] =	ssyncadd.s32 $0xFFFFE700  }
0x17e: {  	v3 =	vld [tilespmem:s7+$0x13C00]  }
0x17f: {  	v5 =	vld [tilespmem:s7+$0x13C10]  }
0x180: {  	v4 =	vld [tilespmem:s7+$0x13C20]  }
0x181: {  	v2 =	vld [tilespmem:s7+$0x13C30]  }
0x182: {  	v0 =	vld [tilespmem:s7+$0x13C40]  }
0x183: {  	v1 =	vld [tilespmem:s7+$0x13C50];
	v6 =	vmul.f32 $1.131370830e+01, v3  }
0x184: {  	s8 =	simm.s32 $0x200;
	v5 =	vmul.f32 $1.131370830e+01, v5;
	v3 =	vld [tilespmem:s7+$0x13C60]  }
.LBB2_26:
0x185: {  	s9 =	sshra.s32 s8, $0x2;
	p0 =	sne.s32 s8, $0x6200;
	[tilespmem:s7+$0x13C00] =	vst v6;
	v4 =	vmul.f32 $1.131370830e+01, v4;
	v6 =	vld [tilespmem:s7+$0x13C70]  }
0x186: {  	v7 =	vld [tilespmem:s9+$0x13C00];
	[tilespmem:s7+$0x13C10] =	vst v5;
	v2 =	vmul.f32 $1.131370830e+01, v2  }
0x187: {  	v5 =	vld [tilespmem:s9+$0x13C10];
	[tilespmem:s7+$0x13C20] =	vst v4;
	v0 =	vmul.f32 $1.131370830e+01, v0  }
.Ltmp14:
0x188: {  	v4 =	vld [tilespmem:s9+$0x13C20];
	[tilespmem:s7+$0x13C30] =	vst v2;
	v1 =	vmul.f32 $1.131370830e+01, v1;
	(pc) =	sbr.rel @p0 .LBB2_26-.Ltmp14, $4  }
0x189: {  	v2 =	vld [tilespmem:s9+$0x13C30];
	[tilespmem:s7+$0x13C40] =	vst v0;
	v3 =	vmul.f32 $1.131370830e+01, v3  }
0x18a: {  	v0 =	vld [tilespmem:s9+$0x13C40];
	[tilespmem:s7+$0x13C50] =	vst v1;
	v8 =	vmul.f32 $1.131370830e+01, v6  }
0x18b: {  	v6 =	vmul.f32 $1.131370830e+01, v7;
	v1 =	vld [tilespmem:s9+$0x13C50];
	[tilespmem:s7+$0x13C60] =	vst v3  }
0x18c: {  	s8 =	sadd.s32 $0x200, s8;
	v5 =	vmul.f32 $1.131370830e+01, v5;
	v3 =	vld [tilespmem:s9+$0x13C60];
	[tilespmem:s7+$0x13C70] =	vst v8;
	s7 =	smov.u32 s9  }
0x18d: {  	[tilespmem:s7+$0x13C00] =	vst v6;
	v4 =	vmul.f32 $1.131370830e+01, v4;
	v6 =	vld [tilespmem:s7+$0x13C70]  }
0x18e: {  	[tilespmem:s7+$0x13C10] =	vst v5;
	v2 =	vmul.f32 $1.131370830e+01, v2  }
0x18f: {  	[tilespmem:s7+$0x13C20] =	vst v4;
	v0 =	vmul.f32 $1.131370830e+01, v0  }
0x190: {  	s8 =	rddreg [dreg:$0x9];
	[tilespmem:s7+$0x13C30] =	vst v2;
	v1 =	vmul.f32 $1.131370830e+01, v1  }
0x191: {  	s8 =	sadd.s32 s16, s8;
	[tilespmem:s7+$0x13C40] =	vst v0;
	v0 =	vmul.f32 $1.131370830e+01, v3  }
0x192: {  	s8 =	smul.u32 $0x380, s8;
	[tilespmem:s7+$0x13C50] =	vst v1;
	v1 =	vmul.f32 $1.131370830e+01, v6  }
0x193: {  	p0 =	sgt.u32 s15, $0x8;
	[tilespmem:s7+$0x13C60] =	vst v0  }
0x194: {  	s9 =	simm.s32 $0x13C00;
	s8 =	sadd.s32 s5, s8;
	[tilespmem:s7+$0x13C70] =	vst v1;
	s7 =	simm.s32 @!p0 $0x15  }
0x195: {  	[hbm4b:s8+s3] =	stream.linear.scatter [tilespmem:s9], [sflag:$0x16], $0x1900, $0x38;
	[tilespmem:$0x19000] =	vst v63  }
0x196: {  	_ =	swait.ge @!p0 [sflag:s7], $0x1900  }
0x197: {  	s8 =	simm.s32 @!p0 $0x32;
	[sflag:s7] =	ssyncset.done @!p0 $0x0  }
0x198: {  	s9 =	simm.s32 @!p0 $0x12000;
	[sflag:s7] =	ssyncadd.s32 @!p0 $0xFFFFE700;
	s7 =	sadd.s32 @!p0 $0xA00, s17  }
0x199: {  	[tilespmem:s9], [sflag:$0x9] =	stream.indirect.gather @!p0 [hbm4b:s1+s8], $0x80, s7, s8, $0xb8;
	[tilespmem:$0x19000] =	vst v63  }
0x19a: {  	_ =	swait.ge [sflag:s6], $0x1900  }
0x19b: {  	[sflag:s6] =	ssyncset.done $0x0  }
0x19c: {  	s7 =	simm.s32 $0x0;
	[sflag:s6] =	ssyncadd.s32 $0xFFFFE700  }
0x19d: {  	v3 =	vld [tilespmem:s7+$0x15800]  }
0x19e: {  	v5 =	vld [tilespmem:s7+$0x15810]  }
0x19f: {  	v4 =	vld [tilespmem:s7+$0x15820]  }
0x1a0: {  	v2 =	vld [tilespmem:s7+$0x15830]  }
0x1a1: {  	v0 =	vld [tilespmem:s7+$0x15840]  }
0x1a2: {  	v1 =	vld [tilespmem:s7+$0x15850];
	v6 =	vmul.f32 $1.131370830e+01, v3  }
0x1a3: {  	s8 =	simm.s32 $0x200;
	v5 =	vmul.f32 $1.131370830e+01, v5;
	v3 =	vld [tilespmem:s7+$0x15860]  }
.LBB2_28:
0x1a4: {  	s9 =	sshra.s32 s8, $0x2;
	p1 =	sne.s32 s8, $0x6200;
	[tilespmem:s7+$0x15800] =	vst v6;
	v4 =	vmul.f32 $1.131370830e+01, v4;
	v6 =	vld [tilespmem:s7+$0x15870]  }
0x1a5: {  	v7 =	vld [tilespmem:s9+$0x15800];
	[tilespmem:s7+$0x15810] =	vst v5;
	v2 =	vmul.f32 $1.131370830e+01, v2  }
0x1a6: {  	v5 =	vld [tilespmem:s9+$0x15810];
	[tilespmem:s7+$0x15820] =	vst v4;
	v0 =	vmul.f32 $1.131370830e+01, v0  }
.Ltmp15:
0x1a7: {  	v4 =	vld [tilespmem:s9+$0x15820];
	[tilespmem:s7+$0x15830] =	vst v2;
	v1 =	vmul.f32 $1.131370830e+01, v1;
	(pc) =	sbr.rel @p1 .LBB2_28-.Ltmp15, $4  }
0x1a8: {  	v2 =	vld [tilespmem:s9+$0x15830];
	[tilespmem:s7+$0x15840] =	vst v0;
	v3 =	vmul.f32 $1.131370830e+01, v3  }
0x1a9: {  	v0 =	vld [tilespmem:s9+$0x15840];
	[tilespmem:s7+$0x15850] =	vst v1;
	v8 =	vmul.f32 $1.131370830e+01, v6  }
0x1aa: {  	v6 =	vmul.f32 $1.131370830e+01, v7;
	v1 =	vld [tilespmem:s9+$0x15850];
	[tilespmem:s7+$0x15860] =	vst v3  }
0x1ab: {  	s8 =	sadd.s32 $0x200, s8;
	v5 =	vmul.f32 $1.131370830e+01, v5;
	v3 =	vld [tilespmem:s9+$0x15860];
	[tilespmem:s7+$0x15870] =	vst v8;
	s7 =	smov.u32 s9  }
0x1ac: {  	[tilespmem:s7+$0x15800] =	vst v6;
	v4 =	vmul.f32 $1.131370830e+01, v4;
	v6 =	vld [tilespmem:s7+$0x15870]  }
0x1ad: {  	[tilespmem:s7+$0x15810] =	vst v5;
	v2 =	vmul.f32 $1.131370830e+01, v2  }
0x1ae: {  	[tilespmem:s7+$0x15820] =	vst v4;
	v0 =	vmul.f32 $1.131370830e+01, v0  }
0x1af: {  	s8 =	rddreg [dreg:$0xa];
	[tilespmem:s7+$0x15830] =	vst v2;
	v1 =	vmul.f32 $1.131370830e+01, v1  }
0x1b0: {  	s8 =	sadd.s32 s16, s8;
	[tilespmem:s7+$0x15840] =	vst v0;
	v0 =	vmul.f32 $1.131370830e+01, v3  }
0x1b1: {  	s8 =	smul.u32 $0x380, s8;
	[tilespmem:s7+$0x15850] =	vst v1;
	v1 =	vmul.f32 $1.131370830e+01, v6  }
0x1b2: {  	[tilespmem:s7+$0x15860] =	vst v0  }
0x1b3: {  	s9 =	simm.s32 $0x15800;
	s8 =	sadd.s32 s5, s8;
	[tilespmem:s7+$0x15870] =	vst v1;
	s7 =	simm.s32 @!p0 $0x16  }
0x1b4: {  	[hbm4b:s8+s3] =	stream.linear.scatter [tilespmem:s9], [sflag:$0x17], $0x1900, $0x38;
	[tilespmem:$0x19000] =	vst v63  }
0x1b5: {  	_ =	swait.ge @!p0 [sflag:s7], $0x1900  }
0x1b6: {  	s8 =	simm.s32 @!p0 $0x32;
	[sflag:s7] =	ssyncset.done @!p0 $0x0  }
0x1b7: {  	s9 =	simm.s32 @!p0 $0x13C00;
	[sflag:s7] =	ssyncadd.s32 @!p0 $0xFFFFE700;
	s7 =	sadd.s32 @!p0 $0xA80, s17  }
0x1b8: {  	[tilespmem:s9], [sflag:$0xA] =	stream.indirect.gather @!p0 [hbm4b:s1+s8], $0x80, s7, s8, $0xb8;
	[tilespmem:$0x19000] =	vst v63  }
0x1b9: {  	_ =	swait.ge [sflag:s14], $0x1900  }
0x1ba: {  	[sflag:s14] =	ssyncset.done $0x0  }
0x1bb: {  	s7 =	simm.s32 $0x0;
	[sflag:s14] =	ssyncadd.s32 $0xFFFFE700  }
0x1bc: {  	v3 =	vld [tilespmem:s7+$0x17400]  }
0x1bd: {  	v5 =	vld [tilespmem:s7+$0x17410]  }
0x1be: {  	v4 =	vld [tilespmem:s7+$0x17420]  }
0x1bf: {  	v2 =	vld [tilespmem:s7+$0x17430]  }
0x1c0: {  	v0 =	vld [tilespmem:s7+$0x17440]  }
0x1c1: {  	v1 =	vld [tilespmem:s7+$0x17450];
	v6 =	vmul.f32 $1.131370830e+01, v3  }
0x1c2: {  	s8 =	simm.s32 $0x200;
	v5 =	vmul.f32 $1.131370830e+01, v5;
	v3 =	vld [tilespmem:s7+$0x17460]  }
.LBB2_30:
0x1c3: {  	s9 =	sshra.s32 s8, $0x2;
	p1 =	sne.s32 s8, $0x6200;
	[tilespmem:s7+$0x17400] =	vst v6;
	v4 =	vmul.f32 $1.131370830e+01, v4;
	v6 =	vld [tilespmem:s7+$0x17470]  }
0x1c4: {  	v7 =	vld [tilespmem:s9+$0x17400];
	[tilespmem:s7+$0x17410] =	vst v5;
	v2 =	vmul.f32 $1.131370830e+01, v2  }
0x1c5: {  	v5 =	vld [tilespmem:s9+$0x17410];
	[tilespmem:s7+$0x17420] =	vst v4;
	v0 =	vmul.f32 $1.131370830e+01, v0  }
.Ltmp16:
0x1c6: {  	v4 =	vld [tilespmem:s9+$0x17420];
	[tilespmem:s7+$0x17430] =	vst v2;
	v1 =	vmul.f32 $1.131370830e+01, v1;
	(pc) =	sbr.rel @p1 .LBB2_30-.Ltmp16, $4  }
0x1c7: {  	v2 =	vld [tilespmem:s9+$0x17430];
	[tilespmem:s7+$0x17440] =	vst v0;
	v3 =	vmul.f32 $1.131370830e+01, v3  }
0x1c8: {  	v0 =	vld [tilespmem:s9+$0x17440];
	[tilespmem:s7+$0x17450] =	vst v1;
	v8 =	vmul.f32 $1.131370830e+01, v6  }
0x1c9: {  	v6 =	vmul.f32 $1.131370830e+01, v7;
	v1 =	vld [tilespmem:s9+$0x17450];
	[tilespmem:s7+$0x17460] =	vst v3  }
0x1ca: {  	s8 =	sadd.s32 $0x200, s8;
	v5 =	vmul.f32 $1.131370830e+01, v5;
	v3 =	vld [tilespmem:s9+$0x17460];
	[tilespmem:s7+$0x17470] =	vst v8;
	s7 =	smov.u32 s9  }
0x1cb: {  	[tilespmem:s7+$0x17400] =	vst v6;
	v4 =	vmul.f32 $1.131370830e+01, v4;
	v61 =	vld [tilespmem:s7+$0x17470]  }
0x1cc: {  	[tilespmem:s7+$0x17410] =	vst v5;
	v2 =	vmul.f32 $1.131370830e+01, v2  }
0x1cd: {  	[tilespmem:s7+$0x17420] =	vst v4;
	v0 =	vmul.f32 $1.131370830e+01, v0  }
0x1ce: {  	s8 =	rddreg [dreg:$0xb];
	[tilespmem:s7+$0x17430] =	vst v2;
	v1 =	vmul.f32 $1.131370830e+01, v1  }
0x1cf: {  	s8 =	sadd.s32 s16, s8;
	[tilespmem:s7+$0x17440] =	vst v0;
	v62 =	vmul.f32 $1.131370830e+01, v3  }
0x1d0: {  	s8 =	smul.u32 $0x380, s8;
	[tilespmem:s7+$0x17450] =	vst v1;
	v63 =	vmul.f32 $1.131370830e+01, v61  }
0x1d1: {  	[tilespmem:s7+$0x17460] =	vst v62  }
0x1d2: {  	s16 =	simm.s32 $0x17400;
	s9 =	sadd.s32 s5, s8;
	[tilespmem:s7+$0x17470] =	vst v63;
	s7 =	simm.s32 @!p0 $0x17  }
0x1d3: {  	[hbm4b:s9+s3] =	stream.linear.scatter [tilespmem:s16], [sflag:$0x18], $0x1900, $0x38;
	[tilespmem:$0x19000] =	vst v63  }
0x1d4: {  	_ =	swait.ge @!p0 [sflag:s7], $0x1900  }
0x1d5: {  	s15 =	sadd.s32 $0x1, s15;
	s8 =	simm.s32 @!p0 $0x32;
	[sflag:s7] =	ssyncset.done @!p0 $0x0  }
0x1d6: {  	s9 =	simm.s32 @!p0 $0x15800;
	[sflag:s7] =	ssyncadd.s32 @!p0 $0xFFFFE700;
	s7 =	sadd.s32 @!p0 $0xB00, s17  }
0x1d7: {  	[tilespmem:s9], [sflag:$0xB] =	stream.indirect.gather @!p0 [hbm4b:s1+s8], $0x80, s7, s8, $0xb8;
	[tilespmem:$0x19000] =	vst v63  }
0x1d8: {  	p0 =	sne.s32 s15, $0xB  }
.Ltmp17:
0x1d9: {  	_ = 	snop;
	(pc) =	sbr.rel @p0 .LBB2_2-.Ltmp17, $4  }
.Ltmp18:
0x1da: {  	_ = 	snop;
	(pc) =	sbr.rel @!p0 .LBB2_32-.Ltmp18, $4  }
0x1db: {  	_ = 	snop  }
0x1dc: {  	_ = 	snop  }
0x1dd: {  	_ = 	snop  }
0x1de: {  	_ = 	snop  }
.LBB2_33:
0x1df: {  	_ =	sfence.sel $0x180000  }
0x1e0: {  	[bflag:$0x0] =	sbarrier.arrive $0xFFFF  }
0x1e1: {  	_ =	strace $0x90000047  }
0x1e2: {  	s0 =	stileid.u32;
	[bflag:$0x2] =	sbarrier.arrive $0xFFFF  }
0x1e3: {  	p0 =	sne.s32 s0, $0x0;
	s0 =	rddreg [dreg:$0x3]  }
0x1e4: {  	s0 =	sadd.s32 @!p0 $0x100000, s0  }
0x1e5: {  	[sflag:s0] =	ssyncadd.tile.s32 @!p0 $0x1;
	_ =	shalt  }
.Lfunc_end2:
_tile_overlayer_lowered:
.L_overlay_start_2:
0x1e6: {  	(tag) =	ssettag $0x2  }
0x1e7: {  	s0 =	rddreg [dreg:$0x0];
	s2 =	stileid.u32  }
0x1e8: {  	s1 =	rddreg [dreg:$0x1];
	p0 =	sne.s32 s2, $0x0  }
0x1e9: {  	s3 =	rddreg [dreg:$0x2];
	[bflag:$0x3] =	sbarrier.arrive $0xFFFF;
	s2 =	simm.s32 @!p0 $0x1C19  }
0x1ea: {  	[timem:s3], [sflag:s2] =	dma.local @!p0 [hbm:s0], s1  }
0x1eb: {  	s0 =	simm.s32 @!p0 $0x19  }
0x1ec: {  	_ =	swait.ge @!p0 [sflag:s0], s1  }
0x1ed: {  	s1 =	ssub.s32 @!p0 $0x0, s1;
	[sflag:s0] =	ssyncset.done @!p0 $0x0  }
0x1ee: {  	[sflag:s0] =	ssyncadd.s32 @!p0 s1  }
0x1ef: {  	[bflag:$0x3] =	sbarrier.arrive $0xFFFF  }
0x1f0: {  	_ =	shalt  }

</sc_bundles>
